<compile_context>
chip_gen: v7x
topology: tpu7x:2x2x1
jax: 0.10.2.dev20260603
libtpu: 0.0.44.dev20260713+nightly
codegen_flags: <defaults>
</compile_context>

<pallas_src>
import functools

import jax
import jax.numpy as jnp
from jax import lax
from jax.experimental import pallas as pl
from jax.experimental.pallas import tpu as pltpu
from jax.experimental.pallas import tpu_sc as plsc

N = 10000
NP = 10240
D_IN = 128
D_HID = 128
D_OUT = 64
E = 160000
H = D_OUT // 2

CH = 128
NCHUNK = E // CH
NSUB = 16
ITERS = -(-NCHUNK // NSUB)
RSTRIPE = NP // NSUB

_mesh = plsc.VectorSubcoreMesh(core_axis_name="c", subcore_axis_name="s",
                               num_cores=2, num_subcores=NSUB)


GROUP = 8
CPT = (-(-NCHUNK // NSUB) + GROUP - 1) // GROUP * GROUP
NGRP = CPT // GROUP
NCHUNKP = -(-NCHUNK // GROUP) * GROUP


def _deg_body(edges2d, ones_hbm, zeros16, degs_out,
              acc0, acc1, ones_v, idx_s, idx_d, sem_a, sem_b):
    c = lax.axis_index("c")
    sid = lax.axis_index("s")
    r0 = sid * RSTRIPE
    pltpu.sync_copy(zeros16.at[pl.ds(r0, RSTRIPE)], acc0.at[pl.ds(r0, RSTRIPE)])
    pltpu.sync_copy(zeros16.at[pl.ds(r0, RSTRIPE)], acc1.at[pl.ds(r0, RSTRIPE)])
    pltpu.sync_copy(ones_hbm, ones_v)
    plsc.subcore_barrier()

    lo = sid * CPT
    srow = (2 * c) * NCHUNKP
    drow = (2 * c + 1) * NCHUNKP

    def grp(g, carry):
        base = lo + g * GROUP

        @pl.when(base < NCHUNK)
        def _():
            pltpu.sync_copy(edges2d.at[pl.ds(srow + base, GROUP)], idx_s)
            pltpu.sync_copy(edges2d.at[pl.ds(drow + base, GROUP)], idx_d)
            for j in range(GROUP):
                ok = ((g * GROUP + j) < CPT) & ((base + j) < NCHUNK)

                @pl.when(ok)
                def _(j=j):
                    pltpu.async_copy(ones_v, acc0.at[idx_s.at[j]], sem_a,
                                     add=True)
                    pltpu.async_copy(ones_v, acc1.at[idx_d.at[j]], sem_b,
                                     add=True)
            for j in range(GROUP):
                ok = ((g * GROUP + j) < CPT) & ((base + j) < NCHUNK)

                @pl.when(ok)
                def _(j=j):
                    pltpu.make_async_copy(ones_v, acc0.at[idx_s.at[j]],
                                          sem_a).wait()
                    pltpu.make_async_copy(ones_v, acc1.at[idx_d.at[j]],
                                          sem_b).wait()

        return carry

    lax.fori_loop(0, NGRP, grp, 0)

    plsc.subcore_barrier()
    pltpu.sync_copy(acc0.at[pl.ds(r0, RSTRIPE)],
                    degs_out.at[pl.ds((2 * c) * NP + r0, RSTRIPE)])
    pltpu.sync_copy(acc1.at[pl.ds(r0, RSTRIPE)],
                    degs_out.at[pl.ds((2 * c + 1) * NP + r0, RSTRIPE)])


_deg_kernel = pl.kernel(
    _deg_body,
    out_type=jax.ShapeDtypeStruct((4 * NP, 16), jnp.float32),
    mesh=_mesh,
    compiler_params=pltpu.CompilerParams(use_tc_tiling_on_sc=False),
    scratch_types=[
        pltpu.VMEM_SHARED((NP, 16), jnp.float32),
        pltpu.VMEM_SHARED((NP, 16), jnp.float32),
        pltpu.VMEM((CH, 16), jnp.float32),
        pltpu.VMEM((GROUP, CH), jnp.int32),
        pltpu.VMEM((GROUP, CH), jnp.int32),
        pltpu.SemaphoreType.DMA,
        pltpu.SemaphoreType.DMA,
    ],
)


def _agg_body_2buf(y_flat, edges2d, zerosd, agg_out, acc,
              rows0, rows1, idx_s, idx_d, sem0, sem1):
    c = lax.axis_index("c")
    sid = lax.axis_index("s")
    r0 = sid * RSTRIPE
    pltpu.sync_copy(zerosd.at[pl.ds(r0, RSTRIPE)], acc.at[pl.ds(r0, RSTRIPE)])
    plsc.subcore_barrier()

    srow = (2 * c) * NCHUNKP
    drow = (2 * c + 1) * NCHUNKP
    row_off = c * NP
    lo = sid * CPT
    rowbufs = (rows0, rows1)
    sems = (sem0, sem1)

    def grp(g, carry):
        base = lo + g * GROUP

        @pl.when(base < NCHUNK)
        def _():
            pltpu.sync_copy(edges2d.at[pl.ds(srow + base, GROUP)], idx_s)
            pltpu.sync_copy(edges2d.at[pl.ds(drow + base, GROUP)], idx_d)
            for jj in range(GROUP):
                for k in range(CH // 16):
                    sl = pl.ds(k * 16, 16)
                    idx_s[jj, sl] = idx_s[jj, sl] + row_off

            def ok(j):
                return ((g * GROUP + j) < CPT) & ((base + j) < NCHUNK)

            @pl.when(ok(0))
            def _():
                pltpu.async_copy(y_flat.at[idx_s.at[0]], rows0, sem0)

            for j in range(GROUP):
                rows, sem = rowbufs[j % 2], sems[j % 2]
                if j + 1 < GROUP:
                    nrows, nsem = rowbufs[(j + 1) % 2], sems[(j + 1) % 2]

                    @pl.when(ok(j + 1))
                    def _(j=j, nrows=nrows, nsem=nsem):
                        pltpu.async_copy(y_flat.at[idx_s.at[j + 1]], nrows,
                                         nsem)

                @pl.when(ok(j))
                def _(j=j, rows=rows, sem=sem):
                    pltpu.make_async_copy(y_flat.at[idx_s.at[j]], rows,
                                          sem).wait()
                    pltpu.sync_copy(rows, acc.at[idx_d.at[j]], add=True)

        return carry

    lax.fori_loop(0, NGRP, grp, 0)

    plsc.subcore_barrier()
    pltpu.sync_copy(acc.at[pl.ds(r0, RSTRIPE)],
                    agg_out.at[pl.ds(row_off + r0, RSTRIPE)])


def _agg_body_4buf(y_flat, edges2d, zerosd, agg_out, acc,
              rows0, rows1, rows2, rows3, idx_s, idx_d,
              gsem0, gsem1, gsem2, gsem3, ssem0, ssem1, ssem2, ssem3):
    c = lax.axis_index("c")
    sid = lax.axis_index("s")
    r0 = sid * RSTRIPE
    pltpu.sync_copy(zerosd.at[pl.ds(r0, RSTRIPE)], acc.at[pl.ds(r0, RSTRIPE)])
    plsc.subcore_barrier()

    srow = (2 * c) * NCHUNKP
    drow = (2 * c + 1) * NCHUNKP
    row_off = c * NP
    lo = sid * CPT
    rowbufs = (rows0, rows1, rows2, rows3)
    gsems = (gsem0, gsem1, gsem2, gsem3)
    ssems = (ssem0, ssem1, ssem2, ssem3)

    def grp(g, carry):
        base = lo + g * GROUP

        @pl.when(base < NCHUNK)
        def _():
            pltpu.sync_copy(edges2d.at[pl.ds(srow + base, GROUP)], idx_s)
            pltpu.sync_copy(edges2d.at[pl.ds(drow + base, GROUP)], idx_d)
            for jj in range(GROUP):
                for k in range(CH // 16):
                    sl = pl.ds(k * 16, 16)
                    idx_s[jj, sl] = idx_s[jj, sl] + row_off

            def ok(j):
                return ((g * GROUP + j) < CPT) & ((base + j) < NCHUNK)

            def fire_gather(j):
                @pl.when(ok(j))
                def _():
                    pltpu.async_copy(y_flat.at[idx_s.at[j]], rowbufs[j % 4],
                                     gsems[j % 4])

            def wait_scatter(j):
                @pl.when(ok(j))
                def _():
                    pltpu.make_async_copy(rowbufs[j % 4],
                                          acc.at[idx_d.at[j]],
                                          ssems[j % 4]).wait()

            fire_gather(0)
            fire_gather(1)
            for j in range(GROUP):
                if j + 2 < GROUP:
                    if j - 2 >= 0:
                        wait_scatter(j - 2)
                    fire_gather(j + 2)

                @pl.when(ok(j))
                def _(j=j):
                    pltpu.make_async_copy(y_flat.at[idx_s.at[j]],
                                          rowbufs[j % 4], gsems[j % 4]).wait()
                    pltpu.async_copy(rowbufs[j % 4], acc.at[idx_d.at[j]],
                                     ssems[j % 4], add=True)

            for j in range(GROUP - 4, GROUP):
                wait_scatter(j)

        return carry

    lax.fori_loop(0, NGRP, grp, 0)

    plsc.subcore_barrier()
    pltpu.sync_copy(acc.at[pl.ds(r0, RSTRIPE)],
                    agg_out.at[pl.ds(row_off + r0, RSTRIPE)])


def _make_agg_kernel(d):
    nbuf = 2 if d == 128 else 4
    body = _agg_body_2buf if nbuf == 2 else _agg_body_4buf
    return pl.kernel(
        body,
        out_type=jax.ShapeDtypeStruct((2 * NP, d), jnp.float32),
        mesh=_mesh,
        compiler_params=pltpu.CompilerParams(use_tc_tiling_on_sc=(d == 128)),
        scratch_types=(
            [pltpu.VMEM_SHARED((NP, d), jnp.float32)]
            + [pltpu.VMEM((CH, d), jnp.float32)] * nbuf
            + [pltpu.VMEM((GROUP, CH), jnp.int32)] * 2
            + [pltpu.SemaphoreType.DMA] * (2 if nbuf == 2 else 8)
        ),
    )


_agg128 = _make_agg_kernel(D_HID)
_agg64 = _make_agg_kernel(D_OUT)


BM = 1024
GRID_M = NP // BM


def _scale(deg_blk):
    return lax.rsqrt(jnp.maximum(deg_blk[:, :1], 1.0))


def _tc1_body(x_ref, w_ref, dout_ref, y_ref):
    y = jnp.dot(x_ref[...], w_ref[...], preferred_element_type=jnp.float32)
    y_ref[...] = y * _scale(dout_ref[...])


_tc1_specs = [
    pl.BlockSpec((BM, D_IN), lambda r, i: (i, 0)),
    pl.BlockSpec((None, D_IN, D_HID), lambda r, i: (r, 0, 0)),
    pl.BlockSpec((None, BM, 16), lambda r, i: (2 * r, i, 0)),
]
_tc1_ospec = pl.BlockSpec((None, BM, D_HID), lambda r, i: (r, i, 0))
_tc1 = pl.pallas_call(
    _tc1_body,
    grid=(2, GRID_M),
    in_specs=_tc1_specs,
    out_specs=_tc1_ospec,
    out_shape=jax.ShapeDtypeStruct((2, NP, D_HID), jnp.float32),
)


def _tc2_body(a0_ref, a1_ref, din0_ref, din1_ref, b1_ref, w2_ref, dout_ref,
              y2_ref):
    h = 0.5 * (a0_ref[...] * _scale(din0_ref[...])
               + a1_ref[...] * _scale(din1_ref[...])
               + b1_ref[0] + b1_ref[1])
    h = jnp.maximum(h, 0.0)
    y2 = jnp.dot(h, w2_ref[...], preferred_element_type=jnp.float32)
    y2_ref[...] = y2 * _scale(dout_ref[...])


_tc2_specs = [
    pl.BlockSpec((None, BM, D_HID), lambda r, i: (0, i, 0)),
    pl.BlockSpec((None, BM, D_HID), lambda r, i: (1, i, 0)),
    pl.BlockSpec((None, BM, 16), lambda r, i: (1, i, 0)),
    pl.BlockSpec((None, BM, 16), lambda r, i: (3, i, 0)),
    pl.BlockSpec((2, 1, D_HID), lambda r, i: (0, 0, 0)),
    pl.BlockSpec((None, D_HID, D_OUT), lambda r, i: (r, 0, 0)),
    pl.BlockSpec((None, BM, 16), lambda r, i: (2 * r, i, 0)),
]
_tc2_ospec = pl.BlockSpec((None, BM, D_OUT), lambda r, i: (r, i, 0))
_tc2 = pl.pallas_call(
    _tc2_body,
    grid=(2, GRID_M),
    in_specs=_tc2_specs,
    out_specs=_tc2_ospec,
    out_shape=jax.ShapeDtypeStruct((2, NP, D_OUT), jnp.float32),
)


def _tc3_body(a0_ref, a1_ref, din0_ref, din1_ref, b2_ref, wcat_ref, bcat_ref,
              out_ref):
    h2 = 0.5 * (a0_ref[...] * _scale(din0_ref[...])
                + a1_ref[...] * _scale(din1_ref[...])
                + b2_ref[0] + b2_ref[1])
    g = jnp.dot(h2, wcat_ref[...], preferred_element_type=jnp.float32)
    g = g + bcat_ref[...]
    sig = jax.nn.sigmoid
    hf = sig(g[:, 3 * H:4 * H]) * jnp.tanh(
        sig(g[:, 0:H]) * jnp.tanh(g[:, 2 * H:3 * H]))
    hb = sig(g[:, 7 * H:8 * H]) * jnp.tanh(
        sig(g[:, 4 * H:5 * H]) * jnp.tanh(g[:, 6 * H:7 * H]))
    out_ref[...] = jnp.concatenate([hf, hb], axis=1)


_tc3_specs = [
    pl.BlockSpec((None, BM, D_OUT), lambda i: (0, i, 0)),
    pl.BlockSpec((None, BM, D_OUT), lambda i: (1, i, 0)),
    pl.BlockSpec((None, BM, 16), lambda i: (1, i, 0)),
    pl.BlockSpec((None, BM, 16), lambda i: (3, i, 0)),
    pl.BlockSpec((2, 1, D_OUT), lambda i: (0, 0, 0)),
    pl.BlockSpec((D_OUT, 8 * H), lambda i: (0, 0)),
    pl.BlockSpec((1, 8 * H), lambda i: (0, 0)),
]
_tc3_ospec = pl.BlockSpec((BM, D_OUT), lambda i: (i, 0))
_tc3 = pl.pallas_call(
    _tc3_body,
    grid=(GRID_M,),
    in_specs=_tc3_specs,
    out_specs=_tc3_ospec,
    out_shape=jax.ShapeDtypeStruct((NP, D_OUT), jnp.float32),
)


def kernel(x, edge_index_rel0, edge_index_rel1, W1_0, b1_0, W1_1, b1_1,
           W2_0, b2_0, W2_1, b2_1, W_ih_f, W_hh_f, b_ih_f, b_hh_f,
           W_ih_r, W_hh_r, b_ih_r, b_hh_r):
    segpad = jnp.zeros(((NCHUNKP - NCHUNK) * CH,), jnp.int32)
    edges = jnp.concatenate([
        edge_index_rel0[0], segpad, edge_index_rel0[1], segpad,
        edge_index_rel1[0], segpad, edge_index_rel1[1], segpad,
    ])
    edges2d = edges.reshape(-1, CH)
    ones16 = jnp.ones((CH, 16), jnp.float32)
    zeros16 = jnp.zeros((NP, 16), jnp.float32)
    degs = _deg_kernel(edges2d, ones16, zeros16).reshape(4, NP, 16)

    x_pad = jnp.pad(x, ((0, NP - N), (0, 0)))
    w1s = jnp.stack([W1_0, W1_1])
    y1 = _tc1(x_pad, w1s, degs)

    zeros128 = jnp.zeros((NP, D_HID), jnp.float32)
    agg1 = _agg128(y1.reshape(2 * NP, D_HID), edges2d, zeros128)
    agg1 = agg1.reshape(2, NP, D_HID)

    b1s = jnp.stack([b1_0, b1_1]).reshape(2, 1, D_HID)
    w2s = jnp.stack([W2_0, W2_1])
    y2 = _tc2(agg1, agg1, degs, degs, b1s, w2s, degs)

    zeros64 = jnp.zeros((NP, D_OUT), jnp.float32)
    agg2 = _agg64(y2.reshape(2 * NP, D_OUT), edges2d, zeros64)
    agg2 = agg2.reshape(2, NP, D_OUT)

    b2s = jnp.stack([b2_0, b2_1]).reshape(2, 1, D_OUT)
    wcat = jnp.concatenate([W_ih_f, W_ih_r], axis=0).T
    bcat = (jnp.concatenate([b_ih_f + b_hh_f, b_ih_r + b_hh_r])
            .reshape(1, 8 * H))
    out = _tc3(agg2, agg2, degs, degs, b2s, wcat, bcat)
    return out[:N]

# --- scband reference (transcript-rebuilt; emitter-appended) ---
"""Pipeline reference for scband-igrad-net-39462159516105 (READ-ONLY COPY).

The authoritative reference and input builder live on the scoring server;
editing this copy changes nothing except your own understanding.
"""

import jax, jax.numpy as jnp
import numpy as np

N = 10000
D_IN = 128
D_HID = 128
D_OUT = 64
E = 160000
H = D_OUT // 2


def _init(key, shape, scale):
    return jax.random.normal(key, shape, dtype=jnp.float32) * scale


def setup_inputs(seed: int = 0):
    key = jax.random.key(seed)
    ks = jax.random.split(key, 20)
    inp = {}
    inp['x'] = jax.random.normal(ks[0], (N, D_IN), dtype=jnp.float32)
    inp['edge_index_rel0'] = jax.random.randint(ks[1], (2, E), 0, N, dtype=jnp.int32)
    inp['edge_index_rel1'] = jax.random.randint(ks[2], (2, E), 0, N, dtype=jnp.int32)
    s1 = 1.0 / np.sqrt(D_IN)
    s2 = 1.0 / np.sqrt(D_HID)
    sl = 1.0 / np.sqrt(H)
    inp['W1_0'] = _init(ks[3], (D_IN, D_HID), s1)
    inp['b1_0'] = jnp.zeros((D_HID,), dtype=jnp.float32)
    inp['W1_1'] = _init(ks[4], (D_IN, D_HID), s1)
    inp['b1_1'] = jnp.zeros((D_HID,), dtype=jnp.float32)
    inp['W2_0'] = _init(ks[5], (D_HID, D_OUT), s2)
    inp['b2_0'] = jnp.zeros((D_OUT,), dtype=jnp.float32)
    inp['W2_1'] = _init(ks[6], (D_HID, D_OUT), s2)
    inp['b2_1'] = jnp.zeros((D_OUT,), dtype=jnp.float32)
    inp['W_ih_f'] = _init(ks[7], (4 * H, D_OUT), sl)
    inp['W_hh_f'] = _init(ks[8], (4 * H, H), sl)
    inp['b_ih_f'] = _init(ks[9], (4 * H,), sl)
    inp['b_hh_f'] = _init(ks[10], (4 * H,), sl)
    inp['W_ih_r'] = _init(ks[11], (4 * H, D_OUT), sl)
    inp['W_hh_r'] = _init(ks[12], (4 * H, H), sl)
    inp['b_ih_r'] = _init(ks[13], (4 * H,), sl)
    inp['b_hh_r'] = _init(ks[14], (4 * H,), sl)
    return inp


def _graph_conv(x, src, dst, W, b):
    # DGL GraphConv with norm='both': out = D_in^{-1/2} A D_out^{-1/2} X W + b
    e = jnp.ones(src.shape[0], dtype=x.dtype)
    deg_out = jnp.maximum(jax.ops.segment_sum(e, src, num_segments=N), 1.0)
    deg_in = jnp.maximum(jax.ops.segment_sum(e, dst, num_segments=N), 1.0)
    feat = x * (deg_out ** -0.5)[:, None]
    agg = jax.ops.segment_sum(feat[src], dst, num_segments=N)
    return (agg * (deg_in ** -0.5)[:, None]) @ W + b


def _lstm_step(x, W_ih, W_hh, b_ih, b_hh):
    # single-timestep LSTM from zero initial state (PyTorch gate order i,f,g,o)
    h0 = jnp.zeros((x.shape[0], W_hh.shape[1]), dtype=x.dtype)
    gates = x @ W_ih.T + b_ih + h0 @ W_hh.T + b_hh
    i, f, g, o = jnp.split(gates, 4, axis=1)
    c = jax.nn.sigmoid(i) * jnp.tanh(g)
    return jax.nn.sigmoid(o) * jnp.tanh(c)


def reference(x, edge_index_rel0, edge_index_rel1, W1_0, b1_0, W1_1, b1_1, W2_0, b2_0, W2_1, b2_1, W_ih_f, W_hh_f, b_ih_f, b_hh_f, W_ih_r, W_hh_r, b_ih_r, b_hh_r):
    s0, d0 = edge_index_rel0[0], edge_index_rel0[1]
    s1, d1 = edge_index_rel1[0], edge_index_rel1[1]
    # HeteroGraphConv layer 1, aggregate='mean' over 2 relations
    h = 0.5 * (_graph_conv(x, s0, d0, W1_0, b1_0) + _graph_conv(x, s1, d1, W1_1, b1_1))
    h = jax.nn.relu(h)
    # HeteroGraphConv layer 2
    h = 0.5 * (_graph_conv(h, s0, d0, W2_0, b2_0) + _graph_conv(h, s1, d1, W2_1, b2_1))
    # BiLSTM over seq_len=1 on 'entity' node embeddings
    hf = _lstm_step(h, W_ih_f, W_hh_f, b_ih_f, b_hh_f)
    hb = _lstm_step(h, W_ih_r, W_hh_r, b_ih_r, b_hh_r)
    return jnp.concatenate([hf, hb], axis=1)

if __name__ == "__main__":
    import jax
    _d = setup_inputs()
    print(jax.jit(kernel)(*tuple(_d.values())))

</pallas_src>

<mosaic_0001>
#map = affine_map<(d0, d1) -> (0, 0)>
module attributes {stable_mosaic.version = 14 : i64} {
  func.func @_agg_body_4buf(%arg0: i32, %arg1: i32, %arg2: memref<20480x64xf32, #tpu.memory_space<hbm>>, %arg3: memref<5024x128xi32, #tpu.memory_space<hbm>>, %arg4: memref<10240x64xf32, #tpu.memory_space<hbm>>, %arg5: memref<20480x64xf32, #tpu.memory_space<hbm>>, %arg6: memref<10240x64xf32, #tpu.memory_space<vmem_shared>>, %arg7: memref<128x64xf32, #tpu.memory_space<vmem>>, %arg8: memref<128x64xf32, #tpu.memory_space<vmem>>, %arg9: memref<128x64xf32, #tpu.memory_space<vmem>>, %arg10: memref<128x64xf32, #tpu.memory_space<vmem>>, %arg11: memref<8x128xi32, #tpu.memory_space<vmem>>, %arg12: memref<8x128xi32, #tpu.memory_space<vmem>>, %arg13: memref<!tpu.dma_semaphore, #tpu.memory_space<semaphore_mem>>, %arg14: memref<!tpu.dma_semaphore, #tpu.memory_space<semaphore_mem>>, %arg15: memref<!tpu.dma_semaphore, #tpu.memory_space<semaphore_mem>>, %arg16: memref<!tpu.dma_semaphore, #tpu.memory_space<semaphore_mem>>, %arg17: memref<!tpu.dma_semaphore, #tpu.memory_space<semaphore_mem>>, %arg18: memref<!tpu.dma_semaphore, #tpu.memory_space<semaphore_mem>>, %arg19: memref<!tpu.dma_semaphore, #tpu.memory_space<semaphore_mem>>, %arg20: memref<!tpu.dma_semaphore, #tpu.memory_space<semaphore_mem>>) attributes {dimension_semantics = [#tpu.dimension_semantics<core_parallel>, #tpu.dimension_semantics<subcore_parallel>], iteration_bounds = array<i64: 2, 16>, scalar_prefetch = 0 : i64, scratch_operands = 15 : i64, tpu.core_type = #tpu.core_type<sc_vector_subcore>, window_params = [{transform_indices = #map}, {transform_indices = #map}, {transform_indices = #map}, {transform_indices = #map}]} {
    %mul3A = arith.constant 640 : i32
    %mul3A_0 = arith.muli %arg1, %mul3A : i32
    "tpu.region"() ({
      %run_scoped3A = tpu.sem_alloc : memref<!tpu.dma_semaphore, #tpu.memory_space<semaphore_mem>>
      %dma_start3A = arith.constant 0 : i32
      %dma_start3A_21 = tpu.memref_slice %arg6[%mul3A_0, %dma_start3A] : memref<10240x64xf32, #tpu.memory_space<vmem_shared>> -> memref<640x64xf32, #tpu.memory_space<vmem_shared>>
      %dma_start3A_22 = arith.constant 0 : i32
      %dma_start3A_23 = tpu.memref_slice %arg4[%mul3A_0, %dma_start3A_22] : memref<10240x64xf32, #tpu.memory_space<hbm>> -> memref<640x64xf32, #tpu.memory_space<hbm>>
      tpu.enqueue_dma source(%dma_start3A_23 : memref<640x64xf32, #tpu.memory_space<hbm>>) target(%dma_start3A_21 : memref<640x64xf32, #tpu.memory_space<vmem_shared>>) target_semaphore(%run_scoped3A : memref<!tpu.dma_semaphore, #tpu.memory_space<semaphore_mem>>)
      %dma_wait3A = arith.constant 0 : i32
      %dma_wait3A_24 = tpu.memref_slice %arg6[%mul3A_0, %dma_wait3A] : memref<10240x64xf32, #tpu.memory_space<vmem_shared>> -> memref<640x64xf32, #tpu.memory_space<vmem_shared>>
      %dma_wait3A_25 = arith.constant 0 : i32
      %dma_wait3A_26 = tpu.memref_slice %arg4[%mul3A_0, %dma_wait3A_25] : memref<10240x64xf32, #tpu.memory_space<hbm>> -> memref<640x64xf32, #tpu.memory_space<hbm>>
      tpu.wait_dma2 semaphore(%run_scoped3A : memref<!tpu.dma_semaphore, #tpu.memory_space<semaphore_mem>>) src(%dma_wait3A_26 : memref<640x64xf32, #tpu.memory_space<hbm>>) dst(%dma_wait3A_24 : memref<640x64xf32, #tpu.memory_space<vmem_shared>>)
      tpu.yield
    }) : () -> ()
    %barrier3A = arith.constant 0 : index
    tpu.barrier barrier_id(%barrier3A)
    %mul3A_1 = arith.constant 2 : i32
    %mul3A_2 = arith.muli %mul3A_1, %arg0 : i32
    %mul3A_3 = arith.constant 1256 : i32
    %mul3A_4 = arith.muli %mul3A_2, %mul3A_3 : i32
    %mul3A_5 = arith.constant 2 : i32
    %mul3A_6 = arith.muli %mul3A_5, %arg0 : i32
    %add3A = arith.constant 1 : i32
    %add3A_7 = arith.addi %mul3A_6, %add3A : i32
    %mul3A_8 = arith.constant 1256 : i32
    %mul3A_9 = arith.muli %add3A_7, %mul3A_8 : i32
    %mul3A_10 = arith.constant 10240 : i32
    %mul3A_11 = arith.muli %arg0, %mul3A_10 : i32
    %mul3A_12 = arith.constant 80 : i32
    %mul3A_13 = arith.muli %arg1, %mul3A_12 : i32
    %scan3A = arith.constant 0 : i32
    %scan3A_14 = arith.constant 0 : i32
    %scan3A_15 = arith.constant 10 : i32
    %scan3A_16 = arith.addi %scan3A_14, %scan3A_15 : i32
    %scan3A_17 = arith.constant 1 : i32
    scf.for %scan3A_21 = %scan3A_14 to %scan3A_16 step %scan3A_17  : i32 {
      %mul3A_22 = arith.constant 8 : i32
      %mul3A_23 = arith.muli %scan3A_21, %mul3A_22 : i32
      %add3A_24 = arith.addi %mul3A_13, %mul3A_23 : i32
      %lt3A = arith.constant 1250 : i32
      %lt3A_25 = arith.cmpi slt, %add3A_24, %lt3A : i32
      %convert_element_type3A = arith.extui %lt3A_25 : i1 to i32
      %cond3A = arith.constant 0 : i32
      %cond3A_26 = arith.cmpi ne, %convert_element_type3A, %cond3A : i32
      scf.if %cond3A_26 {
        %add3A_27 = arith.addi %mul3A_4, %add3A_24 : i32
        "tpu.region"() ({
          %run_scoped3A = tpu.sem_alloc : memref<!tpu.dma_semaphore, #tpu.memory_space<semaphore_mem>>
          %dma_start3A = arith.constant 0 : i32
          %dma_start3A_1194 = tpu.memref_slice %arg3[%add3A_27, %dma_start3A] : memref<5024x128xi32, #tpu.memory_space<hbm>> -> memref<8x128xi32, #tpu.memory_space<hbm>>
          %dma_start3A_1195 = arith.constant 0 : i32
          %dma_start3A_1196 = tpu.memref_slice %arg3[%add3A_27, %dma_start3A_1195] : memref<5024x128xi32, #tpu.memory_space<hbm>> -> memref<8x128xi32, #tpu.memory_space<hbm>>
          tpu.enqueue_dma source(%dma_start3A_1196 : memref<8x128xi32, #tpu.memory_space<hbm>>) target(%arg11 : memref<8x128xi32, #tpu.memory_space<vmem>>) target_semaphore(%run_scoped3A : memref<!tpu.dma_semaphore, #tpu.memory_space<semaphore_mem>>)
          %dma_wait3A = arith.constant 0 : i32
          %dma_wait3A_1197 = tpu.memref_slice %arg3[%add3A_27, %dma_wait3A] : memref<5024x128xi32, #tpu.memory_space<hbm>> -> memref<8x128xi32, #tpu.memory_space<hbm>>
          %dma_wait3A_1198 = arith.constant 0 : i32
          %dma_wait3A_1199 = tpu.memref_slice %arg3[%add3A_27, %dma_wait3A_1198] : memref<5024x128xi32, #tpu.memory_space<hbm>> -> memref<8x128xi32, #tpu.memory_space<hbm>>
          tpu.wait_dma2 semaphore(%run_scoped3A : memref<!tpu.dma_semaphore, #tpu.memory_space<semaphore_mem>>) src(%dma_wait3A_1199 : memref<8x128xi32, #tpu.memory_space<hbm>>) dst(%arg11 : memref<8x128xi32, #tpu.memory_space<vmem>>)
          tpu.yield
        }) : () -> ()
        %add3A_28 = arith.addi %mul3A_9, %add3A_24 : i32
        "tpu.region"() ({
          %run_scoped3A = tpu.sem_alloc : memref<!tpu.dma_semaphore, #tpu.memory_space<semaphore_mem>>
          %dma_start3A = arith.constant 0 : i32
          %dma_start3A_1194 = tpu.memref_slice %arg3[%add3A_28, %dma_start3A] : memref<5024x128xi32, #tpu.memory_space<hbm>> -> memref<8x128xi32, #tpu.memory_space<hbm>>
          %dma_start3A_1195 = arith.constant 0 : i32
          %dma_start3A_1196 = tpu.memref_slice %arg3[%add3A_28, %dma_start3A_1195] : memref<5024x128xi32, #tpu.memory_space<hbm>> -> memref<8x128xi32, #tpu.memory_space<hbm>>
          tpu.enqueue_dma source(%dma_start3A_1196 : memref<8x128xi32, #tpu.memory_space<hbm>>) target(%arg12 : memref<8x128xi32, #tpu.memory_space<vmem>>) target_semaphore(%run_scoped3A : memref<!tpu.dma_semaphore, #tpu.memory_space<semaphore_mem>>)
          %dma_wait3A = arith.constant 0 : i32
          %dma_wait3A_1197 = tpu.memref_slice %arg3[%add3A_28, %dma_wait3A] : memref<5024x128xi32, #tpu.memory_space<hbm>> -> memref<8x128xi32, #tpu.memory_space<hbm>>
          %dma_wait3A_1198 = arith.constant 0 : i32
          %dma_wait3A_1199 = tpu.memref_slice %arg3[%add3A_28, %dma_wait3A_1198] : memref<5024x128xi32, #tpu.memory_space<hbm>> -> memref<8x128xi32, #tpu.memory_space<hbm>>
          tpu.wait_dma2 semaphore(%run_scoped3A : memref<!tpu.dma_semaphore, #tpu.memory_space<semaphore_mem>>) src(%dma_wait3A_1199 : memref<8x128xi32, #tpu.memory_space<hbm>>) dst(%arg12 : memref<8x128xi32, #tpu.memory_space<vmem>>)
          tpu.yield
        }) : () -> ()
        %get3A = arith.constant 0 : i32
        %get3A_29 = arith.index_cast %get3A : i32 to index
        %get3A_30 = arith.constant 0 : index
        %get3A_31 = tpu.vector_load %arg11[%get3A_29, %get3A_30] {strides = array<i32>} : memref<8x128xi32, #tpu.memory_space<vmem>>, vector<1x16xi32>,
        %get3A_32 = vector.shape_cast %get3A_31 : vector<1x16xi32> to vector<16xi32>
        %add3A_33 = vector.broadcast %mul3A_11 : i32 to vector<16xi32>
        %add3A_34 = arith.addi %get3A_32, %add3A_33 : vector<16xi32>
        %swap3A = arith.constant 0 : i32
        %swap3A_35 = arith.index_cast %swap3A : i32 to index
        %swap3A_36 = arith.constant 0 : index
        %swap3A_37 = tpu.vector_load %arg11[%swap3A_35, %swap3A_36] {strides = array<i32>} : memref<8x128xi32, #tpu.memory_space<vmem>>, vector<1x16xi32>,
        %swap3A_38 = vector.shape_cast %swap3A_37 : vector<1x16xi32> to vector<16xi32>
        %swap3A_39 = vector.shape_cast %add3A_34 : vector<16xi32> to vector<1x16xi32>
        tpu.vector_store %arg11[%swap3A_35, %swap3A_36], %swap3A_39 {strides = array<i32>} : memref<8x128xi32, #tpu.memory_space<vmem>>, vector<1x16xi32>,
        %get3A_40 = arith.constant 0 : i32
        %get3A_41 = arith.index_cast %get3A_40 : i32 to index
        %get3A_42 = arith.constant 16 : index
        %get3A_43 = tpu.vector_load %arg11[%get3A_41, %get3A_42] {strides = array<i32>} : memref<8x128xi32, #tpu.memory_space<vmem>>, vector<1x16xi32>,
        %get3A_44 = vector.shape_cast %get3A_43 : vector<1x16xi32> to vector<16xi32>
        %add3A_45 = vector.broadcast %mul3A_11 : i32 to vector<16xi32>
        %add3A_46 = arith.addi %get3A_44, %add3A_45 : vector<16xi32>
        %swap3A_47 = arith.constant 0 : i32
        %swap3A_48 = arith.index_cast %swap3A_47 : i32 to index
        %swap3A_49 = arith.constant 16 : index
        %swap3A_50 = tpu.vector_load %arg11[%swap3A_48, %swap3A_49] {strides = array<i32>} : memref<8x128xi32, #tpu.memory_space<vmem>>, vector<1x16xi32>,
        %swap3A_51 = vector.shape_cast %swap3A_50 : vector<1x16xi32> to vector<16xi32>
        %swap3A_52 = vector.shape_cast %add3A_46 : vector<16xi32> to vector<1x16xi32>
        tpu.vector_store %arg11[%swap3A_48, %swap3A_49], %swap3A_52 {strides = array<i32>} : memref<8x128xi32, #tpu.memory_space<vmem>>, vector<1x16xi32>,
        %get3A_53 = arith.constant 0 : i32
        %get3A_54 = arith.index_cast %get3A_53 : i32 to index
        %get3A_55 = arith.constant 32 : index
        %get3A_56 = tpu.vector_load %arg11[%get3A_54, %get3A_55] {strides = array<i32>} : memref<8x128xi32, #tpu.memory_space<vmem>>, vector<1x16xi32>,
        %get3A_57 = vector.shape_cast %get3A_56 : vector<1x16xi32> to vector<16xi32>
        %add3A_58 = vector.broadcast %mul3A_11 : i32 to vector<16xi32>
        %add3A_59 = arith.addi %get3A_57, %add3A_58 : vector<16xi32>
        %swap3A_60 = arith.constant 0 : i32
        %swap3A_61 = arith.index_cast %swap3A_60 : i32 to index
        %swap3A_62 = arith.constant 32 : index
        %swap3A_63 = tpu.vector_load %arg11[%swap3A_61, %swap3A_62] {strides = array<i32>} : memref<8x128xi32, #tpu.memory_space<vmem>>, vector<1x16xi32>,
        %swap3A_64 = vector.shape_cast %swap3A_63 : vector<1x16xi32> to vector<16xi32>
        %swap3A_65 = vector.shape_cast %add3A_59 : vector<16xi32> to vector<1x16xi32>
        tpu.vector_store %arg11[%swap3A_61, %swap3A_62], %swap3A_65 {strides = array<i32>} : memref<8x128xi32, #tpu.memory_space<vmem>>, vector<1x16xi32>,
        %get3A_66 = arith.constant 0 : i32
        %get3A_67 = arith.index_cast %get3A_66 : i32 to index
        %get3A_68 = arith.constant 48 : index
        %get3A_69 = tpu.vector_load %arg11[%get3A_67, %get3A_68] {strides = array<i32>} : memref<8x128xi32, #tpu.memory_space<vmem>>, vector<1x16xi32>,
        %get3A_70 = vector.shape_cast %get3A_69 : vector<1x16xi32> to vector<16xi32>
        %add3A_71 = vector.broadcast %mul3A_11 : i32 to vector<16xi32>
        %add3A_72 = arith.addi %get3A_70, %add3A_71 : vector<16xi32>
        %swap3A_73 = arith.constant 0 : i32
        %swap3A_74 = arith.index_cast %swap3A_73 : i32 to index
        %swap3A_75 = arith.constant 48 : index
        %swap3A_76 = tpu.vector_load %arg11[%swap3A_74, %swap3A_75] {strides = array<i32>} : memref<8x128xi32, #tpu.memory_space<vmem>>, vector<1x16xi32>,
        %swap3A_77 = vector.shape_cast %swap3A_76 : vector<1x16xi32> to vector<16xi32>
        %swap3A_78 = vector.shape_cast %add3A_72 : vector<16xi32> to vector<1x16xi32>
        tpu.vector_store %arg11[%swap3A_74, %swap3A_75], %swap3A_78 {strides = array<i32>} : memref<8x128xi32, #tpu.memory_space<vmem>>, vector<1x16xi32>,
        %get3A_79 = arith.constant 0 : i32
        %get3A_80 = arith.index_cast %get3A_79 : i32 to index
        %get3A_81 = arith.constant 64 : index
        %get3A_82 = tpu.vector_load %arg11[%get3A_80, %get3A_81] {strides = array<i32>} : memref<8x128xi32, #tpu.memory_space<vmem>>, vector<1x16xi32>,
        %get3A_83 = vector.shape_cast %get3A_82 : vector<1x16xi32> to vector<16xi32>
        %add3A_84 = vector.broadcast %mul3A_11 : i32 to vector<16xi32>
        %add3A_85 = arith.addi %get3A_83, %add3A_84 : vector<16xi32>
        %swap3A_86 = arith.constant 0 : i32
        %swap3A_87 = arith.index_cast %swap3A_86 : i32 to index
        %swap3A_88 = arith.constant 64 : index
        %swap3A_89 = tpu.vector_load %arg11[%swap3A_87, %swap3A_88] {strides = array<i32>} : memref<8x128xi32, #tpu.memory_space<vmem>>, vector<1x16xi32>,
        %swap3A_90 = vector.shape_cast %swap3A_89 : vector<1x16xi32> to vector<16xi32>
        %swap3A_91 = vector.shape_cast %add3A_85 : vector<16xi32> to vector<1x16xi32>
        tpu.vector_store %arg11[%swap3A_87, %swap3A_88], %swap3A_91 {strides = array<i32>} : memref<8x128xi32, #tpu.memory_space<vmem>>, vector<1x16xi32>,
        %get3A_92 = arith.constant 0 : i32
        %get3A_93 = arith.index_cast %get3A_92 : i32 to index
        %get3A_94 = arith.constant 80 : index
        %get3A_95 = tpu.vector_load %arg11[%get3A_93, %get3A_94] {strides = array<i32>} : memref<8x128xi32, #tpu.memory_space<vmem>>, vector<1x16xi32>,
        %get3A_96 = vector.shape_cast %get3A_95 : vector<1x16xi32> to vector<16xi32>
        %add3A_97 = vector.broadcast %mul3A_11 : i32 to vector<16xi32>
        %add3A_98 = arith.addi %get3A_96, %add3A_97 : vector<16xi32>
        %swap3A_99 = arith.constant 0 : i32
        %swap3A_100 = arith.index_cast %swap3A_99 : i32 to index
        %swap3A_101 = arith.constant 80 : index
        %swap3A_102 = tpu.vector_load %arg11[%swap3A_100, %swap3A_101] {strides = array<i32>} : memref<8x128xi32, #tpu.memory_space<vmem>>, vector<1x16xi32>,
        %swap3A_103 = vector.shape_cast %swap3A_102 : vector<1x16xi32> to vector<16xi32>
        %swap3A_104 = vector.shape_cast %add3A_98 : vector<16xi32> to vector<1x16xi32>
        tpu.vector_store %arg11[%swap3A_100, %swap3A_101], %swap3A_104 {strides = array<i32>} : memref<8x128xi32, #tpu.memory_space<vmem>>, vector<1x16xi32>,
        %get3A_105 = arith.constant 0 : i32
        %get3A_106 = arith.index_cast %get3A_105 : i32 to index
        %get3A_107 = arith.constant 96 : index
        %get3A_108 = tpu.vector_load %arg11[%get3A_106, %get3A_107] {strides = array<i32>} : memref<8x128xi32, #tpu.memory_space<vmem>>, vector<1x16xi32>,
        %get3A_109 = vector.shape_cast %get3A_108 : vector<1x16xi32> to vector<16xi32>
        %add3A_110 = vector.broadcast %mul3A_11 : i32 to vector<16xi32>
        %add3A_111 = arith.addi %get3A_109, %add3A_110 : vector<16xi32>
        %swap3A_112 = arith.constant 0 : i32
        %swap3A_113 = arith.index_cast %swap3A_112 : i32 to index
        %swap3A_114 = arith.constant 96 : index
        %swap3A_115 = tpu.vector_load %arg11[%swap3A_113, %swap3A_114] {strides = array<i32>} : memref<8x128xi32, #tpu.memory_space<vmem>>, vector<1x16xi32>,
        %swap3A_116 = vector.shape_cast %swap3A_115 : vector<1x16xi32> to vector<16xi32>
        %swap3A_117 = vector.shape_cast %add3A_111 : vector<16xi32> to vector<1x16xi32>
        tpu.vector_store %arg11[%swap3A_113, %swap3A_114], %swap3A_117 {strides = array<i32>} : memref<8x128xi32, #tpu.memory_space<vmem>>, vector<1x16xi32>,
        %get3A_118 = arith.constant 0 : i32
        %get3A_119 = arith.index_cast %get3A_118 : i32 to index
        %get3A_120 = arith.constant 112 : index
        %get3A_121 = tpu.vector_load %arg11[%get3A_119, %get3A_120] {strides = array<i32>} : memref<8x128xi32, #tpu.memory_space<vmem>>, vector<1x16xi32>,
        %get3A_122 = vector.shape_cast %get3A_121 : vector<1x16xi32> to vector<16xi32>
        %add3A_123 = vector.broadcast %mul3A_11 : i32 to vector<16xi32>
        %add3A_124 = arith.addi %get3A_122, %add3A_123 : vector<16xi32>
        %swap3A_125 = arith.constant 0 : i32
        %swap3A_126 = arith.index_cast %swap3A_125 : i32 to index
        %swap3A_127 = arith.constant 112 : index
        %swap3A_128 = tpu.vector_load %arg11[%swap3A_126, %swap3A_127] {strides = array<i32>} : memref<8x128xi32, #tpu.memory_space<vmem>>, vector<1x16xi32>,
        %swap3A_129 = vector.shape_cast %swap3A_128 : vector<1x16xi32> to vector<16xi32>
        %swap3A_130 = vector.shape_cast %add3A_124 : vector<16xi32> to vector<1x16xi32>
        tpu.vector_store %arg11[%swap3A_126, %swap3A_127], %swap3A_130 {strides = array<i32>} : memref<8x128xi32, #tpu.memory_space<vmem>>, vector<1x16xi32>,
        %get3A_131 = arith.constant 1 : i32
        %get3A_132 = arith.index_cast %get3A_131 : i32 to index
        %get3A_133 = arith.constant 0 : index
        %get3A_134 = tpu.vector_load %arg11[%get3A_132, %get3A_133] {strides = array<i32>} : memref<8x128xi32, #tpu.memory_space<vmem>>, vector<1x16xi32>,
        %get3A_135 = vector.shape_cast %get3A_134 : vector<1x16xi32> to vector<16xi32>
        %add3A_136 = vector.broadcast %mul3A_11 : i32 to vector<16xi32>
        %add3A_137 = arith.addi %get3A_135, %add3A_136 : vector<16xi32>
        %swap3A_138 = arith.constant 1 : i32
        %swap3A_139 = arith.index_cast %swap3A_138 : i32 to index
        %swap3A_140 = arith.constant 0 : index
        %swap3A_141 = tpu.vector_load %arg11[%swap3A_139, %swap3A_140] {strides = array<i32>} : memref<8x128xi32, #tpu.memory_space<vmem>>, vector<1x16xi32>,
        %swap3A_142 = vector.shape_cast %swap3A_141 : vector<1x16xi32> to vector<16xi32>
        %swap3A_143 = vector.shape_cast %add3A_137 : vector<16xi32> to vector<1x16xi32>
        tpu.vector_store %arg11[%swap3A_139, %swap3A_140], %swap3A_143 {strides = array<i32>} : memref<8x128xi32, #tpu.memory_space<vmem>>, vector<1x16xi32>,
        %get3A_144 = arith.constant 1 : i32
        %get3A_145 = arith.index_cast %get3A_144 : i32 to index
        %get3A_146 = arith.constant 16 : index
        %get3A_147 = tpu.vector_load %arg11[%get3A_145, %get3A_146] {strides = array<i32>} : memref<8x128xi32, #tpu.memory_space<vmem>>, vector<1x16xi32>,
        %get3A_148 = vector.shape_cast %get3A_147 : vector<1x16xi32> to vector<16xi32>
        %add3A_149 = vector.broadcast %mul3A_11 : i32 to vector<16xi32>
        %add3A_150 = arith.addi %get3A_148, %add3A_149 : vector<16xi32>
        %swap3A_151 = arith.constant 1 : i32
        %swap3A_152 = arith.index_cast %swap3A_151 : i32 to index
        %swap3A_153 = arith.constant 16 : index
        %swap3A_154 = tpu.vector_load %arg11[%swap3A_152, %swap3A_153] {strides = array<i32>} : memref<8x128xi32, #tpu.memory_space<vmem>>, vector<1x16xi32>,
        %swap3A_155 = vector.shape_cast %swap3A_154 : vector<1x16xi32> to vector<16xi32>
        %swap3A_156 = vector.shape_cast %add3A_150 : vector<16xi32> to vector<1x16xi32>
        tpu.vector_store %arg11[%swap3A_152, %swap3A_153], %swap3A_156 {strides = array<i32>} : memref<8x128xi32, #tpu.memory_space<vmem>>, vector<1x16xi32>,
        %get3A_157 = arith.constant 1 : i32
        %get3A_158 = arith.index_cast %get3A_157 : i32 to index
        %get3A_159 = arith.constant 32 : index
        %get3A_160 = tpu.vector_load %arg11[%get3A_158, %get3A_159] {strides = array<i32>} : memref<8x128xi32, #tpu.memory_space<vmem>>, vector<1x16xi32>,
        %get3A_161 = vector.shape_cast %get3A_160 : vector<1x16xi32> to vector<16xi32>
        %add3A_162 = vector.broadcast %mul3A_11 : i32 to vector<16xi32>
        %add3A_163 = arith.addi %get3A_161, %add3A_162 : vector<16xi32>
        %swap3A_164 = arith.constant 1 : i32
        %swap3A_165 = arith.index_cast %swap3A_164 : i32 to index
        %swap3A_166 = arith.constant 32 : index
        %swap3A_167 = tpu.vector_load %arg11[%swap3A_165, %swap3A_166] {strides = array<i32>} : memref<8x128xi32, #tpu.memory_space<vmem>>, vector<1x16xi32>,
        %swap3A_168 = vector.shape_cast %swap3A_167 : vector<1x16xi32> to vector<16xi32>
        %swap3A_169 = vector.shape_cast %add3A_163 : vector<16xi32> to vector<1x16xi32>
        tpu.vector_store %arg11[%swap3A_165, %swap3A_166], %swap3A_169 {strides = array<i32>} : memref<8x128xi32, #tpu.memory_space<vmem>>, vector<1x16xi32>,
        %get3A_170 = arith.constant 1 : i32
        %get3A_171 = arith.index_cast %get3A_170 : i32 to index
        %get3A_172 = arith.constant 48 : index
        %get3A_173 = tpu.vector_load %arg11[%get3A_171, %get3A_172] {strides = array<i32>} : memref<8x128xi32, #tpu.memory_space<vmem>>, vector<1x16xi32>,
        %get3A_174 = vector.shape_cast %get3A_173 : vector<1x16xi32> to vector<16xi32>
        %add3A_175 = vector.broadcast %mul3A_11 : i32 to vector<16xi32>
        %add3A_176 = arith.addi %get3A_174, %add3A_175 : vector<16xi32>
        %swap3A_177 = arith.constant 1 : i32
        %swap3A_178 = arith.index_cast %swap3A_177 : i32 to index
        %swap3A_179 = arith.constant 48 : index
        %swap3A_180 = tpu.vector_load %arg11[%swap3A_178, %swap3A_179] {strides = array<i32>} : memref<8x128xi32, #tpu.memory_space<vmem>>, vector<1x16xi32>,
        %swap3A_181 = vector.shape_cast %swap3A_180 : vector<1x16xi32> to vector<16xi32>
        %swap3A_182 = vector.shape_cast %add3A_176 : vector<16xi32> to vector<1x16xi32>
        tpu.vector_store %arg11[%swap3A_178, %swap3A_179], %swap3A_182 {strides = array<i32>} : memref<8x128xi32, #tpu.memory_space<vmem>>, vector<1x16xi32>,
        %get3A_183 = arith.constant 1 : i32
        %get3A_184 = arith.index_cast %get3A_183 : i32 to index
        %get3A_185 = arith.constant 64 : index
        %get3A_186 = tpu.vector_load %arg11[%get3A_184, %get3A_185] {strides = array<i32>} : memref<8x128xi32, #tpu.memory_space<vmem>>, vector<1x16xi32>,
        %get3A_187 = vector.shape_cast %get3A_186 : vector<1x16xi32> to vector<16xi32>
        %add3A_188 = vector.broadcast %mul3A_11 : i32 to vector<16xi32>
        %add3A_189 = arith.addi %get3A_187, %add3A_188 : vector<16xi32>
        %swap3A_190 = arith.constant 1 : i32
        %swap3A_191 = arith.index_cast %swap3A_190 : i32 to index
        %swap3A_192 = arith.constant 64 : index
        %swap3A_193 = tpu.vector_load %arg11[%swap3A_191, %swap3A_192] {strides = array<i32>} : memref<8x128xi32, #tpu.memory_space<vmem>>, vector<1x16xi32>,
        %swap3A_194 = vector.shape_cast %swap3A_193 : vector<1x16xi32> to vector<16xi32>
        %swap3A_195 = vector.shape_cast %add3A_189 : vector<16xi32> to vector<1x16xi32>
        tpu.vector_store %arg11[%swap3A_191, %swap3A_192], %swap3A_195 {strides = array<i32>} : memref<8x128xi32, #tpu.memory_space<vmem>>, vector<1x16xi32>,
        %get3A_196 = arith.constant 1 : i32
        %get3A_197 = arith.index_cast %get3A_196 : i32 to index
        %get3A_198 = arith.constant 80 : index
        %get3A_199 = tpu.vector_load %arg11[%get3A_197, %get3A_198] {strides = array<i32>} : memref<8x128xi32, #tpu.memory_space<vmem>>, vector<1x16xi32>,
        %get3A_200 = vector.shape_cast %get3A_199 : vector<1x16xi32> to vector<16xi32>
        %add3A_201 = vector.broadcast %mul3A_11 : i32 to vector<16xi32>
        %add3A_202 = arith.addi %get3A_200, %add3A_201 : vector<16xi32>
        %swap3A_203 = arith.constant 1 : i32
        %swap3A_204 = arith.index_cast %swap3A_203 : i32 to index
        %swap3A_205 = arith.constant 80 : index
        %swap3A_206 = tpu.vector_load %arg11[%swap3A_204, %swap3A_205] {strides = array<i32>} : memref<8x128xi32, #tpu.memory_space<vmem>>, vector<1x16xi32>,
        %swap3A_207 = vector.shape_cast %swap3A_206 : vector<1x16xi32> to vector<16xi32>
        %swap3A_208 = vector.shape_cast %add3A_202 : vector<16xi32> to vector<1x16xi32>
        tpu.vector_store %arg11[%swap3A_204, %swap3A_205], %swap3A_208 {strides = array<i32>} : memref<8x128xi32, #tpu.memory_space<vmem>>, vector<1x16xi32>,
        %get3A_209 = arith.constant 1 : i32
        %get3A_210 = arith.index_cast %get3A_209 : i32 to index
        %get3A_211 = arith.constant 96 : index
        %get3A_212 = tpu.vector_load %arg11[%get3A_210, %get3A_211] {strides = array<i32>} : memref<8x128xi32, #tpu.memory_space<vmem>>, vector<1x16xi32>,
        %get3A_213 = vector.shape_cast %get3A_212 : vector<1x16xi32> to vector<16xi32>
        %add3A_214 = vector.broadcast %mul3A_11 : i32 to vector<16xi32>
        %add3A_215 = arith.addi %get3A_213, %add3A_214 : vector<16xi32>
        %swap3A_216 = arith.constant 1 : i32
        %swap3A_217 = arith.index_cast %swap3A_216 : i32 to index
        %swap3A_218 = arith.constant 96 : index
        %swap3A_219 = tpu.vector_load %arg11[%swap3A_217, %swap3A_218] {strides = array<i32>} : memref<8x128xi32, #tpu.memory_space<vmem>>, vector<1x16xi32>,
        %swap3A_220 = vector.shape_cast %swap3A_219 : vector<1x16xi32> to vector<16xi32>
        %swap3A_221 = vector.shape_cast %add3A_215 : vector<16xi32> to vector<1x16xi32>
        tpu.vector_store %arg11[%swap3A_217, %swap3A_218], %swap3A_221 {strides = array<i32>} : memref<8x128xi32, #tpu.memory_space<vmem>>, vector<1x16xi32>,
        %get3A_222 = arith.constant 1 : i32
        %get3A_223 = arith.index_cast %get3A_222 : i32 to index
        %get3A_224 = arith.constant 112 : index
        %get3A_225 = tpu.vector_load %arg11[%get3A_223, %get3A_224] {strides = array<i32>} : memref<8x128xi32, #tpu.memory_space<vmem>>, vector<1x16xi32>,
        %get3A_226 = vector.shape_cast %get3A_225 : vector<1x16xi32> to vector<16xi32>
        %add3A_227 = vector.broadcast %mul3A_11 : i32 to vector<16xi32>
        %add3A_228 = arith.addi %get3A_226, %add3A_227 : vector<16xi32>
        %swap3A_229 = arith.constant 1 : i32
        %swap3A_230 = arith.index_cast %swap3A_229 : i32 to index
        %swap3A_231 = arith.constant 112 : index
        %swap3A_232 = tpu.vector_load %arg11[%swap3A_230, %swap3A_231] {strides = array<i32>} : memref<8x128xi32, #tpu.memory_space<vmem>>, vector<1x16xi32>,
        %swap3A_233 = vector.shape_cast %swap3A_232 : vector<1x16xi32> to vector<16xi32>
        %swap3A_234 = vector.shape_cast %add3A_228 : vector<16xi32> to vector<1x16xi32>
        tpu.vector_store %arg11[%swap3A_230, %swap3A_231], %swap3A_234 {strides = array<i32>} : memref<8x128xi32, #tpu.memory_space<vmem>>, vector<1x16xi32>,
        %get3A_235 = arith.constant 2 : i32
        %get3A_236 = arith.index_cast %get3A_235 : i32 to index
        %get3A_237 = arith.constant 0 : index
        %get3A_238 = tpu.vector_load %arg11[%get3A_236, %get3A_237] {strides = array<i32>} : memref<8x128xi32, #tpu.memory_space<vmem>>, vector<1x16xi32>,
        %get3A_239 = vector.shape_cast %get3A_238 : vector<1x16xi32> to vector<16xi32>
        %add3A_240 = vector.broadcast %mul3A_11 : i32 to vector<16xi32>
        %add3A_241 = arith.addi %get3A_239, %add3A_240 : vector<16xi32>
        %swap3A_242 = arith.constant 2 : i32
        %swap3A_243 = arith.index_cast %swap3A_242 : i32 to index
        %swap3A_244 = arith.constant 0 : index
        %swap3A_245 = tpu.vector_load %arg11[%swap3A_243, %swap3A_244] {strides = array<i32>} : memref<8x128xi32, #tpu.memory_space<vmem>>, vector<1x16xi32>,
        %swap3A_246 = vector.shape_cast %swap3A_245 : vector<1x16xi32> to vector<16xi32>
        %swap3A_247 = vector.shape_cast %add3A_241 : vector<16xi32> to vector<1x16xi32>
        tpu.vector_store %arg11[%swap3A_243, %swap3A_244], %swap3A_247 {strides = array<i32>} : memref<8x128xi32, #tpu.memory_space<vmem>>, vector<1x16xi32>,
        %get3A_248 = arith.constant 2 : i32
        %get3A_249 = arith.index_cast %get3A_248 : i32 to index
        %get3A_250 = arith.constant 16 : index
        %get3A_251 = tpu.vector_load %arg11[%get3A_249, %get3A_250] {strides = array<i32>} : memref<8x128xi32, #tpu.memory_space<vmem>>, vector<1x16xi32>,
        %get3A_252 = vector.shape_cast %get3A_251 : vector<1x16xi32> to vector<16xi32>
        %add3A_253 = vector.broadcast %mul3A_11 : i32 to vector<16xi32>
        %add3A_254 = arith.addi %get3A_252, %add3A_253 : vector<16xi32>
        %swap3A_255 = arith.constant 2 : i32
        %swap3A_256 = arith.index_cast %swap3A_255 : i32 to index
        %swap3A_257 = arith.constant 16 : index
        %swap3A_258 = tpu.vector_load %arg11[%swap3A_256, %swap3A_257] {strides = array<i32>} : memref<8x128xi32, #tpu.memory_space<vmem>>, vector<1x16xi32>,
        %swap3A_259 = vector.shape_cast %swap3A_258 : vector<1x16xi32> to vector<16xi32>
        %swap3A_260 = vector.shape_cast %add3A_254 : vector<16xi32> to vector<1x16xi32>
        tpu.vector_store %arg11[%swap3A_256, %swap3A_257], %swap3A_260 {strides = array<i32>} : memref<8x128xi32, #tpu.memory_space<vmem>>, vector<1x16xi32>,
        %get3A_261 = arith.constant 2 : i32
        %get3A_262 = arith.index_cast %get3A_261 : i32 to index
        %get3A_263 = arith.constant 32 : index
        %get3A_264 = tpu.vector_load %arg11[%get3A_262, %get3A_263] {strides = array<i32>} : memref<8x128xi32, #tpu.memory_space<vmem>>, vector<1x16xi32>,
        %get3A_265 = vector.shape_cast %get3A_264 : vector<1x16xi32> to vector<16xi32>
        %add3A_266 = vector.broadcast %mul3A_11 : i32 to vector<16xi32>
        %add3A_267 = arith.addi %get3A_265, %add3A_266 : vector<16xi32>
        %swap3A_268 = arith.constant 2 : i32
        %swap3A_269 = arith.index_cast %swap3A_268 : i32 to index
        %swap3A_270 = arith.constant 32 : index
        %swap3A_271 = tpu.vector_load %arg11[%swap3A_269, %swap3A_270] {strides = array<i32>} : memref<8x128xi32, #tpu.memory_space<vmem>>, vector<1x16xi32>,
        %swap3A_272 = vector.shape_cast %swap3A_271 : vector<1x16xi32> to vector<16xi32>
        %swap3A_273 = vector.shape_cast %add3A_267 : vector<16xi32> to vector<1x16xi32>
        tpu.vector_store %arg11[%swap3A_269, %swap3A_270], %swap3A_273 {strides = array<i32>} : memref<8x128xi32, #tpu.memory_space<vmem>>, vector<1x16xi32>,
        %get3A_274 = arith.constant 2 : i32
        %get3A_275 = arith.index_cast %get3A_274 : i32 to index
        %get3A_276 = arith.constant 48 : index
        %get3A_277 = tpu.vector_load %arg11[%get3A_275, %get3A_276] {strides = array<i32>} : memref<8x128xi32, #tpu.memory_space<vmem>>, vector<1x16xi32>,
        %get3A_278 = vector.shape_cast %get3A_277 : vector<1x16xi32> to vector<16xi32>
        %add3A_279 = vector.broadcast %mul3A_11 : i32 to vector<16xi32>
        %add3A_280 = arith.addi %get3A_278, %add3A_279 : vector<16xi32>
        %swap3A_281 = arith.constant 2 : i32
        %swap3A_282 = arith.index_cast %swap3A_281 : i32 to index
        %swap3A_283 = arith.constant 48 : index
        %swap3A_284 = tpu.vector_load %arg11[%swap3A_282, %swap3A_283] {strides = array<i32>} : memref<8x128xi32, #tpu.memory_space<vmem>>, vector<1x16xi32>,
        %swap3A_285 = vector.shape_cast %swap3A_284 : vector<1x16xi32> to vector<16xi32>
        %swap3A_286 = vector.shape_cast %add3A_280 : vector<16xi32> to vector<1x16xi32>
        tpu.vector_store %arg11[%swap3A_282, %swap3A_283], %swap3A_286 {strides = array<i32>} : memref<8x128xi32, #tpu.memory_space<vmem>>, vector<1x16xi32>,
        %get3A_287 = arith.constant 2 : i32
        %get3A_288 = arith.index_cast %get3A_287 : i32 to index
        %get3A_289 = arith.constant 64 : index
        %get3A_290 = tpu.vector_load %arg11[%get3A_288, %get3A_289] {strides = array<i32>} : memref<8x128xi32, #tpu.memory_space<vmem>>, vector<1x16xi32>,
        %get3A_291 = vector.shape_cast %get3A_290 : vector<1x16xi32> to vector<16xi32>
        %add3A_292 = vector.broadcast %mul3A_11 : i32 to vector<16xi32>
        %add3A_293 = arith.addi %get3A_291, %add3A_292 : vector<16xi32>
        %swap3A_294 = arith.constant 2 : i32
        %swap3A_295 = arith.index_cast %swap3A_294 : i32 to index
        %swap3A_296 = arith.constant 64 : index
        %swap3A_297 = tpu.vector_load %arg11[%swap3A_295, %swap3A_296] {strides = array<i32>} : memref<8x128xi32, #tpu.memory_space<vmem>>, vector<1x16xi32>,
        %swap3A_298 = vector.shape_cast %swap3A_297 : vector<1x16xi32> to vector<16xi32>
        %swap3A_299 = vector.shape_cast %add3A_293 : vector<16xi32> to vector<1x16xi32>
        tpu.vector_store %arg11[%swap3A_295, %swap3A_296], %swap3A_299 {strides = array<i32>} : memref<8x128xi32, #tpu.memory_space<vmem>>, vector<1x16xi32>,
        %get3A_300 = arith.constant 2 : i32
        %get3A_301 = arith.index_cast %get3A_300 : i32 to index
        %get3A_302 = arith.constant 80 : index
        %get3A_303 = tpu.vector_load %arg11[%get3A_301, %get3A_302] {strides = array<i32>} : memref<8x128xi32, #tpu.memory_space<vmem>>, vector<1x16xi32>,
        %get3A_304 = vector.shape_cast %get3A_303 : vector<1x16xi32> to vector<16xi32>
        %add3A_305 = vector.broadcast %mul3A_11 : i32 to vector<16xi32>
        %add3A_306 = arith.addi %get3A_304, %add3A_305 : vector<16xi32>
        %swap3A_307 = arith.constant 2 : i32
        %swap3A_308 = arith.index_cast %swap3A_307 : i32 to index
        %swap3A_309 = arith.constant 80 : index
        %swap3A_310 = tpu.vector_load %arg11[%swap3A_308, %swap3A_309] {strides = array<i32>} : memref<8x128xi32, #tpu.memory_space<vmem>>, vector<1x16xi32>,
        %swap3A_311 = vector.shape_cast %swap3A_310 : vector<1x16xi32> to vector<16xi32>
        %swap3A_312 = vector.shape_cast %add3A_306 : vector<16xi32> to vector<1x16xi32>
        tpu.vector_store %arg11[%swap3A_308, %swap3A_309], %swap3A_312 {strides = array<i32>} : memref<8x128xi32, #tpu.memory_space<vmem>>, vector<1x16xi32>,
        %get3A_313 = arith.constant 2 : i32
        %get3A_314 = arith.index_cast %get3A_313 : i32 to index
        %get3A_315 = arith.constant 96 : index
        %get3A_316 = tpu.vector_load %arg11[%get3A_314, %get3A_315] {strides = array<i32>} : memref<8x128xi32, #tpu.memory_space<vmem>>, vector<1x16xi32>,
        %get3A_317 = vector.shape_cast %get3A_316 : vector<1x16xi32> to vector<16xi32>
        %add3A_318 = vector.broadcast %mul3A_11 : i32 to vector<16xi32>
        %add3A_319 = arith.addi %get3A_317, %add3A_318 : vector<16xi32>
        %swap3A_320 = arith.constant 2 : i32
        %swap3A_321 = arith.index_cast %swap3A_320 : i32 to index
        %swap3A_322 = arith.constant 96 : index
        %swap3A_323 = tpu.vector_load %arg11[%swap3A_321, %swap3A_322] {strides = array<i32>} : memref<8x128xi32, #tpu.memory_space<vmem>>, vector<1x16xi32>,
        %swap3A_324 = vector.shape_cast %swap3A_323 : vector<1x16xi32> to vector<16xi32>
        %swap3A_325 = vector.shape_cast %add3A_319 : vector<16xi32> to vector<1x16xi32>
        tpu.vector_store %arg11[%swap3A_321, %swap3A_322], %swap3A_325 {strides = array<i32>} : memref<8x128xi32, #tpu.memory_space<vmem>>, vector<1x16xi32>,
        %get3A_326 = arith.constant 2 : i32
        %get3A_327 = arith.index_cast %get3A_326 : i32 to index
        %get3A_328 = arith.constant 112 : index
        %get3A_329 = tpu.vector_load %arg11[%get3A_327, %get3A_328] {strides = array<i32>} : memref<8x128xi32, #tpu.memory_space<vmem>>, vector<1x16xi32>,
        %get3A_330 = vector.shape_cast %get3A_329 : vector<1x16xi32> to vector<16xi32>
        %add3A_331 = vector.broadcast %mul3A_11 : i32 to vector<16xi32>
        %add3A_332 = arith.addi %get3A_330, %add3A_331 : vector<16xi32>
        %swap3A_333 = arith.constant 2 : i32
        %swap3A_334 = arith.index_cast %swap3A_333 : i32 to index
        %swap3A_335 = arith.constant 112 : index
        %swap3A_336 = tpu.vector_load %arg11[%swap3A_334, %swap3A_335] {strides = array<i32>} : memref<8x128xi32, #tpu.memory_space<vmem>>, vector<1x16xi32>,
        %swap3A_337 = vector.shape_cast %swap3A_336 : vector<1x16xi32> to vector<16xi32>
        %swap3A_338 = vector.shape_cast %add3A_332 : vector<16xi32> to vector<1x16xi32>
        tpu.vector_store %arg11[%swap3A_334, %swap3A_335], %swap3A_338 {strides = array<i32>} : memref<8x128xi32, #tpu.memory_space<vmem>>, vector<1x16xi32>,
        %get3A_339 = arith.constant 3 : i32
        %get3A_340 = arith.index_cast %get3A_339 : i32 to index
        %get3A_341 = arith.constant 0 : index
        %get3A_342 = tpu.vector_load %arg11[%get3A_340, %get3A_341] {strides = array<i32>} : memref<8x128xi32, #tpu.memory_space<vmem>>, vector<1x16xi32>,
        %get3A_343 = vector.shape_cast %get3A_342 : vector<1x16xi32> to vector<16xi32>
        %add3A_344 = vector.broadcast %mul3A_11 : i32 to vector<16xi32>
        %add3A_345 = arith.addi %get3A_343, %add3A_344 : vector<16xi32>
        %swap3A_346 = arith.constant 3 : i32
        %swap3A_347 = arith.index_cast %swap3A_346 : i32 to index
        %swap3A_348 = arith.constant 0 : index
        %swap3A_349 = tpu.vector_load %arg11[%swap3A_347, %swap3A_348] {strides = array<i32>} : memref<8x128xi32, #tpu.memory_space<vmem>>, vector<1x16xi32>,
        %swap3A_350 = vector.shape_cast %swap3A_349 : vector<1x16xi32> to vector<16xi32>
        %swap3A_351 = vector.shape_cast %add3A_345 : vector<16xi32> to vector<1x16xi32>
        tpu.vector_store %arg11[%swap3A_347, %swap3A_348], %swap3A_351 {strides = array<i32>} : memref<8x128xi32, #tpu.memory_space<vmem>>, vector<1x16xi32>,
        %get3A_352 = arith.constant 3 : i32
        %get3A_353 = arith.index_cast %get3A_352 : i32 to index
        %get3A_354 = arith.constant 16 : index
        %get3A_355 = tpu.vector_load %arg11[%get3A_353, %get3A_354] {strides = array<i32>} : memref<8x128xi32, #tpu.memory_space<vmem>>, vector<1x16xi32>,
        %get3A_356 = vector.shape_cast %get3A_355 : vector<1x16xi32> to vector<16xi32>
        %add3A_357 = vector.broadcast %mul3A_11 : i32 to vector<16xi32>
        %add3A_358 = arith.addi %get3A_356, %add3A_357 : vector<16xi32>
        %swap3A_359 = arith.constant 3 : i32
        %swap3A_360 = arith.index_cast %swap3A_359 : i32 to index
        %swap3A_361 = arith.constant 16 : index
        %swap3A_362 = tpu.vector_load %arg11[%swap3A_360, %swap3A_361] {strides = array<i32>} : memref<8x128xi32, #tpu.memory_space<vmem>>, vector<1x16xi32>,
        %swap3A_363 = vector.shape_cast %swap3A_362 : vector<1x16xi32> to vector<16xi32>
        %swap3A_364 = vector.shape_cast %add3A_358 : vector<16xi32> to vector<1x16xi32>
        tpu.vector_store %arg11[%swap3A_360, %swap3A_361], %swap3A_364 {strides = array<i32>} : memref<8x128xi32, #tpu.memory_space<vmem>>, vector<1x16xi32>,
        %get3A_365 = arith.constant 3 : i32
        %get3A_366 = arith.index_cast %get3A_365 : i32 to index
        %get3A_367 = arith.constant 32 : index
        %get3A_368 = tpu.vector_load %arg11[%get3A_366, %get3A_367] {strides = array<i32>} : memref<8x128xi32, #tpu.memory_space<vmem>>, vector<1x16xi32>,
        %get3A_369 = vector.shape_cast %get3A_368 : vector<1x16xi32> to vector<16xi32>
        %add3A_370 = vector.broadcast %mul3A_11 : i32 to vector<16xi32>
        %add3A_371 = arith.addi %get3A_369, %add3A_370 : vector<16xi32>
        %swap3A_372 = arith.constant 3 : i32
        %swap3A_373 = arith.index_cast %swap3A_372 : i32 to index
        %swap3A_374 = arith.constant 32 : index
        %swap3A_375 = tpu.vector_load %arg11[%swap3A_373, %swap3A_374] {strides = array<i32>} : memref<8x128xi32, #tpu.memory_space<vmem>>, vector<1x16xi32>,
        %swap3A_376 = vector.shape_cast %swap3A_375 : vector<1x16xi32> to vector<16xi32>
        %swap3A_377 = vector.shape_cast %add3A_371 : vector<16xi32> to vector<1x16xi32>
        tpu.vector_store %arg11[%swap3A_373, %swap3A_374], %swap3A_377 {strides = array<i32>} : memref<8x128xi32, #tpu.memory_space<vmem>>, vector<1x16xi32>,
        %get3A_378 = arith.constant 3 : i32
        %get3A_379 = arith.index_cast %get3A_378 : i32 to index
        %get3A_380 = arith.constant 48 : index
        %get3A_381 = tpu.vector_load %arg11[%get3A_379, %get3A_380] {strides = array<i32>} : memref<8x128xi32, #tpu.memory_space<vmem>>, vector<1x16xi32>,
        %get3A_382 = vector.shape_cast %get3A_381 : vector<1x16xi32> to vector<16xi32>
        %add3A_383 = vector.broadcast %mul3A_11 : i32 to vector<16xi32>
        %add3A_384 = arith.addi %get3A_382, %add3A_383 : vector<16xi32>
        %swap3A_385 = arith.constant 3 : i32
        %swap3A_386 = arith.index_cast %swap3A_385 : i32 to index
        %swap3A_387 = arith.constant 48 : index
        %swap3A_388 = tpu.vector_load %arg11[%swap3A_386, %swap3A_387] {strides = array<i32>} : memref<8x128xi32, #tpu.memory_space<vmem>>, vector<1x16xi32>,
        %swap3A_389 = vector.shape_cast %swap3A_388 : vector<1x16xi32> to vector<16xi32>
        %swap3A_390 = vector.shape_cast %add3A_384 : vector<16xi32> to vector<1x16xi32>
        tpu.vector_store %arg11[%swap3A_386, %swap3A_387], %swap3A_390 {strides = array<i32>} : memref<8x128xi32, #tpu.memory_space<vmem>>, vector<1x16xi32>,
        %get3A_391 = arith.constant 3 : i32
        %get3A_392 = arith.index_cast %get3A_391 : i32 to index
        %get3A_393 = arith.constant 64 : index
        %get3A_394 = tpu.vector_load %arg11[%get3A_392, %get3A_393] {strides = array<i32>} : memref<8x128xi32, #tpu.memory_space<vmem>>, vector<1x16xi32>,
        %get3A_395 = vector.shape_cast %get3A_394 : vector<1x16xi32> to vector<16xi32>
        %add3A_396 = vector.broadcast %mul3A_11 : i32 to vector<16xi32>
        %add3A_397 = arith.addi %get3A_395, %add3A_396 : vector<16xi32>
        %swap3A_398 = arith.constant 3 : i32
        %swap3A_399 = arith.index_cast %swap3A_398 : i32 to index
        %swap3A_400 = arith.constant 64 : index
        %swap3A_401 = tpu.vector_load %arg11[%swap3A_399, %swap3A_400] {strides = array<i32>} : memref<8x128xi32, #tpu.memory_space<vmem>>, vector<1x16xi32>,
        %swap3A_402 = vector.shape_cast %swap3A_401 : vector<1x16xi32> to vector<16xi32>
        %swap3A_403 = vector.shape_cast %add3A_397 : vector<16xi32> to vector<1x16xi32>
        tpu.vector_store %arg11[%swap3A_399, %swap3A_400], %swap3A_403 {strides = array<i32>} : memref<8x128xi32, #tpu.memory_space<vmem>>, vector<1x16xi32>,
        %get3A_404 = arith.constant 3 : i32
        %get3A_405 = arith.index_cast %get3A_404 : i32 to index
        %get3A_406 = arith.constant 80 : index
        %get3A_407 = tpu.vector_load %arg11[%get3A_405, %get3A_406] {strides = array<i32>} : memref<8x128xi32, #tpu.memory_space<vmem>>, vector<1x16xi32>,
        %get3A_408 = vector.shape_cast %get3A_407 : vector<1x16xi32> to vector<16xi32>
        %add3A_409 = vector.broadcast %mul3A_11 : i32 to vector<16xi32>
        %add3A_410 = arith.addi %get3A_408, %add3A_409 : vector<16xi32>
        %swap3A_411 = arith.constant 3 : i32
        %swap3A_412 = arith.index_cast %swap3A_411 : i32 to index
        %swap3A_413 = arith.constant 80 : index
        %swap3A_414 = tpu.vector_load %arg11[%swap3A_412, %swap3A_413] {strides = array<i32>} : memref<8x128xi32, #tpu.memory_space<vmem>>, vector<1x16xi32>,
        %swap3A_415 = vector.shape_cast %swap3A_414 : vector<1x16xi32> to vector<16xi32>
        %swap3A_416 = vector.shape_cast %add3A_410 : vector<16xi32> to vector<1x16xi32>
        tpu.vector_store %arg11[%swap3A_412, %swap3A_413], %swap3A_416 {strides = array<i32>} : memref<8x128xi32, #tpu.memory_space<vmem>>, vector<1x16xi32>,
        %get3A_417 = arith.constant 3 : i32
        %get3A_418 = arith.index_cast %get3A_417 : i32 to index
        %get3A_419 = arith.constant 96 : index
        %get3A_420 = tpu.vector_load %arg11[%get3A_418, %get3A_419] {strides = array<i32>} : memref<8x128xi32, #tpu.memory_space<vmem>>, vector<1x16xi32>,
        %get3A_421 = vector.shape_cast %get3A_420 : vector<1x16xi32> to vector<16xi32>
        %add3A_422 = vector.broadcast %mul3A_11 : i32 to vector<16xi32>
        %add3A_423 = arith.addi %get3A_421, %add3A_422 : vector<16xi32>
        %swap3A_424 = arith.constant 3 : i32
        %swap3A_425 = arith.index_cast %swap3A_424 : i32 to index
        %swap3A_426 = arith.constant 96 : index
        %swap3A_427 = tpu.vector_load %arg11[%swap3A_425, %swap3A_426] {strides = array<i32>} : memref<8x128xi32, #tpu.memory_space<vmem>>, vector<1x16xi32>,
        %swap3A_428 = vector.shape_cast %swap3A_427 : vector<1x16xi32> to vector<16xi32>
        %swap3A_429 = vector.shape_cast %add3A_423 : vector<16xi32> to vector<1x16xi32>
        tpu.vector_store %arg11[%swap3A_425, %swap3A_426], %swap3A_429 {strides = array<i32>} : memref<8x128xi32, #tpu.memory_space<vmem>>, vector<1x16xi32>,
        %get3A_430 = arith.constant 3 : i32
        %get3A_431 = arith.index_cast %get3A_430 : i32 to index
        %get3A_432 = arith.constant 112 : index
        %get3A_433 = tpu.vector_load %arg11[%get3A_431, %get3A_432] {strides = array<i32>} : memref<8x128xi32, #tpu.memory_space<vmem>>, vector<1x16xi32>,
        %get3A_434 = vector.shape_cast %get3A_433 : vector<1x16xi32> to vector<16xi32>
        %add3A_435 = vector.broadcast %mul3A_11 : i32 to vector<16xi32>
        %add3A_436 = arith.addi %get3A_434, %add3A_435 : vector<16xi32>
        %swap3A_437 = arith.constant 3 : i32
        %swap3A_438 = arith.index_cast %swap3A_437 : i32 to index
        %swap3A_439 = arith.constant 112 : index
        %swap3A_440 = tpu.vector_load %arg11[%swap3A_438, %swap3A_439] {strides = array<i32>} : memref<8x128xi32, #tpu.memory_space<vmem>>, vector<1x16xi32>,
        %swap3A_441 = vector.shape_cast %swap3A_440 : vector<1x16xi32> to vector<16xi32>
        %swap3A_442 = vector.shape_cast %add3A_436 : vector<16xi32> to vector<1x16xi32>
        tpu.vector_store %arg11[%swap3A_438, %swap3A_439], %swap3A_442 {strides = array<i32>} : memref<8x128xi32, #tpu.memory_space<vmem>>, vector<1x16xi32>,
        %get3A_443 = arith.constant 4 : i32
        %get3A_444 = arith.index_cast %get3A_443 : i32 to index
        %get3A_445 = arith.constant 0 : index
        %get3A_446 = tpu.vector_load %arg11[%get3A_444, %get3A_445] {strides = array<i32>} : memref<8x128xi32, #tpu.memory_space<vmem>>, vector<1x16xi32>,
        %get3A_447 = vector.shape_cast %get3A_446 : vector<1x16xi32> to vector<16xi32>
        %add3A_448 = vector.broadcast %mul3A_11 : i32 to vector<16xi32>
        %add3A_449 = arith.addi %get3A_447, %add3A_448 : vector<16xi32>
        %swap3A_450 = arith.constant 4 : i32
        %swap3A_451 = arith.index_cast %swap3A_450 : i32 to index
        %swap3A_452 = arith.constant 0 : index
        %swap3A_453 = tpu.vector_load %arg11[%swap3A_451, %swap3A_452] {strides = array<i32>} : memref<8x128xi32, #tpu.memory_space<vmem>>, vector<1x16xi32>,
        %swap3A_454 = vector.shape_cast %swap3A_453 : vector<1x16xi32> to vector<16xi32>
        %swap3A_455 = vector.shape_cast %add3A_449 : vector<16xi32> to vector<1x16xi32>
        tpu.vector_store %arg11[%swap3A_451, %swap3A_452], %swap3A_455 {strides = array<i32>} : memref<8x128xi32, #tpu.memory_space<vmem>>, vector<1x16xi32>,
        %get3A_456 = arith.constant 4 : i32
        %get3A_457 = arith.index_cast %get3A_456 : i32 to index
        %get3A_458 = arith.constant 16 : index
        %get3A_459 = tpu.vector_load %arg11[%get3A_457, %get3A_458] {strides = array<i32>} : memref<8x128xi32, #tpu.memory_space<vmem>>, vector<1x16xi32>,
        %get3A_460 = vector.shape_cast %get3A_459 : vector<1x16xi32> to vector<16xi32>
        %add3A_461 = vector.broadcast %mul3A_11 : i32 to vector<16xi32>
        %add3A_462 = arith.addi %get3A_460, %add3A_461 : vector<16xi32>
        %swap3A_463 = arith.constant 4 : i32
        %swap3A_464 = arith.index_cast %swap3A_463 : i32 to index
        %swap3A_465 = arith.constant 16 : index
        %swap3A_466 = tpu.vector_load %arg11[%swap3A_464, %swap3A_465] {strides = array<i32>} : memref<8x128xi32, #tpu.memory_space<vmem>>, vector<1x16xi32>,
        %swap3A_467 = vector.shape_cast %swap3A_466 : vector<1x16xi32> to vector<16xi32>
        %swap3A_468 = vector.shape_cast %add3A_462 : vector<16xi32> to vector<1x16xi32>
        tpu.vector_store %arg11[%swap3A_464, %swap3A_465], %swap3A_468 {strides = array<i32>} : memref<8x128xi32, #tpu.memory_space<vmem>>, vector<1x16xi32>,
        %get3A_469 = arith.constant 4 : i32
        %get3A_470 = arith.index_cast %get3A_469 : i32 to index
        %get3A_471 = arith.constant 32 : index
        %get3A_472 = tpu.vector_load %arg11[%get3A_470, %get3A_471] {strides = array<i32>} : memref<8x128xi32, #tpu.memory_space<vmem>>, vector<1x16xi32>,
        %get3A_473 = vector.shape_cast %get3A_472 : vector<1x16xi32> to vector<16xi32>
        %add3A_474 = vector.broadcast %mul3A_11 : i32 to vector<16xi32>
        %add3A_475 = arith.addi %get3A_473, %add3A_474 : vector<16xi32>
        %swap3A_476 = arith.constant 4 : i32
        %swap3A_477 = arith.index_cast %swap3A_476 : i32 to index
        %swap3A_478 = arith.constant 32 : index
        %swap3A_479 = tpu.vector_load %arg11[%swap3A_477, %swap3A_478] {strides = array<i32>} : memref<8x128xi32, #tpu.memory_space<vmem>>, vector<1x16xi32>,
        %swap3A_480 = vector.shape_cast %swap3A_479 : vector<1x16xi32> to vector<16xi32>
        %swap3A_481 = vector.shape_cast %add3A_475 : vector<16xi32> to vector<1x16xi32>
        tpu.vector_store %arg11[%swap3A_477, %swap3A_478], %swap3A_481 {strides = array<i32>} : memref<8x128xi32, #tpu.memory_space<vmem>>, vector<1x16xi32>,
        %get3A_482 = arith.constant 4 : i32
        %get3A_483 = arith.index_cast %get3A_482 : i32 to index
        %get3A_484 = arith.constant 48 : index
        %get3A_485 = tpu.vector_load %arg11[%get3A_483, %get3A_484] {strides = array<i32>} : memref<8x128xi32, #tpu.memory_space<vmem>>, vector<1x16xi32>,
        %get3A_486 = vector.shape_cast %get3A_485 : vector<1x16xi32> to vector<16xi32>
        %add3A_487 = vector.broadcast %mul3A_11 : i32 to vector<16xi32>
        %add3A_488 = arith.addi %get3A_486, %add3A_487 : vector<16xi32>
        %swap3A_489 = arith.constant 4 : i32
        %swap3A_490 = arith.index_cast %swap3A_489 : i32 to index
        %swap3A_491 = arith.constant 48 : index
        %swap3A_492 = tpu.vector_load %arg11[%swap3A_490, %swap3A_491] {strides = array<i32>} : memref<8x128xi32, #tpu.memory_space<vmem>>, vector<1x16xi32>,
        %swap3A_493 = vector.shape_cast %swap3A_492 : vector<1x16xi32> to vector<16xi32>
        %swap3A_494 = vector.shape_cast %add3A_488 : vector<16xi32> to vector<1x16xi32>
        tpu.vector_store %arg11[%swap3A_490, %swap3A_491], %swap3A_494 {strides = array<i32>} : memref<8x128xi32, #tpu.memory_space<vmem>>, vector<1x16xi32>,
        %get3A_495 = arith.constant 4 : i32
        %get3A_496 = arith.index_cast %get3A_495 : i32 to index
        %get3A_497 = arith.constant 64 : index
        %get3A_498 = tpu.vector_load %arg11[%get3A_496, %get3A_497] {strides = array<i32>} : memref<8x128xi32, #tpu.memory_space<vmem>>, vector<1x16xi32>,
        %get3A_499 = vector.shape_cast %get3A_498 : vector<1x16xi32> to vector<16xi32>
        %add3A_500 = vector.broadcast %mul3A_11 : i32 to vector<16xi32>
        %add3A_501 = arith.addi %get3A_499, %add3A_500 : vector<16xi32>
        %swap3A_502 = arith.constant 4 : i32
        %swap3A_503 = arith.index_cast %swap3A_502 : i32 to index
        %swap3A_504 = arith.constant 64 : index
        %swap3A_505 = tpu.vector_load %arg11[%swap3A_503, %swap3A_504] {strides = array<i32>} : memref<8x128xi32, #tpu.memory_space<vmem>>, vector<1x16xi32>,
        %swap3A_506 = vector.shape_cast %swap3A_505 : vector<1x16xi32> to vector<16xi32>
        %swap3A_507 = vector.shape_cast %add3A_501 : vector<16xi32> to vector<1x16xi32>
        tpu.vector_store %arg11[%swap3A_503, %swap3A_504], %swap3A_507 {strides = array<i32>} : memref<8x128xi32, #tpu.memory_space<vmem>>, vector<1x16xi32>,
        %get3A_508 = arith.constant 4 : i32
        %get3A_509 = arith.index_cast %get3A_508 : i32 to index
        %get3A_510 = arith.constant 80 : index
        %get3A_511 = tpu.vector_load %arg11[%get3A_509, %get3A_510] {strides = array<i32>} : memref<8x128xi32, #tpu.memory_space<vmem>>, vector<1x16xi32>,
        %get3A_512 = vector.shape_cast %get3A_511 : vector<1x16xi32> to vector<16xi32>
        %add3A_513 = vector.broadcast %mul3A_11 : i32 to vector<16xi32>
        %add3A_514 = arith.addi %get3A_512, %add3A_513 : vector<16xi32>
        %swap3A_515 = arith.constant 4 : i32
        %swap3A_516 = arith.index_cast %swap3A_515 : i32 to index
        %swap3A_517 = arith.constant 80 : index
        %swap3A_518 = tpu.vector_load %arg11[%swap3A_516, %swap3A_517] {strides = array<i32>} : memref<8x128xi32, #tpu.memory_space<vmem>>, vector<1x16xi32>,
        %swap3A_519 = vector.shape_cast %swap3A_518 : vector<1x16xi32> to vector<16xi32>
        %swap3A_520 = vector.shape_cast %add3A_514 : vector<16xi32> to vector<1x16xi32>
        tpu.vector_store %arg11[%swap3A_516, %swap3A_517], %swap3A_520 {strides = array<i32>} : memref<8x128xi32, #tpu.memory_space<vmem>>, vector<1x16xi32>,
        %get3A_521 = arith.constant 4 : i32
        %get3A_522 = arith.index_cast %get3A_521 : i32 to index
        %get3A_523 = arith.constant 96 : index
        %get3A_524 = tpu.vector_load %arg11[%get3A_522, %get3A_523] {strides = array<i32>} : memref<8x128xi32, #tpu.memory_space<vmem>>, vector<1x16xi32>,
        %get3A_525 = vector.shape_cast %get3A_524 : vector<1x16xi32> to vector<16xi32>
        %add3A_526 = vector.broadcast %mul3A_11 : i32 to vector<16xi32>
        %add3A_527 = arith.addi %get3A_525, %add3A_526 : vector<16xi32>
        %swap3A_528 = arith.constant 4 : i32
        %swap3A_529 = arith.index_cast %swap3A_528 : i32 to index
        %swap3A_530 = arith.constant 96 : index
        %swap3A_531 = tpu.vector_load %arg11[%swap3A_529, %swap3A_530] {strides = array<i32>} : memref<8x128xi32, #tpu.memory_space<vmem>>, vector<1x16xi32>,
        %swap3A_532 = vector.shape_cast %swap3A_531 : vector<1x16xi32> to vector<16xi32>
        %swap3A_533 = vector.shape_cast %add3A_527 : vector<16xi32> to vector<1x16xi32>
        tpu.vector_store %arg11[%swap3A_529, %swap3A_530], %swap3A_533 {strides = array<i32>} : memref<8x128xi32, #tpu.memory_space<vmem>>, vector<1x16xi32>,
        %get3A_534 = arith.constant 4 : i32
        %get3A_535 = arith.index_cast %get3A_534 : i32 to index
        %get3A_536 = arith.constant 112 : index
        %get3A_537 = tpu.vector_load %arg11[%get3A_535, %get3A_536] {strides = array<i32>} : memref<8x128xi32, #tpu.memory_space<vmem>>, vector<1x16xi32>,
        %get3A_538 = vector.shape_cast %get3A_537 : vector<1x16xi32> to vector<16xi32>
        %add3A_539 = vector.broadcast %mul3A_11 : i32 to vector<16xi32>
        %add3A_540 = arith.addi %get3A_538, %add3A_539 : vector<16xi32>
        %swap3A_541 = arith.constant 4 : i32
        %swap3A_542 = arith.index_cast %swap3A_541 : i32 to index
        %swap3A_543 = arith.constant 112 : index
        %swap3A_544 = tpu.vector_load %arg11[%swap3A_542, %swap3A_543] {strides = array<i32>} : memref<8x128xi32, #tpu.memory_space<vmem>>, vector<1x16xi32>,
        %swap3A_545 = vector.shape_cast %swap3A_544 : vector<1x16xi32> to vector<16xi32>
        %swap3A_546 = vector.shape_cast %add3A_540 : vector<16xi32> to vector<1x16xi32>
        tpu.vector_store %arg11[%swap3A_542, %swap3A_543], %swap3A_546 {strides = array<i32>} : memref<8x128xi32, #tpu.memory_space<vmem>>, vector<1x16xi32>,
        %get3A_547 = arith.constant 5 : i32
        %get3A_548 = arith.index_cast %get3A_547 : i32 to index
        %get3A_549 = arith.constant 0 : index
        %get3A_550 = tpu.vector_load %arg11[%get3A_548, %get3A_549] {strides = array<i32>} : memref<8x128xi32, #tpu.memory_space<vmem>>, vector<1x16xi32>,
        %get3A_551 = vector.shape_cast %get3A_550 : vector<1x16xi32> to vector<16xi32>
        %add3A_552 = vector.broadcast %mul3A_11 : i32 to vector<16xi32>
        %add3A_553 = arith.addi %get3A_551, %add3A_552 : vector<16xi32>
        %swap3A_554 = arith.constant 5 : i32
        %swap3A_555 = arith.index_cast %swap3A_554 : i32 to index
        %swap3A_556 = arith.constant 0 : index
        %swap3A_557 = tpu.vector_load %arg11[%swap3A_555, %swap3A_556] {strides = array<i32>} : memref<8x128xi32, #tpu.memory_space<vmem>>, vector<1x16xi32>,
        %swap3A_558 = vector.shape_cast %swap3A_557 : vector<1x16xi32> to vector<16xi32>
        %swap3A_559 = vector.shape_cast %add3A_553 : vector<16xi32> to vector<1x16xi32>
        tpu.vector_store %arg11[%swap3A_555, %swap3A_556], %swap3A_559 {strides = array<i32>} : memref<8x128xi32, #tpu.memory_space<vmem>>, vector<1x16xi32>,
        %get3A_560 = arith.constant 5 : i32
        %get3A_561 = arith.index_cast %get3A_560 : i32 to index
        %get3A_562 = arith.constant 16 : index
        %get3A_563 = tpu.vector_load %arg11[%get3A_561, %get3A_562] {strides = array<i32>} : memref<8x128xi32, #tpu.memory_space<vmem>>, vector<1x16xi32>,
        %get3A_564 = vector.shape_cast %get3A_563 : vector<1x16xi32> to vector<16xi32>
        %add3A_565 = vector.broadcast %mul3A_11 : i32 to vector<16xi32>
        %add3A_566 = arith.addi %get3A_564, %add3A_565 : vector<16xi32>
        %swap3A_567 = arith.constant 5 : i32
        %swap3A_568 = arith.index_cast %swap3A_567 : i32 to index
        %swap3A_569 = arith.constant 16 : index
        %swap3A_570 = tpu.vector_load %arg11[%swap3A_568, %swap3A_569] {strides = array<i32>} : memref<8x128xi32, #tpu.memory_space<vmem>>, vector<1x16xi32>,
        %swap3A_571 = vector.shape_cast %swap3A_570 : vector<1x16xi32> to vector<16xi32>
        %swap3A_572 = vector.shape_cast %add3A_566 : vector<16xi32> to vector<1x16xi32>
        tpu.vector_store %arg11[%swap3A_568, %swap3A_569], %swap3A_572 {strides = array<i32>} : memref<8x128xi32, #tpu.memory_space<vmem>>, vector<1x16xi32>,
        %get3A_573 = arith.constant 5 : i32
        %get3A_574 = arith.index_cast %get3A_573 : i32 to index
        %get3A_575 = arith.constant 32 : index
        %get3A_576 = tpu.vector_load %arg11[%get3A_574, %get3A_575] {strides = array<i32>} : memref<8x128xi32, #tpu.memory_space<vmem>>, vector<1x16xi32>,
        %get3A_577 = vector.shape_cast %get3A_576 : vector<1x16xi32> to vector<16xi32>
        %add3A_578 = vector.broadcast %mul3A_11 : i32 to vector<16xi32>
        %add3A_579 = arith.addi %get3A_577, %add3A_578 : vector<16xi32>
        %swap3A_580 = arith.constant 5 : i32
        %swap3A_581 = arith.index_cast %swap3A_580 : i32 to index
        %swap3A_582 = arith.constant 32 : index
        %swap3A_583 = tpu.vector_load %arg11[%swap3A_581, %swap3A_582] {strides = array<i32>} : memref<8x128xi32, #tpu.memory_space<vmem>>, vector<1x16xi32>,
        %swap3A_584 = vector.shape_cast %swap3A_583 : vector<1x16xi32> to vector<16xi32>
        %swap3A_585 = vector.shape_cast %add3A_579 : vector<16xi32> to vector<1x16xi32>
        tpu.vector_store %arg11[%swap3A_581, %swap3A_582], %swap3A_585 {strides = array<i32>} : memref<8x128xi32, #tpu.memory_space<vmem>>, vector<1x16xi32>,
        %get3A_586 = arith.constant 5 : i32
        %get3A_587 = arith.index_cast %get3A_586 : i32 to index
        %get3A_588 = arith.constant 48 : index
        %get3A_589 = tpu.vector_load %arg11[%get3A_587, %get3A_588] {strides = array<i32>} : memref<8x128xi32, #tpu.memory_space<vmem>>, vector<1x16xi32>,
        %get3A_590 = vector.shape_cast %get3A_589 : vector<1x16xi32> to vector<16xi32>
        %add3A_591 = vector.broadcast %mul3A_11 : i32 to vector<16xi32>
        %add3A_592 = arith.addi %get3A_590, %add3A_591 : vector<16xi32>
        %swap3A_593 = arith.constant 5 : i32
        %swap3A_594 = arith.index_cast %swap3A_593 : i32 to index
        %swap3A_595 = arith.constant 48 : index
        %swap3A_596 = tpu.vector_load %arg11[%swap3A_594, %swap3A_595] {strides = array<i32>} : memref<8x128xi32, #tpu.memory_space<vmem>>, vector<1x16xi32>,
        %swap3A_597 = vector.shape_cast %swap3A_596 : vector<1x16xi32> to vector<16xi32>
        %swap3A_598 = vector.shape_cast %add3A_592 : vector<16xi32> to vector<1x16xi32>
        tpu.vector_store %arg11[%swap3A_594, %swap3A_595], %swap3A_598 {strides = array<i32>} : memref<8x128xi32, #tpu.memory_space<vmem>>, vector<1x16xi32>,
        %get3A_599 = arith.constant 5 : i32
        %get3A_600 = arith.index_cast %get3A_599 : i32 to index
        %get3A_601 = arith.constant 64 : index
        %get3A_602 = tpu.vector_load %arg11[%get3A_600, %get3A_601] {strides = array<i32>} : memref<8x128xi32, #tpu.memory_space<vmem>>, vector<1x16xi32>,
        %get3A_603 = vector.shape_cast %get3A_602 : vector<1x16xi32> to vector<16xi32>
        %add3A_604 = vector.broadcast %mul3A_11 : i32 to vector<16xi32>
        %add3A_605 = arith.addi %get3A_603, %add3A_604 : vector<16xi32>
        %swap3A_606 = arith.constant 5 : i32
        %swap3A_607 = arith.index_cast %swap3A_606 : i32 to index
        %swap3A_608 = arith.constant 64 : index
        %swap3A_609 = tpu.vector_load %arg11[%swap3A_607, %swap3A_608] {strides = array<i32>} : memref<8x128xi32, #tpu.memory_space<vmem>>, vector<1x16xi32>,
        %swap3A_610 = vector.shape_cast %swap3A_609 : vector<1x16xi32> to vector<16xi32>
        %swap3A_611 = vector.shape_cast %add3A_605 : vector<16xi32> to vector<1x16xi32>
        tpu.vector_store %arg11[%swap3A_607, %swap3A_608], %swap3A_611 {strides = array<i32>} : memref<8x128xi32, #tpu.memory_space<vmem>>, vector<1x16xi32>,
        %get3A_612 = arith.constant 5 : i32
        %get3A_613 = arith.index_cast %get3A_612 : i32 to index
        %get3A_614 = arith.constant 80 : index
        %get3A_615 = tpu.vector_load %arg11[%get3A_613, %get3A_614] {strides = array<i32>} : memref<8x128xi32, #tpu.memory_space<vmem>>, vector<1x16xi32>,
        %get3A_616 = vector.shape_cast %get3A_615 : vector<1x16xi32> to vector<16xi32>
        %add3A_617 = vector.broadcast %mul3A_11 : i32 to vector<16xi32>
        %add3A_618 = arith.addi %get3A_616, %add3A_617 : vector<16xi32>
        %swap3A_619 = arith.constant 5 : i32
        %swap3A_620 = arith.index_cast %swap3A_619 : i32 to index
        %swap3A_621 = arith.constant 80 : index
        %swap3A_622 = tpu.vector_load %arg11[%swap3A_620, %swap3A_621] {strides = array<i32>} : memref<8x128xi32, #tpu.memory_space<vmem>>, vector<1x16xi32>,
        %swap3A_623 = vector.shape_cast %swap3A_622 : vector<1x16xi32> to vector<16xi32>
        %swap3A_624 = vector.shape_cast %add3A_618 : vector<16xi32> to vector<1x16xi32>
        tpu.vector_store %arg11[%swap3A_620, %swap3A_621], %swap3A_624 {strides = array<i32>} : memref<8x128xi32, #tpu.memory_space<vmem>>, vector<1x16xi32>,
        %get3A_625 = arith.constant 5 : i32
        %get3A_626 = arith.index_cast %get3A_625 : i32 to index
        %get3A_627 = arith.constant 96 : index
        %get3A_628 = tpu.vector_load %arg11[%get3A_626, %get3A_627] {strides = array<i32>} : memref<8x128xi32, #tpu.memory_space<vmem>>, vector<1x16xi32>,
        %get3A_629 = vector.shape_cast %get3A_628 : vector<1x16xi32> to vector<16xi32>
        %add3A_630 = vector.broadcast %mul3A_11 : i32 to vector<16xi32>
        %add3A_631 = arith.addi %get3A_629, %add3A_630 : vector<16xi32>
        %swap3A_632 = arith.constant 5 : i32
        %swap3A_633 = arith.index_cast %swap3A_632 : i32 to index
        %swap3A_634 = arith.constant 96 : index
        %swap3A_635 = tpu.vector_load %arg11[%swap3A_633, %swap3A_634] {strides = array<i32>} : memref<8x128xi32, #tpu.memory_space<vmem>>, vector<1x16xi32>,
        %swap3A_636 = vector.shape_cast %swap3A_635 : vector<1x16xi32> to vector<16xi32>
        %swap3A_637 = vector.shape_cast %add3A_631 : vector<16xi32> to vector<1x16xi32>
        tpu.vector_store %arg11[%swap3A_633, %swap3A_634], %swap3A_637 {strides = array<i32>} : memref<8x128xi32, #tpu.memory_space<vmem>>, vector<1x16xi32>,
        %get3A_638 = arith.constant 5 : i32
        %get3A_639 = arith.index_cast %get3A_638 : i32 to index
        %get3A_640 = arith.constant 112 : index
        %get3A_641 = tpu.vector_load %arg11[%get3A_639, %get3A_640] {strides = array<i32>} : memref<8x128xi32, #tpu.memory_space<vmem>>, vector<1x16xi32>,
        %get3A_642 = vector.shape_cast %get3A_641 : vector<1x16xi32> to vector<16xi32>
        %add3A_643 = vector.broadcast %mul3A_11 : i32 to vector<16xi32>
        %add3A_644 = arith.addi %get3A_642, %add3A_643 : vector<16xi32>
        %swap3A_645 = arith.constant 5 : i32
        %swap3A_646 = arith.index_cast %swap3A_645 : i32 to index
        %swap3A_647 = arith.constant 112 : index
        %swap3A_648 = tpu.vector_load %arg11[%swap3A_646, %swap3A_647] {strides = array<i32>} : memref<8x128xi32, #tpu.memory_space<vmem>>, vector<1x16xi32>,
        %swap3A_649 = vector.shape_cast %swap3A_648 : vector<1x16xi32> to vector<16xi32>
        %swap3A_650 = vector.shape_cast %add3A_644 : vector<16xi32> to vector<1x16xi32>
        tpu.vector_store %arg11[%swap3A_646, %swap3A_647], %swap3A_650 {strides = array<i32>} : memref<8x128xi32, #tpu.memory_space<vmem>>, vector<1x16xi32>,
        %get3A_651 = arith.constant 6 : i32
        %get3A_652 = arith.index_cast %get3A_651 : i32 to index
        %get3A_653 = arith.constant 0 : index
        %get3A_654 = tpu.vector_load %arg11[%get3A_652, %get3A_653] {strides = array<i32>} : memref<8x128xi32, #tpu.memory_space<vmem>>, vector<1x16xi32>,
        %get3A_655 = vector.shape_cast %get3A_654 : vector<1x16xi32> to vector<16xi32>
        %add3A_656 = vector.broadcast %mul3A_11 : i32 to vector<16xi32>
        %add3A_657 = arith.addi %get3A_655, %add3A_656 : vector<16xi32>
        %swap3A_658 = arith.constant 6 : i32
        %swap3A_659 = arith.index_cast %swap3A_658 : i32 to index
        %swap3A_660 = arith.constant 0 : index
        %swap3A_661 = tpu.vector_load %arg11[%swap3A_659, %swap3A_660] {strides = array<i32>} : memref<8x128xi32, #tpu.memory_space<vmem>>, vector<1x16xi32>,
        %swap3A_662 = vector.shape_cast %swap3A_661 : vector<1x16xi32> to vector<16xi32>
        %swap3A_663 = vector.shape_cast %add3A_657 : vector<16xi32> to vector<1x16xi32>
        tpu.vector_store %arg11[%swap3A_659, %swap3A_660], %swap3A_663 {strides = array<i32>} : memref<8x128xi32, #tpu.memory_space<vmem>>, vector<1x16xi32>,
        %get3A_664 = arith.constant 6 : i32
        %get3A_665 = arith.index_cast %get3A_664 : i32 to index
        %get3A_666 = arith.constant 16 : index
        %get3A_667 = tpu.vector_load %arg11[%get3A_665, %get3A_666] {strides = array<i32>} : memref<8x128xi32, #tpu.memory_space<vmem>>, vector<1x16xi32>,
        %get3A_668 = vector.shape_cast %get3A_667 : vector<1x16xi32> to vector<16xi32>
        %add3A_669 = vector.broadcast %mul3A_11 : i32 to vector<16xi32>
        %add3A_670 = arith.addi %get3A_668, %add3A_669 : vector<16xi32>
        %swap3A_671 = arith.constant 6 : i32
        %swap3A_672 = arith.index_cast %swap3A_671 : i32 to index
        %swap3A_673 = arith.constant 16 : index
        %swap3A_674 = tpu.vector_load %arg11[%swap3A_672, %swap3A_673] {strides = array<i32>} : memref<8x128xi32, #tpu.memory_space<vmem>>, vector<1x16xi32>,
        %swap3A_675 = vector.shape_cast %swap3A_674 : vector<1x16xi32> to vector<16xi32>
        %swap3A_676 = vector.shape_cast %add3A_670 : vector<16xi32> to vector<1x16xi32>
        tpu.vector_store %arg11[%swap3A_672, %swap3A_673], %swap3A_676 {strides = array<i32>} : memref<8x128xi32, #tpu.memory_space<vmem>>, vector<1x16xi32>,
        %get3A_677 = arith.constant 6 : i32
        %get3A_678 = arith.index_cast %get3A_677 : i32 to index
        %get3A_679 = arith.constant 32 : index
        %get3A_680 = tpu.vector_load %arg11[%get3A_678, %get3A_679] {strides = array<i32>} : memref<8x128xi32, #tpu.memory_space<vmem>>, vector<1x16xi32>,
        %get3A_681 = vector.shape_cast %get3A_680 : vector<1x16xi32> to vector<16xi32>
        %add3A_682 = vector.broadcast %mul3A_11 : i32 to vector<16xi32>
        %add3A_683 = arith.addi %get3A_681, %add3A_682 : vector<16xi32>
        %swap3A_684 = arith.constant 6 : i32
        %swap3A_685 = arith.index_cast %swap3A_684 : i32 to index
        %swap3A_686 = arith.constant 32 : index
        %swap3A_687 = tpu.vector_load %arg11[%swap3A_685, %swap3A_686] {strides = array<i32>} : memref<8x128xi32, #tpu.memory_space<vmem>>, vector<1x16xi32>,
        %swap3A_688 = vector.shape_cast %swap3A_687 : vector<1x16xi32> to vector<16xi32>
        %swap3A_689 = vector.shape_cast %add3A_683 : vector<16xi32> to vector<1x16xi32>
        tpu.vector_store %arg11[%swap3A_685, %swap3A_686], %swap3A_689 {strides = array<i32>} : memref<8x128xi32, #tpu.memory_space<vmem>>, vector<1x16xi32>,
        %get3A_690 = arith.constant 6 : i32
        %get3A_691 = arith.index_cast %get3A_690 : i32 to index
        %get3A_692 = arith.constant 48 : index
        %get3A_693 = tpu.vector_load %arg11[%get3A_691, %get3A_692] {strides = array<i32>} : memref<8x128xi32, #tpu.memory_space<vmem>>, vector<1x16xi32>,
        %get3A_694 = vector.shape_cast %get3A_693 : vector<1x16xi32> to vector<16xi32>
        %add3A_695 = vector.broadcast %mul3A_11 : i32 to vector<16xi32>
        %add3A_696 = arith.addi %get3A_694, %add3A_695 : vector<16xi32>
        %swap3A_697 = arith.constant 6 : i32
        %swap3A_698 = arith.index_cast %swap3A_697 : i32 to index
        %swap3A_699 = arith.constant 48 : index
        %swap3A_700 = tpu.vector_load %arg11[%swap3A_698, %swap3A_699] {strides = array<i32>} : memref<8x128xi32, #tpu.memory_space<vmem>>, vector<1x16xi32>,
        %swap3A_701 = vector.shape_cast %swap3A_700 : vector<1x16xi32> to vector<16xi32>
        %swap3A_702 = vector.shape_cast %add3A_696 : vector<16xi32> to vector<1x16xi32>
        tpu.vector_store %arg11[%swap3A_698, %swap3A_699], %swap3A_702 {strides = array<i32>} : memref<8x128xi32, #tpu.memory_space<vmem>>, vector<1x16xi32>,
        %get3A_703 = arith.constant 6 : i32
        %get3A_704 = arith.index_cast %get3A_703 : i32 to index
        %get3A_705 = arith.constant 64 : index
        %get3A_706 = tpu.vector_load %arg11[%get3A_704, %get3A_705] {strides = array<i32>} : memref<8x128xi32, #tpu.memory_space<vmem>>, vector<1x16xi32>,
        %get3A_707 = vector.shape_cast %get3A_706 : vector<1x16xi32> to vector<16xi32>
        %add3A_708 = vector.broadcast %mul3A_11 : i32 to vector<16xi32>
        %add3A_709 = arith.addi %get3A_707, %add3A_708 : vector<16xi32>
        %swap3A_710 = arith.constant 6 : i32
        %swap3A_711 = arith.index_cast %swap3A_710 : i32 to index
        %swap3A_712 = arith.constant 64 : index
        %swap3A_713 = tpu.vector_load %arg11[%swap3A_711, %swap3A_712] {strides = array<i32>} : memref<8x128xi32, #tpu.memory_space<vmem>>, vector<1x16xi32>,
        %swap3A_714 = vector.shape_cast %swap3A_713 : vector<1x16xi32> to vector<16xi32>
        %swap3A_715 = vector.shape_cast %add3A_709 : vector<16xi32> to vector<1x16xi32>
        tpu.vector_store %arg11[%swap3A_711, %swap3A_712], %swap3A_715 {strides = array<i32>} : memref<8x128xi32, #tpu.memory_space<vmem>>, vector<1x16xi32>,
        %get3A_716 = arith.constant 6 : i32
        %get3A_717 = arith.index_cast %get3A_716 : i32 to index
        %get3A_718 = arith.constant 80 : index
        %get3A_719 = tpu.vector_load %arg11[%get3A_717, %get3A_718] {strides = array<i32>} : memref<8x128xi32, #tpu.memory_space<vmem>>, vector<1x16xi32>,
        %get3A_720 = vector.shape_cast %get3A_719 : vector<1x16xi32> to vector<16xi32>
        %add3A_721 = vector.broadcast %mul3A_11 : i32 to vector<16xi32>
        %add3A_722 = arith.addi %get3A_720, %add3A_721 : vector<16xi32>
        %swap3A_723 = arith.constant 6 : i32
        %swap3A_724 = arith.index_cast %swap3A_723 : i32 to index
        %swap3A_725 = arith.constant 80 : index
        %swap3A_726 = tpu.vector_load %arg11[%swap3A_724, %swap3A_725] {strides = array<i32>} : memref<8x128xi32, #tpu.memory_space<vmem>>, vector<1x16xi32>,
        %swap3A_727 = vector.shape_cast %swap3A_726 : vector<1x16xi32> to vector<16xi32>
        %swap3A_728 = vector.shape_cast %add3A_722 : vector<16xi32> to vector<1x16xi32>
        tpu.vector_store %arg11[%swap3A_724, %swap3A_725], %swap3A_728 {strides = array<i32>} : memref<8x128xi32, #tpu.memory_space<vmem>>, vector<1x16xi32>,
        %get3A_729 = arith.constant 6 : i32
        %get3A_730 = arith.index_cast %get3A_729 : i32 to index
        %get3A_731 = arith.constant 96 : index
        %get3A_732 = tpu.vector_load %arg11[%get3A_730, %get3A_731] {strides = array<i32>} : memref<8x128xi32, #tpu.memory_space<vmem>>, vector<1x16xi32>,
        %get3A_733 = vector.shape_cast %get3A_732 : vector<1x16xi32> to vector<16xi32>
        %add3A_734 = vector.broadcast %mul3A_11 : i32 to vector<16xi32>
        %add3A_735 = arith.addi %get3A_733, %add3A_734 : vector<16xi32>
        %swap3A_736 = arith.constant 6 : i32
        %swap3A_737 = arith.index_cast %swap3A_736 : i32 to index
        %swap3A_738 = arith.constant 96 : index
        %swap3A_739 = tpu.vector_load %arg11[%swap3A_737, %swap3A_738] {strides = array<i32>} : memref<8x128xi32, #tpu.memory_space<vmem>>, vector<1x16xi32>,
        %swap3A_740 = vector.shape_cast %swap3A_739 : vector<1x16xi32> to vector<16xi32>
        %swap3A_741 = vector.shape_cast %add3A_735 : vector<16xi32> to vector<1x16xi32>
        tpu.vector_store %arg11[%swap3A_737, %swap3A_738], %swap3A_741 {strides = array<i32>} : memref<8x128xi32, #tpu.memory_space<vmem>>, vector<1x16xi32>,
        %get3A_742 = arith.constant 6 : i32
        %get3A_743 = arith.index_cast %get3A_742 : i32 to index
        %get3A_744 = arith.constant 112 : index
        %get3A_745 = tpu.vector_load %arg11[%get3A_743, %get3A_744] {strides = array<i32>} : memref<8x128xi32, #tpu.memory_space<vmem>>, vector<1x16xi32>,
        %get3A_746 = vector.shape_cast %get3A_745 : vector<1x16xi32> to vector<16xi32>
        %add3A_747 = vector.broadcast %mul3A_11 : i32 to vector<16xi32>
        %add3A_748 = arith.addi %get3A_746, %add3A_747 : vector<16xi32>
        %swap3A_749 = arith.constant 6 : i32
        %swap3A_750 = arith.index_cast %swap3A_749 : i32 to index
        %swap3A_751 = arith.constant 112 : index
        %swap3A_752 = tpu.vector_load %arg11[%swap3A_750, %swap3A_751] {strides = array<i32>} : memref<8x128xi32, #tpu.memory_space<vmem>>, vector<1x16xi32>,
        %swap3A_753 = vector.shape_cast %swap3A_752 : vector<1x16xi32> to vector<16xi32>
        %swap3A_754 = vector.shape_cast %add3A_748 : vector<16xi32> to vector<1x16xi32>
        tpu.vector_store %arg11[%swap3A_750, %swap3A_751], %swap3A_754 {strides = array<i32>} : memref<8x128xi32, #tpu.memory_space<vmem>>, vector<1x16xi32>,
        %get3A_755 = arith.constant 7 : i32
        %get3A_756 = arith.index_cast %get3A_755 : i32 to index
        %get3A_757 = arith.constant 0 : index
        %get3A_758 = tpu.vector_load %arg11[%get3A_756, %get3A_757] {strides = array<i32>} : memref<8x128xi32, #tpu.memory_space<vmem>>, vector<1x16xi32>,
        %get3A_759 = vector.shape_cast %get3A_758 : vector<1x16xi32> to vector<16xi32>
        %add3A_760 = vector.broadcast %mul3A_11 : i32 to vector<16xi32>
        %add3A_761 = arith.addi %get3A_759, %add3A_760 : vector<16xi32>
        %swap3A_762 = arith.constant 7 : i32
        %swap3A_763 = arith.index_cast %swap3A_762 : i32 to index
        %swap3A_764 = arith.constant 0 : index
        %swap3A_765 = tpu.vector_load %arg11[%swap3A_763, %swap3A_764] {strides = array<i32>} : memref<8x128xi32, #tpu.memory_space<vmem>>, vector<1x16xi32>,
        %swap3A_766 = vector.shape_cast %swap3A_765 : vector<1x16xi32> to vector<16xi32>
        %swap3A_767 = vector.shape_cast %add3A_761 : vector<16xi32> to vector<1x16xi32>
        tpu.vector_store %arg11[%swap3A_763, %swap3A_764], %swap3A_767 {strides = array<i32>} : memref<8x128xi32, #tpu.memory_space<vmem>>, vector<1x16xi32>,
        %get3A_768 = arith.constant 7 : i32
        %get3A_769 = arith.index_cast %get3A_768 : i32 to index
        %get3A_770 = arith.constant 16 : index
        %get3A_771 = tpu.vector_load %arg11[%get3A_769, %get3A_770] {strides = array<i32>} : memref<8x128xi32, #tpu.memory_space<vmem>>, vector<1x16xi32>,
        %get3A_772 = vector.shape_cast %get3A_771 : vector<1x16xi32> to vector<16xi32>
        %add3A_773 = vector.broadcast %mul3A_11 : i32 to vector<16xi32>
        %add3A_774 = arith.addi %get3A_772, %add3A_773 : vector<16xi32>
        %swap3A_775 = arith.constant 7 : i32
        %swap3A_776 = arith.index_cast %swap3A_775 : i32 to index
        %swap3A_777 = arith.constant 16 : index
        %swap3A_778 = tpu.vector_load %arg11[%swap3A_776, %swap3A_777] {strides = array<i32>} : memref<8x128xi32, #tpu.memory_space<vmem>>, vector<1x16xi32>,
        %swap3A_779 = vector.shape_cast %swap3A_778 : vector<1x16xi32> to vector<16xi32>
        %swap3A_780 = vector.shape_cast %add3A_774 : vector<16xi32> to vector<1x16xi32>
        tpu.vector_store %arg11[%swap3A_776, %swap3A_777], %swap3A_780 {strides = array<i32>} : memref<8x128xi32, #tpu.memory_space<vmem>>, vector<1x16xi32>,
        %get3A_781 = arith.constant 7 : i32
        %get3A_782 = arith.index_cast %get3A_781 : i32 to index
        %get3A_783 = arith.constant 32 : index
        %get3A_784 = tpu.vector_load %arg11[%get3A_782, %get3A_783] {strides = array<i32>} : memref<8x128xi32, #tpu.memory_space<vmem>>, vector<1x16xi32>,
        %get3A_785 = vector.shape_cast %get3A_784 : vector<1x16xi32> to vector<16xi32>
        %add3A_786 = vector.broadcast %mul3A_11 : i32 to vector<16xi32>
        %add3A_787 = arith.addi %get3A_785, %add3A_786 : vector<16xi32>
        %swap3A_788 = arith.constant 7 : i32
        %swap3A_789 = arith.index_cast %swap3A_788 : i32 to index
        %swap3A_790 = arith.constant 32 : index
        %swap3A_791 = tpu.vector_load %arg11[%swap3A_789, %swap3A_790] {strides = array<i32>} : memref<8x128xi32, #tpu.memory_space<vmem>>, vector<1x16xi32>,
        %swap3A_792 = vector.shape_cast %swap3A_791 : vector<1x16xi32> to vector<16xi32>
        %swap3A_793 = vector.shape_cast %add3A_787 : vector<16xi32> to vector<1x16xi32>
        tpu.vector_store %arg11[%swap3A_789, %swap3A_790], %swap3A_793 {strides = array<i32>} : memref<8x128xi32, #tpu.memory_space<vmem>>, vector<1x16xi32>,
        %get3A_794 = arith.constant 7 : i32
        %get3A_795 = arith.index_cast %get3A_794 : i32 to index
        %get3A_796 = arith.constant 48 : index
        %get3A_797 = tpu.vector_load %arg11[%get3A_795, %get3A_796] {strides = array<i32>} : memref<8x128xi32, #tpu.memory_space<vmem>>, vector<1x16xi32>,
        %get3A_798 = vector.shape_cast %get3A_797 : vector<1x16xi32> to vector<16xi32>
        %add3A_799 = vector.broadcast %mul3A_11 : i32 to vector<16xi32>
        %add3A_800 = arith.addi %get3A_798, %add3A_799 : vector<16xi32>
        %swap3A_801 = arith.constant 7 : i32
        %swap3A_802 = arith.index_cast %swap3A_801 : i32 to index
        %swap3A_803 = arith.constant 48 : index
        %swap3A_804 = tpu.vector_load %arg11[%swap3A_802, %swap3A_803] {strides = array<i32>} : memref<8x128xi32, #tpu.memory_space<vmem>>, vector<1x16xi32>,
        %swap3A_805 = vector.shape_cast %swap3A_804 : vector<1x16xi32> to vector<16xi32>
        %swap3A_806 = vector.shape_cast %add3A_800 : vector<16xi32> to vector<1x16xi32>
        tpu.vector_store %arg11[%swap3A_802, %swap3A_803], %swap3A_806 {strides = array<i32>} : memref<8x128xi32, #tpu.memory_space<vmem>>, vector<1x16xi32>,
        %get3A_807 = arith.constant 7 : i32
        %get3A_808 = arith.index_cast %get3A_807 : i32 to index
        %get3A_809 = arith.constant 64 : index
        %get3A_810 = tpu.vector_load %arg11[%get3A_808, %get3A_809] {strides = array<i32>} : memref<8x128xi32, #tpu.memory_space<vmem>>, vector<1x16xi32>,
        %get3A_811 = vector.shape_cast %get3A_810 : vector<1x16xi32> to vector<16xi32>
        %add3A_812 = vector.broadcast %mul3A_11 : i32 to vector<16xi32>
        %add3A_813 = arith.addi %get3A_811, %add3A_812 : vector<16xi32>
        %swap3A_814 = arith.constant 7 : i32
        %swap3A_815 = arith.index_cast %swap3A_814 : i32 to index
        %swap3A_816 = arith.constant 64 : index
        %swap3A_817 = tpu.vector_load %arg11[%swap3A_815, %swap3A_816] {strides = array<i32>} : memref<8x128xi32, #tpu.memory_space<vmem>>, vector<1x16xi32>,
        %swap3A_818 = vector.shape_cast %swap3A_817 : vector<1x16xi32> to vector<16xi32>
        %swap3A_819 = vector.shape_cast %add3A_813 : vector<16xi32> to vector<1x16xi32>
        tpu.vector_store %arg11[%swap3A_815, %swap3A_816], %swap3A_819 {strides = array<i32>} : memref<8x128xi32, #tpu.memory_space<vmem>>, vector<1x16xi32>,
        %get3A_820 = arith.constant 7 : i32
        %get3A_821 = arith.index_cast %get3A_820 : i32 to index
        %get3A_822 = arith.constant 80 : index
        %get3A_823 = tpu.vector_load %arg11[%get3A_821, %get3A_822] {strides = array<i32>} : memref<8x128xi32, #tpu.memory_space<vmem>>, vector<1x16xi32>,
        %get3A_824 = vector.shape_cast %get3A_823 : vector<1x16xi32> to vector<16xi32>
        %add3A_825 = vector.broadcast %mul3A_11 : i32 to vector<16xi32>
        %add3A_826 = arith.addi %get3A_824, %add3A_825 : vector<16xi32>
        %swap3A_827 = arith.constant 7 : i32
        %swap3A_828 = arith.index_cast %swap3A_827 : i32 to index
        %swap3A_829 = arith.constant 80 : index
        %swap3A_830 = tpu.vector_load %arg11[%swap3A_828, %swap3A_829] {strides = array<i32>} : memref<8x128xi32, #tpu.memory_space<vmem>>, vector<1x16xi32>,
        %swap3A_831 = vector.shape_cast %swap3A_830 : vector<1x16xi32> to vector<16xi32>
        %swap3A_832 = vector.shape_cast %add3A_826 : vector<16xi32> to vector<1x16xi32>
        tpu.vector_store %arg11[%swap3A_828, %swap3A_829], %swap3A_832 {strides = array<i32>} : memref<8x128xi32, #tpu.memory_space<vmem>>, vector<1x16xi32>,
        %get3A_833 = arith.constant 7 : i32
        %get3A_834 = arith.index_cast %get3A_833 : i32 to index
        %get3A_835 = arith.constant 96 : index
        %get3A_836 = tpu.vector_load %arg11[%get3A_834, %get3A_835] {strides = array<i32>} : memref<8x128xi32, #tpu.memory_space<vmem>>, vector<1x16xi32>,
        %get3A_837 = vector.shape_cast %get3A_836 : vector<1x16xi32> to vector<16xi32>
        %add3A_838 = vector.broadcast %mul3A_11 : i32 to vector<16xi32>
        %add3A_839 = arith.addi %get3A_837, %add3A_838 : vector<16xi32>
        %swap3A_840 = arith.constant 7 : i32
        %swap3A_841 = arith.index_cast %swap3A_840 : i32 to index
        %swap3A_842 = arith.constant 96 : index
        %swap3A_843 = tpu.vector_load %arg11[%swap3A_841, %swap3A_842] {strides = array<i32>} : memref<8x128xi32, #tpu.memory_space<vmem>>, vector<1x16xi32>,
        %swap3A_844 = vector.shape_cast %swap3A_843 : vector<1x16xi32> to vector<16xi32>
        %swap3A_845 = vector.shape_cast %add3A_839 : vector<16xi32> to vector<1x16xi32>
        tpu.vector_store %arg11[%swap3A_841, %swap3A_842], %swap3A_845 {strides = array<i32>} : memref<8x128xi32, #tpu.memory_space<vmem>>, vector<1x16xi32>,
        %get3A_846 = arith.constant 7 : i32
        %get3A_847 = arith.index_cast %get3A_846 : i32 to index
        %get3A_848 = arith.constant 112 : index
        %get3A_849 = tpu.vector_load %arg11[%get3A_847, %get3A_848] {strides = array<i32>} : memref<8x128xi32, #tpu.memory_space<vmem>>, vector<1x16xi32>,
        %get3A_850 = vector.shape_cast %get3A_849 : vector<1x16xi32> to vector<16xi32>
        %add3A_851 = vector.broadcast %mul3A_11 : i32 to vector<16xi32>
        %add3A_852 = arith.addi %get3A_850, %add3A_851 : vector<16xi32>
        %swap3A_853 = arith.constant 7 : i32
        %swap3A_854 = arith.index_cast %swap3A_853 : i32 to index
        %swap3A_855 = arith.constant 112 : index
        %swap3A_856 = tpu.vector_load %arg11[%swap3A_854, %swap3A_855] {strides = array<i32>} : memref<8x128xi32, #tpu.memory_space<vmem>>, vector<1x16xi32>,
        %swap3A_857 = vector.shape_cast %swap3A_856 : vector<1x16xi32> to vector<16xi32>
        %swap3A_858 = vector.shape_cast %add3A_852 : vector<16xi32> to vector<1x16xi32>
        tpu.vector_store %arg11[%swap3A_854, %swap3A_855], %swap3A_858 {strides = array<i32>} : memref<8x128xi32, #tpu.memory_space<vmem>>, vector<1x16xi32>,
        %mul3A_859 = arith.constant 8 : i32
        %mul3A_860 = arith.muli %scan3A_21, %mul3A_859 : i32
        %add3A_861 = arith.constant 0 : i32
        %add3A_862 = arith.addi %mul3A_860, %add3A_861 : i32
        %lt3A_863 = arith.constant 80 : i32
        %lt3A_864 = arith.cmpi slt, %add3A_862, %lt3A_863 : i32
        %add3A_865 = arith.constant 0 : i32
        %add3A_866 = arith.addi %add3A_24, %add3A_865 : i32
        %lt3A_867 = arith.constant 1250 : i32
        %lt3A_868 = arith.cmpi slt, %add3A_866, %lt3A_867 : i32
        %and3A = arith.andi %lt3A_864, %lt3A_868 : i1
        %convert_element_type3A_869 = arith.extui %and3A : i1 to i32
        %cond3A_870 = arith.constant 0 : i32
        %cond3A_871 = arith.cmpi ne, %convert_element_type3A_869, %cond3A_870 : i32
        scf.if %cond3A_871 {
          %dma_start3A = arith.constant 0 : i32
          %dma_start3A_1194 = arith.constant 0 : i32
          %dma_start3A_1195 = tpu.memref_slice %arg11[%dma_start3A, %dma_start3A_1194] : memref<8x128xi32, #tpu.memory_space<vmem>> -> memref<1x128xi32, #tpu.memory_space<vmem>>
          %dma_start3A_1196 = tpu.memref_squeeze %dma_start3A_1195 : memref<1x128xi32, #tpu.memory_space<vmem>> -> memref<128xi32, #tpu.memory_space<vmem>>
          %dma_start3A_1197 = arith.constant 0 : i32
          %dma_start3A_1198 = arith.constant 0 : i32
          %dma_start3A_1199 = tpu.memref_slice %arg2[%dma_start3A_1197, %dma_start3A_1198] : memref<20480x64xf32, #tpu.memory_space<hbm>> -> memref<20480x64xf32, #tpu.memory_space<hbm>>
          tpu.enqueue_indirect_dma source(%dma_start3A_1199 : memref<20480x64xf32, #tpu.memory_space<hbm>>) target(%arg7 : memref<128x64xf32, #tpu.memory_space<vmem>>) offsets(%dma_start3A_1196 : memref<128xi32, #tpu.memory_space<vmem>>) semaphore(%arg13 : memref<!tpu.dma_semaphore, #tpu.memory_space<semaphore_mem>>)
        } else {
        }
        %mul3A_872 = arith.constant 8 : i32
        %mul3A_873 = arith.muli %scan3A_21, %mul3A_872 : i32
        %add3A_874 = arith.constant 1 : i32
        %add3A_875 = arith.addi %mul3A_873, %add3A_874 : i32
        %lt3A_876 = arith.constant 80 : i32
        %lt3A_877 = arith.cmpi slt, %add3A_875, %lt3A_876 : i32
        %add3A_878 = arith.constant 1 : i32
        %add3A_879 = arith.addi %add3A_24, %add3A_878 : i32
        %lt3A_880 = arith.constant 1250 : i32
        %lt3A_881 = arith.cmpi slt, %add3A_879, %lt3A_880 : i32
        %and3A_882 = arith.andi %lt3A_877, %lt3A_881 : i1
        %convert_element_type3A_883 = arith.extui %and3A_882 : i1 to i32
        %cond3A_884 = arith.constant 0 : i32
        %cond3A_885 = arith.cmpi ne, %convert_element_type3A_883, %cond3A_884 : i32
        scf.if %cond3A_885 {
          %dma_start3A = arith.constant 1 : i32
          %dma_start3A_1194 = arith.constant 0 : i32
          %dma_start3A_1195 = tpu.memref_slice %arg11[%dma_start3A, %dma_start3A_1194] : memref<8x128xi32, #tpu.memory_space<vmem>> -> memref<1x128xi32, #tpu.memory_space<vmem>>
          %dma_start3A_1196 = tpu.memref_squeeze %dma_start3A_1195 : memref<1x128xi32, #tpu.memory_space<vmem>> -> memref<128xi32, #tpu.memory_space<vmem>>
          %dma_start3A_1197 = arith.constant 0 : i32
          %dma_start3A_1198 = arith.constant 0 : i32
          %dma_start3A_1199 = tpu.memref_slice %arg2[%dma_start3A_1197, %dma_start3A_1198] : memref<20480x64xf32, #tpu.memory_space<hbm>> -> memref<20480x64xf32, #tpu.memory_space<hbm>>
          tpu.enqueue_indirect_dma source(%dma_start3A_1199 : memref<20480x64xf32, #tpu.memory_space<hbm>>) target(%arg8 : memref<128x64xf32, #tpu.memory_space<vmem>>) offsets(%dma_start3A_1196 : memref<128xi32, #tpu.memory_space<vmem>>) semaphore(%arg14 : memref<!tpu.dma_semaphore, #tpu.memory_space<semaphore_mem>>)
        } else {
        }
        %mul3A_886 = arith.constant 8 : i32
        %mul3A_887 = arith.muli %scan3A_21, %mul3A_886 : i32
        %add3A_888 = arith.constant 2 : i32
        %add3A_889 = arith.addi %mul3A_887, %add3A_888 : i32
        %lt3A_890 = arith.constant 80 : i32
        %lt3A_891 = arith.cmpi slt, %add3A_889, %lt3A_890 : i32
        %add3A_892 = arith.constant 2 : i32
        %add3A_893 = arith.addi %add3A_24, %add3A_892 : i32
        %lt3A_894 = arith.constant 1250 : i32
        %lt3A_895 = arith.cmpi slt, %add3A_893, %lt3A_894 : i32
        %and3A_896 = arith.andi %lt3A_891, %lt3A_895 : i1
        %convert_element_type3A_897 = arith.extui %and3A_896 : i1 to i32
        %cond3A_898 = arith.constant 0 : i32
        %cond3A_899 = arith.cmpi ne, %convert_element_type3A_897, %cond3A_898 : i32
        scf.if %cond3A_899 {
          %dma_start3A = arith.constant 2 : i32
          %dma_start3A_1194 = arith.constant 0 : i32
          %dma_start3A_1195 = tpu.memref_slice %arg11[%dma_start3A, %dma_start3A_1194] : memref<8x128xi32, #tpu.memory_space<vmem>> -> memref<1x128xi32, #tpu.memory_space<vmem>>
          %dma_start3A_1196 = tpu.memref_squeeze %dma_start3A_1195 : memref<1x128xi32, #tpu.memory_space<vmem>> -> memref<128xi32, #tpu.memory_space<vmem>>
          %dma_start3A_1197 = arith.constant 0 : i32
          %dma_start3A_1198 = arith.constant 0 : i32
          %dma_start3A_1199 = tpu.memref_slice %arg2[%dma_start3A_1197, %dma_start3A_1198] : memref<20480x64xf32, #tpu.memory_space<hbm>> -> memref<20480x64xf32, #tpu.memory_space<hbm>>
          tpu.enqueue_indirect_dma source(%dma_start3A_1199 : memref<20480x64xf32, #tpu.memory_space<hbm>>) target(%arg9 : memref<128x64xf32, #tpu.memory_space<vmem>>) offsets(%dma_start3A_1196 : memref<128xi32, #tpu.memory_space<vmem>>) semaphore(%arg15 : memref<!tpu.dma_semaphore, #tpu.memory_space<semaphore_mem>>)
        } else {
        }
        %mul3A_900 = arith.constant 8 : i32
        %mul3A_901 = arith.muli %scan3A_21, %mul3A_900 : i32
        %add3A_902 = arith.constant 0 : i32
        %add3A_903 = arith.addi %mul3A_901, %add3A_902 : i32
        %lt3A_904 = arith.constant 80 : i32
        %lt3A_905 = arith.cmpi slt, %add3A_903, %lt3A_904 : i32
        %add3A_906 = arith.constant 0 : i32
        %add3A_907 = arith.addi %add3A_24, %add3A_906 : i32
        %lt3A_908 = arith.constant 1250 : i32
        %lt3A_909 = arith.cmpi slt, %add3A_907, %lt3A_908 : i32
        %and3A_910 = arith.andi %lt3A_905, %lt3A_909 : i1
        %convert_element_type3A_911 = arith.extui %and3A_910 : i1 to i32
        %cond3A_912 = arith.constant 0 : i32
        %cond3A_913 = arith.cmpi ne, %convert_element_type3A_911, %cond3A_912 : i32
        scf.if %cond3A_913 {
          %dma_wait3A = arith.constant 0 : i32
          %dma_wait3A_1194 = arith.constant 0 : i32
          %dma_wait3A_1195 = tpu.memref_slice %arg11[%dma_wait3A, %dma_wait3A_1194] : memref<8x128xi32, #tpu.memory_space<vmem>> -> memref<1x128xi32, #tpu.memory_space<vmem>>
          %dma_wait3A_1196 = tpu.memref_squeeze %dma_wait3A_1195 : memref<1x128xi32, #tpu.memory_space<vmem>> -> memref<128xi32, #tpu.memory_space<vmem>>
          %dma_wait3A_1197 = arith.constant 0 : i32
          %dma_wait3A_1198 = arith.constant 0 : i32
          %dma_wait3A_1199 = tpu.memref_slice %arg2[%dma_wait3A_1197, %dma_wait3A_1198] : memref<20480x64xf32, #tpu.memory_space<hbm>> -> memref<20480x64xf32, #tpu.memory_space<hbm>>
          tpu.wait_indirect_dma semaphore(%arg13 : memref<!tpu.dma_semaphore, #tpu.memory_space<semaphore_mem>>) src(%dma_wait3A_1199 : memref<20480x64xf32, #tpu.memory_space<hbm>>) dst(%arg7 : memref<128x64xf32, #tpu.memory_space<vmem>>)
          %dma_start3A = arith.constant 0 : i32
          %dma_start3A_1200 = arith.constant 0 : i32
          %dma_start3A_1201 = tpu.memref_slice %arg12[%dma_start3A, %dma_start3A_1200] : memref<8x128xi32, #tpu.memory_space<vmem>> -> memref<1x128xi32, #tpu.memory_space<vmem>>
          %dma_start3A_1202 = tpu.memref_squeeze %dma_start3A_1201 : memref<1x128xi32, #tpu.memory_space<vmem>> -> memref<128xi32, #tpu.memory_space<vmem>>
          %dma_start3A_1203 = arith.constant 0 : i32
          %dma_start3A_1204 = arith.constant 0 : i32
          %dma_start3A_1205 = tpu.memref_slice %arg6[%dma_start3A_1203, %dma_start3A_1204] : memref<10240x64xf32, #tpu.memory_space<vmem_shared>> -> memref<10240x64xf32, #tpu.memory_space<vmem_shared>>
          tpu.enqueue_indirect_dma source(%arg7 : memref<128x64xf32, #tpu.memory_space<vmem>>) target(%dma_start3A_1205 : memref<10240x64xf32, #tpu.memory_space<vmem_shared>>) offsets(%dma_start3A_1202 : memref<128xi32, #tpu.memory_space<vmem>>) semaphore(%arg17 : memref<!tpu.dma_semaphore, #tpu.memory_space<semaphore_mem>>) {add = true}
        } else {
        }
        %mul3A_914 = arith.constant 8 : i32
        %mul3A_915 = arith.muli %scan3A_21, %mul3A_914 : i32
        %add3A_916 = arith.constant 3 : i32
        %add3A_917 = arith.addi %mul3A_915, %add3A_916 : i32
        %lt3A_918 = arith.constant 80 : i32
        %lt3A_919 = arith.cmpi slt, %add3A_917, %lt3A_918 : i32
        %add3A_920 = arith.constant 3 : i32
        %add3A_921 = arith.addi %add3A_24, %add3A_920 : i32
        %lt3A_922 = arith.constant 1250 : i32
        %lt3A_923 = arith.cmpi slt, %add3A_921, %lt3A_922 : i32
        %and3A_924 = arith.andi %lt3A_919, %lt3A_923 : i1
        %convert_element_type3A_925 = arith.extui %and3A_924 : i1 to i32
        %cond3A_926 = arith.constant 0 : i32
        %cond3A_927 = arith.cmpi ne, %convert_element_type3A_925, %cond3A_926 : i32
        scf.if %cond3A_927 {
          %dma_start3A = arith.constant 3 : i32
          %dma_start3A_1194 = arith.constant 0 : i32
          %dma_start3A_1195 = tpu.memref_slice %arg11[%dma_start3A, %dma_start3A_1194] : memref<8x128xi32, #tpu.memory_space<vmem>> -> memref<1x128xi32, #tpu.memory_space<vmem>>
          %dma_start3A_1196 = tpu.memref_squeeze %dma_start3A_1195 : memref<1x128xi32, #tpu.memory_space<vmem>> -> memref<128xi32, #tpu.memory_space<vmem>>
          %dma_start3A_1197 = arith.constant 0 : i32
          %dma_start3A_1198 = arith.constant 0 : i32
          %dma_start3A_1199 = tpu.memref_slice %arg2[%dma_start3A_1197, %dma_start3A_1198] : memref<20480x64xf32, #tpu.memory_space<hbm>> -> memref<20480x64xf32, #tpu.memory_space<hbm>>
          tpu.enqueue_indirect_dma source(%dma_start3A_1199 : memref<20480x64xf32, #tpu.memory_space<hbm>>) target(%arg10 : memref<128x64xf32, #tpu.memory_space<vmem>>) offsets(%dma_start3A_1196 : memref<128xi32, #tpu.memory_space<vmem>>) semaphore(%arg16 : memref<!tpu.dma_semaphore, #tpu.memory_space<semaphore_mem>>)
        } else {
        }
        %mul3A_928 = arith.constant 8 : i32
        %mul3A_929 = arith.muli %scan3A_21, %mul3A_928 : i32
        %add3A_930 = arith.constant 1 : i32
        %add3A_931 = arith.addi %mul3A_929, %add3A_930 : i32
        %lt3A_932 = arith.constant 80 : i32
        %lt3A_933 = arith.cmpi slt, %add3A_931, %lt3A_932 : i32
        %add3A_934 = arith.constant 1 : i32
        %add3A_935 = arith.addi %add3A_24, %add3A_934 : i32
        %lt3A_936 = arith.constant 1250 : i32
        %lt3A_937 = arith.cmpi slt, %add3A_935, %lt3A_936 : i32
        %and3A_938 = arith.andi %lt3A_933, %lt3A_937 : i1
        %convert_element_type3A_939 = arith.extui %and3A_938 : i1 to i32
        %cond3A_940 = arith.constant 0 : i32
        %cond3A_941 = arith.cmpi ne, %convert_element_type3A_939, %cond3A_940 : i32
        scf.if %cond3A_941 {
          %dma_wait3A = arith.constant 1 : i32
          %dma_wait3A_1194 = arith.constant 0 : i32
          %dma_wait3A_1195 = tpu.memref_slice %arg11[%dma_wait3A, %dma_wait3A_1194] : memref<8x128xi32, #tpu.memory_space<vmem>> -> memref<1x128xi32, #tpu.memory_space<vmem>>
          %dma_wait3A_1196 = tpu.memref_squeeze %dma_wait3A_1195 : memref<1x128xi32, #tpu.memory_space<vmem>> -> memref<128xi32, #tpu.memory_space<vmem>>
          %dma_wait3A_1197 = arith.constant 0 : i32
          %dma_wait3A_1198 = arith.constant 0 : i32
          %dma_wait3A_1199 = tpu.memref_slice %arg2[%dma_wait3A_1197, %dma_wait3A_1198] : memref<20480x64xf32, #tpu.memory_space<hbm>> -> memref<20480x64xf32, #tpu.memory_space<hbm>>
          tpu.wait_indirect_dma semaphore(%arg14 : memref<!tpu.dma_semaphore, #tpu.memory_space<semaphore_mem>>) src(%dma_wait3A_1199 : memref<20480x64xf32, #tpu.memory_space<hbm>>) dst(%arg8 : memref<128x64xf32, #tpu.memory_space<vmem>>)
          %dma_start3A = arith.constant 1 : i32
          %dma_start3A_1200 = arith.constant 0 : i32
          %dma_start3A_1201 = tpu.memref_slice %arg12[%dma_start3A, %dma_start3A_1200] : memref<8x128xi32, #tpu.memory_space<vmem>> -> memref<1x128xi32, #tpu.memory_space<vmem>>
          %dma_start3A_1202 = tpu.memref_squeeze %dma_start3A_1201 : memref<1x128xi32, #tpu.memory_space<vmem>> -> memref<128xi32, #tpu.memory_space<vmem>>
          %dma_start3A_1203 = arith.constant 0 : i32
          %dma_start3A_1204 = arith.constant 0 : i32
          %dma_start3A_1205 = tpu.memref_slice %arg6[%dma_start3A_1203, %dma_start3A_1204] : memref<10240x64xf32, #tpu.memory_space<vmem_shared>> -> memref<10240x64xf32, #tpu.memory_space<vmem_shared>>
          tpu.enqueue_indirect_dma source(%arg8 : memref<128x64xf32, #tpu.memory_space<vmem>>) target(%dma_start3A_1205 : memref<10240x64xf32, #tpu.memory_space<vmem_shared>>) offsets(%dma_start3A_1202 : memref<128xi32, #tpu.memory_space<vmem>>) semaphore(%arg18 : memref<!tpu.dma_semaphore, #tpu.memory_space<semaphore_mem>>) {add = true}
        } else {
        }
        %mul3A_942 = arith.constant 8 : i32
        %mul3A_943 = arith.muli %scan3A_21, %mul3A_942 : i32
        %add3A_944 = arith.constant 0 : i32
        %add3A_945 = arith.addi %mul3A_943, %add3A_944 : i32
        %lt3A_946 = arith.constant 80 : i32
        %lt3A_947 = arith.cmpi slt, %add3A_945, %lt3A_946 : i32
        %add3A_948 = arith.constant 0 : i32
        %add3A_949 = arith.addi %add3A_24, %add3A_948 : i32
        %lt3A_950 = arith.constant 1250 : i32
        %lt3A_951 = arith.cmpi slt, %add3A_949, %lt3A_950 : i32
        %and3A_952 = arith.andi %lt3A_947, %lt3A_951 : i1
        %convert_element_type3A_953 = arith.extui %and3A_952 : i1 to i32
        %cond3A_954 = arith.constant 0 : i32
        %cond3A_955 = arith.cmpi ne, %convert_element_type3A_953, %cond3A_954 : i32
        scf.if %cond3A_955 {
          %dma_wait3A = arith.constant 0 : i32
          %dma_wait3A_1194 = arith.constant 0 : i32
          %dma_wait3A_1195 = tpu.memref_slice %arg12[%dma_wait3A, %dma_wait3A_1194] : memref<8x128xi32, #tpu.memory_space<vmem>> -> memref<1x128xi32, #tpu.memory_space<vmem>>
          %dma_wait3A_1196 = tpu.memref_squeeze %dma_wait3A_1195 : memref<1x128xi32, #tpu.memory_space<vmem>> -> memref<128xi32, #tpu.memory_space<vmem>>
          %dma_wait3A_1197 = arith.constant 0 : i32
          %dma_wait3A_1198 = arith.constant 0 : i32
          %dma_wait3A_1199 = tpu.memref_slice %arg6[%dma_wait3A_1197, %dma_wait3A_1198] : memref<10240x64xf32, #tpu.memory_space<vmem_shared>> -> memref<10240x64xf32, #tpu.memory_space<vmem_shared>>
          tpu.wait_indirect_dma semaphore(%arg17 : memref<!tpu.dma_semaphore, #tpu.memory_space<semaphore_mem>>) src(%arg7 : memref<128x64xf32, #tpu.memory_space<vmem>>) dst(%dma_wait3A_1199 : memref<10240x64xf32, #tpu.memory_space<vmem_shared>>)
        } else {
        }
        %mul3A_956 = arith.constant 8 : i32
        %mul3A_957 = arith.muli %scan3A_21, %mul3A_956 : i32
        %add3A_958 = arith.constant 4 : i32
        %add3A_959 = arith.addi %mul3A_957, %add3A_958 : i32
        %lt3A_960 = arith.constant 80 : i32
        %lt3A_961 = arith.cmpi slt, %add3A_959, %lt3A_960 : i32
        %add3A_962 = arith.constant 4 : i32
        %add3A_963 = arith.addi %add3A_24, %add3A_962 : i32
        %lt3A_964 = arith.constant 1250 : i32
        %lt3A_965 = arith.cmpi slt, %add3A_963, %lt3A_964 : i32
        %and3A_966 = arith.andi %lt3A_961, %lt3A_965 : i1
        %convert_element_type3A_967 = arith.extui %and3A_966 : i1 to i32
        %cond3A_968 = arith.constant 0 : i32
        %cond3A_969 = arith.cmpi ne, %convert_element_type3A_967, %cond3A_968 : i32
        scf.if %cond3A_969 {
          %dma_start3A = arith.constant 4 : i32
          %dma_start3A_1194 = arith.constant 0 : i32
          %dma_start3A_1195 = tpu.memref_slice %arg11[%dma_start3A, %dma_start3A_1194] : memref<8x128xi32, #tpu.memory_space<vmem>> -> memref<1x128xi32, #tpu.memory_space<vmem>>
          %dma_start3A_1196 = tpu.memref_squeeze %dma_start3A_1195 : memref<1x128xi32, #tpu.memory_space<vmem>> -> memref<128xi32, #tpu.memory_space<vmem>>
          %dma_start3A_1197 = arith.constant 0 : i32
          %dma_start3A_1198 = arith.constant 0 : i32
          %dma_start3A_1199 = tpu.memref_slice %arg2[%dma_start3A_1197, %dma_start3A_1198] : memref<20480x64xf32, #tpu.memory_space<hbm>> -> memref<20480x64xf32, #tpu.memory_space<hbm>>
          tpu.enqueue_indirect_dma source(%dma_start3A_1199 : memref<20480x64xf32, #tpu.memory_space<hbm>>) target(%arg7 : memref<128x64xf32, #tpu.memory_space<vmem>>) offsets(%dma_start3A_1196 : memref<128xi32, #tpu.memory_space<vmem>>) semaphore(%arg13 : memref<!tpu.dma_semaphore, #tpu.memory_space<semaphore_mem>>)
        } else {
        }
        %mul3A_970 = arith.constant 8 : i32
        %mul3A_971 = arith.muli %scan3A_21, %mul3A_970 : i32
        %add3A_972 = arith.constant 2 : i32
        %add3A_973 = arith.addi %mul3A_971, %add3A_972 : i32
        %lt3A_974 = arith.constant 80 : i32
        %lt3A_975 = arith.cmpi slt, %add3A_973, %lt3A_974 : i32
        %add3A_976 = arith.constant 2 : i32
        %add3A_977 = arith.addi %add3A_24, %add3A_976 : i32
        %lt3A_978 = arith.constant 1250 : i32
        %lt3A_979 = arith.cmpi slt, %add3A_977, %lt3A_978 : i32
        %and3A_980 = arith.andi %lt3A_975, %lt3A_979 : i1
        %convert_element_type3A_981 = arith.extui %and3A_980 : i1 to i32
        %cond3A_982 = arith.constant 0 : i32
        %cond3A_983 = arith.cmpi ne, %convert_element_type3A_981, %cond3A_982 : i32
        scf.if %cond3A_983 {
          %dma_wait3A = arith.constant 2 : i32
          %dma_wait3A_1194 = arith.constant 0 : i32
          %dma_wait3A_1195 = tpu.memref_slice %arg11[%dma_wait3A, %dma_wait3A_1194] : memref<8x128xi32, #tpu.memory_space<vmem>> -> memref<1x128xi32, #tpu.memory_space<vmem>>
          %dma_wait3A_1196 = tpu.memref_squeeze %dma_wait3A_1195 : memref<1x128xi32, #tpu.memory_space<vmem>> -> memref<128xi32, #tpu.memory_space<vmem>>
          %dma_wait3A_1197 = arith.constant 0 : i32
          %dma_wait3A_1198 = arith.constant 0 : i32
          %dma_wait3A_1199 = tpu.memref_slice %arg2[%dma_wait3A_1197, %dma_wait3A_1198] : memref<20480x64xf32, #tpu.memory_space<hbm>> -> memref<20480x64xf32, #tpu.memory_space<hbm>>
          tpu.wait_indirect_dma semaphore(%arg15 : memref<!tpu.dma_semaphore, #tpu.memory_space<semaphore_mem>>) src(%dma_wait3A_1199 : memref<20480x64xf32, #tpu.memory_space<hbm>>) dst(%arg9 : memref<128x64xf32, #tpu.memory_space<vmem>>)
          %dma_start3A = arith.constant 2 : i32
          %dma_start3A_1200 = arith.constant 0 : i32
          %dma_start3A_1201 = tpu.memref_slice %arg12[%dma_start3A, %dma_start3A_1200] : memref<8x128xi32, #tpu.memory_space<vmem>> -> memref<1x128xi32, #tpu.memory_space<vmem>>
          %dma_start3A_1202 = tpu.memref_squeeze %dma_start3A_1201 : memref<1x128xi32, #tpu.memory_space<vmem>> -> memref<128xi32, #tpu.memory_space<vmem>>
          %dma_start3A_1203 = arith.constant 0 : i32
          %dma_start3A_1204 = arith.constant 0 : i32
          %dma_start3A_1205 = tpu.memref_slice %arg6[%dma_start3A_1203, %dma_start3A_1204] : memref<10240x64xf32, #tpu.memory_space<vmem_shared>> -> memref<10240x64xf32, #tpu.memory_space<vmem_shared>>
          tpu.enqueue_indirect_dma source(%arg9 : memref<128x64xf32, #tpu.memory_space<vmem>>) target(%dma_start3A_1205 : memref<10240x64xf32, #tpu.memory_space<vmem_shared>>) offsets(%dma_start3A_1202 : memref<128xi32, #tpu.memory_space<vmem>>) semaphore(%arg19 : memref<!tpu.dma_semaphore, #tpu.memory_space<semaphore_mem>>) {add = true}
        } else {
        }
        %mul3A_984 = arith.constant 8 : i32
        %mul3A_985 = arith.muli %scan3A_21, %mul3A_984 : i32
        %add3A_986 = arith.constant 1 : i32
        %add3A_987 = arith.addi %mul3A_985, %add3A_986 : i32
        %lt3A_988 = arith.constant 80 : i32
        %lt3A_989 = arith.cmpi slt, %add3A_987, %lt3A_988 : i32
        %add3A_990 = arith.constant 1 : i32
        %add3A_991 = arith.addi %add3A_24, %add3A_990 : i32
        %lt3A_992 = arith.constant 1250 : i32
        %lt3A_993 = arith.cmpi slt, %add3A_991, %lt3A_992 : i32
        %and3A_994 = arith.andi %lt3A_989, %lt3A_993 : i1
        %convert_element_type3A_995 = arith.extui %and3A_994 : i1 to i32
        %cond3A_996 = arith.constant 0 : i32
        %cond3A_997 = arith.cmpi ne, %convert_element_type3A_995, %cond3A_996 : i32
        scf.if %cond3A_997 {
          %dma_wait3A = arith.constant 1 : i32
          %dma_wait3A_1194 = arith.constant 0 : i32
          %dma_wait3A_1195 = tpu.memref_slice %arg12[%dma_wait3A, %dma_wait3A_1194] : memref<8x128xi32, #tpu.memory_space<vmem>> -> memref<1x128xi32, #tpu.memory_space<vmem>>
          %dma_wait3A_1196 = tpu.memref_squeeze %dma_wait3A_1195 : memref<1x128xi32, #tpu.memory_space<vmem>> -> memref<128xi32, #tpu.memory_space<vmem>>
          %dma_wait3A_1197 = arith.constant 0 : i32
          %dma_wait3A_1198 = arith.constant 0 : i32
          %dma_wait3A_1199 = tpu.memref_slice %arg6[%dma_wait3A_1197, %dma_wait3A_1198] : memref<10240x64xf32, #tpu.memory_space<vmem_shared>> -> memref<10240x64xf32, #tpu.memory_space<vmem_shared>>
          tpu.wait_indirect_dma semaphore(%arg18 : memref<!tpu.dma_semaphore, #tpu.memory_space<semaphore_mem>>) src(%arg8 : memref<128x64xf32, #tpu.memory_space<vmem>>) dst(%dma_wait3A_1199 : memref<10240x64xf32, #tpu.memory_space<vmem_shared>>)
        } else {
        }
        %mul3A_998 = arith.constant 8 : i32
        %mul3A_999 = arith.muli %scan3A_21, %mul3A_998 : i32
        %add3A_1000 = arith.constant 5 : i32
        %add3A_1001 = arith.addi %mul3A_999, %add3A_1000 : i32
        %lt3A_1002 = arith.constant 80 : i32
        %lt3A_1003 = arith.cmpi slt, %add3A_1001, %lt3A_1002 : i32
        %add3A_1004 = arith.constant 5 : i32
        %add3A_1005 = arith.addi %add3A_24, %add3A_1004 : i32
        %lt3A_1006 = arith.constant 1250 : i32
        %lt3A_1007 = arith.cmpi slt, %add3A_1005, %lt3A_1006 : i32
        %and3A_1008 = arith.andi %lt3A_1003, %lt3A_1007 : i1
        %convert_element_type3A_1009 = arith.extui %and3A_1008 : i1 to i32
        %cond3A_1010 = arith.constant 0 : i32
        %cond3A_1011 = arith.cmpi ne, %convert_element_type3A_1009, %cond3A_1010 : i32
        scf.if %cond3A_1011 {
          %dma_start3A = arith.constant 5 : i32
          %dma_start3A_1194 = arith.constant 0 : i32
          %dma_start3A_1195 = tpu.memref_slice %arg11[%dma_start3A, %dma_start3A_1194] : memref<8x128xi32, #tpu.memory_space<vmem>> -> memref<1x128xi32, #tpu.memory_space<vmem>>
          %dma_start3A_1196 = tpu.memref_squeeze %dma_start3A_1195 : memref<1x128xi32, #tpu.memory_space<vmem>> -> memref<128xi32, #tpu.memory_space<vmem>>
          %dma_start3A_1197 = arith.constant 0 : i32
          %dma_start3A_1198 = arith.constant 0 : i32
          %dma_start3A_1199 = tpu.memref_slice %arg2[%dma_start3A_1197, %dma_start3A_1198] : memref<20480x64xf32, #tpu.memory_space<hbm>> -> memref<20480x64xf32, #tpu.memory_space<hbm>>
          tpu.enqueue_indirect_dma source(%dma_start3A_1199 : memref<20480x64xf32, #tpu.memory_space<hbm>>) target(%arg8 : memref<128x64xf32, #tpu.memory_space<vmem>>) offsets(%dma_start3A_1196 : memref<128xi32, #tpu.memory_space<vmem>>) semaphore(%arg14 : memref<!tpu.dma_semaphore, #tpu.memory_space<semaphore_mem>>)
        } else {
        }
        %mul3A_1012 = arith.constant 8 : i32
        %mul3A_1013 = arith.muli %scan3A_21, %mul3A_1012 : i32
        %add3A_1014 = arith.constant 3 : i32
        %add3A_1015 = arith.addi %mul3A_1013, %add3A_1014 : i32
        %lt3A_1016 = arith.constant 80 : i32
        %lt3A_1017 = arith.cmpi slt, %add3A_1015, %lt3A_1016 : i32
        %add3A_1018 = arith.constant 3 : i32
        %add3A_1019 = arith.addi %add3A_24, %add3A_1018 : i32
        %lt3A_1020 = arith.constant 1250 : i32
        %lt3A_1021 = arith.cmpi slt, %add3A_1019, %lt3A_1020 : i32
        %and3A_1022 = arith.andi %lt3A_1017, %lt3A_1021 : i1
        %convert_element_type3A_1023 = arith.extui %and3A_1022 : i1 to i32
        %cond3A_1024 = arith.constant 0 : i32
        %cond3A_1025 = arith.cmpi ne, %convert_element_type3A_1023, %cond3A_1024 : i32
        scf.if %cond3A_1025 {
          %dma_wait3A = arith.constant 3 : i32
          %dma_wait3A_1194 = arith.constant 0 : i32
          %dma_wait3A_1195 = tpu.memref_slice %arg11[%dma_wait3A, %dma_wait3A_1194] : memref<8x128xi32, #tpu.memory_space<vmem>> -> memref<1x128xi32, #tpu.memory_space<vmem>>
          %dma_wait3A_1196 = tpu.memref_squeeze %dma_wait3A_1195 : memref<1x128xi32, #tpu.memory_space<vmem>> -> memref<128xi32, #tpu.memory_space<vmem>>
          %dma_wait3A_1197 = arith.constant 0 : i32
          %dma_wait3A_1198 = arith.constant 0 : i32
          %dma_wait3A_1199 = tpu.memref_slice %arg2[%dma_wait3A_1197, %dma_wait3A_1198] : memref<20480x64xf32, #tpu.memory_space<hbm>> -> memref<20480x64xf32, #tpu.memory_space<hbm>>
          tpu.wait_indirect_dma semaphore(%arg16 : memref<!tpu.dma_semaphore, #tpu.memory_space<semaphore_mem>>) src(%dma_wait3A_1199 : memref<20480x64xf32, #tpu.memory_space<hbm>>) dst(%arg10 : memref<128x64xf32, #tpu.memory_space<vmem>>)
          %dma_start3A = arith.constant 3 : i32
          %dma_start3A_1200 = arith.constant 0 : i32
          %dma_start3A_1201 = tpu.memref_slice %arg12[%dma_start3A, %dma_start3A_1200] : memref<8x128xi32, #tpu.memory_space<vmem>> -> memref<1x128xi32, #tpu.memory_space<vmem>>
          %dma_start3A_1202 = tpu.memref_squeeze %dma_start3A_1201 : memref<1x128xi32, #tpu.memory_space<vmem>> -> memref<128xi32, #tpu.memory_space<vmem>>
          %dma_start3A_1203 = arith.constant 0 : i32
          %dma_start3A_1204 = arith.constant 0 : i32
          %dma_start3A_1205 = tpu.memref_slice %arg6[%dma_start3A_1203, %dma_start3A_1204] : memref<10240x64xf32, #tpu.memory_space<vmem_shared>> -> memref<10240x64xf32, #tpu.memory_space<vmem_shared>>
          tpu.enqueue_indirect_dma source(%arg10 : memref<128x64xf32, #tpu.memory_space<vmem>>) target(%dma_start3A_1205 : memref<10240x64xf32, #tpu.memory_space<vmem_shared>>) offsets(%dma_start3A_1202 : memref<128xi32, #tpu.memory_space<vmem>>) semaphore(%arg20 : memref<!tpu.dma_semaphore, #tpu.memory_space<semaphore_mem>>) {add = true}
        } else {
        }
        %mul3A_1026 = arith.constant 8 : i32
        %mul3A_1027 = arith.muli %scan3A_21, %mul3A_1026 : i32
        %add3A_1028 = arith.constant 2 : i32
        %add3A_1029 = arith.addi %mul3A_1027, %add3A_1028 : i32
        %lt3A_1030 = arith.constant 80 : i32
        %lt3A_1031 = arith.cmpi slt, %add3A_1029, %lt3A_1030 : i32
        %add3A_1032 = arith.constant 2 : i32
        %add3A_1033 = arith.addi %add3A_24, %add3A_1032 : i32
        %lt3A_1034 = arith.constant 1250 : i32
        %lt3A_1035 = arith.cmpi slt, %add3A_1033, %lt3A_1034 : i32
        %and3A_1036 = arith.andi %lt3A_1031, %lt3A_1035 : i1
        %convert_element_type3A_1037 = arith.extui %and3A_1036 : i1 to i32
        %cond3A_1038 = arith.constant 0 : i32
        %cond3A_1039 = arith.cmpi ne, %convert_element_type3A_1037, %cond3A_1038 : i32
        scf.if %cond3A_1039 {
          %dma_wait3A = arith.constant 2 : i32
          %dma_wait3A_1194 = arith.constant 0 : i32
          %dma_wait3A_1195 = tpu.memref_slice %arg12[%dma_wait3A, %dma_wait3A_1194] : memref<8x128xi32, #tpu.memory_space<vmem>> -> memref<1x128xi32, #tpu.memory_space<vmem>>
          %dma_wait3A_1196 = tpu.memref_squeeze %dma_wait3A_1195 : memref<1x128xi32, #tpu.memory_space<vmem>> -> memref<128xi32, #tpu.memory_space<vmem>>
          %dma_wait3A_1197 = arith.constant 0 : i32
          %dma_wait3A_1198 = arith.constant 0 : i32
          %dma_wait3A_1199 = tpu.memref_slice %arg6[%dma_wait3A_1197, %dma_wait3A_1198] : memref<10240x64xf32, #tpu.memory_space<vmem_shared>> -> memref<10240x64xf32, #tpu.memory_space<vmem_shared>>
          tpu.wait_indirect_dma semaphore(%arg19 : memref<!tpu.dma_semaphore, #tpu.memory_space<semaphore_mem>>) src(%arg9 : memref<128x64xf32, #tpu.memory_space<vmem>>) dst(%dma_wait3A_1199 : memref<10240x64xf32, #tpu.memory_space<vmem_shared>>)
        } else {
        }
        %mul3A_1040 = arith.constant 8 : i32
        %mul3A_1041 = arith.muli %scan3A_21, %mul3A_1040 : i32
        %add3A_1042 = arith.constant 6 : i32
        %add3A_1043 = arith.addi %mul3A_1041, %add3A_1042 : i32
        %lt3A_1044 = arith.constant 80 : i32
        %lt3A_1045 = arith.cmpi slt, %add3A_1043, %lt3A_1044 : i32
        %add3A_1046 = arith.constant 6 : i32
        %add3A_1047 = arith.addi %add3A_24, %add3A_1046 : i32
        %lt3A_1048 = arith.constant 1250 : i32
        %lt3A_1049 = arith.cmpi slt, %add3A_1047, %lt3A_1048 : i32
        %and3A_1050 = arith.andi %lt3A_1045, %lt3A_1049 : i1
        %convert_element_type3A_1051 = arith.extui %and3A_1050 : i1 to i32
        %cond3A_1052 = arith.constant 0 : i32
        %cond3A_1053 = arith.cmpi ne, %convert_element_type3A_1051, %cond3A_1052 : i32
        scf.if %cond3A_1053 {
          %dma_start3A = arith.constant 6 : i32
          %dma_start3A_1194 = arith.constant 0 : i32
          %dma_start3A_1195 = tpu.memref_slice %arg11[%dma_start3A, %dma_start3A_1194] : memref<8x128xi32, #tpu.memory_space<vmem>> -> memref<1x128xi32, #tpu.memory_space<vmem>>
          %dma_start3A_1196 = tpu.memref_squeeze %dma_start3A_1195 : memref<1x128xi32, #tpu.memory_space<vmem>> -> memref<128xi32, #tpu.memory_space<vmem>>
          %dma_start3A_1197 = arith.constant 0 : i32
          %dma_start3A_1198 = arith.constant 0 : i32
          %dma_start3A_1199 = tpu.memref_slice %arg2[%dma_start3A_1197, %dma_start3A_1198] : memref<20480x64xf32, #tpu.memory_space<hbm>> -> memref<20480x64xf32, #tpu.memory_space<hbm>>
          tpu.enqueue_indirect_dma source(%dma_start3A_1199 : memref<20480x64xf32, #tpu.memory_space<hbm>>) target(%arg9 : memref<128x64xf32, #tpu.memory_space<vmem>>) offsets(%dma_start3A_1196 : memref<128xi32, #tpu.memory_space<vmem>>) semaphore(%arg15 : memref<!tpu.dma_semaphore, #tpu.memory_space<semaphore_mem>>)
        } else {
        }
        %mul3A_1054 = arith.constant 8 : i32
        %mul3A_1055 = arith.muli %scan3A_21, %mul3A_1054 : i32
        %add3A_1056 = arith.constant 4 : i32
        %add3A_1057 = arith.addi %mul3A_1055, %add3A_1056 : i32
        %lt3A_1058 = arith.constant 80 : i32
        %lt3A_1059 = arith.cmpi slt, %add3A_1057, %lt3A_1058 : i32
        %add3A_1060 = arith.constant 4 : i32
        %add3A_1061 = arith.addi %add3A_24, %add3A_1060 : i32
        %lt3A_1062 = arith.constant 1250 : i32
        %lt3A_1063 = arith.cmpi slt, %add3A_1061, %lt3A_1062 : i32
        %and3A_1064 = arith.andi %lt3A_1059, %lt3A_1063 : i1
        %convert_element_type3A_1065 = arith.extui %and3A_1064 : i1 to i32
        %cond3A_1066 = arith.constant 0 : i32
        %cond3A_1067 = arith.cmpi ne, %convert_element_type3A_1065, %cond3A_1066 : i32
        scf.if %cond3A_1067 {
          %dma_wait3A = arith.constant 4 : i32
          %dma_wait3A_1194 = arith.constant 0 : i32
          %dma_wait3A_1195 = tpu.memref_slice %arg11[%dma_wait3A, %dma_wait3A_1194] : memref<8x128xi32, #tpu.memory_space<vmem>> -> memref<1x128xi32, #tpu.memory_space<vmem>>
          %dma_wait3A_1196 = tpu.memref_squeeze %dma_wait3A_1195 : memref<1x128xi32, #tpu.memory_space<vmem>> -> memref<128xi32, #tpu.memory_space<vmem>>
          %dma_wait3A_1197 = arith.constant 0 : i32
          %dma_wait3A_1198 = arith.constant 0 : i32
          %dma_wait3A_1199 = tpu.memref_slice %arg2[%dma_wait3A_1197, %dma_wait3A_1198] : memref<20480x64xf32, #tpu.memory_space<hbm>> -> memref<20480x64xf32, #tpu.memory_space<hbm>>
          tpu.wait_indirect_dma semaphore(%arg13 : memref<!tpu.dma_semaphore, #tpu.memory_space<semaphore_mem>>) src(%dma_wait3A_1199 : memref<20480x64xf32, #tpu.memory_space<hbm>>) dst(%arg7 : memref<128x64xf32, #tpu.memory_space<vmem>>)
          %dma_start3A = arith.constant 4 : i32
          %dma_start3A_1200 = arith.constant 0 : i32
          %dma_start3A_1201 = tpu.memref_slice %arg12[%dma_start3A, %dma_start3A_1200] : memref<8x128xi32, #tpu.memory_space<vmem>> -> memref<1x128xi32, #tpu.memory_space<vmem>>
          %dma_start3A_1202 = tpu.memref_squeeze %dma_start3A_1201 : memref<1x128xi32, #tpu.memory_space<vmem>> -> memref<128xi32, #tpu.memory_space<vmem>>
          %dma_start3A_1203 = arith.constant 0 : i32
          %dma_start3A_1204 = arith.constant 0 : i32
          %dma_start3A_1205 = tpu.memref_slice %arg6[%dma_start3A_1203, %dma_start3A_1204] : memref<10240x64xf32, #tpu.memory_space<vmem_shared>> -> memref<10240x64xf32, #tpu.memory_space<vmem_shared>>
          tpu.enqueue_indirect_dma source(%arg7 : memref<128x64xf32, #tpu.memory_space<vmem>>) target(%dma_start3A_1205 : memref<10240x64xf32, #tpu.memory_space<vmem_shared>>) offsets(%dma_start3A_1202 : memref<128xi32, #tpu.memory_space<vmem>>) semaphore(%arg17 : memref<!tpu.dma_semaphore, #tpu.memory_space<semaphore_mem>>) {add = true}
        } else {
        }
        %mul3A_1068 = arith.constant 8 : i32
        %mul3A_1069 = arith.muli %scan3A_21, %mul3A_1068 : i32
        %add3A_1070 = arith.constant 3 : i32
        %add3A_1071 = arith.addi %mul3A_1069, %add3A_1070 : i32
        %lt3A_1072 = arith.constant 80 : i32
        %lt3A_1073 = arith.cmpi slt, %add3A_1071, %lt3A_1072 : i32
        %add3A_1074 = arith.constant 3 : i32
        %add3A_1075 = arith.addi %add3A_24, %add3A_1074 : i32
        %lt3A_1076 = arith.constant 1250 : i32
        %lt3A_1077 = arith.cmpi slt, %add3A_1075, %lt3A_1076 : i32
        %and3A_1078 = arith.andi %lt3A_1073, %lt3A_1077 : i1
        %convert_element_type3A_1079 = arith.extui %and3A_1078 : i1 to i32
        %cond3A_1080 = arith.constant 0 : i32
        %cond3A_1081 = arith.cmpi ne, %convert_element_type3A_1079, %cond3A_1080 : i32
        scf.if %cond3A_1081 {
          %dma_wait3A = arith.constant 3 : i32
          %dma_wait3A_1194 = arith.constant 0 : i32
          %dma_wait3A_1195 = tpu.memref_slice %arg12[%dma_wait3A, %dma_wait3A_1194] : memref<8x128xi32, #tpu.memory_space<vmem>> -> memref<1x128xi32, #tpu.memory_space<vmem>>
          %dma_wait3A_1196 = tpu.memref_squeeze %dma_wait3A_1195 : memref<1x128xi32, #tpu.memory_space<vmem>> -> memref<128xi32, #tpu.memory_space<vmem>>
          %dma_wait3A_1197 = arith.constant 0 : i32
          %dma_wait3A_1198 = arith.constant 0 : i32
          %dma_wait3A_1199 = tpu.memref_slice %arg6[%dma_wait3A_1197, %dma_wait3A_1198] : memref<10240x64xf32, #tpu.memory_space<vmem_shared>> -> memref<10240x64xf32, #tpu.memory_space<vmem_shared>>
          tpu.wait_indirect_dma semaphore(%arg20 : memref<!tpu.dma_semaphore, #tpu.memory_space<semaphore_mem>>) src(%arg10 : memref<128x64xf32, #tpu.memory_space<vmem>>) dst(%dma_wait3A_1199 : memref<10240x64xf32, #tpu.memory_space<vmem_shared>>)
        } else {
        }
        %mul3A_1082 = arith.constant 8 : i32
        %mul3A_1083 = arith.muli %scan3A_21, %mul3A_1082 : i32
        %add3A_1084 = arith.constant 7 : i32
        %add3A_1085 = arith.addi %mul3A_1083, %add3A_1084 : i32
        %lt3A_1086 = arith.constant 80 : i32
        %lt3A_1087 = arith.cmpi slt, %add3A_1085, %lt3A_1086 : i32
        %add3A_1088 = arith.constant 7 : i32
        %add3A_1089 = arith.addi %add3A_24, %add3A_1088 : i32
        %lt3A_1090 = arith.constant 1250 : i32
        %lt3A_1091 = arith.cmpi slt, %add3A_1089, %lt3A_1090 : i32
        %and3A_1092 = arith.andi %lt3A_1087, %lt3A_1091 : i1
        %convert_element_type3A_1093 = arith.extui %and3A_1092 : i1 to i32
        %cond3A_1094 = arith.constant 0 : i32
        %cond3A_1095 = arith.cmpi ne, %convert_element_type3A_1093, %cond3A_1094 : i32
        scf.if %cond3A_1095 {
          %dma_start3A = arith.constant 7 : i32
          %dma_start3A_1194 = arith.constant 0 : i32
          %dma_start3A_1195 = tpu.memref_slice %arg11[%dma_start3A, %dma_start3A_1194] : memref<8x128xi32, #tpu.memory_space<vmem>> -> memref<1x128xi32, #tpu.memory_space<vmem>>
          %dma_start3A_1196 = tpu.memref_squeeze %dma_start3A_1195 : memref<1x128xi32, #tpu.memory_space<vmem>> -> memref<128xi32, #tpu.memory_space<vmem>>
          %dma_start3A_1197 = arith.constant 0 : i32
          %dma_start3A_1198 = arith.constant 0 : i32
          %dma_start3A_1199 = tpu.memref_slice %arg2[%dma_start3A_1197, %dma_start3A_1198] : memref<20480x64xf32, #tpu.memory_space<hbm>> -> memref<20480x64xf32, #tpu.memory_space<hbm>>
          tpu.enqueue_indirect_dma source(%dma_start3A_1199 : memref<20480x64xf32, #tpu.memory_space<hbm>>) target(%arg10 : memref<128x64xf32, #tpu.memory_space<vmem>>) offsets(%dma_start3A_1196 : memref<128xi32, #tpu.memory_space<vmem>>) semaphore(%arg16 : memref<!tpu.dma_semaphore, #tpu.memory_space<semaphore_mem>>)
        } else {
        }
        %mul3A_1096 = arith.constant 8 : i32
        %mul3A_1097 = arith.muli %scan3A_21, %mul3A_1096 : i32
        %add3A_1098 = arith.constant 5 : i32
        %add3A_1099 = arith.addi %mul3A_1097, %add3A_1098 : i32
        %lt3A_1100 = arith.constant 80 : i32
        %lt3A_1101 = arith.cmpi slt, %add3A_1099, %lt3A_1100 : i32
        %add3A_1102 = arith.constant 5 : i32
        %add3A_1103 = arith.addi %add3A_24, %add3A_1102 : i32
        %lt3A_1104 = arith.constant 1250 : i32
        %lt3A_1105 = arith.cmpi slt, %add3A_1103, %lt3A_1104 : i32
        %and3A_1106 = arith.andi %lt3A_1101, %lt3A_1105 : i1
        %convert_element_type3A_1107 = arith.extui %and3A_1106 : i1 to i32
        %cond3A_1108 = arith.constant 0 : i32
        %cond3A_1109 = arith.cmpi ne, %convert_element_type3A_1107, %cond3A_1108 : i32
        scf.if %cond3A_1109 {
          %dma_wait3A = arith.constant 5 : i32
          %dma_wait3A_1194 = arith.constant 0 : i32
          %dma_wait3A_1195 = tpu.memref_slice %arg11[%dma_wait3A, %dma_wait3A_1194] : memref<8x128xi32, #tpu.memory_space<vmem>> -> memref<1x128xi32, #tpu.memory_space<vmem>>
          %dma_wait3A_1196 = tpu.memref_squeeze %dma_wait3A_1195 : memref<1x128xi32, #tpu.memory_space<vmem>> -> memref<128xi32, #tpu.memory_space<vmem>>
          %dma_wait3A_1197 = arith.constant 0 : i32
          %dma_wait3A_1198 = arith.constant 0 : i32
          %dma_wait3A_1199 = tpu.memref_slice %arg2[%dma_wait3A_1197, %dma_wait3A_1198] : memref<20480x64xf32, #tpu.memory_space<hbm>> -> memref<20480x64xf32, #tpu.memory_space<hbm>>
          tpu.wait_indirect_dma semaphore(%arg14 : memref<!tpu.dma_semaphore, #tpu.memory_space<semaphore_mem>>) src(%dma_wait3A_1199 : memref<20480x64xf32, #tpu.memory_space<hbm>>) dst(%arg8 : memref<128x64xf32, #tpu.memory_space<vmem>>)
          %dma_start3A = arith.constant 5 : i32
          %dma_start3A_1200 = arith.constant 0 : i32
          %dma_start3A_1201 = tpu.memref_slice %arg12[%dma_start3A, %dma_start3A_1200] : memref<8x128xi32, #tpu.memory_space<vmem>> -> memref<1x128xi32, #tpu.memory_space<vmem>>
          %dma_start3A_1202 = tpu.memref_squeeze %dma_start3A_1201 : memref<1x128xi32, #tpu.memory_space<vmem>> -> memref<128xi32, #tpu.memory_space<vmem>>
          %dma_start3A_1203 = arith.constant 0 : i32
          %dma_start3A_1204 = arith.constant 0 : i32
          %dma_start3A_1205 = tpu.memref_slice %arg6[%dma_start3A_1203, %dma_start3A_1204] : memref<10240x64xf32, #tpu.memory_space<vmem_shared>> -> memref<10240x64xf32, #tpu.memory_space<vmem_shared>>
          tpu.enqueue_indirect_dma source(%arg8 : memref<128x64xf32, #tpu.memory_space<vmem>>) target(%dma_start3A_1205 : memref<10240x64xf32, #tpu.memory_space<vmem_shared>>) offsets(%dma_start3A_1202 : memref<128xi32, #tpu.memory_space<vmem>>) semaphore(%arg18 : memref<!tpu.dma_semaphore, #tpu.memory_space<semaphore_mem>>) {add = true}
        } else {
        }
        %mul3A_1110 = arith.constant 8 : i32
        %mul3A_1111 = arith.muli %scan3A_21, %mul3A_1110 : i32
        %add3A_1112 = arith.constant 6 : i32
        %add3A_1113 = arith.addi %mul3A_1111, %add3A_1112 : i32
        %lt3A_1114 = arith.constant 80 : i32
        %lt3A_1115 = arith.cmpi slt, %add3A_1113, %lt3A_1114 : i32
        %add3A_1116 = arith.constant 6 : i32
        %add3A_1117 = arith.addi %add3A_24, %add3A_1116 : i32
        %lt3A_1118 = arith.constant 1250 : i32
        %lt3A_1119 = arith.cmpi slt, %add3A_1117, %lt3A_1118 : i32
        %and3A_1120 = arith.andi %lt3A_1115, %lt3A_1119 : i1
        %convert_element_type3A_1121 = arith.extui %and3A_1120 : i1 to i32
        %cond3A_1122 = arith.constant 0 : i32
        %cond3A_1123 = arith.cmpi ne, %convert_element_type3A_1121, %cond3A_1122 : i32
        scf.if %cond3A_1123 {
          %dma_wait3A = arith.constant 6 : i32
          %dma_wait3A_1194 = arith.constant 0 : i32
          %dma_wait3A_1195 = tpu.memref_slice %arg11[%dma_wait3A, %dma_wait3A_1194] : memref<8x128xi32, #tpu.memory_space<vmem>> -> memref<1x128xi32, #tpu.memory_space<vmem>>
          %dma_wait3A_1196 = tpu.memref_squeeze %dma_wait3A_1195 : memref<1x128xi32, #tpu.memory_space<vmem>> -> memref<128xi32, #tpu.memory_space<vmem>>
          %dma_wait3A_1197 = arith.constant 0 : i32
          %dma_wait3A_1198 = arith.constant 0 : i32
          %dma_wait3A_1199 = tpu.memref_slice %arg2[%dma_wait3A_1197, %dma_wait3A_1198] : memref<20480x64xf32, #tpu.memory_space<hbm>> -> memref<20480x64xf32, #tpu.memory_space<hbm>>
          tpu.wait_indirect_dma semaphore(%arg15 : memref<!tpu.dma_semaphore, #tpu.memory_space<semaphore_mem>>) src(%dma_wait3A_1199 : memref<20480x64xf32, #tpu.memory_space<hbm>>) dst(%arg9 : memref<128x64xf32, #tpu.memory_space<vmem>>)
          %dma_start3A = arith.constant 6 : i32
          %dma_start3A_1200 = arith.constant 0 : i32
          %dma_start3A_1201 = tpu.memref_slice %arg12[%dma_start3A, %dma_start3A_1200] : memref<8x128xi32, #tpu.memory_space<vmem>> -> memref<1x128xi32, #tpu.memory_space<vmem>>
          %dma_start3A_1202 = tpu.memref_squeeze %dma_start3A_1201 : memref<1x128xi32, #tpu.memory_space<vmem>> -> memref<128xi32, #tpu.memory_space<vmem>>
          %dma_start3A_1203 = arith.constant 0 : i32
          %dma_start3A_1204 = arith.constant 0 : i32
          %dma_start3A_1205 = tpu.memref_slice %arg6[%dma_start3A_1203, %dma_start3A_1204] : memref<10240x64xf32, #tpu.memory_space<vmem_shared>> -> memref<10240x64xf32, #tpu.memory_space<vmem_shared>>
          tpu.enqueue_indirect_dma source(%arg9 : memref<128x64xf32, #tpu.memory_space<vmem>>) target(%dma_start3A_1205 : memref<10240x64xf32, #tpu.memory_space<vmem_shared>>) offsets(%dma_start3A_1202 : memref<128xi32, #tpu.memory_space<vmem>>) semaphore(%arg19 : memref<!tpu.dma_semaphore, #tpu.memory_space<semaphore_mem>>) {add = true}
        } else {
        }
        %mul3A_1124 = arith.constant 8 : i32
        %mul3A_1125 = arith.muli %scan3A_21, %mul3A_1124 : i32
        %add3A_1126 = arith.constant 7 : i32
        %add3A_1127 = arith.addi %mul3A_1125, %add3A_1126 : i32
        %lt3A_1128 = arith.constant 80 : i32
        %lt3A_1129 = arith.cmpi slt, %add3A_1127, %lt3A_1128 : i32
        %add3A_1130 = arith.constant 7 : i32
        %add3A_1131 = arith.addi %add3A_24, %add3A_1130 : i32
        %lt3A_1132 = arith.constant 1250 : i32
        %lt3A_1133 = arith.cmpi slt, %add3A_1131, %lt3A_1132 : i32
        %and3A_1134 = arith.andi %lt3A_1129, %lt3A_1133 : i1
        %convert_element_type3A_1135 = arith.extui %and3A_1134 : i1 to i32
        %cond3A_1136 = arith.constant 0 : i32
        %cond3A_1137 = arith.cmpi ne, %convert_element_type3A_1135, %cond3A_1136 : i32
        scf.if %cond3A_1137 {
          %dma_wait3A = arith.constant 7 : i32
          %dma_wait3A_1194 = arith.constant 0 : i32
          %dma_wait3A_1195 = tpu.memref_slice %arg11[%dma_wait3A, %dma_wait3A_1194] : memref<8x128xi32, #tpu.memory_space<vmem>> -> memref<1x128xi32, #tpu.memory_space<vmem>>
          %dma_wait3A_1196 = tpu.memref_squeeze %dma_wait3A_1195 : memref<1x128xi32, #tpu.memory_space<vmem>> -> memref<128xi32, #tpu.memory_space<vmem>>
          %dma_wait3A_1197 = arith.constant 0 : i32
          %dma_wait3A_1198 = arith.constant 0 : i32
          %dma_wait3A_1199 = tpu.memref_slice %arg2[%dma_wait3A_1197, %dma_wait3A_1198] : memref<20480x64xf32, #tpu.memory_space<hbm>> -> memref<20480x64xf32, #tpu.memory_space<hbm>>
          tpu.wait_indirect_dma semaphore(%arg16 : memref<!tpu.dma_semaphore, #tpu.memory_space<semaphore_mem>>) src(%dma_wait3A_1199 : memref<20480x64xf32, #tpu.memory_space<hbm>>) dst(%arg10 : memref<128x64xf32, #tpu.memory_space<vmem>>)
          %dma_start3A = arith.constant 7 : i32
          %dma_start3A_1200 = arith.constant 0 : i32
          %dma_start3A_1201 = tpu.memref_slice %arg12[%dma_start3A, %dma_start3A_1200] : memref<8x128xi32, #tpu.memory_space<vmem>> -> memref<1x128xi32, #tpu.memory_space<vmem>>
          %dma_start3A_1202 = tpu.memref_squeeze %dma_start3A_1201 : memref<1x128xi32, #tpu.memory_space<vmem>> -> memref<128xi32, #tpu.memory_space<vmem>>
          %dma_start3A_1203 = arith.constant 0 : i32
          %dma_start3A_1204 = arith.constant 0 : i32
          %dma_start3A_1205 = tpu.memref_slice %arg6[%dma_start3A_1203, %dma_start3A_1204] : memref<10240x64xf32, #tpu.memory_space<vmem_shared>> -> memref<10240x64xf32, #tpu.memory_space<vmem_shared>>
          tpu.enqueue_indirect_dma source(%arg10 : memref<128x64xf32, #tpu.memory_space<vmem>>) target(%dma_start3A_1205 : memref<10240x64xf32, #tpu.memory_space<vmem_shared>>) offsets(%dma_start3A_1202 : memref<128xi32, #tpu.memory_space<vmem>>) semaphore(%arg20 : memref<!tpu.dma_semaphore, #tpu.memory_space<semaphore_mem>>) {add = true}
        } else {
        }
        %mul3A_1138 = arith.constant 8 : i32
        %mul3A_1139 = arith.muli %scan3A_21, %mul3A_1138 : i32
        %add3A_1140 = arith.constant 4 : i32
        %add3A_1141 = arith.addi %mul3A_1139, %add3A_1140 : i32
        %lt3A_1142 = arith.constant 80 : i32
        %lt3A_1143 = arith.cmpi slt, %add3A_1141, %lt3A_1142 : i32
        %add3A_1144 = arith.constant 4 : i32
        %add3A_1145 = arith.addi %add3A_24, %add3A_1144 : i32
        %lt3A_1146 = arith.constant 1250 : i32
        %lt3A_1147 = arith.cmpi slt, %add3A_1145, %lt3A_1146 : i32
        %and3A_1148 = arith.andi %lt3A_1143, %lt3A_1147 : i1
        %convert_element_type3A_1149 = arith.extui %and3A_1148 : i1 to i32
        %cond3A_1150 = arith.constant 0 : i32
        %cond3A_1151 = arith.cmpi ne, %convert_element_type3A_1149, %cond3A_1150 : i32
        scf.if %cond3A_1151 {
          %dma_wait3A = arith.constant 4 : i32
          %dma_wait3A_1194 = arith.constant 0 : i32
          %dma_wait3A_1195 = tpu.memref_slice %arg12[%dma_wait3A, %dma_wait3A_1194] : memref<8x128xi32, #tpu.memory_space<vmem>> -> memref<1x128xi32, #tpu.memory_space<vmem>>
          %dma_wait3A_1196 = tpu.memref_squeeze %dma_wait3A_1195 : memref<1x128xi32, #tpu.memory_space<vmem>> -> memref<128xi32, #tpu.memory_space<vmem>>
          %dma_wait3A_1197 = arith.constant 0 : i32
          %dma_wait3A_1198 = arith.constant 0 : i32
          %dma_wait3A_1199 = tpu.memref_slice %arg6[%dma_wait3A_1197, %dma_wait3A_1198] : memref<10240x64xf32, #tpu.memory_space<vmem_shared>> -> memref<10240x64xf32, #tpu.memory_space<vmem_shared>>
          tpu.wait_indirect_dma semaphore(%arg17 : memref<!tpu.dma_semaphore, #tpu.memory_space<semaphore_mem>>) src(%arg7 : memref<128x64xf32, #tpu.memory_space<vmem>>) dst(%dma_wait3A_1199 : memref<10240x64xf32, #tpu.memory_space<vmem_shared>>)
        } else {
        }
        %mul3A_1152 = arith.constant 8 : i32
        %mul3A_1153 = arith.muli %scan3A_21, %mul3A_1152 : i32
        %add3A_1154 = arith.constant 5 : i32
        %add3A_1155 = arith.addi %mul3A_1153, %add3A_1154 : i32
        %lt3A_1156 = arith.constant 80 : i32
        %lt3A_1157 = arith.cmpi slt, %add3A_1155, %lt3A_1156 : i32
        %add3A_1158 = arith.constant 5 : i32
        %add3A_1159 = arith.addi %add3A_24, %add3A_1158 : i32
        %lt3A_1160 = arith.constant 1250 : i32
        %lt3A_1161 = arith.cmpi slt, %add3A_1159, %lt3A_1160 : i32
        %and3A_1162 = arith.andi %lt3A_1157, %lt3A_1161 : i1
        %convert_element_type3A_1163 = arith.extui %and3A_1162 : i1 to i32
        %cond3A_1164 = arith.constant 0 : i32
        %cond3A_1165 = arith.cmpi ne, %convert_element_type3A_1163, %cond3A_1164 : i32
        scf.if %cond3A_1165 {
          %dma_wait3A = arith.constant 5 : i32
          %dma_wait3A_1194 = arith.constant 0 : i32
          %dma_wait3A_1195 = tpu.memref_slice %arg12[%dma_wait3A, %dma_wait3A_1194] : memref<8x128xi32, #tpu.memory_space<vmem>> -> memref<1x128xi32, #tpu.memory_space<vmem>>
          %dma_wait3A_1196 = tpu.memref_squeeze %dma_wait3A_1195 : memref<1x128xi32, #tpu.memory_space<vmem>> -> memref<128xi32, #tpu.memory_space<vmem>>
          %dma_wait3A_1197 = arith.constant 0 : i32
          %dma_wait3A_1198 = arith.constant 0 : i32
          %dma_wait3A_1199 = tpu.memref_slice %arg6[%dma_wait3A_1197, %dma_wait3A_1198] : memref<10240x64xf32, #tpu.memory_space<vmem_shared>> -> memref<10240x64xf32, #tpu.memory_space<vmem_shared>>
          tpu.wait_indirect_dma semaphore(%arg18 : memref<!tpu.dma_semaphore, #tpu.memory_space<semaphore_mem>>) src(%arg8 : memref<128x64xf32, #tpu.memory_space<vmem>>) dst(%dma_wait3A_1199 : memref<10240x64xf32, #tpu.memory_space<vmem_shared>>)
        } else {
        }
        %mul3A_1166 = arith.constant 8 : i32
        %mul3A_1167 = arith.muli %scan3A_21, %mul3A_1166 : i32
        %add3A_1168 = arith.constant 6 : i32
        %add3A_1169 = arith.addi %mul3A_1167, %add3A_1168 : i32
        %lt3A_1170 = arith.constant 80 : i32
        %lt3A_1171 = arith.cmpi slt, %add3A_1169, %lt3A_1170 : i32
        %add3A_1172 = arith.constant 6 : i32
        %add3A_1173 = arith.addi %add3A_24, %add3A_1172 : i32
        %lt3A_1174 = arith.constant 1250 : i32
        %lt3A_1175 = arith.cmpi slt, %add3A_1173, %lt3A_1174 : i32
        %and3A_1176 = arith.andi %lt3A_1171, %lt3A_1175 : i1
        %convert_element_type3A_1177 = arith.extui %and3A_1176 : i1 to i32
        %cond3A_1178 = arith.constant 0 : i32
        %cond3A_1179 = arith.cmpi ne, %convert_element_type3A_1177, %cond3A_1178 : i32
        scf.if %cond3A_1179 {
          %dma_wait3A = arith.constant 6 : i32
          %dma_wait3A_1194 = arith.constant 0 : i32
          %dma_wait3A_1195 = tpu.memref_slice %arg12[%dma_wait3A, %dma_wait3A_1194] : memref<8x128xi32, #tpu.memory_space<vmem>> -> memref<1x128xi32, #tpu.memory_space<vmem>>
          %dma_wait3A_1196 = tpu.memref_squeeze %dma_wait3A_1195 : memref<1x128xi32, #tpu.memory_space<vmem>> -> memref<128xi32, #tpu.memory_space<vmem>>
          %dma_wait3A_1197 = arith.constant 0 : i32
          %dma_wait3A_1198 = arith.constant 0 : i32
          %dma_wait3A_1199 = tpu.memref_slice %arg6[%dma_wait3A_1197, %dma_wait3A_1198] : memref<10240x64xf32, #tpu.memory_space<vmem_shared>> -> memref<10240x64xf32, #tpu.memory_space<vmem_shared>>
          tpu.wait_indirect_dma semaphore(%arg19 : memref<!tpu.dma_semaphore, #tpu.memory_space<semaphore_mem>>) src(%arg9 : memref<128x64xf32, #tpu.memory_space<vmem>>) dst(%dma_wait3A_1199 : memref<10240x64xf32, #tpu.memory_space<vmem_shared>>)
        } else {
        }
        %mul3A_1180 = arith.constant 8 : i32
        %mul3A_1181 = arith.muli %scan3A_21, %mul3A_1180 : i32
        %add3A_1182 = arith.constant 7 : i32
        %add3A_1183 = arith.addi %mul3A_1181, %add3A_1182 : i32
        %lt3A_1184 = arith.constant 80 : i32
        %lt3A_1185 = arith.cmpi slt, %add3A_1183, %lt3A_1184 : i32
        %add3A_1186 = arith.constant 7 : i32
        %add3A_1187 = arith.addi %add3A_24, %add3A_1186 : i32
        %lt3A_1188 = arith.constant 1250 : i32
        %lt3A_1189 = arith.cmpi slt, %add3A_1187, %lt3A_1188 : i32
        %and3A_1190 = arith.andi %lt3A_1185, %lt3A_1189 : i1
        %convert_element_type3A_1191 = arith.extui %and3A_1190 : i1 to i32
        %cond3A_1192 = arith.constant 0 : i32
        %cond3A_1193 = arith.cmpi ne, %convert_element_type3A_1191, %cond3A_1192 : i32
        scf.if %cond3A_1193 {
          %dma_wait3A = arith.constant 7 : i32
          %dma_wait3A_1194 = arith.constant 0 : i32
          %dma_wait3A_1195 = tpu.memref_slice %arg12[%dma_wait3A, %dma_wait3A_1194] : memref<8x128xi32, #tpu.memory_space<vmem>> -> memref<1x128xi32, #tpu.memory_space<vmem>>
          %dma_wait3A_1196 = tpu.memref_squeeze %dma_wait3A_1195 : memref<1x128xi32, #tpu.memory_space<vmem>> -> memref<128xi32, #tpu.memory_space<vmem>>
          %dma_wait3A_1197 = arith.constant 0 : i32
          %dma_wait3A_1198 = arith.constant 0 : i32
          %dma_wait3A_1199 = tpu.memref_slice %arg6[%dma_wait3A_1197, %dma_wait3A_1198] : memref<10240x64xf32, #tpu.memory_space<vmem_shared>> -> memref<10240x64xf32, #tpu.memory_space<vmem_shared>>
          tpu.wait_indirect_dma semaphore(%arg20 : memref<!tpu.dma_semaphore, #tpu.memory_space<semaphore_mem>>) src(%arg10 : memref<128x64xf32, #tpu.memory_space<vmem>>) dst(%dma_wait3A_1199 : memref<10240x64xf32, #tpu.memory_space<vmem_shared>>)
        } else {
        }
      } else {
      }
    }
    %scan3A_18 = arith.constant 10 : i32
    %barrier3A_19 = arith.constant 0 : index
    tpu.barrier barrier_id(%barrier3A_19)
    %add3A_20 = arith.addi %mul3A_11, %mul3A_0 : i32
    "tpu.region"() ({
      %run_scoped3A = tpu.sem_alloc : memref<!tpu.dma_semaphore, #tpu.memory_space<semaphore_mem>>
      %dma_start3A = arith.constant 0 : i32
      %dma_start3A_21 = tpu.memref_slice %arg5[%add3A_20, %dma_start3A] : memref<20480x64xf32, #tpu.memory_space<hbm>> -> memref<640x64xf32, #tpu.memory_space<hbm>>
      %dma_start3A_22 = arith.constant 0 : i32
      %dma_start3A_23 = tpu.memref_slice %arg6[%mul3A_0, %dma_start3A_22] : memref<10240x64xf32, #tpu.memory_space<vmem_shared>> -> memref<640x64xf32, #tpu.memory_space<vmem_shared>>
      tpu.enqueue_dma source(%dma_start3A_23 : memref<640x64xf32, #tpu.memory_space<vmem_shared>>) target(%dma_start3A_21 : memref<640x64xf32, #tpu.memory_space<hbm>>) target_semaphore(%run_scoped3A : memref<!tpu.dma_semaphore, #tpu.memory_space<semaphore_mem>>)
      %dma_wait3A = arith.constant 0 : i32
      %dma_wait3A_24 = tpu.memref_slice %arg5[%add3A_20, %dma_wait3A] : memref<20480x64xf32, #tpu.memory_space<hbm>> -> memref<640x64xf32, #tpu.memory_space<hbm>>
      %dma_wait3A_25 = arith.constant 0 : i32
      %dma_wait3A_26 = tpu.memref_slice %arg6[%mul3A_0, %dma_wait3A_25] : memref<10240x64xf32, #tpu.memory_space<vmem_shared>> -> memref<640x64xf32, #tpu.memory_space<vmem_shared>>
      tpu.wait_dma2 semaphore(%run_scoped3A : memref<!tpu.dma_semaphore, #tpu.memory_space<semaphore_mem>>) src(%dma_wait3A_26 : memref<640x64xf32, #tpu.memory_space<vmem_shared>>) dst(%dma_wait3A_24 : memref<640x64xf32, #tpu.memory_space<hbm>>)
      tpu.yield
    }) : () -> ()
    return
  }
}

#map = affine_map<(d0, d1) -> (0, 0)>
module attributes {stable_mosaic.version = 14 : i64} {
  func.func @_deg_body(%arg0: i32, %arg1: i32, %arg2: memref<5024x128xi32, #tpu.memory_space<hbm>>, %arg3: memref<128x16xf32, #tpu.memory_space<hbm>>, %arg4: memref<10240x16xf32, #tpu.memory_space<hbm>>, %arg5: memref<40960x16xf32, #tpu.memory_space<hbm>>, %arg6: memref<10240x16xf32, #tpu.memory_space<vmem_shared>>, %arg7: memref<10240x16xf32, #tpu.memory_space<vmem_shared>>, %arg8: memref<128x16xf32, #tpu.memory_space<vmem>>, %arg9: memref<8x128xi32, #tpu.memory_space<vmem>>, %arg10: memref<8x128xi32, #tpu.memory_space<vmem>>, %arg11: memref<!tpu.dma_semaphore, #tpu.memory_space<semaphore_mem>>, %arg12: memref<!tpu.dma_semaphore, #tpu.memory_space<semaphore_mem>>) attributes {dimension_semantics = [#tpu.dimension_semantics<core_parallel>, #tpu.dimension_semantics<subcore_parallel>], iteration_bounds = array<i64: 2, 16>, scalar_prefetch = 0 : i64, scratch_operands = 7 : i64, tpu.core_type = #tpu.core_type<sc_vector_subcore>, window_params = [{transform_indices = #map}, {transform_indices = #map}, {transform_indices = #map}, {transform_indices = #map}]} {
    %mul3A = arith.constant 640 : i32
    %mul3A_0 = arith.muli %arg1, %mul3A : i32
    "tpu.region"() ({
      %run_scoped3A = tpu.sem_alloc : memref<!tpu.dma_semaphore, #tpu.memory_space<semaphore_mem>>
      %dma_start3A = arith.constant 0 : i32
      %dma_start3A_30 = tpu.memref_slice %arg6[%mul3A_0, %dma_start3A] : memref<10240x16xf32, #tpu.memory_space<vmem_shared>> -> memref<640x16xf32, #tpu.memory_space<vmem_shared>>
      %dma_start3A_31 = arith.constant 0 : i32
      %dma_start3A_32 = tpu.memref_slice %arg4[%mul3A_0, %dma_start3A_31] : memref<10240x16xf32, #tpu.memory_space<hbm>> -> memref<640x16xf32, #tpu.memory_space<hbm>>
      tpu.enqueue_dma source(%dma_start3A_32 : memref<640x16xf32, #tpu.memory_space<hbm>>) target(%dma_start3A_30 : memref<640x16xf32, #tpu.memory_space<vmem_shared>>) target_semaphore(%run_scoped3A : memref<!tpu.dma_semaphore, #tpu.memory_space<semaphore_mem>>)
      %dma_wait3A = arith.constant 0 : i32
      %dma_wait3A_33 = tpu.memref_slice %arg6[%mul3A_0, %dma_wait3A] : memref<10240x16xf32, #tpu.memory_space<vmem_shared>> -> memref<640x16xf32, #tpu.memory_space<vmem_shared>>
      %dma_wait3A_34 = arith.constant 0 : i32
      %dma_wait3A_35 = tpu.memref_slice %arg4[%mul3A_0, %dma_wait3A_34] : memref<10240x16xf32, #tpu.memory_space<hbm>> -> memref<640x16xf32, #tpu.memory_space<hbm>>
      tpu.wait_dma2 semaphore(%run_scoped3A : memref<!tpu.dma_semaphore, #tpu.memory_space<semaphore_mem>>) src(%dma_wait3A_35 : memref<640x16xf32, #tpu.memory_space<hbm>>) dst(%dma_wait3A_33 : memref<640x16xf32, #tpu.memory_space<vmem_shared>>)
      tpu.yield
    }) : () -> ()
    "tpu.region"() ({
      %run_scoped3A = tpu.sem_alloc : memref<!tpu.dma_semaphore, #tpu.memory_space<semaphore_mem>>
      %dma_start3A = arith.constant 0 : i32
      %dma_start3A_30 = tpu.memref_slice %arg7[%mul3A_0, %dma_start3A] : memref<10240x16xf32, #tpu.memory_space<vmem_shared>> -> memref<640x16xf32, #tpu.memory_space<vmem_shared>>
      %dma_start3A_31 = arith.constant 0 : i32
      %dma_start3A_32 = tpu.memref_slice %arg4[%mul3A_0, %dma_start3A_31] : memref<10240x16xf32, #tpu.memory_space<hbm>> -> memref<640x16xf32, #tpu.memory_space<hbm>>
      tpu.enqueue_dma source(%dma_start3A_32 : memref<640x16xf32, #tpu.memory_space<hbm>>) target(%dma_start3A_30 : memref<640x16xf32, #tpu.memory_space<vmem_shared>>) target_semaphore(%run_scoped3A : memref<!tpu.dma_semaphore, #tpu.memory_space<semaphore_mem>>)
      %dma_wait3A = arith.constant 0 : i32
      %dma_wait3A_33 = tpu.memref_slice %arg7[%mul3A_0, %dma_wait3A] : memref<10240x16xf32, #tpu.memory_space<vmem_shared>> -> memref<640x16xf32, #tpu.memory_space<vmem_shared>>
      %dma_wait3A_34 = arith.constant 0 : i32
      %dma_wait3A_35 = tpu.memref_slice %arg4[%mul3A_0, %dma_wait3A_34] : memref<10240x16xf32, #tpu.memory_space<hbm>> -> memref<640x16xf32, #tpu.memory_space<hbm>>
      tpu.wait_dma2 semaphore(%run_scoped3A : memref<!tpu.dma_semaphore, #tpu.memory_space<semaphore_mem>>) src(%dma_wait3A_35 : memref<640x16xf32, #tpu.memory_space<hbm>>) dst(%dma_wait3A_33 : memref<640x16xf32, #tpu.memory_space<vmem_shared>>)
      tpu.yield
    }) : () -> ()
    "tpu.region"() ({
      %run_scoped3A = tpu.sem_alloc : memref<!tpu.dma_semaphore, #tpu.memory_space<semaphore_mem>>
      tpu.enqueue_dma source(%arg3 : memref<128x16xf32, #tpu.memory_space<hbm>>) target(%arg8 : memref<128x16xf32, #tpu.memory_space<vmem>>) target_semaphore(%run_scoped3A : memref<!tpu.dma_semaphore, #tpu.memory_space<semaphore_mem>>)
      tpu.wait_dma2 semaphore(%run_scoped3A : memref<!tpu.dma_semaphore, #tpu.memory_space<semaphore_mem>>) src(%arg3 : memref<128x16xf32, #tpu.memory_space<hbm>>) dst(%arg8 : memref<128x16xf32, #tpu.memory_space<vmem>>)
      tpu.yield
    }) : () -> ()
    %barrier3A = arith.constant 0 : index
    tpu.barrier barrier_id(%barrier3A)
    %mul3A_1 = arith.constant 80 : i32
    %mul3A_2 = arith.muli %arg1, %mul3A_1 : i32
    %mul3A_3 = arith.constant 2 : i32
    %mul3A_4 = arith.muli %mul3A_3, %arg0 : i32
    %mul3A_5 = arith.constant 1256 : i32
    %mul3A_6 = arith.muli %mul3A_4, %mul3A_5 : i32
    %mul3A_7 = arith.constant 2 : i32
    %mul3A_8 = arith.muli %mul3A_7, %arg0 : i32
    %add3A = arith.constant 1 : i32
    %add3A_9 = arith.addi %mul3A_8, %add3A : i32
    %mul3A_10 = arith.constant 1256 : i32
    %mul3A_11 = arith.muli %add3A_9, %mul3A_10 : i32
    %scan3A = arith.constant 0 : i32
    %scan3A_12 = arith.constant 0 : i32
    %scan3A_13 = arith.constant 10 : i32
    %scan3A_14 = arith.addi %scan3A_12, %scan3A_13 : i32
    %scan3A_15 = arith.constant 1 : i32
    scf.for %scan3A_30 = %scan3A_12 to %scan3A_14 step %scan3A_15  : i32 {
      %mul3A_31 = arith.constant 8 : i32
      %mul3A_32 = arith.muli %scan3A_30, %mul3A_31 : i32
      %add3A_33 = arith.addi %mul3A_2, %mul3A_32 : i32
      %lt3A = arith.constant 1250 : i32
      %lt3A_34 = arith.cmpi slt, %add3A_33, %lt3A : i32
      %convert_element_type3A = arith.extui %lt3A_34 : i1 to i32
      %cond3A = arith.constant 0 : i32
      %cond3A_35 = arith.cmpi ne, %convert_element_type3A, %cond3A : i32
      scf.if %cond3A_35 {
        %add3A_36 = arith.addi %mul3A_6, %add3A_33 : i32
        "tpu.region"() ({
          %run_scoped3A = tpu.sem_alloc : memref<!tpu.dma_semaphore, #tpu.memory_space<semaphore_mem>>
          %dma_start3A = arith.constant 0 : i32
          %dma_start3A_261 = tpu.memref_slice %arg2[%add3A_36, %dma_start3A] : memref<5024x128xi32, #tpu.memory_space<hbm>> -> memref<8x128xi32, #tpu.memory_space<hbm>>
          %dma_start3A_262 = arith.constant 0 : i32
          %dma_start3A_263 = tpu.memref_slice %arg2[%add3A_36, %dma_start3A_262] : memref<5024x128xi32, #tpu.memory_space<hbm>> -> memref<8x128xi32, #tpu.memory_space<hbm>>
          tpu.enqueue_dma source(%dma_start3A_263 : memref<8x128xi32, #tpu.memory_space<hbm>>) target(%arg9 : memref<8x128xi32, #tpu.memory_space<vmem>>) target_semaphore(%run_scoped3A : memref<!tpu.dma_semaphore, #tpu.memory_space<semaphore_mem>>)
          %dma_wait3A = arith.constant 0 : i32
          %dma_wait3A_264 = tpu.memref_slice %arg2[%add3A_36, %dma_wait3A] : memref<5024x128xi32, #tpu.memory_space<hbm>> -> memref<8x128xi32, #tpu.memory_space<hbm>>
          %dma_wait3A_265 = arith.constant 0 : i32
          %dma_wait3A_266 = tpu.memref_slice %arg2[%add3A_36, %dma_wait3A_265] : memref<5024x128xi32, #tpu.memory_space<hbm>> -> memref<8x128xi32, #tpu.memory_space<hbm>>
          tpu.wait_dma2 semaphore(%run_scoped3A : memref<!tpu.dma_semaphore, #tpu.memory_space<semaphore_mem>>) src(%dma_wait3A_266 : memref<8x128xi32, #tpu.memory_space<hbm>>) dst(%arg9 : memref<8x128xi32, #tpu.memory_space<vmem>>)
          tpu.yield
        }) : () -> ()
        %add3A_37 = arith.addi %mul3A_11, %add3A_33 : i32
        "tpu.region"() ({
          %run_scoped3A = tpu.sem_alloc : memref<!tpu.dma_semaphore, #tpu.memory_space<semaphore_mem>>
          %dma_start3A = arith.constant 0 : i32
          %dma_start3A_261 = tpu.memref_slice %arg2[%add3A_37, %dma_start3A] : memref<5024x128xi32, #tpu.memory_space<hbm>> -> memref<8x128xi32, #tpu.memory_space<hbm>>
          %dma_start3A_262 = arith.constant 0 : i32
          %dma_start3A_263 = tpu.memref_slice %arg2[%add3A_37, %dma_start3A_262] : memref<5024x128xi32, #tpu.memory_space<hbm>> -> memref<8x128xi32, #tpu.memory_space<hbm>>
          tpu.enqueue_dma source(%dma_start3A_263 : memref<8x128xi32, #tpu.memory_space<hbm>>) target(%arg10 : memref<8x128xi32, #tpu.memory_space<vmem>>) target_semaphore(%run_scoped3A : memref<!tpu.dma_semaphore, #tpu.memory_space<semaphore_mem>>)
          %dma_wait3A = arith.constant 0 : i32
          %dma_wait3A_264 = tpu.memref_slice %arg2[%add3A_37, %dma_wait3A] : memref<5024x128xi32, #tpu.memory_space<hbm>> -> memref<8x128xi32, #tpu.memory_space<hbm>>
          %dma_wait3A_265 = arith.constant 0 : i32
          %dma_wait3A_266 = tpu.memref_slice %arg2[%add3A_37, %dma_wait3A_265] : memref<5024x128xi32, #tpu.memory_space<hbm>> -> memref<8x128xi32, #tpu.memory_space<hbm>>
          tpu.wait_dma2 semaphore(%run_scoped3A : memref<!tpu.dma_semaphore, #tpu.memory_space<semaphore_mem>>) src(%dma_wait3A_266 : memref<8x128xi32, #tpu.memory_space<hbm>>) dst(%arg10 : memref<8x128xi32, #tpu.memory_space<vmem>>)
          tpu.yield
        }) : () -> ()
        %mul3A_38 = arith.constant 8 : i32
        %mul3A_39 = arith.muli %scan3A_30, %mul3A_38 : i32
        %add3A_40 = arith.constant 0 : i32
        %add3A_41 = arith.addi %mul3A_39, %add3A_40 : i32
        %lt3A_42 = arith.constant 80 : i32
        %lt3A_43 = arith.cmpi slt, %add3A_41, %lt3A_42 : i32
        %add3A_44 = arith.constant 0 : i32
        %add3A_45 = arith.addi %add3A_33, %add3A_44 : i32
        %lt3A_46 = arith.constant 1250 : i32
        %lt3A_47 = arith.cmpi slt, %add3A_45, %lt3A_46 : i32
        %and3A = arith.andi %lt3A_43, %lt3A_47 : i1
        %convert_element_type3A_48 = arith.extui %and3A : i1 to i32
        %cond3A_49 = arith.constant 0 : i32
        %cond3A_50 = arith.cmpi ne, %convert_element_type3A_48, %cond3A_49 : i32
        scf.if %cond3A_50 {
          %dma_start3A = arith.constant 0 : i32
          %dma_start3A_261 = arith.constant 0 : i32
          %dma_start3A_262 = tpu.memref_slice %arg9[%dma_start3A, %dma_start3A_261] : memref<8x128xi32, #tpu.memory_space<vmem>> -> memref<1x128xi32, #tpu.memory_space<vmem>>
          %dma_start3A_263 = tpu.memref_squeeze %dma_start3A_262 : memref<1x128xi32, #tpu.memory_space<vmem>> -> memref<128xi32, #tpu.memory_space<vmem>>
          %dma_start3A_264 = arith.constant 0 : i32
          %dma_start3A_265 = arith.constant 0 : i32
          %dma_start3A_266 = tpu.memref_slice %arg6[%dma_start3A_264, %dma_start3A_265] : memref<10240x16xf32, #tpu.memory_space<vmem_shared>> -> memref<10240x16xf32, #tpu.memory_space<vmem_shared>>
          tpu.enqueue_indirect_dma source(%arg8 : memref<128x16xf32, #tpu.memory_space<vmem>>) target(%dma_start3A_266 : memref<10240x16xf32, #tpu.memory_space<vmem_shared>>) offsets(%dma_start3A_263 : memref<128xi32, #tpu.memory_space<vmem>>) semaphore(%arg11 : memref<!tpu.dma_semaphore, #tpu.memory_space<semaphore_mem>>) {add = true}
          %dma_start3A_267 = arith.constant 0 : i32
          %dma_start3A_268 = arith.constant 0 : i32
          %dma_start3A_269 = tpu.memref_slice %arg10[%dma_start3A_267, %dma_start3A_268] : memref<8x128xi32, #tpu.memory_space<vmem>> -> memref<1x128xi32, #tpu.memory_space<vmem>>
          %dma_start3A_270 = tpu.memref_squeeze %dma_start3A_269 : memref<1x128xi32, #tpu.memory_space<vmem>> -> memref<128xi32, #tpu.memory_space<vmem>>
          %dma_start3A_271 = arith.constant 0 : i32
          %dma_start3A_272 = arith.constant 0 : i32
          %dma_start3A_273 = tpu.memref_slice %arg7[%dma_start3A_271, %dma_start3A_272] : memref<10240x16xf32, #tpu.memory_space<vmem_shared>> -> memref<10240x16xf32, #tpu.memory_space<vmem_shared>>
          tpu.enqueue_indirect_dma source(%arg8 : memref<128x16xf32, #tpu.memory_space<vmem>>) target(%dma_start3A_273 : memref<10240x16xf32, #tpu.memory_space<vmem_shared>>) offsets(%dma_start3A_270 : memref<128xi32, #tpu.memory_space<vmem>>) semaphore(%arg12 : memref<!tpu.dma_semaphore, #tpu.memory_space<semaphore_mem>>) {add = true}
        } else {
        }
        %mul3A_51 = arith.constant 8 : i32
        %mul3A_52 = arith.muli %scan3A_30, %mul3A_51 : i32
        %add3A_53 = arith.constant 1 : i32
        %add3A_54 = arith.addi %mul3A_52, %add3A_53 : i32
        %lt3A_55 = arith.constant 80 : i32
        %lt3A_56 = arith.cmpi slt, %add3A_54, %lt3A_55 : i32
        %add3A_57 = arith.constant 1 : i32
        %add3A_58 = arith.addi %add3A_33, %add3A_57 : i32
        %lt3A_59 = arith.constant 1250 : i32
        %lt3A_60 = arith.cmpi slt, %add3A_58, %lt3A_59 : i32
        %and3A_61 = arith.andi %lt3A_56, %lt3A_60 : i1
        %convert_element_type3A_62 = arith.extui %and3A_61 : i1 to i32
        %cond3A_63 = arith.constant 0 : i32
        %cond3A_64 = arith.cmpi ne, %convert_element_type3A_62, %cond3A_63 : i32
        scf.if %cond3A_64 {
          %dma_start3A = arith.constant 1 : i32
          %dma_start3A_261 = arith.constant 0 : i32
          %dma_start3A_262 = tpu.memref_slice %arg9[%dma_start3A, %dma_start3A_261] : memref<8x128xi32, #tpu.memory_space<vmem>> -> memref<1x128xi32, #tpu.memory_space<vmem>>
          %dma_start3A_263 = tpu.memref_squeeze %dma_start3A_262 : memref<1x128xi32, #tpu.memory_space<vmem>> -> memref<128xi32, #tpu.memory_space<vmem>>
          %dma_start3A_264 = arith.constant 0 : i32
          %dma_start3A_265 = arith.constant 0 : i32
          %dma_start3A_266 = tpu.memref_slice %arg6[%dma_start3A_264, %dma_start3A_265] : memref<10240x16xf32, #tpu.memory_space<vmem_shared>> -> memref<10240x16xf32, #tpu.memory_space<vmem_shared>>
          tpu.enqueue_indirect_dma source(%arg8 : memref<128x16xf32, #tpu.memory_space<vmem>>) target(%dma_start3A_266 : memref<10240x16xf32, #tpu.memory_space<vmem_shared>>) offsets(%dma_start3A_263 : memref<128xi32, #tpu.memory_space<vmem>>) semaphore(%arg11 : memref<!tpu.dma_semaphore, #tpu.memory_space<semaphore_mem>>) {add = true}
          %dma_start3A_267 = arith.constant 1 : i32
          %dma_start3A_268 = arith.constant 0 : i32
          %dma_start3A_269 = tpu.memref_slice %arg10[%dma_start3A_267, %dma_start3A_268] : memref<8x128xi32, #tpu.memory_space<vmem>> -> memref<1x128xi32, #tpu.memory_space<vmem>>
          %dma_start3A_270 = tpu.memref_squeeze %dma_start3A_269 : memref<1x128xi32, #tpu.memory_space<vmem>> -> memref<128xi32, #tpu.memory_space<vmem>>
          %dma_start3A_271 = arith.constant 0 : i32
          %dma_start3A_272 = arith.constant 0 : i32
          %dma_start3A_273 = tpu.memref_slice %arg7[%dma_start3A_271, %dma_start3A_272] : memref<10240x16xf32, #tpu.memory_space<vmem_shared>> -> memref<10240x16xf32, #tpu.memory_space<vmem_shared>>
          tpu.enqueue_indirect_dma source(%arg8 : memref<128x16xf32, #tpu.memory_space<vmem>>) target(%dma_start3A_273 : memref<10240x16xf32, #tpu.memory_space<vmem_shared>>) offsets(%dma_start3A_270 : memref<128xi32, #tpu.memory_space<vmem>>) semaphore(%arg12 : memref<!tpu.dma_semaphore, #tpu.memory_space<semaphore_mem>>) {add = true}
        } else {
        }
        %mul3A_65 = arith.constant 8 : i32
        %mul3A_66 = arith.muli %scan3A_30, %mul3A_65 : i32
        %add3A_67 = arith.constant 2 : i32
        %add3A_68 = arith.addi %mul3A_66, %add3A_67 : i32
        %lt3A_69 = arith.constant 80 : i32
        %lt3A_70 = arith.cmpi slt, %add3A_68, %lt3A_69 : i32
        %add3A_71 = arith.constant 2 : i32
        %add3A_72 = arith.addi %add3A_33, %add3A_71 : i32
        %lt3A_73 = arith.constant 1250 : i32
        %lt3A_74 = arith.cmpi slt, %add3A_72, %lt3A_73 : i32
        %and3A_75 = arith.andi %lt3A_70, %lt3A_74 : i1
        %convert_element_type3A_76 = arith.extui %and3A_75 : i1 to i32
        %cond3A_77 = arith.constant 0 : i32
        %cond3A_78 = arith.cmpi ne, %convert_element_type3A_76, %cond3A_77 : i32
        scf.if %cond3A_78 {
          %dma_start3A = arith.constant 2 : i32
          %dma_start3A_261 = arith.constant 0 : i32
          %dma_start3A_262 = tpu.memref_slice %arg9[%dma_start3A, %dma_start3A_261] : memref<8x128xi32, #tpu.memory_space<vmem>> -> memref<1x128xi32, #tpu.memory_space<vmem>>
          %dma_start3A_263 = tpu.memref_squeeze %dma_start3A_262 : memref<1x128xi32, #tpu.memory_space<vmem>> -> memref<128xi32, #tpu.memory_space<vmem>>
          %dma_start3A_264 = arith.constant 0 : i32
          %dma_start3A_265 = arith.constant 0 : i32
          %dma_start3A_266 = tpu.memref_slice %arg6[%dma_start3A_264, %dma_start3A_265] : memref<10240x16xf32, #tpu.memory_space<vmem_shared>> -> memref<10240x16xf32, #tpu.memory_space<vmem_shared>>
          tpu.enqueue_indirect_dma source(%arg8 : memref<128x16xf32, #tpu.memory_space<vmem>>) target(%dma_start3A_266 : memref<10240x16xf32, #tpu.memory_space<vmem_shared>>) offsets(%dma_start3A_263 : memref<128xi32, #tpu.memory_space<vmem>>) semaphore(%arg11 : memref<!tpu.dma_semaphore, #tpu.memory_space<semaphore_mem>>) {add = true}
          %dma_start3A_267 = arith.constant 2 : i32
          %dma_start3A_268 = arith.constant 0 : i32
          %dma_start3A_269 = tpu.memref_slice %arg10[%dma_start3A_267, %dma_start3A_268] : memref<8x128xi32, #tpu.memory_space<vmem>> -> memref<1x128xi32, #tpu.memory_space<vmem>>
          %dma_start3A_270 = tpu.memref_squeeze %dma_start3A_269 : memref<1x128xi32, #tpu.memory_space<vmem>> -> memref<128xi32, #tpu.memory_space<vmem>>
          %dma_start3A_271 = arith.constant 0 : i32
          %dma_start3A_272 = arith.constant 0 : i32
          %dma_start3A_273 = tpu.memref_slice %arg7[%dma_start3A_271, %dma_start3A_272] : memref<10240x16xf32, #tpu.memory_space<vmem_shared>> -> memref<10240x16xf32, #tpu.memory_space<vmem_shared>>
          tpu.enqueue_indirect_dma source(%arg8 : memref<128x16xf32, #tpu.memory_space<vmem>>) target(%dma_start3A_273 : memref<10240x16xf32, #tpu.memory_space<vmem_shared>>) offsets(%dma_start3A_270 : memref<128xi32, #tpu.memory_space<vmem>>) semaphore(%arg12 : memref<!tpu.dma_semaphore, #tpu.memory_space<semaphore_mem>>) {add = true}
        } else {
        }
        %mul3A_79 = arith.constant 8 : i32
        %mul3A_80 = arith.muli %scan3A_30, %mul3A_79 : i32
        %add3A_81 = arith.constant 3 : i32
        %add3A_82 = arith.addi %mul3A_80, %add3A_81 : i32
        %lt3A_83 = arith.constant 80 : i32
        %lt3A_84 = arith.cmpi slt, %add3A_82, %lt3A_83 : i32
        %add3A_85 = arith.constant 3 : i32
        %add3A_86 = arith.addi %add3A_33, %add3A_85 : i32
        %lt3A_87 = arith.constant 1250 : i32
        %lt3A_88 = arith.cmpi slt, %add3A_86, %lt3A_87 : i32
        %and3A_89 = arith.andi %lt3A_84, %lt3A_88 : i1
        %convert_element_type3A_90 = arith.extui %and3A_89 : i1 to i32
        %cond3A_91 = arith.constant 0 : i32
        %cond3A_92 = arith.cmpi ne, %convert_element_type3A_90, %cond3A_91 : i32
        scf.if %cond3A_92 {
          %dma_start3A = arith.constant 3 : i32
          %dma_start3A_261 = arith.constant 0 : i32
          %dma_start3A_262 = tpu.memref_slice %arg9[%dma_start3A, %dma_start3A_261] : memref<8x128xi32, #tpu.memory_space<vmem>> -> memref<1x128xi32, #tpu.memory_space<vmem>>
          %dma_start3A_263 = tpu.memref_squeeze %dma_start3A_262 : memref<1x128xi32, #tpu.memory_space<vmem>> -> memref<128xi32, #tpu.memory_space<vmem>>
          %dma_start3A_264 = arith.constant 0 : i32
          %dma_start3A_265 = arith.constant 0 : i32
          %dma_start3A_266 = tpu.memref_slice %arg6[%dma_start3A_264, %dma_start3A_265] : memref<10240x16xf32, #tpu.memory_space<vmem_shared>> -> memref<10240x16xf32, #tpu.memory_space<vmem_shared>>
          tpu.enqueue_indirect_dma source(%arg8 : memref<128x16xf32, #tpu.memory_space<vmem>>) target(%dma_start3A_266 : memref<10240x16xf32, #tpu.memory_space<vmem_shared>>) offsets(%dma_start3A_263 : memref<128xi32, #tpu.memory_space<vmem>>) semaphore(%arg11 : memref<!tpu.dma_semaphore, #tpu.memory_space<semaphore_mem>>) {add = true}
          %dma_start3A_267 = arith.constant 3 : i32
          %dma_start3A_268 = arith.constant 0 : i32
          %dma_start3A_269 = tpu.memref_slice %arg10[%dma_start3A_267, %dma_start3A_268] : memref<8x128xi32, #tpu.memory_space<vmem>> -> memref<1x128xi32, #tpu.memory_space<vmem>>
          %dma_start3A_270 = tpu.memref_squeeze %dma_start3A_269 : memref<1x128xi32, #tpu.memory_space<vmem>> -> memref<128xi32, #tpu.memory_space<vmem>>
          %dma_start3A_271 = arith.constant 0 : i32
          %dma_start3A_272 = arith.constant 0 : i32
          %dma_start3A_273 = tpu.memref_slice %arg7[%dma_start3A_271, %dma_start3A_272] : memref<10240x16xf32, #tpu.memory_space<vmem_shared>> -> memref<10240x16xf32, #tpu.memory_space<vmem_shared>>
          tpu.enqueue_indirect_dma source(%arg8 : memref<128x16xf32, #tpu.memory_space<vmem>>) target(%dma_start3A_273 : memref<10240x16xf32, #tpu.memory_space<vmem_shared>>) offsets(%dma_start3A_270 : memref<128xi32, #tpu.memory_space<vmem>>) semaphore(%arg12 : memref<!tpu.dma_semaphore, #tpu.memory_space<semaphore_mem>>) {add = true}
        } else {
        }
        %mul3A_93 = arith.constant 8 : i32
        %mul3A_94 = arith.muli %scan3A_30, %mul3A_93 : i32
        %add3A_95 = arith.constant 4 : i32
        %add3A_96 = arith.addi %mul3A_94, %add3A_95 : i32
        %lt3A_97 = arith.constant 80 : i32
        %lt3A_98 = arith.cmpi slt, %add3A_96, %lt3A_97 : i32
        %add3A_99 = arith.constant 4 : i32
        %add3A_100 = arith.addi %add3A_33, %add3A_99 : i32
        %lt3A_101 = arith.constant 1250 : i32
        %lt3A_102 = arith.cmpi slt, %add3A_100, %lt3A_101 : i32
        %and3A_103 = arith.andi %lt3A_98, %lt3A_102 : i1
        %convert_element_type3A_104 = arith.extui %and3A_103 : i1 to i32
        %cond3A_105 = arith.constant 0 : i32
        %cond3A_106 = arith.cmpi ne, %convert_element_type3A_104, %cond3A_105 : i32
        scf.if %cond3A_106 {
          %dma_start3A = arith.constant 4 : i32
          %dma_start3A_261 = arith.constant 0 : i32
          %dma_start3A_262 = tpu.memref_slice %arg9[%dma_start3A, %dma_start3A_261] : memref<8x128xi32, #tpu.memory_space<vmem>> -> memref<1x128xi32, #tpu.memory_space<vmem>>
          %dma_start3A_263 = tpu.memref_squeeze %dma_start3A_262 : memref<1x128xi32, #tpu.memory_space<vmem>> -> memref<128xi32, #tpu.memory_space<vmem>>
          %dma_start3A_264 = arith.constant 0 : i32
          %dma_start3A_265 = arith.constant 0 : i32
          %dma_start3A_266 = tpu.memref_slice %arg6[%dma_start3A_264, %dma_start3A_265] : memref<10240x16xf32, #tpu.memory_space<vmem_shared>> -> memref<10240x16xf32, #tpu.memory_space<vmem_shared>>
          tpu.enqueue_indirect_dma source(%arg8 : memref<128x16xf32, #tpu.memory_space<vmem>>) target(%dma_start3A_266 : memref<10240x16xf32, #tpu.memory_space<vmem_shared>>) offsets(%dma_start3A_263 : memref<128xi32, #tpu.memory_space<vmem>>) semaphore(%arg11 : memref<!tpu.dma_semaphore, #tpu.memory_space<semaphore_mem>>) {add = true}
          %dma_start3A_267 = arith.constant 4 : i32
          %dma_start3A_268 = arith.constant 0 : i32
          %dma_start3A_269 = tpu.memref_slice %arg10[%dma_start3A_267, %dma_start3A_268] : memref<8x128xi32, #tpu.memory_space<vmem>> -> memref<1x128xi32, #tpu.memory_space<vmem>>
          %dma_start3A_270 = tpu.memref_squeeze %dma_start3A_269 : memref<1x128xi32, #tpu.memory_space<vmem>> -> memref<128xi32, #tpu.memory_space<vmem>>
          %dma_start3A_271 = arith.constant 0 : i32
          %dma_start3A_272 = arith.constant 0 : i32
          %dma_start3A_273 = tpu.memref_slice %arg7[%dma_start3A_271, %dma_start3A_272] : memref<10240x16xf32, #tpu.memory_space<vmem_shared>> -> memref<10240x16xf32, #tpu.memory_space<vmem_shared>>
          tpu.enqueue_indirect_dma source(%arg8 : memref<128x16xf32, #tpu.memory_space<vmem>>) target(%dma_start3A_273 : memref<10240x16xf32, #tpu.memory_space<vmem_shared>>) offsets(%dma_start3A_270 : memref<128xi32, #tpu.memory_space<vmem>>) semaphore(%arg12 : memref<!tpu.dma_semaphore, #tpu.memory_space<semaphore_mem>>) {add = true}
        } else {
        }
        %mul3A_107 = arith.constant 8 : i32
        %mul3A_108 = arith.muli %scan3A_30, %mul3A_107 : i32
        %add3A_109 = arith.constant 5 : i32
        %add3A_110 = arith.addi %mul3A_108, %add3A_109 : i32
        %lt3A_111 = arith.constant 80 : i32
        %lt3A_112 = arith.cmpi slt, %add3A_110, %lt3A_111 : i32
        %add3A_113 = arith.constant 5 : i32
        %add3A_114 = arith.addi %add3A_33, %add3A_113 : i32
        %lt3A_115 = arith.constant 1250 : i32
        %lt3A_116 = arith.cmpi slt, %add3A_114, %lt3A_115 : i32
        %and3A_117 = arith.andi %lt3A_112, %lt3A_116 : i1
        %convert_element_type3A_118 = arith.extui %and3A_117 : i1 to i32
        %cond3A_119 = arith.constant 0 : i32
        %cond3A_120 = arith.cmpi ne, %convert_element_type3A_118, %cond3A_119 : i32
        scf.if %cond3A_120 {
          %dma_start3A = arith.constant 5 : i32
          %dma_start3A_261 = arith.constant 0 : i32
          %dma_start3A_262 = tpu.memref_slice %arg9[%dma_start3A, %dma_start3A_261] : memref<8x128xi32, #tpu.memory_space<vmem>> -> memref<1x128xi32, #tpu.memory_space<vmem>>
          %dma_start3A_263 = tpu.memref_squeeze %dma_start3A_262 : memref<1x128xi32, #tpu.memory_space<vmem>> -> memref<128xi32, #tpu.memory_space<vmem>>
          %dma_start3A_264 = arith.constant 0 : i32
          %dma_start3A_265 = arith.constant 0 : i32
          %dma_start3A_266 = tpu.memref_slice %arg6[%dma_start3A_264, %dma_start3A_265] : memref<10240x16xf32, #tpu.memory_space<vmem_shared>> -> memref<10240x16xf32, #tpu.memory_space<vmem_shared>>
          tpu.enqueue_indirect_dma source(%arg8 : memref<128x16xf32, #tpu.memory_space<vmem>>) target(%dma_start3A_266 : memref<10240x16xf32, #tpu.memory_space<vmem_shared>>) offsets(%dma_start3A_263 : memref<128xi32, #tpu.memory_space<vmem>>) semaphore(%arg11 : memref<!tpu.dma_semaphore, #tpu.memory_space<semaphore_mem>>) {add = true}
          %dma_start3A_267 = arith.constant 5 : i32
          %dma_start3A_268 = arith.constant 0 : i32
          %dma_start3A_269 = tpu.memref_slice %arg10[%dma_start3A_267, %dma_start3A_268] : memref<8x128xi32, #tpu.memory_space<vmem>> -> memref<1x128xi32, #tpu.memory_space<vmem>>
          %dma_start3A_270 = tpu.memref_squeeze %dma_start3A_269 : memref<1x128xi32, #tpu.memory_space<vmem>> -> memref<128xi32, #tpu.memory_space<vmem>>
          %dma_start3A_271 = arith.constant 0 : i32
          %dma_start3A_272 = arith.constant 0 : i32
          %dma_start3A_273 = tpu.memref_slice %arg7[%dma_start3A_271, %dma_start3A_272] : memref<10240x16xf32, #tpu.memory_space<vmem_shared>> -> memref<10240x16xf32, #tpu.memory_space<vmem_shared>>
          tpu.enqueue_indirect_dma source(%arg8 : memref<128x16xf32, #tpu.memory_space<vmem>>) target(%dma_start3A_273 : memref<10240x16xf32, #tpu.memory_space<vmem_shared>>) offsets(%dma_start3A_270 : memref<128xi32, #tpu.memory_space<vmem>>) semaphore(%arg12 : memref<!tpu.dma_semaphore, #tpu.memory_space<semaphore_mem>>) {add = true}
        } else {
        }
        %mul3A_121 = arith.constant 8 : i32
        %mul3A_122 = arith.muli %scan3A_30, %mul3A_121 : i32
        %add3A_123 = arith.constant 6 : i32
        %add3A_124 = arith.addi %mul3A_122, %add3A_123 : i32
        %lt3A_125 = arith.constant 80 : i32
        %lt3A_126 = arith.cmpi slt, %add3A_124, %lt3A_125 : i32
        %add3A_127 = arith.constant 6 : i32
        %add3A_128 = arith.addi %add3A_33, %add3A_127 : i32
        %lt3A_129 = arith.constant 1250 : i32
        %lt3A_130 = arith.cmpi slt, %add3A_128, %lt3A_129 : i32
        %and3A_131 = arith.andi %lt3A_126, %lt3A_130 : i1
        %convert_element_type3A_132 = arith.extui %and3A_131 : i1 to i32
        %cond3A_133 = arith.constant 0 : i32
        %cond3A_134 = arith.cmpi ne, %convert_element_type3A_132, %cond3A_133 : i32
        scf.if %cond3A_134 {
          %dma_start3A = arith.constant 6 : i32
          %dma_start3A_261 = arith.constant 0 : i32
          %dma_start3A_262 = tpu.memref_slice %arg9[%dma_start3A, %dma_start3A_261] : memref<8x128xi32, #tpu.memory_space<vmem>> -> memref<1x128xi32, #tpu.memory_space<vmem>>
          %dma_start3A_263 = tpu.memref_squeeze %dma_start3A_262 : memref<1x128xi32, #tpu.memory_space<vmem>> -> memref<128xi32, #tpu.memory_space<vmem>>
          %dma_start3A_264 = arith.constant 0 : i32
          %dma_start3A_265 = arith.constant 0 : i32
          %dma_start3A_266 = tpu.memref_slice %arg6[%dma_start3A_264, %dma_start3A_265] : memref<10240x16xf32, #tpu.memory_space<vmem_shared>> -> memref<10240x16xf32, #tpu.memory_space<vmem_shared>>
          tpu.enqueue_indirect_dma source(%arg8 : memref<128x16xf32, #tpu.memory_space<vmem>>) target(%dma_start3A_266 : memref<10240x16xf32, #tpu.memory_space<vmem_shared>>) offsets(%dma_start3A_263 : memref<128xi32, #tpu.memory_space<vmem>>) semaphore(%arg11 : memref<!tpu.dma_semaphore, #tpu.memory_space<semaphore_mem>>) {add = true}
          %dma_start3A_267 = arith.constant 6 : i32
          %dma_start3A_268 = arith.constant 0 : i32
          %dma_start3A_269 = tpu.memref_slice %arg10[%dma_start3A_267, %dma_start3A_268] : memref<8x128xi32, #tpu.memory_space<vmem>> -> memref<1x128xi32, #tpu.memory_space<vmem>>
          %dma_start3A_270 = tpu.memref_squeeze %dma_start3A_269 : memref<1x128xi32, #tpu.memory_space<vmem>> -> memref<128xi32, #tpu.memory_space<vmem>>
          %dma_start3A_271 = arith.constant 0 : i32
          %dma_start3A_272 = arith.constant 0 : i32
          %dma_start3A_273 = tpu.memref_slice %arg7[%dma_start3A_271, %dma_start3A_272] : memref<10240x16xf32, #tpu.memory_space<vmem_shared>> -> memref<10240x16xf32, #tpu.memory_space<vmem_shared>>
          tpu.enqueue_indirect_dma source(%arg8 : memref<128x16xf32, #tpu.memory_space<vmem>>) target(%dma_start3A_273 : memref<10240x16xf32, #tpu.memory_space<vmem_shared>>) offsets(%dma_start3A_270 : memref<128xi32, #tpu.memory_space<vmem>>) semaphore(%arg12 : memref<!tpu.dma_semaphore, #tpu.memory_space<semaphore_mem>>) {add = true}
        } else {
        }
        %mul3A_135 = arith.constant 8 : i32
        %mul3A_136 = arith.muli %scan3A_30, %mul3A_135 : i32
        %add3A_137 = arith.constant 7 : i32
        %add3A_138 = arith.addi %mul3A_136, %add3A_137 : i32
        %lt3A_139 = arith.constant 80 : i32
        %lt3A_140 = arith.cmpi slt, %add3A_138, %lt3A_139 : i32
        %add3A_141 = arith.constant 7 : i32
        %add3A_142 = arith.addi %add3A_33, %add3A_141 : i32
        %lt3A_143 = arith.constant 1250 : i32
        %lt3A_144 = arith.cmpi slt, %add3A_142, %lt3A_143 : i32
        %and3A_145 = arith.andi %lt3A_140, %lt3A_144 : i1
        %convert_element_type3A_146 = arith.extui %and3A_145 : i1 to i32
        %cond3A_147 = arith.constant 0 : i32
        %cond3A_148 = arith.cmpi ne, %convert_element_type3A_146, %cond3A_147 : i32
        scf.if %cond3A_148 {
          %dma_start3A = arith.constant 7 : i32
          %dma_start3A_261 = arith.constant 0 : i32
          %dma_start3A_262 = tpu.memref_slice %arg9[%dma_start3A, %dma_start3A_261] : memref<8x128xi32, #tpu.memory_space<vmem>> -> memref<1x128xi32, #tpu.memory_space<vmem>>
          %dma_start3A_263 = tpu.memref_squeeze %dma_start3A_262 : memref<1x128xi32, #tpu.memory_space<vmem>> -> memref<128xi32, #tpu.memory_space<vmem>>
          %dma_start3A_264 = arith.constant 0 : i32
          %dma_start3A_265 = arith.constant 0 : i32
          %dma_start3A_266 = tpu.memref_slice %arg6[%dma_start3A_264, %dma_start3A_265] : memref<10240x16xf32, #tpu.memory_space<vmem_shared>> -> memref<10240x16xf32, #tpu.memory_space<vmem_shared>>
          tpu.enqueue_indirect_dma source(%arg8 : memref<128x16xf32, #tpu.memory_space<vmem>>) target(%dma_start3A_266 : memref<10240x16xf32, #tpu.memory_space<vmem_shared>>) offsets(%dma_start3A_263 : memref<128xi32, #tpu.memory_space<vmem>>) semaphore(%arg11 : memref<!tpu.dma_semaphore, #tpu.memory_space<semaphore_mem>>) {add = true}
          %dma_start3A_267 = arith.constant 7 : i32
          %dma_start3A_268 = arith.constant 0 : i32
          %dma_start3A_269 = tpu.memref_slice %arg10[%dma_start3A_267, %dma_start3A_268] : memref<8x128xi32, #tpu.memory_space<vmem>> -> memref<1x128xi32, #tpu.memory_space<vmem>>
          %dma_start3A_270 = tpu.memref_squeeze %dma_start3A_269 : memref<1x128xi32, #tpu.memory_space<vmem>> -> memref<128xi32, #tpu.memory_space<vmem>>
          %dma_start3A_271 = arith.constant 0 : i32
          %dma_start3A_272 = arith.constant 0 : i32
          %dma_start3A_273 = tpu.memref_slice %arg7[%dma_start3A_271, %dma_start3A_272] : memref<10240x16xf32, #tpu.memory_space<vmem_shared>> -> memref<10240x16xf32, #tpu.memory_space<vmem_shared>>
          tpu.enqueue_indirect_dma source(%arg8 : memref<128x16xf32, #tpu.memory_space<vmem>>) target(%dma_start3A_273 : memref<10240x16xf32, #tpu.memory_space<vmem_shared>>) offsets(%dma_start3A_270 : memref<128xi32, #tpu.memory_space<vmem>>) semaphore(%arg12 : memref<!tpu.dma_semaphore, #tpu.memory_space<semaphore_mem>>) {add = true}
        } else {
        }
        %mul3A_149 = arith.constant 8 : i32
        %mul3A_150 = arith.muli %scan3A_30, %mul3A_149 : i32
        %add3A_151 = arith.constant 0 : i32
        %add3A_152 = arith.addi %mul3A_150, %add3A_151 : i32
        %lt3A_153 = arith.constant 80 : i32
        %lt3A_154 = arith.cmpi slt, %add3A_152, %lt3A_153 : i32
        %add3A_155 = arith.constant 0 : i32
        %add3A_156 = arith.addi %add3A_33, %add3A_155 : i32
        %lt3A_157 = arith.constant 1250 : i32
        %lt3A_158 = arith.cmpi slt, %add3A_156, %lt3A_157 : i32
        %and3A_159 = arith.andi %lt3A_154, %lt3A_158 : i1
        %convert_element_type3A_160 = arith.extui %and3A_159 : i1 to i32
        %cond3A_161 = arith.constant 0 : i32
        %cond3A_162 = arith.cmpi ne, %convert_element_type3A_160, %cond3A_161 : i32
        scf.if %cond3A_162 {
          %dma_wait3A = arith.constant 0 : i32
          %dma_wait3A_261 = arith.constant 0 : i32
          %dma_wait3A_262 = tpu.memref_slice %arg9[%dma_wait3A, %dma_wait3A_261] : memref<8x128xi32, #tpu.memory_space<vmem>> -> memref<1x128xi32, #tpu.memory_space<vmem>>
          %dma_wait3A_263 = tpu.memref_squeeze %dma_wait3A_262 : memref<1x128xi32, #tpu.memory_space<vmem>> -> memref<128xi32, #tpu.memory_space<vmem>>
          %dma_wait3A_264 = arith.constant 0 : i32
          %dma_wait3A_265 = arith.constant 0 : i32
          %dma_wait3A_266 = tpu.memref_slice %arg6[%dma_wait3A_264, %dma_wait3A_265] : memref<10240x16xf32, #tpu.memory_space<vmem_shared>> -> memref<10240x16xf32, #tpu.memory_space<vmem_shared>>
          tpu.wait_indirect_dma semaphore(%arg11 : memref<!tpu.dma_semaphore, #tpu.memory_space<semaphore_mem>>) src(%arg8 : memref<128x16xf32, #tpu.memory_space<vmem>>) dst(%dma_wait3A_266 : memref<10240x16xf32, #tpu.memory_space<vmem_shared>>)
          %dma_wait3A_267 = arith.constant 0 : i32
          %dma_wait3A_268 = arith.constant 0 : i32
          %dma_wait3A_269 = tpu.memref_slice %arg10[%dma_wait3A_267, %dma_wait3A_268] : memref<8x128xi32, #tpu.memory_space<vmem>> -> memref<1x128xi32, #tpu.memory_space<vmem>>
          %dma_wait3A_270 = tpu.memref_squeeze %dma_wait3A_269 : memref<1x128xi32, #tpu.memory_space<vmem>> -> memref<128xi32, #tpu.memory_space<vmem>>
          %dma_wait3A_271 = arith.constant 0 : i32
          %dma_wait3A_272 = arith.constant 0 : i32
          %dma_wait3A_273 = tpu.memref_slice %arg7[%dma_wait3A_271, %dma_wait3A_272] : memref<10240x16xf32, #tpu.memory_space<vmem_shared>> -> memref<10240x16xf32, #tpu.memory_space<vmem_shared>>
          tpu.wait_indirect_dma semaphore(%arg12 : memref<!tpu.dma_semaphore, #tpu.memory_space<semaphore_mem>>) src(%arg8 : memref<128x16xf32, #tpu.memory_space<vmem>>) dst(%dma_wait3A_273 : memref<10240x16xf32, #tpu.memory_space<vmem_shared>>)
        } else {
        }
        %mul3A_163 = arith.constant 8 : i32
        %mul3A_164 = arith.muli %scan3A_30, %mul3A_163 : i32
        %add3A_165 = arith.constant 1 : i32
        %add3A_166 = arith.addi %mul3A_164, %add3A_165 : i32
        %lt3A_167 = arith.constant 80 : i32
        %lt3A_168 = arith.cmpi slt, %add3A_166, %lt3A_167 : i32
        %add3A_169 = arith.constant 1 : i32
        %add3A_170 = arith.addi %add3A_33, %add3A_169 : i32
        %lt3A_171 = arith.constant 1250 : i32
        %lt3A_172 = arith.cmpi slt, %add3A_170, %lt3A_171 : i32
        %and3A_173 = arith.andi %lt3A_168, %lt3A_172 : i1
        %convert_element_type3A_174 = arith.extui %and3A_173 : i1 to i32
        %cond3A_175 = arith.constant 0 : i32
        %cond3A_176 = arith.cmpi ne, %convert_element_type3A_174, %cond3A_175 : i32
        scf.if %cond3A_176 {
          %dma_wait3A = arith.constant 1 : i32
          %dma_wait3A_261 = arith.constant 0 : i32
          %dma_wait3A_262 = tpu.memref_slice %arg9[%dma_wait3A, %dma_wait3A_261] : memref<8x128xi32, #tpu.memory_space<vmem>> -> memref<1x128xi32, #tpu.memory_space<vmem>>
          %dma_wait3A_263 = tpu.memref_squeeze %dma_wait3A_262 : memref<1x128xi32, #tpu.memory_space<vmem>> -> memref<128xi32, #tpu.memory_space<vmem>>
          %dma_wait3A_264 = arith.constant 0 : i32
          %dma_wait3A_265 = arith.constant 0 : i32
          %dma_wait3A_266 = tpu.memref_slice %arg6[%dma_wait3A_264, %dma_wait3A_265] : memref<10240x16xf32, #tpu.memory_space<vmem_shared>> -> memref<10240x16xf32, #tpu.memory_space<vmem_shared>>
          tpu.wait_indirect_dma semaphore(%arg11 : memref<!tpu.dma_semaphore, #tpu.memory_space<semaphore_mem>>) src(%arg8 : memref<128x16xf32, #tpu.memory_space<vmem>>) dst(%dma_wait3A_266 : memref<10240x16xf32, #tpu.memory_space<vmem_shared>>)
          %dma_wait3A_267 = arith.constant 1 : i32
          %dma_wait3A_268 = arith.constant 0 : i32
          %dma_wait3A_269 = tpu.memref_slice %arg10[%dma_wait3A_267, %dma_wait3A_268] : memref<8x128xi32, #tpu.memory_space<vmem>> -> memref<1x128xi32, #tpu.memory_space<vmem>>
          %dma_wait3A_270 = tpu.memref_squeeze %dma_wait3A_269 : memref<1x128xi32, #tpu.memory_space<vmem>> -> memref<128xi32, #tpu.memory_space<vmem>>
          %dma_wait3A_271 = arith.constant 0 : i32
          %dma_wait3A_272 = arith.constant 0 : i32
          %dma_wait3A_273 = tpu.memref_slice %arg7[%dma_wait3A_271, %dma_wait3A_272] : memref<10240x16xf32, #tpu.memory_space<vmem_shared>> -> memref<10240x16xf32, #tpu.memory_space<vmem_shared>>
          tpu.wait_indirect_dma semaphore(%arg12 : memref<!tpu.dma_semaphore, #tpu.memory_space<semaphore_mem>>) src(%arg8 : memref<128x16xf32, #tpu.memory_space<vmem>>) dst(%dma_wait3A_273 : memref<10240x16xf32, #tpu.memory_space<vmem_shared>>)
        } else {
        }
        %mul3A_177 = arith.constant 8 : i32
        %mul3A_178 = arith.muli %scan3A_30, %mul3A_177 : i32
        %add3A_179 = arith.constant 2 : i32
        %add3A_180 = arith.addi %mul3A_178, %add3A_179 : i32
        %lt3A_181 = arith.constant 80 : i32
        %lt3A_182 = arith.cmpi slt, %add3A_180, %lt3A_181 : i32
        %add3A_183 = arith.constant 2 : i32
        %add3A_184 = arith.addi %add3A_33, %add3A_183 : i32
        %lt3A_185 = arith.constant 1250 : i32
        %lt3A_186 = arith.cmpi slt, %add3A_184, %lt3A_185 : i32
        %and3A_187 = arith.andi %lt3A_182, %lt3A_186 : i1
        %convert_element_type3A_188 = arith.extui %and3A_187 : i1 to i32
        %cond3A_189 = arith.constant 0 : i32
        %cond3A_190 = arith.cmpi ne, %convert_element_type3A_188, %cond3A_189 : i32
        scf.if %cond3A_190 {
          %dma_wait3A = arith.constant 2 : i32
          %dma_wait3A_261 = arith.constant 0 : i32
          %dma_wait3A_262 = tpu.memref_slice %arg9[%dma_wait3A, %dma_wait3A_261] : memref<8x128xi32, #tpu.memory_space<vmem>> -> memref<1x128xi32, #tpu.memory_space<vmem>>
          %dma_wait3A_263 = tpu.memref_squeeze %dma_wait3A_262 : memref<1x128xi32, #tpu.memory_space<vmem>> -> memref<128xi32, #tpu.memory_space<vmem>>
          %dma_wait3A_264 = arith.constant 0 : i32
          %dma_wait3A_265 = arith.constant 0 : i32
          %dma_wait3A_266 = tpu.memref_slice %arg6[%dma_wait3A_264, %dma_wait3A_265] : memref<10240x16xf32, #tpu.memory_space<vmem_shared>> -> memref<10240x16xf32, #tpu.memory_space<vmem_shared>>
          tpu.wait_indirect_dma semaphore(%arg11 : memref<!tpu.dma_semaphore, #tpu.memory_space<semaphore_mem>>) src(%arg8 : memref<128x16xf32, #tpu.memory_space<vmem>>) dst(%dma_wait3A_266 : memref<10240x16xf32, #tpu.memory_space<vmem_shared>>)
          %dma_wait3A_267 = arith.constant 2 : i32
          %dma_wait3A_268 = arith.constant 0 : i32
          %dma_wait3A_269 = tpu.memref_slice %arg10[%dma_wait3A_267, %dma_wait3A_268] : memref<8x128xi32, #tpu.memory_space<vmem>> -> memref<1x128xi32, #tpu.memory_space<vmem>>
          %dma_wait3A_270 = tpu.memref_squeeze %dma_wait3A_269 : memref<1x128xi32, #tpu.memory_space<vmem>> -> memref<128xi32, #tpu.memory_space<vmem>>
          %dma_wait3A_271 = arith.constant 0 : i32
          %dma_wait3A_272 = arith.constant 0 : i32
          %dma_wait3A_273 = tpu.memref_slice %arg7[%dma_wait3A_271, %dma_wait3A_272] : memref<10240x16xf32, #tpu.memory_space<vmem_shared>> -> memref<10240x16xf32, #tpu.memory_space<vmem_shared>>
          tpu.wait_indirect_dma semaphore(%arg12 : memref<!tpu.dma_semaphore, #tpu.memory_space<semaphore_mem>>) src(%arg8 : memref<128x16xf32, #tpu.memory_space<vmem>>) dst(%dma_wait3A_273 : memref<10240x16xf32, #tpu.memory_space<vmem_shared>>)
        } else {
        }
        %mul3A_191 = arith.constant 8 : i32
        %mul3A_192 = arith.muli %scan3A_30, %mul3A_191 : i32
        %add3A_193 = arith.constant 3 : i32
        %add3A_194 = arith.addi %mul3A_192, %add3A_193 : i32
        %lt3A_195 = arith.constant 80 : i32
        %lt3A_196 = arith.cmpi slt, %add3A_194, %lt3A_195 : i32
        %add3A_197 = arith.constant 3 : i32
        %add3A_198 = arith.addi %add3A_33, %add3A_197 : i32
        %lt3A_199 = arith.constant 1250 : i32
        %lt3A_200 = arith.cmpi slt, %add3A_198, %lt3A_199 : i32
        %and3A_201 = arith.andi %lt3A_196, %lt3A_200 : i1
        %convert_element_type3A_202 = arith.extui %and3A_201 : i1 to i32
        %cond3A_203 = arith.constant 0 : i32
        %cond3A_204 = arith.cmpi ne, %convert_element_type3A_202, %cond3A_203 : i32
        scf.if %cond3A_204 {
          %dma_wait3A = arith.constant 3 : i32
          %dma_wait3A_261 = arith.constant 0 : i32
          %dma_wait3A_262 = tpu.memref_slice %arg9[%dma_wait3A, %dma_wait3A_261] : memref<8x128xi32, #tpu.memory_space<vmem>> -> memref<1x128xi32, #tpu.memory_space<vmem>>
          %dma_wait3A_263 = tpu.memref_squeeze %dma_wait3A_262 : memref<1x128xi32, #tpu.memory_space<vmem>> -> memref<128xi32, #tpu.memory_space<vmem>>
          %dma_wait3A_264 = arith.constant 0 : i32
          %dma_wait3A_265 = arith.constant 0 : i32
          %dma_wait3A_266 = tpu.memref_slice %arg6[%dma_wait3A_264, %dma_wait3A_265] : memref<10240x16xf32, #tpu.memory_space<vmem_shared>> -> memref<10240x16xf32, #tpu.memory_space<vmem_shared>>
          tpu.wait_indirect_dma semaphore(%arg11 : memref<!tpu.dma_semaphore, #tpu.memory_space<semaphore_mem>>) src(%arg8 : memref<128x16xf32, #tpu.memory_space<vmem>>) dst(%dma_wait3A_266 : memref<10240x16xf32, #tpu.memory_space<vmem_shared>>)
          %dma_wait3A_267 = arith.constant 3 : i32
          %dma_wait3A_268 = arith.constant 0 : i32
          %dma_wait3A_269 = tpu.memref_slice %arg10[%dma_wait3A_267, %dma_wait3A_268] : memref<8x128xi32, #tpu.memory_space<vmem>> -> memref<1x128xi32, #tpu.memory_space<vmem>>
          %dma_wait3A_270 = tpu.memref_squeeze %dma_wait3A_269 : memref<1x128xi32, #tpu.memory_space<vmem>> -> memref<128xi32, #tpu.memory_space<vmem>>
          %dma_wait3A_271 = arith.constant 0 : i32
          %dma_wait3A_272 = arith.constant 0 : i32
          %dma_wait3A_273 = tpu.memref_slice %arg7[%dma_wait3A_271, %dma_wait3A_272] : memref<10240x16xf32, #tpu.memory_space<vmem_shared>> -> memref<10240x16xf32, #tpu.memory_space<vmem_shared>>
          tpu.wait_indirect_dma semaphore(%arg12 : memref<!tpu.dma_semaphore, #tpu.memory_space<semaphore_mem>>) src(%arg8 : memref<128x16xf32, #tpu.memory_space<vmem>>) dst(%dma_wait3A_273 : memref<10240x16xf32, #tpu.memory_space<vmem_shared>>)
        } else {
        }
        %mul3A_205 = arith.constant 8 : i32
        %mul3A_206 = arith.muli %scan3A_30, %mul3A_205 : i32
        %add3A_207 = arith.constant 4 : i32
        %add3A_208 = arith.addi %mul3A_206, %add3A_207 : i32
        %lt3A_209 = arith.constant 80 : i32
        %lt3A_210 = arith.cmpi slt, %add3A_208, %lt3A_209 : i32
        %add3A_211 = arith.constant 4 : i32
        %add3A_212 = arith.addi %add3A_33, %add3A_211 : i32
        %lt3A_213 = arith.constant 1250 : i32
        %lt3A_214 = arith.cmpi slt, %add3A_212, %lt3A_213 : i32
        %and3A_215 = arith.andi %lt3A_210, %lt3A_214 : i1
        %convert_element_type3A_216 = arith.extui %and3A_215 : i1 to i32
        %cond3A_217 = arith.constant 0 : i32
        %cond3A_218 = arith.cmpi ne, %convert_element_type3A_216, %cond3A_217 : i32
        scf.if %cond3A_218 {
          %dma_wait3A = arith.constant 4 : i32
          %dma_wait3A_261 = arith.constant 0 : i32
          %dma_wait3A_262 = tpu.memref_slice %arg9[%dma_wait3A, %dma_wait3A_261] : memref<8x128xi32, #tpu.memory_space<vmem>> -> memref<1x128xi32, #tpu.memory_space<vmem>>
          %dma_wait3A_263 = tpu.memref_squeeze %dma_wait3A_262 : memref<1x128xi32, #tpu.memory_space<vmem>> -> memref<128xi32, #tpu.memory_space<vmem>>
          %dma_wait3A_264 = arith.constant 0 : i32
          %dma_wait3A_265 = arith.constant 0 : i32
          %dma_wait3A_266 = tpu.memref_slice %arg6[%dma_wait3A_264, %dma_wait3A_265] : memref<10240x16xf32, #tpu.memory_space<vmem_shared>> -> memref<10240x16xf32, #tpu.memory_space<vmem_shared>>
          tpu.wait_indirect_dma semaphore(%arg11 : memref<!tpu.dma_semaphore, #tpu.memory_space<semaphore_mem>>) src(%arg8 : memref<128x16xf32, #tpu.memory_space<vmem>>) dst(%dma_wait3A_266 : memref<10240x16xf32, #tpu.memory_space<vmem_shared>>)
          %dma_wait3A_267 = arith.constant 4 : i32
          %dma_wait3A_268 = arith.constant 0 : i32
          %dma_wait3A_269 = tpu.memref_slice %arg10[%dma_wait3A_267, %dma_wait3A_268] : memref<8x128xi32, #tpu.memory_space<vmem>> -> memref<1x128xi32, #tpu.memory_space<vmem>>
          %dma_wait3A_270 = tpu.memref_squeeze %dma_wait3A_269 : memref<1x128xi32, #tpu.memory_space<vmem>> -> memref<128xi32, #tpu.memory_space<vmem>>
          %dma_wait3A_271 = arith.constant 0 : i32
          %dma_wait3A_272 = arith.constant 0 : i32
          %dma_wait3A_273 = tpu.memref_slice %arg7[%dma_wait3A_271, %dma_wait3A_272] : memref<10240x16xf32, #tpu.memory_space<vmem_shared>> -> memref<10240x16xf32, #tpu.memory_space<vmem_shared>>
          tpu.wait_indirect_dma semaphore(%arg12 : memref<!tpu.dma_semaphore, #tpu.memory_space<semaphore_mem>>) src(%arg8 : memref<128x16xf32, #tpu.memory_space<vmem>>) dst(%dma_wait3A_273 : memref<10240x16xf32, #tpu.memory_space<vmem_shared>>)
        } else {
        }
        %mul3A_219 = arith.constant 8 : i32
        %mul3A_220 = arith.muli %scan3A_30, %mul3A_219 : i32
        %add3A_221 = arith.constant 5 : i32
        %add3A_222 = arith.addi %mul3A_220, %add3A_221 : i32
        %lt3A_223 = arith.constant 80 : i32
        %lt3A_224 = arith.cmpi slt, %add3A_222, %lt3A_223 : i32
        %add3A_225 = arith.constant 5 : i32
        %add3A_226 = arith.addi %add3A_33, %add3A_225 : i32
        %lt3A_227 = arith.constant 1250 : i32
        %lt3A_228 = arith.cmpi slt, %add3A_226, %lt3A_227 : i32
        %and3A_229 = arith.andi %lt3A_224, %lt3A_228 : i1
        %convert_element_type3A_230 = arith.extui %and3A_229 : i1 to i32
        %cond3A_231 = arith.constant 0 : i32
        %cond3A_232 = arith.cmpi ne, %convert_element_type3A_230, %cond3A_231 : i32
        scf.if %cond3A_232 {
          %dma_wait3A = arith.constant 5 : i32
          %dma_wait3A_261 = arith.constant 0 : i32
          %dma_wait3A_262 = tpu.memref_slice %arg9[%dma_wait3A, %dma_wait3A_261] : memref<8x128xi32, #tpu.memory_space<vmem>> -> memref<1x128xi32, #tpu.memory_space<vmem>>
          %dma_wait3A_263 = tpu.memref_squeeze %dma_wait3A_262 : memref<1x128xi32, #tpu.memory_space<vmem>> -> memref<128xi32, #tpu.memory_space<vmem>>
          %dma_wait3A_264 = arith.constant 0 : i32
          %dma_wait3A_265 = arith.constant 0 : i32
          %dma_wait3A_266 = tpu.memref_slice %arg6[%dma_wait3A_264, %dma_wait3A_265] : memref<10240x16xf32, #tpu.memory_space<vmem_shared>> -> memref<10240x16xf32, #tpu.memory_space<vmem_shared>>
          tpu.wait_indirect_dma semaphore(%arg11 : memref<!tpu.dma_semaphore, #tpu.memory_space<semaphore_mem>>) src(%arg8 : memref<128x16xf32, #tpu.memory_space<vmem>>) dst(%dma_wait3A_266 : memref<10240x16xf32, #tpu.memory_space<vmem_shared>>)
          %dma_wait3A_267 = arith.constant 5 : i32
          %dma_wait3A_268 = arith.constant 0 : i32
          %dma_wait3A_269 = tpu.memref_slice %arg10[%dma_wait3A_267, %dma_wait3A_268] : memref<8x128xi32, #tpu.memory_space<vmem>> -> memref<1x128xi32, #tpu.memory_space<vmem>>
          %dma_wait3A_270 = tpu.memref_squeeze %dma_wait3A_269 : memref<1x128xi32, #tpu.memory_space<vmem>> -> memref<128xi32, #tpu.memory_space<vmem>>
          %dma_wait3A_271 = arith.constant 0 : i32
          %dma_wait3A_272 = arith.constant 0 : i32
          %dma_wait3A_273 = tpu.memref_slice %arg7[%dma_wait3A_271, %dma_wait3A_272] : memref<10240x16xf32, #tpu.memory_space<vmem_shared>> -> memref<10240x16xf32, #tpu.memory_space<vmem_shared>>
          tpu.wait_indirect_dma semaphore(%arg12 : memref<!tpu.dma_semaphore, #tpu.memory_space<semaphore_mem>>) src(%arg8 : memref<128x16xf32, #tpu.memory_space<vmem>>) dst(%dma_wait3A_273 : memref<10240x16xf32, #tpu.memory_space<vmem_shared>>)
        } else {
        }
        %mul3A_233 = arith.constant 8 : i32
        %mul3A_234 = arith.muli %scan3A_30, %mul3A_233 : i32
        %add3A_235 = arith.constant 6 : i32
        %add3A_236 = arith.addi %mul3A_234, %add3A_235 : i32
        %lt3A_237 = arith.constant 80 : i32
        %lt3A_238 = arith.cmpi slt, %add3A_236, %lt3A_237 : i32
        %add3A_239 = arith.constant 6 : i32
        %add3A_240 = arith.addi %add3A_33, %add3A_239 : i32
        %lt3A_241 = arith.constant 1250 : i32
        %lt3A_242 = arith.cmpi slt, %add3A_240, %lt3A_241 : i32
        %and3A_243 = arith.andi %lt3A_238, %lt3A_242 : i1
        %convert_element_type3A_244 = arith.extui %and3A_243 : i1 to i32
        %cond3A_245 = arith.constant 0 : i32
        %cond3A_246 = arith.cmpi ne, %convert_element_type3A_244, %cond3A_245 : i32
        scf.if %cond3A_246 {
          %dma_wait3A = arith.constant 6 : i32
          %dma_wait3A_261 = arith.constant 0 : i32
          %dma_wait3A_262 = tpu.memref_slice %arg9[%dma_wait3A, %dma_wait3A_261] : memref<8x128xi32, #tpu.memory_space<vmem>> -> memref<1x128xi32, #tpu.memory_space<vmem>>
          %dma_wait3A_263 = tpu.memref_squeeze %dma_wait3A_262 : memref<1x128xi32, #tpu.memory_space<vmem>> -> memref<128xi32, #tpu.memory_space<vmem>>
          %dma_wait3A_264 = arith.constant 0 : i32
          %dma_wait3A_265 = arith.constant 0 : i32
          %dma_wait3A_266 = tpu.memref_slice %arg6[%dma_wait3A_264, %dma_wait3A_265] : memref<10240x16xf32, #tpu.memory_space<vmem_shared>> -> memref<10240x16xf32, #tpu.memory_space<vmem_shared>>
          tpu.wait_indirect_dma semaphore(%arg11 : memref<!tpu.dma_semaphore, #tpu.memory_space<semaphore_mem>>) src(%arg8 : memref<128x16xf32, #tpu.memory_space<vmem>>) dst(%dma_wait3A_266 : memref<10240x16xf32, #tpu.memory_space<vmem_shared>>)
          %dma_wait3A_267 = arith.constant 6 : i32
          %dma_wait3A_268 = arith.constant 0 : i32
          %dma_wait3A_269 = tpu.memref_slice %arg10[%dma_wait3A_267, %dma_wait3A_268] : memref<8x128xi32, #tpu.memory_space<vmem>> -> memref<1x128xi32, #tpu.memory_space<vmem>>
          %dma_wait3A_270 = tpu.memref_squeeze %dma_wait3A_269 : memref<1x128xi32, #tpu.memory_space<vmem>> -> memref<128xi32, #tpu.memory_space<vmem>>
          %dma_wait3A_271 = arith.constant 0 : i32
          %dma_wait3A_272 = arith.constant 0 : i32
          %dma_wait3A_273 = tpu.memref_slice %arg7[%dma_wait3A_271, %dma_wait3A_272] : memref<10240x16xf32, #tpu.memory_space<vmem_shared>> -> memref<10240x16xf32, #tpu.memory_space<vmem_shared>>
          tpu.wait_indirect_dma semaphore(%arg12 : memref<!tpu.dma_semaphore, #tpu.memory_space<semaphore_mem>>) src(%arg8 : memref<128x16xf32, #tpu.memory_space<vmem>>) dst(%dma_wait3A_273 : memref<10240x16xf32, #tpu.memory_space<vmem_shared>>)
        } else {
        }
        %mul3A_247 = arith.constant 8 : i32
        %mul3A_248 = arith.muli %scan3A_30, %mul3A_247 : i32
        %add3A_249 = arith.constant 7 : i32
        %add3A_250 = arith.addi %mul3A_248, %add3A_249 : i32
        %lt3A_251 = arith.constant 80 : i32
        %lt3A_252 = arith.cmpi slt, %add3A_250, %lt3A_251 : i32
        %add3A_253 = arith.constant 7 : i32
        %add3A_254 = arith.addi %add3A_33, %add3A_253 : i32
        %lt3A_255 = arith.constant 1250 : i32
        %lt3A_256 = arith.cmpi slt, %add3A_254, %lt3A_255 : i32
        %and3A_257 = arith.andi %lt3A_252, %lt3A_256 : i1
        %convert_element_type3A_258 = arith.extui %and3A_257 : i1 to i32
        %cond3A_259 = arith.constant 0 : i32
        %cond3A_260 = arith.cmpi ne, %convert_element_type3A_258, %cond3A_259 : i32
        scf.if %cond3A_260 {
          %dma_wait3A = arith.constant 7 : i32
          %dma_wait3A_261 = arith.constant 0 : i32
          %dma_wait3A_262 = tpu.memref_slice %arg9[%dma_wait3A, %dma_wait3A_261] : memref<8x128xi32, #tpu.memory_space<vmem>> -> memref<1x128xi32, #tpu.memory_space<vmem>>
          %dma_wait3A_263 = tpu.memref_squeeze %dma_wait3A_262 : memref<1x128xi32, #tpu.memory_space<vmem>> -> memref<128xi32, #tpu.memory_space<vmem>>
          %dma_wait3A_264 = arith.constant 0 : i32
          %dma_wait3A_265 = arith.constant 0 : i32
          %dma_wait3A_266 = tpu.memref_slice %arg6[%dma_wait3A_264, %dma_wait3A_265] : memref<10240x16xf32, #tpu.memory_space<vmem_shared>> -> memref<10240x16xf32, #tpu.memory_space<vmem_shared>>
          tpu.wait_indirect_dma semaphore(%arg11 : memref<!tpu.dma_semaphore, #tpu.memory_space<semaphore_mem>>) src(%arg8 : memref<128x16xf32, #tpu.memory_space<vmem>>) dst(%dma_wait3A_266 : memref<10240x16xf32, #tpu.memory_space<vmem_shared>>)
          %dma_wait3A_267 = arith.constant 7 : i32
          %dma_wait3A_268 = arith.constant 0 : i32
          %dma_wait3A_269 = tpu.memref_slice %arg10[%dma_wait3A_267, %dma_wait3A_268] : memref<8x128xi32, #tpu.memory_space<vmem>> -> memref<1x128xi32, #tpu.memory_space<vmem>>
          %dma_wait3A_270 = tpu.memref_squeeze %dma_wait3A_269 : memref<1x128xi32, #tpu.memory_space<vmem>> -> memref<128xi32, #tpu.memory_space<vmem>>
          %dma_wait3A_271 = arith.constant 0 : i32
          %dma_wait3A_272 = arith.constant 0 : i32
          %dma_wait3A_273 = tpu.memref_slice %arg7[%dma_wait3A_271, %dma_wait3A_272] : memref<10240x16xf32, #tpu.memory_space<vmem_shared>> -> memref<10240x16xf32, #tpu.memory_space<vmem_shared>>
          tpu.wait_indirect_dma semaphore(%arg12 : memref<!tpu.dma_semaphore, #tpu.memory_space<semaphore_mem>>) src(%arg8 : memref<128x16xf32, #tpu.memory_space<vmem>>) dst(%dma_wait3A_273 : memref<10240x16xf32, #tpu.memory_space<vmem_shared>>)
        } else {
        }
      } else {
      }
    }
    %scan3A_16 = arith.constant 10 : i32
    %barrier3A_17 = arith.constant 0 : index
    tpu.barrier barrier_id(%barrier3A_17)
    %mul3A_18 = arith.constant 2 : i32
    %mul3A_19 = arith.muli %mul3A_18, %arg0 : i32
    %mul3A_20 = arith.constant 10240 : i32
    %mul3A_21 = arith.muli %mul3A_19, %mul3A_20 : i32
    %add3A_22 = arith.addi %mul3A_21, %mul3A_0 : i32
    "tpu.region"() ({
      %run_scoped3A = tpu.sem_alloc : memref<!tpu.dma_semaphore, #tpu.memory_space<semaphore_mem>>
      %dma_start3A = arith.constant 0 : i32
      %dma_start3A_30 = tpu.memref_slice %arg5[%add3A_22, %dma_start3A] : memref<40960x16xf32, #tpu.memory_space<hbm>> -> memref<640x16xf32, #tpu.memory_space<hbm>>
      %dma_start3A_31 = arith.constant 0 : i32
      %dma_start3A_32 = tpu.memref_slice %arg6[%mul3A_0, %dma_start3A_31] : memref<10240x16xf32, #tpu.memory_space<vmem_shared>> -> memref<640x16xf32, #tpu.memory_space<vmem_shared>>
      tpu.enqueue_dma source(%dma_start3A_32 : memref<640x16xf32, #tpu.memory_space<vmem_shared>>) target(%dma_start3A_30 : memref<640x16xf32, #tpu.memory_space<hbm>>) target_semaphore(%run_scoped3A : memref<!tpu.dma_semaphore, #tpu.memory_space<semaphore_mem>>)
      %dma_wait3A = arith.constant 0 : i32
      %dma_wait3A_33 = tpu.memref_slice %arg5[%add3A_22, %dma_wait3A] : memref<40960x16xf32, #tpu.memory_space<hbm>> -> memref<640x16xf32, #tpu.memory_space<hbm>>
      %dma_wait3A_34 = arith.constant 0 : i32
      %dma_wait3A_35 = tpu.memref_slice %arg6[%mul3A_0, %dma_wait3A_34] : memref<10240x16xf32, #tpu.memory_space<vmem_shared>> -> memref<640x16xf32, #tpu.memory_space<vmem_shared>>
      tpu.wait_dma2 semaphore(%run_scoped3A : memref<!tpu.dma_semaphore, #tpu.memory_space<semaphore_mem>>) src(%dma_wait3A_35 : memref<640x16xf32, #tpu.memory_space<vmem_shared>>) dst(%dma_wait3A_33 : memref<640x16xf32, #tpu.memory_space<hbm>>)
      tpu.yield
    }) : () -> ()
    %mul3A_23 = arith.constant 2 : i32
    %mul3A_24 = arith.muli %mul3A_23, %arg0 : i32
    %add3A_25 = arith.constant 1 : i32
    %add3A_26 = arith.addi %mul3A_24, %add3A_25 : i32
    %mul3A_27 = arith.constant 10240 : i32
    %mul3A_28 = arith.muli %add3A_26, %mul3A_27 : i32
    %add3A_29 = arith.addi %mul3A_28, %mul3A_0 : i32
    "tpu.region"() ({
      %run_scoped3A = tpu.sem_alloc : memref<!tpu.dma_semaphore, #tpu.memory_space<semaphore_mem>>
      %dma_start3A = arith.constant 0 : i32
      %dma_start3A_30 = tpu.memref_slice %arg5[%add3A_29, %dma_start3A] : memref<40960x16xf32, #tpu.memory_space<hbm>> -> memref<640x16xf32, #tpu.memory_space<hbm>>
      %dma_start3A_31 = arith.constant 0 : i32
      %dma_start3A_32 = tpu.memref_slice %arg7[%mul3A_0, %dma_start3A_31] : memref<10240x16xf32, #tpu.memory_space<vmem_shared>> -> memref<640x16xf32, #tpu.memory_space<vmem_shared>>
      tpu.enqueue_dma source(%dma_start3A_32 : memref<640x16xf32, #tpu.memory_space<vmem_shared>>) target(%dma_start3A_30 : memref<640x16xf32, #tpu.memory_space<hbm>>) target_semaphore(%run_scoped3A : memref<!tpu.dma_semaphore, #tpu.memory_space<semaphore_mem>>)
      %dma_wait3A = arith.constant 0 : i32
      %dma_wait3A_33 = tpu.memref_slice %arg5[%add3A_29, %dma_wait3A] : memref<40960x16xf32, #tpu.memory_space<hbm>> -> memref<640x16xf32, #tpu.memory_space<hbm>>
      %dma_wait3A_34 = arith.constant 0 : i32
      %dma_wait3A_35 = tpu.memref_slice %arg7[%mul3A_0, %dma_wait3A_34] : memref<10240x16xf32, #tpu.memory_space<vmem_shared>> -> memref<640x16xf32, #tpu.memory_space<vmem_shared>>
      tpu.wait_dma2 semaphore(%run_scoped3A : memref<!tpu.dma_semaphore, #tpu.memory_space<semaphore_mem>>) src(%dma_wait3A_35 : memref<640x16xf32, #tpu.memory_space<vmem_shared>>) dst(%dma_wait3A_33 : memref<640x16xf32, #tpu.memory_space<hbm>>)
      tpu.yield
    }) : () -> ()
    return
  }
}

#map = affine_map<(d0, d1) -> (0, 0)>
module attributes {stable_mosaic.version = 14 : i64} {
  func.func @_agg_body_2buf(%arg0: i32, %arg1: i32, %arg2: memref<20480x128xf32, #tpu.memory_space<hbm>>, %arg3: memref<5024x128xi32, #tpu.memory_space<hbm>>, %arg4: memref<10240x128xf32, #tpu.memory_space<hbm>>, %arg5: memref<20480x128xf32, #tpu.memory_space<hbm>>, %arg6: memref<10240x128xf32, #tpu.memory_space<vmem_shared>>, %arg7: memref<128x128xf32, #tpu.memory_space<vmem>>, %arg8: memref<128x128xf32, #tpu.memory_space<vmem>>, %arg9: memref<8x128xi32, #tpu.memory_space<vmem>>, %arg10: memref<8x128xi32, #tpu.memory_space<vmem>>, %arg11: memref<!tpu.dma_semaphore, #tpu.memory_space<semaphore_mem>>, %arg12: memref<!tpu.dma_semaphore, #tpu.memory_space<semaphore_mem>>) attributes {dimension_semantics = [#tpu.dimension_semantics<core_parallel>, #tpu.dimension_semantics<subcore_parallel>], iteration_bounds = array<i64: 2, 16>, scalar_prefetch = 0 : i64, scratch_operands = 7 : i64, tpu.core_type = #tpu.core_type<sc_vector_subcore>, window_params = [{transform_indices = #map}, {transform_indices = #map}, {transform_indices = #map}, {transform_indices = #map}]} {
    %mul3A = arith.constant 640 : i32
    %mul3A_0 = arith.muli %arg1, %mul3A : i32
    "tpu.region"() ({
      %run_scoped3A = tpu.sem_alloc : memref<!tpu.dma_semaphore, #tpu.memory_space<semaphore_mem>>
      %dma_start3A = arith.constant 0 : i32
      %dma_start3A_21 = tpu.memref_slice %arg6[%mul3A_0, %dma_start3A] : memref<10240x128xf32, #tpu.memory_space<vmem_shared>> -> memref<640x128xf32, #tpu.memory_space<vmem_shared>>
      %dma_start3A_22 = arith.constant 0 : i32
      %dma_start3A_23 = tpu.memref_slice %arg4[%mul3A_0, %dma_start3A_22] : memref<10240x128xf32, #tpu.memory_space<hbm>> -> memref<640x128xf32, #tpu.memory_space<hbm>>
      tpu.enqueue_dma source(%dma_start3A_23 : memref<640x128xf32, #tpu.memory_space<hbm>>) target(%dma_start3A_21 : memref<640x128xf32, #tpu.memory_space<vmem_shared>>) target_semaphore(%run_scoped3A : memref<!tpu.dma_semaphore, #tpu.memory_space<semaphore_mem>>)
      %dma_wait3A = arith.constant 0 : i32
      %dma_wait3A_24 = tpu.memref_slice %arg6[%mul3A_0, %dma_wait3A] : memref<10240x128xf32, #tpu.memory_space<vmem_shared>> -> memref<640x128xf32, #tpu.memory_space<vmem_shared>>
      %dma_wait3A_25 = arith.constant 0 : i32
      %dma_wait3A_26 = tpu.memref_slice %arg4[%mul3A_0, %dma_wait3A_25] : memref<10240x128xf32, #tpu.memory_space<hbm>> -> memref<640x128xf32, #tpu.memory_space<hbm>>
      tpu.wait_dma2 semaphore(%run_scoped3A : memref<!tpu.dma_semaphore, #tpu.memory_space<semaphore_mem>>) src(%dma_wait3A_26 : memref<640x128xf32, #tpu.memory_space<hbm>>) dst(%dma_wait3A_24 : memref<640x128xf32, #tpu.memory_space<vmem_shared>>)
      tpu.yield
    }) : () -> ()
    %barrier3A = arith.constant 0 : index
    tpu.barrier barrier_id(%barrier3A)
    %mul3A_1 = arith.constant 2 : i32
    %mul3A_2 = arith.muli %mul3A_1, %arg0 : i32
    %mul3A_3 = arith.constant 1256 : i32
    %mul3A_4 = arith.muli %mul3A_2, %mul3A_3 : i32
    %mul3A_5 = arith.constant 2 : i32
    %mul3A_6 = arith.muli %mul3A_5, %arg0 : i32
    %add3A = arith.constant 1 : i32
    %add3A_7 = arith.addi %mul3A_6, %add3A : i32
    %mul3A_8 = arith.constant 1256 : i32
    %mul3A_9 = arith.muli %add3A_7, %mul3A_8 : i32
    %mul3A_10 = arith.constant 10240 : i32
    %mul3A_11 = arith.muli %arg0, %mul3A_10 : i32
    %mul3A_12 = arith.constant 80 : i32
    %mul3A_13 = arith.muli %arg1, %mul3A_12 : i32
    %scan3A = arith.constant 0 : i32
    %scan3A_14 = arith.constant 0 : i32
    %scan3A_15 = arith.constant 10 : i32
    %scan3A_16 = arith.addi %scan3A_14, %scan3A_15 : i32
    %scan3A_17 = arith.constant 1 : i32
    scf.for %scan3A_21 = %scan3A_14 to %scan3A_16 step %scan3A_17  : i32 {
      %mul3A_22 = arith.constant 8 : i32
      %mul3A_23 = arith.muli %scan3A_21, %mul3A_22 : i32
      %add3A_24 = arith.addi %mul3A_13, %mul3A_23 : i32
      %lt3A = arith.constant 1250 : i32
      %lt3A_25 = arith.cmpi slt, %add3A_24, %lt3A : i32
      %convert_element_type3A = arith.extui %lt3A_25 : i1 to i32
      %cond3A = arith.constant 0 : i32
      %cond3A_26 = arith.cmpi ne, %convert_element_type3A, %cond3A : i32
      scf.if %cond3A_26 {
        %add3A_27 = arith.addi %mul3A_4, %add3A_24 : i32
        "tpu.region"() ({
          %run_scoped3A = tpu.sem_alloc : memref<!tpu.dma_semaphore, #tpu.memory_space<semaphore_mem>>
          %dma_start3A = arith.constant 0 : i32
          %dma_start3A_1082 = tpu.memref_slice %arg3[%add3A_27, %dma_start3A] : memref<5024x128xi32, #tpu.memory_space<hbm>> -> memref<8x128xi32, #tpu.memory_space<hbm>>
          %dma_start3A_1083 = arith.constant 0 : i32
          %dma_start3A_1084 = tpu.memref_slice %arg3[%add3A_27, %dma_start3A_1083] : memref<5024x128xi32, #tpu.memory_space<hbm>> -> memref<8x128xi32, #tpu.memory_space<hbm>>
          tpu.enqueue_dma source(%dma_start3A_1084 : memref<8x128xi32, #tpu.memory_space<hbm>>) target(%arg9 : memref<8x128xi32, #tpu.memory_space<vmem>>) target_semaphore(%run_scoped3A : memref<!tpu.dma_semaphore, #tpu.memory_space<semaphore_mem>>)
          %dma_wait3A = arith.constant 0 : i32
          %dma_wait3A_1085 = tpu.memref_slice %arg3[%add3A_27, %dma_wait3A] : memref<5024x128xi32, #tpu.memory_space<hbm>> -> memref<8x128xi32, #tpu.memory_space<hbm>>
          %dma_wait3A_1086 = arith.constant 0 : i32
          %dma_wait3A_1087 = tpu.memref_slice %arg3[%add3A_27, %dma_wait3A_1086] : memref<5024x128xi32, #tpu.memory_space<hbm>> -> memref<8x128xi32, #tpu.memory_space<hbm>>
          tpu.wait_dma2 semaphore(%run_scoped3A : memref<!tpu.dma_semaphore, #tpu.memory_space<semaphore_mem>>) src(%dma_wait3A_1087 : memref<8x128xi32, #tpu.memory_space<hbm>>) dst(%arg9 : memref<8x128xi32, #tpu.memory_space<vmem>>)
          tpu.yield
        }) : () -> ()
        %add3A_28 = arith.addi %mul3A_9, %add3A_24 : i32
        "tpu.region"() ({
          %run_scoped3A = tpu.sem_alloc : memref<!tpu.dma_semaphore, #tpu.memory_space<semaphore_mem>>
          %dma_start3A = arith.constant 0 : i32
          %dma_start3A_1082 = tpu.memref_slice %arg3[%add3A_28, %dma_start3A] : memref<5024x128xi32, #tpu.memory_space<hbm>> -> memref<8x128xi32, #tpu.memory_space<hbm>>
          %dma_start3A_1083 = arith.constant 0 : i32
          %dma_start3A_1084 = tpu.memref_slice %arg3[%add3A_28, %dma_start3A_1083] : memref<5024x128xi32, #tpu.memory_space<hbm>> -> memref<8x128xi32, #tpu.memory_space<hbm>>
          tpu.enqueue_dma source(%dma_start3A_1084 : memref<8x128xi32, #tpu.memory_space<hbm>>) target(%arg10 : memref<8x128xi32, #tpu.memory_space<vmem>>) target_semaphore(%run_scoped3A : memref<!tpu.dma_semaphore, #tpu.memory_space<semaphore_mem>>)
          %dma_wait3A = arith.constant 0 : i32
          %dma_wait3A_1085 = tpu.memref_slice %arg3[%add3A_28, %dma_wait3A] : memref<5024x128xi32, #tpu.memory_space<hbm>> -> memref<8x128xi32, #tpu.memory_space<hbm>>
          %dma_wait3A_1086 = arith.constant 0 : i32
          %dma_wait3A_1087 = tpu.memref_slice %arg3[%add3A_28, %dma_wait3A_1086] : memref<5024x128xi32, #tpu.memory_space<hbm>> -> memref<8x128xi32, #tpu.memory_space<hbm>>
          tpu.wait_dma2 semaphore(%run_scoped3A : memref<!tpu.dma_semaphore, #tpu.memory_space<semaphore_mem>>) src(%dma_wait3A_1087 : memref<8x128xi32, #tpu.memory_space<hbm>>) dst(%arg10 : memref<8x128xi32, #tpu.memory_space<vmem>>)
          tpu.yield
        }) : () -> ()
        %get3A = arith.constant 0 : i32
        %get3A_29 = arith.index_cast %get3A : i32 to index
        %get3A_30 = arith.constant 0 : index
        %get3A_31 = tpu.vector_load %arg9[%get3A_29, %get3A_30] {strides = array<i32>} : memref<8x128xi32, #tpu.memory_space<vmem>>, vector<1x16xi32>,
        %get3A_32 = vector.shape_cast %get3A_31 : vector<1x16xi32> to vector<16xi32>
        %add3A_33 = vector.broadcast %mul3A_11 : i32 to vector<16xi32>
        %add3A_34 = arith.addi %get3A_32, %add3A_33 : vector<16xi32>
        %swap3A = arith.constant 0 : i32
        %swap3A_35 = arith.index_cast %swap3A : i32 to index
        %swap3A_36 = arith.constant 0 : index
        %swap3A_37 = tpu.vector_load %arg9[%swap3A_35, %swap3A_36] {strides = array<i32>} : memref<8x128xi32, #tpu.memory_space<vmem>>, vector<1x16xi32>,
        %swap3A_38 = vector.shape_cast %swap3A_37 : vector<1x16xi32> to vector<16xi32>
        %swap3A_39 = vector.shape_cast %add3A_34 : vector<16xi32> to vector<1x16xi32>
        tpu.vector_store %arg9[%swap3A_35, %swap3A_36], %swap3A_39 {strides = array<i32>} : memref<8x128xi32, #tpu.memory_space<vmem>>, vector<1x16xi32>,
        %get3A_40 = arith.constant 0 : i32
        %get3A_41 = arith.index_cast %get3A_40 : i32 to index
        %get3A_42 = arith.constant 16 : index
        %get3A_43 = tpu.vector_load %arg9[%get3A_41, %get3A_42] {strides = array<i32>} : memref<8x128xi32, #tpu.memory_space<vmem>>, vector<1x16xi32>,
        %get3A_44 = vector.shape_cast %get3A_43 : vector<1x16xi32> to vector<16xi32>
        %add3A_45 = vector.broadcast %mul3A_11 : i32 to vector<16xi32>
        %add3A_46 = arith.addi %get3A_44, %add3A_45 : vector<16xi32>
        %swap3A_47 = arith.constant 0 : i32
        %swap3A_48 = arith.index_cast %swap3A_47 : i32 to index
        %swap3A_49 = arith.constant 16 : index
        %swap3A_50 = tpu.vector_load %arg9[%swap3A_48, %swap3A_49] {strides = array<i32>} : memref<8x128xi32, #tpu.memory_space<vmem>>, vector<1x16xi32>,
        %swap3A_51 = vector.shape_cast %swap3A_50 : vector<1x16xi32> to vector<16xi32>
        %swap3A_52 = vector.shape_cast %add3A_46 : vector<16xi32> to vector<1x16xi32>
        tpu.vector_store %arg9[%swap3A_48, %swap3A_49], %swap3A_52 {strides = array<i32>} : memref<8x128xi32, #tpu.memory_space<vmem>>, vector<1x16xi32>,
        %get3A_53 = arith.constant 0 : i32
        %get3A_54 = arith.index_cast %get3A_53 : i32 to index
        %get3A_55 = arith.constant 32 : index
        %get3A_56 = tpu.vector_load %arg9[%get3A_54, %get3A_55] {strides = array<i32>} : memref<8x128xi32, #tpu.memory_space<vmem>>, vector<1x16xi32>,
        %get3A_57 = vector.shape_cast %get3A_56 : vector<1x16xi32> to vector<16xi32>
        %add3A_58 = vector.broadcast %mul3A_11 : i32 to vector<16xi32>
        %add3A_59 = arith.addi %get3A_57, %add3A_58 : vector<16xi32>
        %swap3A_60 = arith.constant 0 : i32
        %swap3A_61 = arith.index_cast %swap3A_60 : i32 to index
        %swap3A_62 = arith.constant 32 : index
        %swap3A_63 = tpu.vector_load %arg9[%swap3A_61, %swap3A_62] {strides = array<i32>} : memref<8x128xi32, #tpu.memory_space<vmem>>, vector<1x16xi32>,
        %swap3A_64 = vector.shape_cast %swap3A_63 : vector<1x16xi32> to vector<16xi32>
        %swap3A_65 = vector.shape_cast %add3A_59 : vector<16xi32> to vector<1x16xi32>
        tpu.vector_store %arg9[%swap3A_61, %swap3A_62], %swap3A_65 {strides = array<i32>} : memref<8x128xi32, #tpu.memory_space<vmem>>, vector<1x16xi32>,
        %get3A_66 = arith.constant 0 : i32
        %get3A_67 = arith.index_cast %get3A_66 : i32 to index
        %get3A_68 = arith.constant 48 : index
        %get3A_69 = tpu.vector_load %arg9[%get3A_67, %get3A_68] {strides = array<i32>} : memref<8x128xi32, #tpu.memory_space<vmem>>, vector<1x16xi32>,
        %get3A_70 = vector.shape_cast %get3A_69 : vector<1x16xi32> to vector<16xi32>
        %add3A_71 = vector.broadcast %mul3A_11 : i32 to vector<16xi32>
        %add3A_72 = arith.addi %get3A_70, %add3A_71 : vector<16xi32>
        %swap3A_73 = arith.constant 0 : i32
        %swap3A_74 = arith.index_cast %swap3A_73 : i32 to index
        %swap3A_75 = arith.constant 48 : index
        %swap3A_76 = tpu.vector_load %arg9[%swap3A_74, %swap3A_75] {strides = array<i32>} : memref<8x128xi32, #tpu.memory_space<vmem>>, vector<1x16xi32>,
        %swap3A_77 = vector.shape_cast %swap3A_76 : vector<1x16xi32> to vector<16xi32>
        %swap3A_78 = vector.shape_cast %add3A_72 : vector<16xi32> to vector<1x16xi32>
        tpu.vector_store %arg9[%swap3A_74, %swap3A_75], %swap3A_78 {strides = array<i32>} : memref<8x128xi32, #tpu.memory_space<vmem>>, vector<1x16xi32>,
        %get3A_79 = arith.constant 0 : i32
        %get3A_80 = arith.index_cast %get3A_79 : i32 to index
        %get3A_81 = arith.constant 64 : index
        %get3A_82 = tpu.vector_load %arg9[%get3A_80, %get3A_81] {strides = array<i32>} : memref<8x128xi32, #tpu.memory_space<vmem>>, vector<1x16xi32>,
        %get3A_83 = vector.shape_cast %get3A_82 : vector<1x16xi32> to vector<16xi32>
        %add3A_84 = vector.broadcast %mul3A_11 : i32 to vector<16xi32>
        %add3A_85 = arith.addi %get3A_83, %add3A_84 : vector<16xi32>
        %swap3A_86 = arith.constant 0 : i32
        %swap3A_87 = arith.index_cast %swap3A_86 : i32 to index
        %swap3A_88 = arith.constant 64 : index
        %swap3A_89 = tpu.vector_load %arg9[%swap3A_87, %swap3A_88] {strides = array<i32>} : memref<8x128xi32, #tpu.memory_space<vmem>>, vector<1x16xi32>,
        %swap3A_90 = vector.shape_cast %swap3A_89 : vector<1x16xi32> to vector<16xi32>
        %swap3A_91 = vector.shape_cast %add3A_85 : vector<16xi32> to vector<1x16xi32>
        tpu.vector_store %arg9[%swap3A_87, %swap3A_88], %swap3A_91 {strides = array<i32>} : memref<8x128xi32, #tpu.memory_space<vmem>>, vector<1x16xi32>,
        %get3A_92 = arith.constant 0 : i32
        %get3A_93 = arith.index_cast %get3A_92 : i32 to index
        %get3A_94 = arith.constant 80 : index
        %get3A_95 = tpu.vector_load %arg9[%get3A_93, %get3A_94] {strides = array<i32>} : memref<8x128xi32, #tpu.memory_space<vmem>>, vector<1x16xi32>,
        %get3A_96 = vector.shape_cast %get3A_95 : vector<1x16xi32> to vector<16xi32>
        %add3A_97 = vector.broadcast %mul3A_11 : i32 to vector<16xi32>
        %add3A_98 = arith.addi %get3A_96, %add3A_97 : vector<16xi32>
        %swap3A_99 = arith.constant 0 : i32
        %swap3A_100 = arith.index_cast %swap3A_99 : i32 to index
        %swap3A_101 = arith.constant 80 : index
        %swap3A_102 = tpu.vector_load %arg9[%swap3A_100, %swap3A_101] {strides = array<i32>} : memref<8x128xi32, #tpu.memory_space<vmem>>, vector<1x16xi32>,
        %swap3A_103 = vector.shape_cast %swap3A_102 : vector<1x16xi32> to vector<16xi32>
        %swap3A_104 = vector.shape_cast %add3A_98 : vector<16xi32> to vector<1x16xi32>
        tpu.vector_store %arg9[%swap3A_100, %swap3A_101], %swap3A_104 {strides = array<i32>} : memref<8x128xi32, #tpu.memory_space<vmem>>, vector<1x16xi32>,
        %get3A_105 = arith.constant 0 : i32
        %get3A_106 = arith.index_cast %get3A_105 : i32 to index
        %get3A_107 = arith.constant 96 : index
        %get3A_108 = tpu.vector_load %arg9[%get3A_106, %get3A_107] {strides = array<i32>} : memref<8x128xi32, #tpu.memory_space<vmem>>, vector<1x16xi32>,
        %get3A_109 = vector.shape_cast %get3A_108 : vector<1x16xi32> to vector<16xi32>
        %add3A_110 = vector.broadcast %mul3A_11 : i32 to vector<16xi32>
        %add3A_111 = arith.addi %get3A_109, %add3A_110 : vector<16xi32>
        %swap3A_112 = arith.constant 0 : i32
        %swap3A_113 = arith.index_cast %swap3A_112 : i32 to index
        %swap3A_114 = arith.constant 96 : index
        %swap3A_115 = tpu.vector_load %arg9[%swap3A_113, %swap3A_114] {strides = array<i32>} : memref<8x128xi32, #tpu.memory_space<vmem>>, vector<1x16xi32>,
        %swap3A_116 = vector.shape_cast %swap3A_115 : vector<1x16xi32> to vector<16xi32>
        %swap3A_117 = vector.shape_cast %add3A_111 : vector<16xi32> to vector<1x16xi32>
        tpu.vector_store %arg9[%swap3A_113, %swap3A_114], %swap3A_117 {strides = array<i32>} : memref<8x128xi32, #tpu.memory_space<vmem>>, vector<1x16xi32>,
        %get3A_118 = arith.constant 0 : i32
        %get3A_119 = arith.index_cast %get3A_118 : i32 to index
        %get3A_120 = arith.constant 112 : index
        %get3A_121 = tpu.vector_load %arg9[%get3A_119, %get3A_120] {strides = array<i32>} : memref<8x128xi32, #tpu.memory_space<vmem>>, vector<1x16xi32>,
        %get3A_122 = vector.shape_cast %get3A_121 : vector<1x16xi32> to vector<16xi32>
        %add3A_123 = vector.broadcast %mul3A_11 : i32 to vector<16xi32>
        %add3A_124 = arith.addi %get3A_122, %add3A_123 : vector<16xi32>
        %swap3A_125 = arith.constant 0 : i32
        %swap3A_126 = arith.index_cast %swap3A_125 : i32 to index
        %swap3A_127 = arith.constant 112 : index
        %swap3A_128 = tpu.vector_load %arg9[%swap3A_126, %swap3A_127] {strides = array<i32>} : memref<8x128xi32, #tpu.memory_space<vmem>>, vector<1x16xi32>,
        %swap3A_129 = vector.shape_cast %swap3A_128 : vector<1x16xi32> to vector<16xi32>
        %swap3A_130 = vector.shape_cast %add3A_124 : vector<16xi32> to vector<1x16xi32>
        tpu.vector_store %arg9[%swap3A_126, %swap3A_127], %swap3A_130 {strides = array<i32>} : memref<8x128xi32, #tpu.memory_space<vmem>>, vector<1x16xi32>,
        %get3A_131 = arith.constant 1 : i32
        %get3A_132 = arith.index_cast %get3A_131 : i32 to index
        %get3A_133 = arith.constant 0 : index
        %get3A_134 = tpu.vector_load %arg9[%get3A_132, %get3A_133] {strides = array<i32>} : memref<8x128xi32, #tpu.memory_space<vmem>>, vector<1x16xi32>,
        %get3A_135 = vector.shape_cast %get3A_134 : vector<1x16xi32> to vector<16xi32>
        %add3A_136 = vector.broadcast %mul3A_11 : i32 to vector<16xi32>
        %add3A_137 = arith.addi %get3A_135, %add3A_136 : vector<16xi32>
        %swap3A_138 = arith.constant 1 : i32
        %swap3A_139 = arith.index_cast %swap3A_138 : i32 to index
        %swap3A_140 = arith.constant 0 : index
        %swap3A_141 = tpu.vector_load %arg9[%swap3A_139, %swap3A_140] {strides = array<i32>} : memref<8x128xi32, #tpu.memory_space<vmem>>, vector<1x16xi32>,
        %swap3A_142 = vector.shape_cast %swap3A_141 : vector<1x16xi32> to vector<16xi32>
        %swap3A_143 = vector.shape_cast %add3A_137 : vector<16xi32> to vector<1x16xi32>
        tpu.vector_store %arg9[%swap3A_139, %swap3A_140], %swap3A_143 {strides = array<i32>} : memref<8x128xi32, #tpu.memory_space<vmem>>, vector<1x16xi32>,
        %get3A_144 = arith.constant 1 : i32
        %get3A_145 = arith.index_cast %get3A_144 : i32 to index
        %get3A_146 = arith.constant 16 : index
        %get3A_147 = tpu.vector_load %arg9[%get3A_145, %get3A_146] {strides = array<i32>} : memref<8x128xi32, #tpu.memory_space<vmem>>, vector<1x16xi32>,
        %get3A_148 = vector.shape_cast %get3A_147 : vector<1x16xi32> to vector<16xi32>
        %add3A_149 = vector.broadcast %mul3A_11 : i32 to vector<16xi32>
        %add3A_150 = arith.addi %get3A_148, %add3A_149 : vector<16xi32>
        %swap3A_151 = arith.constant 1 : i32
        %swap3A_152 = arith.index_cast %swap3A_151 : i32 to index
        %swap3A_153 = arith.constant 16 : index
        %swap3A_154 = tpu.vector_load %arg9[%swap3A_152, %swap3A_153] {strides = array<i32>} : memref<8x128xi32, #tpu.memory_space<vmem>>, vector<1x16xi32>,
        %swap3A_155 = vector.shape_cast %swap3A_154 : vector<1x16xi32> to vector<16xi32>
        %swap3A_156 = vector.shape_cast %add3A_150 : vector<16xi32> to vector<1x16xi32>
        tpu.vector_store %arg9[%swap3A_152, %swap3A_153], %swap3A_156 {strides = array<i32>} : memref<8x128xi32, #tpu.memory_space<vmem>>, vector<1x16xi32>,
        %get3A_157 = arith.constant 1 : i32
        %get3A_158 = arith.index_cast %get3A_157 : i32 to index
        %get3A_159 = arith.constant 32 : index
        %get3A_160 = tpu.vector_load %arg9[%get3A_158, %get3A_159] {strides = array<i32>} : memref<8x128xi32, #tpu.memory_space<vmem>>, vector<1x16xi32>,
        %get3A_161 = vector.shape_cast %get3A_160 : vector<1x16xi32> to vector<16xi32>
        %add3A_162 = vector.broadcast %mul3A_11 : i32 to vector<16xi32>
        %add3A_163 = arith.addi %get3A_161, %add3A_162 : vector<16xi32>
        %swap3A_164 = arith.constant 1 : i32
        %swap3A_165 = arith.index_cast %swap3A_164 : i32 to index
        %swap3A_166 = arith.constant 32 : index
        %swap3A_167 = tpu.vector_load %arg9[%swap3A_165, %swap3A_166] {strides = array<i32>} : memref<8x128xi32, #tpu.memory_space<vmem>>, vector<1x16xi32>,
        %swap3A_168 = vector.shape_cast %swap3A_167 : vector<1x16xi32> to vector<16xi32>
        %swap3A_169 = vector.shape_cast %add3A_163 : vector<16xi32> to vector<1x16xi32>
        tpu.vector_store %arg9[%swap3A_165, %swap3A_166], %swap3A_169 {strides = array<i32>} : memref<8x128xi32, #tpu.memory_space<vmem>>, vector<1x16xi32>,
        %get3A_170 = arith.constant 1 : i32
        %get3A_171 = arith.index_cast %get3A_170 : i32 to index
        %get3A_172 = arith.constant 48 : index
        %get3A_173 = tpu.vector_load %arg9[%get3A_171, %get3A_172] {strides = array<i32>} : memref<8x128xi32, #tpu.memory_space<vmem>>, vector<1x16xi32>,
        %get3A_174 = vector.shape_cast %get3A_173 : vector<1x16xi32> to vector<16xi32>
        %add3A_175 = vector.broadcast %mul3A_11 : i32 to vector<16xi32>
        %add3A_176 = arith.addi %get3A_174, %add3A_175 : vector<16xi32>
        %swap3A_177 = arith.constant 1 : i32
        %swap3A_178 = arith.index_cast %swap3A_177 : i32 to index
        %swap3A_179 = arith.constant 48 : index
        %swap3A_180 = tpu.vector_load %arg9[%swap3A_178, %swap3A_179] {strides = array<i32>} : memref<8x128xi32, #tpu.memory_space<vmem>>, vector<1x16xi32>,
        %swap3A_181 = vector.shape_cast %swap3A_180 : vector<1x16xi32> to vector<16xi32>
        %swap3A_182 = vector.shape_cast %add3A_176 : vector<16xi32> to vector<1x16xi32>
        tpu.vector_store %arg9[%swap3A_178, %swap3A_179], %swap3A_182 {strides = array<i32>} : memref<8x128xi32, #tpu.memory_space<vmem>>, vector<1x16xi32>,
        %get3A_183 = arith.constant 1 : i32
        %get3A_184 = arith.index_cast %get3A_183 : i32 to index
        %get3A_185 = arith.constant 64 : index
        %get3A_186 = tpu.vector_load %arg9[%get3A_184, %get3A_185] {strides = array<i32>} : memref<8x128xi32, #tpu.memory_space<vmem>>, vector<1x16xi32>,
        %get3A_187 = vector.shape_cast %get3A_186 : vector<1x16xi32> to vector<16xi32>
        %add3A_188 = vector.broadcast %mul3A_11 : i32 to vector<16xi32>
        %add3A_189 = arith.addi %get3A_187, %add3A_188 : vector<16xi32>
        %swap3A_190 = arith.constant 1 : i32
        %swap3A_191 = arith.index_cast %swap3A_190 : i32 to index
        %swap3A_192 = arith.constant 64 : index
        %swap3A_193 = tpu.vector_load %arg9[%swap3A_191, %swap3A_192] {strides = array<i32>} : memref<8x128xi32, #tpu.memory_space<vmem>>, vector<1x16xi32>,
        %swap3A_194 = vector.shape_cast %swap3A_193 : vector<1x16xi32> to vector<16xi32>
        %swap3A_195 = vector.shape_cast %add3A_189 : vector<16xi32> to vector<1x16xi32>
        tpu.vector_store %arg9[%swap3A_191, %swap3A_192], %swap3A_195 {strides = array<i32>} : memref<8x128xi32, #tpu.memory_space<vmem>>, vector<1x16xi32>,
        %get3A_196 = arith.constant 1 : i32
        %get3A_197 = arith.index_cast %get3A_196 : i32 to index
        %get3A_198 = arith.constant 80 : index
        %get3A_199 = tpu.vector_load %arg9[%get3A_197, %get3A_198] {strides = array<i32>} : memref<8x128xi32, #tpu.memory_space<vmem>>, vector<1x16xi32>,
        %get3A_200 = vector.shape_cast %get3A_199 : vector<1x16xi32> to vector<16xi32>
        %add3A_201 = vector.broadcast %mul3A_11 : i32 to vector<16xi32>
        %add3A_202 = arith.addi %get3A_200, %add3A_201 : vector<16xi32>
        %swap3A_203 = arith.constant 1 : i32
        %swap3A_204 = arith.index_cast %swap3A_203 : i32 to index
        %swap3A_205 = arith.constant 80 : index
        %swap3A_206 = tpu.vector_load %arg9[%swap3A_204, %swap3A_205] {strides = array<i32>} : memref<8x128xi32, #tpu.memory_space<vmem>>, vector<1x16xi32>,
        %swap3A_207 = vector.shape_cast %swap3A_206 : vector<1x16xi32> to vector<16xi32>
        %swap3A_208 = vector.shape_cast %add3A_202 : vector<16xi32> to vector<1x16xi32>
        tpu.vector_store %arg9[%swap3A_204, %swap3A_205], %swap3A_208 {strides = array<i32>} : memref<8x128xi32, #tpu.memory_space<vmem>>, vector<1x16xi32>,
        %get3A_209 = arith.constant 1 : i32
        %get3A_210 = arith.index_cast %get3A_209 : i32 to index
        %get3A_211 = arith.constant 96 : index
        %get3A_212 = tpu.vector_load %arg9[%get3A_210, %get3A_211] {strides = array<i32>} : memref<8x128xi32, #tpu.memory_space<vmem>>, vector<1x16xi32>,
        %get3A_213 = vector.shape_cast %get3A_212 : vector<1x16xi32> to vector<16xi32>
        %add3A_214 = vector.broadcast %mul3A_11 : i32 to vector<16xi32>
        %add3A_215 = arith.addi %get3A_213, %add3A_214 : vector<16xi32>
        %swap3A_216 = arith.constant 1 : i32
        %swap3A_217 = arith.index_cast %swap3A_216 : i32 to index
        %swap3A_218 = arith.constant 96 : index
        %swap3A_219 = tpu.vector_load %arg9[%swap3A_217, %swap3A_218] {strides = array<i32>} : memref<8x128xi32, #tpu.memory_space<vmem>>, vector<1x16xi32>,
        %swap3A_220 = vector.shape_cast %swap3A_219 : vector<1x16xi32> to vector<16xi32>
        %swap3A_221 = vector.shape_cast %add3A_215 : vector<16xi32> to vector<1x16xi32>
        tpu.vector_store %arg9[%swap3A_217, %swap3A_218], %swap3A_221 {strides = array<i32>} : memref<8x128xi32, #tpu.memory_space<vmem>>, vector<1x16xi32>,
        %get3A_222 = arith.constant 1 : i32
        %get3A_223 = arith.index_cast %get3A_222 : i32 to index
        %get3A_224 = arith.constant 112 : index
        %get3A_225 = tpu.vector_load %arg9[%get3A_223, %get3A_224] {strides = array<i32>} : memref<8x128xi32, #tpu.memory_space<vmem>>, vector<1x16xi32>,
        %get3A_226 = vector.shape_cast %get3A_225 : vector<1x16xi32> to vector<16xi32>
        %add3A_227 = vector.broadcast %mul3A_11 : i32 to vector<16xi32>
        %add3A_228 = arith.addi %get3A_226, %add3A_227 : vector<16xi32>
        %swap3A_229 = arith.constant 1 : i32
        %swap3A_230 = arith.index_cast %swap3A_229 : i32 to index
        %swap3A_231 = arith.constant 112 : index
        %swap3A_232 = tpu.vector_load %arg9[%swap3A_230, %swap3A_231] {strides = array<i32>} : memref<8x128xi32, #tpu.memory_space<vmem>>, vector<1x16xi32>,
        %swap3A_233 = vector.shape_cast %swap3A_232 : vector<1x16xi32> to vector<16xi32>
        %swap3A_234 = vector.shape_cast %add3A_228 : vector<16xi32> to vector<1x16xi32>
        tpu.vector_store %arg9[%swap3A_230, %swap3A_231], %swap3A_234 {strides = array<i32>} : memref<8x128xi32, #tpu.memory_space<vmem>>, vector<1x16xi32>,
        %get3A_235 = arith.constant 2 : i32
        %get3A_236 = arith.index_cast %get3A_235 : i32 to index
        %get3A_237 = arith.constant 0 : index
        %get3A_238 = tpu.vector_load %arg9[%get3A_236, %get3A_237] {strides = array<i32>} : memref<8x128xi32, #tpu.memory_space<vmem>>, vector<1x16xi32>,
        %get3A_239 = vector.shape_cast %get3A_238 : vector<1x16xi32> to vector<16xi32>
        %add3A_240 = vector.broadcast %mul3A_11 : i32 to vector<16xi32>
        %add3A_241 = arith.addi %get3A_239, %add3A_240 : vector<16xi32>
        %swap3A_242 = arith.constant 2 : i32
        %swap3A_243 = arith.index_cast %swap3A_242 : i32 to index
        %swap3A_244 = arith.constant 0 : index
        %swap3A_245 = tpu.vector_load %arg9[%swap3A_243, %swap3A_244] {strides = array<i32>} : memref<8x128xi32, #tpu.memory_space<vmem>>, vector<1x16xi32>,
        %swap3A_246 = vector.shape_cast %swap3A_245 : vector<1x16xi32> to vector<16xi32>
        %swap3A_247 = vector.shape_cast %add3A_241 : vector<16xi32> to vector<1x16xi32>
        tpu.vector_store %arg9[%swap3A_243, %swap3A_244], %swap3A_247 {strides = array<i32>} : memref<8x128xi32, #tpu.memory_space<vmem>>, vector<1x16xi32>,
        %get3A_248 = arith.constant 2 : i32
        %get3A_249 = arith.index_cast %get3A_248 : i32 to index
        %get3A_250 = arith.constant 16 : index
        %get3A_251 = tpu.vector_load %arg9[%get3A_249, %get3A_250] {strides = array<i32>} : memref<8x128xi32, #tpu.memory_space<vmem>>, vector<1x16xi32>,
        %get3A_252 = vector.shape_cast %get3A_251 : vector<1x16xi32> to vector<16xi32>
        %add3A_253 = vector.broadcast %mul3A_11 : i32 to vector<16xi32>
        %add3A_254 = arith.addi %get3A_252, %add3A_253 : vector<16xi32>
        %swap3A_255 = arith.constant 2 : i32
        %swap3A_256 = arith.index_cast %swap3A_255 : i32 to index
        %swap3A_257 = arith.constant 16 : index
        %swap3A_258 = tpu.vector_load %arg9[%swap3A_256, %swap3A_257] {strides = array<i32>} : memref<8x128xi32, #tpu.memory_space<vmem>>, vector<1x16xi32>,
        %swap3A_259 = vector.shape_cast %swap3A_258 : vector<1x16xi32> to vector<16xi32>
        %swap3A_260 = vector.shape_cast %add3A_254 : vector<16xi32> to vector<1x16xi32>
        tpu.vector_store %arg9[%swap3A_256, %swap3A_257], %swap3A_260 {strides = array<i32>} : memref<8x128xi32, #tpu.memory_space<vmem>>, vector<1x16xi32>,
        %get3A_261 = arith.constant 2 : i32
        %get3A_262 = arith.index_cast %get3A_261 : i32 to index
        %get3A_263 = arith.constant 32 : index
        %get3A_264 = tpu.vector_load %arg9[%get3A_262, %get3A_263] {strides = array<i32>} : memref<8x128xi32, #tpu.memory_space<vmem>>, vector<1x16xi32>,
        %get3A_265 = vector.shape_cast %get3A_264 : vector<1x16xi32> to vector<16xi32>
        %add3A_266 = vector.broadcast %mul3A_11 : i32 to vector<16xi32>
        %add3A_267 = arith.addi %get3A_265, %add3A_266 : vector<16xi32>
        %swap3A_268 = arith.constant 2 : i32
        %swap3A_269 = arith.index_cast %swap3A_268 : i32 to index
        %swap3A_270 = arith.constant 32 : index
        %swap3A_271 = tpu.vector_load %arg9[%swap3A_269, %swap3A_270] {strides = array<i32>} : memref<8x128xi32, #tpu.memory_space<vmem>>, vector<1x16xi32>,
        %swap3A_272 = vector.shape_cast %swap3A_271 : vector<1x16xi32> to vector<16xi32>
        %swap3A_273 = vector.shape_cast %add3A_267 : vector<16xi32> to vector<1x16xi32>
        tpu.vector_store %arg9[%swap3A_269, %swap3A_270], %swap3A_273 {strides = array<i32>} : memref<8x128xi32, #tpu.memory_space<vmem>>, vector<1x16xi32>,
        %get3A_274 = arith.constant 2 : i32
        %get3A_275 = arith.index_cast %get3A_274 : i32 to index
        %get3A_276 = arith.constant 48 : index
        %get3A_277 = tpu.vector_load %arg9[%get3A_275, %get3A_276] {strides = array<i32>} : memref<8x128xi32, #tpu.memory_space<vmem>>, vector<1x16xi32>,
        %get3A_278 = vector.shape_cast %get3A_277 : vector<1x16xi32> to vector<16xi32>
        %add3A_279 = vector.broadcast %mul3A_11 : i32 to vector<16xi32>
        %add3A_280 = arith.addi %get3A_278, %add3A_279 : vector<16xi32>
        %swap3A_281 = arith.constant 2 : i32
        %swap3A_282 = arith.index_cast %swap3A_281 : i32 to index
        %swap3A_283 = arith.constant 48 : index
        %swap3A_284 = tpu.vector_load %arg9[%swap3A_282, %swap3A_283] {strides = array<i32>} : memref<8x128xi32, #tpu.memory_space<vmem>>, vector<1x16xi32>,
        %swap3A_285 = vector.shape_cast %swap3A_284 : vector<1x16xi32> to vector<16xi32>
        %swap3A_286 = vector.shape_cast %add3A_280 : vector<16xi32> to vector<1x16xi32>
        tpu.vector_store %arg9[%swap3A_282, %swap3A_283], %swap3A_286 {strides = array<i32>} : memref<8x128xi32, #tpu.memory_space<vmem>>, vector<1x16xi32>,
        %get3A_287 = arith.constant 2 : i32
        %get3A_288 = arith.index_cast %get3A_287 : i32 to index
        %get3A_289 = arith.constant 64 : index
        %get3A_290 = tpu.vector_load %arg9[%get3A_288, %get3A_289] {strides = array<i32>} : memref<8x128xi32, #tpu.memory_space<vmem>>, vector<1x16xi32>,
        %get3A_291 = vector.shape_cast %get3A_290 : vector<1x16xi32> to vector<16xi32>
        %add3A_292 = vector.broadcast %mul3A_11 : i32 to vector<16xi32>
        %add3A_293 = arith.addi %get3A_291, %add3A_292 : vector<16xi32>
        %swap3A_294 = arith.constant 2 : i32
        %swap3A_295 = arith.index_cast %swap3A_294 : i32 to index
        %swap3A_296 = arith.constant 64 : index
        %swap3A_297 = tpu.vector_load %arg9[%swap3A_295, %swap3A_296] {strides = array<i32>} : memref<8x128xi32, #tpu.memory_space<vmem>>, vector<1x16xi32>,
        %swap3A_298 = vector.shape_cast %swap3A_297 : vector<1x16xi32> to vector<16xi32>
        %swap3A_299 = vector.shape_cast %add3A_293 : vector<16xi32> to vector<1x16xi32>
        tpu.vector_store %arg9[%swap3A_295, %swap3A_296], %swap3A_299 {strides = array<i32>} : memref<8x128xi32, #tpu.memory_space<vmem>>, vector<1x16xi32>,
        %get3A_300 = arith.constant 2 : i32
        %get3A_301 = arith.index_cast %get3A_300 : i32 to index
        %get3A_302 = arith.constant 80 : index
        %get3A_303 = tpu.vector_load %arg9[%get3A_301, %get3A_302] {strides = array<i32>} : memref<8x128xi32, #tpu.memory_space<vmem>>, vector<1x16xi32>,
        %get3A_304 = vector.shape_cast %get3A_303 : vector<1x16xi32> to vector<16xi32>
        %add3A_305 = vector.broadcast %mul3A_11 : i32 to vector<16xi32>
        %add3A_306 = arith.addi %get3A_304, %add3A_305 : vector<16xi32>
        %swap3A_307 = arith.constant 2 : i32
        %swap3A_308 = arith.index_cast %swap3A_307 : i32 to index
        %swap3A_309 = arith.constant 80 : index
        %swap3A_310 = tpu.vector_load %arg9[%swap3A_308, %swap3A_309] {strides = array<i32>} : memref<8x128xi32, #tpu.memory_space<vmem>>, vector<1x16xi32>,
        %swap3A_311 = vector.shape_cast %swap3A_310 : vector<1x16xi32> to vector<16xi32>
        %swap3A_312 = vector.shape_cast %add3A_306 : vector<16xi32> to vector<1x16xi32>
        tpu.vector_store %arg9[%swap3A_308, %swap3A_309], %swap3A_312 {strides = array<i32>} : memref<8x128xi32, #tpu.memory_space<vmem>>, vector<1x16xi32>,
        %get3A_313 = arith.constant 2 : i32
        %get3A_314 = arith.index_cast %get3A_313 : i32 to index
        %get3A_315 = arith.constant 96 : index
        %get3A_316 = tpu.vector_load %arg9[%get3A_314, %get3A_315] {strides = array<i32>} : memref<8x128xi32, #tpu.memory_space<vmem>>, vector<1x16xi32>,
        %get3A_317 = vector.shape_cast %get3A_316 : vector<1x16xi32> to vector<16xi32>
        %add3A_318 = vector.broadcast %mul3A_11 : i32 to vector<16xi32>
        %add3A_319 = arith.addi %get3A_317, %add3A_318 : vector<16xi32>
        %swap3A_320 = arith.constant 2 : i32
        %swap3A_321 = arith.index_cast %swap3A_320 : i32 to index
        %swap3A_322 = arith.constant 96 : index
        %swap3A_323 = tpu.vector_load %arg9[%swap3A_321, %swap3A_322] {strides = array<i32>} : memref<8x128xi32, #tpu.memory_space<vmem>>, vector<1x16xi32>,
        %swap3A_324 = vector.shape_cast %swap3A_323 : vector<1x16xi32> to vector<16xi32>
        %swap3A_325 = vector.shape_cast %add3A_319 : vector<16xi32> to vector<1x16xi32>
        tpu.vector_store %arg9[%swap3A_321, %swap3A_322], %swap3A_325 {strides = array<i32>} : memref<8x128xi32, #tpu.memory_space<vmem>>, vector<1x16xi32>,
        %get3A_326 = arith.constant 2 : i32
        %get3A_327 = arith.index_cast %get3A_326 : i32 to index
        %get3A_328 = arith.constant 112 : index
        %get3A_329 = tpu.vector_load %arg9[%get3A_327, %get3A_328] {strides = array<i32>} : memref<8x128xi32, #tpu.memory_space<vmem>>, vector<1x16xi32>,
        %get3A_330 = vector.shape_cast %get3A_329 : vector<1x16xi32> to vector<16xi32>
        %add3A_331 = vector.broadcast %mul3A_11 : i32 to vector<16xi32>
        %add3A_332 = arith.addi %get3A_330, %add3A_331 : vector<16xi32>
        %swap3A_333 = arith.constant 2 : i32
        %swap3A_334 = arith.index_cast %swap3A_333 : i32 to index
        %swap3A_335 = arith.constant 112 : index
        %swap3A_336 = tpu.vector_load %arg9[%swap3A_334, %swap3A_335] {strides = array<i32>} : memref<8x128xi32, #tpu.memory_space<vmem>>, vector<1x16xi32>,
        %swap3A_337 = vector.shape_cast %swap3A_336 : vector<1x16xi32> to vector<16xi32>
        %swap3A_338 = vector.shape_cast %add3A_332 : vector<16xi32> to vector<1x16xi32>
        tpu.vector_store %arg9[%swap3A_334, %swap3A_335], %swap3A_338 {strides = array<i32>} : memref<8x128xi32, #tpu.memory_space<vmem>>, vector<1x16xi32>,
        %get3A_339 = arith.constant 3 : i32
        %get3A_340 = arith.index_cast %get3A_339 : i32 to index
        %get3A_341 = arith.constant 0 : index
        %get3A_342 = tpu.vector_load %arg9[%get3A_340, %get3A_341] {strides = array<i32>} : memref<8x128xi32, #tpu.memory_space<vmem>>, vector<1x16xi32>,
        %get3A_343 = vector.shape_cast %get3A_342 : vector<1x16xi32> to vector<16xi32>
        %add3A_344 = vector.broadcast %mul3A_11 : i32 to vector<16xi32>
        %add3A_345 = arith.addi %get3A_343, %add3A_344 : vector<16xi32>
        %swap3A_346 = arith.constant 3 : i32
        %swap3A_347 = arith.index_cast %swap3A_346 : i32 to index
        %swap3A_348 = arith.constant 0 : index
        %swap3A_349 = tpu.vector_load %arg9[%swap3A_347, %swap3A_348] {strides = array<i32>} : memref<8x128xi32, #tpu.memory_space<vmem>>, vector<1x16xi32>,
        %swap3A_350 = vector.shape_cast %swap3A_349 : vector<1x16xi32> to vector<16xi32>
        %swap3A_351 = vector.shape_cast %add3A_345 : vector<16xi32> to vector<1x16xi32>
        tpu.vector_store %arg9[%swap3A_347, %swap3A_348], %swap3A_351 {strides = array<i32>} : memref<8x128xi32, #tpu.memory_space<vmem>>, vector<1x16xi32>,
        %get3A_352 = arith.constant 3 : i32
        %get3A_353 = arith.index_cast %get3A_352 : i32 to index
        %get3A_354 = arith.constant 16 : index
        %get3A_355 = tpu.vector_load %arg9[%get3A_353, %get3A_354] {strides = array<i32>} : memref<8x128xi32, #tpu.memory_space<vmem>>, vector<1x16xi32>,
        %get3A_356 = vector.shape_cast %get3A_355 : vector<1x16xi32> to vector<16xi32>
        %add3A_357 = vector.broadcast %mul3A_11 : i32 to vector<16xi32>
        %add3A_358 = arith.addi %get3A_356, %add3A_357 : vector<16xi32>
        %swap3A_359 = arith.constant 3 : i32
        %swap3A_360 = arith.index_cast %swap3A_359 : i32 to index
        %swap3A_361 = arith.constant 16 : index
        %swap3A_362 = tpu.vector_load %arg9[%swap3A_360, %swap3A_361] {strides = array<i32>} : memref<8x128xi32, #tpu.memory_space<vmem>>, vector<1x16xi32>,
        %swap3A_363 = vector.shape_cast %swap3A_362 : vector<1x16xi32> to vector<16xi32>
        %swap3A_364 = vector.shape_cast %add3A_358 : vector<16xi32> to vector<1x16xi32>
        tpu.vector_store %arg9[%swap3A_360, %swap3A_361], %swap3A_364 {strides = array<i32>} : memref<8x128xi32, #tpu.memory_space<vmem>>, vector<1x16xi32>,
        %get3A_365 = arith.constant 3 : i32
        %get3A_366 = arith.index_cast %get3A_365 : i32 to index
        %get3A_367 = arith.constant 32 : index
        %get3A_368 = tpu.vector_load %arg9[%get3A_366, %get3A_367] {strides = array<i32>} : memref<8x128xi32, #tpu.memory_space<vmem>>, vector<1x16xi32>,
        %get3A_369 = vector.shape_cast %get3A_368 : vector<1x16xi32> to vector<16xi32>
        %add3A_370 = vector.broadcast %mul3A_11 : i32 to vector<16xi32>
        %add3A_371 = arith.addi %get3A_369, %add3A_370 : vector<16xi32>
        %swap3A_372 = arith.constant 3 : i32
        %swap3A_373 = arith.index_cast %swap3A_372 : i32 to index
        %swap3A_374 = arith.constant 32 : index
        %swap3A_375 = tpu.vector_load %arg9[%swap3A_373, %swap3A_374] {strides = array<i32>} : memref<8x128xi32, #tpu.memory_space<vmem>>, vector<1x16xi32>,
        %swap3A_376 = vector.shape_cast %swap3A_375 : vector<1x16xi32> to vector<16xi32>
        %swap3A_377 = vector.shape_cast %add3A_371 : vector<16xi32> to vector<1x16xi32>
        tpu.vector_store %arg9[%swap3A_373, %swap3A_374], %swap3A_377 {strides = array<i32>} : memref<8x128xi32, #tpu.memory_space<vmem>>, vector<1x16xi32>,
        %get3A_378 = arith.constant 3 : i32
        %get3A_379 = arith.index_cast %get3A_378 : i32 to index
        %get3A_380 = arith.constant 48 : index
        %get3A_381 = tpu.vector_load %arg9[%get3A_379, %get3A_380] {strides = array<i32>} : memref<8x128xi32, #tpu.memory_space<vmem>>, vector<1x16xi32>,
        %get3A_382 = vector.shape_cast %get3A_381 : vector<1x16xi32> to vector<16xi32>
        %add3A_383 = vector.broadcast %mul3A_11 : i32 to vector<16xi32>
        %add3A_384 = arith.addi %get3A_382, %add3A_383 : vector<16xi32>
        %swap3A_385 = arith.constant 3 : i32
        %swap3A_386 = arith.index_cast %swap3A_385 : i32 to index
        %swap3A_387 = arith.constant 48 : index
        %swap3A_388 = tpu.vector_load %arg9[%swap3A_386, %swap3A_387] {strides = array<i32>} : memref<8x128xi32, #tpu.memory_space<vmem>>, vector<1x16xi32>,
        %swap3A_389 = vector.shape_cast %swap3A_388 : vector<1x16xi32> to vector<16xi32>
        %swap3A_390 = vector.shape_cast %add3A_384 : vector<16xi32> to vector<1x16xi32>
        tpu.vector_store %arg9[%swap3A_386, %swap3A_387], %swap3A_390 {strides = array<i32>} : memref<8x128xi32, #tpu.memory_space<vmem>>, vector<1x16xi32>,
        %get3A_391 = arith.constant 3 : i32
        %get3A_392 = arith.index_cast %get3A_391 : i32 to index
        %get3A_393 = arith.constant 64 : index
        %get3A_394 = tpu.vector_load %arg9[%get3A_392, %get3A_393] {strides = array<i32>} : memref<8x128xi32, #tpu.memory_space<vmem>>, vector<1x16xi32>,
        %get3A_395 = vector.shape_cast %get3A_394 : vector<1x16xi32> to vector<16xi32>
        %add3A_396 = vector.broadcast %mul3A_11 : i32 to vector<16xi32>
        %add3A_397 = arith.addi %get3A_395, %add3A_396 : vector<16xi32>
        %swap3A_398 = arith.constant 3 : i32
        %swap3A_399 = arith.index_cast %swap3A_398 : i32 to index
        %swap3A_400 = arith.constant 64 : index
        %swap3A_401 = tpu.vector_load %arg9[%swap3A_399, %swap3A_400] {strides = array<i32>} : memref<8x128xi32, #tpu.memory_space<vmem>>, vector<1x16xi32>,
        %swap3A_402 = vector.shape_cast %swap3A_401 : vector<1x16xi32> to vector<16xi32>
        %swap3A_403 = vector.shape_cast %add3A_397 : vector<16xi32> to vector<1x16xi32>
        tpu.vector_store %arg9[%swap3A_399, %swap3A_400], %swap3A_403 {strides = array<i32>} : memref<8x128xi32, #tpu.memory_space<vmem>>, vector<1x16xi32>,
        %get3A_404 = arith.constant 3 : i32
        %get3A_405 = arith.index_cast %get3A_404 : i32 to index
        %get3A_406 = arith.constant 80 : index
        %get3A_407 = tpu.vector_load %arg9[%get3A_405, %get3A_406] {strides = array<i32>} : memref<8x128xi32, #tpu.memory_space<vmem>>, vector<1x16xi32>,
        %get3A_408 = vector.shape_cast %get3A_407 : vector<1x16xi32> to vector<16xi32>
        %add3A_409 = vector.broadcast %mul3A_11 : i32 to vector<16xi32>
        %add3A_410 = arith.addi %get3A_408, %add3A_409 : vector<16xi32>
        %swap3A_411 = arith.constant 3 : i32
        %swap3A_412 = arith.index_cast %swap3A_411 : i32 to index
        %swap3A_413 = arith.constant 80 : index
        %swap3A_414 = tpu.vector_load %arg9[%swap3A_412, %swap3A_413] {strides = array<i32>} : memref<8x128xi32, #tpu.memory_space<vmem>>, vector<1x16xi32>,
        %swap3A_415 = vector.shape_cast %swap3A_414 : vector<1x16xi32> to vector<16xi32>
        %swap3A_416 = vector.shape_cast %add3A_410 : vector<16xi32> to vector<1x16xi32>
        tpu.vector_store %arg9[%swap3A_412, %swap3A_413], %swap3A_416 {strides = array<i32>} : memref<8x128xi32, #tpu.memory_space<vmem>>, vector<1x16xi32>,
        %get3A_417 = arith.constant 3 : i32
        %get3A_418 = arith.index_cast %get3A_417 : i32 to index
        %get3A_419 = arith.constant 96 : index
        %get3A_420 = tpu.vector_load %arg9[%get3A_418, %get3A_419] {strides = array<i32>} : memref<8x128xi32, #tpu.memory_space<vmem>>, vector<1x16xi32>,
        %get3A_421 = vector.shape_cast %get3A_420 : vector<1x16xi32> to vector<16xi32>
        %add3A_422 = vector.broadcast %mul3A_11 : i32 to vector<16xi32>
        %add3A_423 = arith.addi %get3A_421, %add3A_422 : vector<16xi32>
        %swap3A_424 = arith.constant 3 : i32
        %swap3A_425 = arith.index_cast %swap3A_424 : i32 to index
        %swap3A_426 = arith.constant 96 : index
        %swap3A_427 = tpu.vector_load %arg9[%swap3A_425, %swap3A_426] {strides = array<i32>} : memref<8x128xi32, #tpu.memory_space<vmem>>, vector<1x16xi32>,
        %swap3A_428 = vector.shape_cast %swap3A_427 : vector<1x16xi32> to vector<16xi32>
        %swap3A_429 = vector.shape_cast %add3A_423 : vector<16xi32> to vector<1x16xi32>
        tpu.vector_store %arg9[%swap3A_425, %swap3A_426], %swap3A_429 {strides = array<i32>} : memref<8x128xi32, #tpu.memory_space<vmem>>, vector<1x16xi32>,
        %get3A_430 = arith.constant 3 : i32
        %get3A_431 = arith.index_cast %get3A_430 : i32 to index
        %get3A_432 = arith.constant 112 : index
        %get3A_433 = tpu.vector_load %arg9[%get3A_431, %get3A_432] {strides = array<i32>} : memref<8x128xi32, #tpu.memory_space<vmem>>, vector<1x16xi32>,
        %get3A_434 = vector.shape_cast %get3A_433 : vector<1x16xi32> to vector<16xi32>
        %add3A_435 = vector.broadcast %mul3A_11 : i32 to vector<16xi32>
        %add3A_436 = arith.addi %get3A_434, %add3A_435 : vector<16xi32>
        %swap3A_437 = arith.constant 3 : i32
        %swap3A_438 = arith.index_cast %swap3A_437 : i32 to index
        %swap3A_439 = arith.constant 112 : index
        %swap3A_440 = tpu.vector_load %arg9[%swap3A_438, %swap3A_439] {strides = array<i32>} : memref<8x128xi32, #tpu.memory_space<vmem>>, vector<1x16xi32>,
        %swap3A_441 = vector.shape_cast %swap3A_440 : vector<1x16xi32> to vector<16xi32>
        %swap3A_442 = vector.shape_cast %add3A_436 : vector<16xi32> to vector<1x16xi32>
        tpu.vector_store %arg9[%swap3A_438, %swap3A_439], %swap3A_442 {strides = array<i32>} : memref<8x128xi32, #tpu.memory_space<vmem>>, vector<1x16xi32>,
        %get3A_443 = arith.constant 4 : i32
        %get3A_444 = arith.index_cast %get3A_443 : i32 to index
        %get3A_445 = arith.constant 0 : index
        %get3A_446 = tpu.vector_load %arg9[%get3A_444, %get3A_445] {strides = array<i32>} : memref<8x128xi32, #tpu.memory_space<vmem>>, vector<1x16xi32>,
        %get3A_447 = vector.shape_cast %get3A_446 : vector<1x16xi32> to vector<16xi32>
        %add3A_448 = vector.broadcast %mul3A_11 : i32 to vector<16xi32>
        %add3A_449 = arith.addi %get3A_447, %add3A_448 : vector<16xi32>
        %swap3A_450 = arith.constant 4 : i32
        %swap3A_451 = arith.index_cast %swap3A_450 : i32 to index
        %swap3A_452 = arith.constant 0 : index
        %swap3A_453 = tpu.vector_load %arg9[%swap3A_451, %swap3A_452] {strides = array<i32>} : memref<8x128xi32, #tpu.memory_space<vmem>>, vector<1x16xi32>,
        %swap3A_454 = vector.shape_cast %swap3A_453 : vector<1x16xi32> to vector<16xi32>
        %swap3A_455 = vector.shape_cast %add3A_449 : vector<16xi32> to vector<1x16xi32>
        tpu.vector_store %arg9[%swap3A_451, %swap3A_452], %swap3A_455 {strides = array<i32>} : memref<8x128xi32, #tpu.memory_space<vmem>>, vector<1x16xi32>,
        %get3A_456 = arith.constant 4 : i32
        %get3A_457 = arith.index_cast %get3A_456 : i32 to index
        %get3A_458 = arith.constant 16 : index
        %get3A_459 = tpu.vector_load %arg9[%get3A_457, %get3A_458] {strides = array<i32>} : memref<8x128xi32, #tpu.memory_space<vmem>>, vector<1x16xi32>,
        %get3A_460 = vector.shape_cast %get3A_459 : vector<1x16xi32> to vector<16xi32>
        %add3A_461 = vector.broadcast %mul3A_11 : i32 to vector<16xi32>
        %add3A_462 = arith.addi %get3A_460, %add3A_461 : vector<16xi32>
        %swap3A_463 = arith.constant 4 : i32
        %swap3A_464 = arith.index_cast %swap3A_463 : i32 to index
        %swap3A_465 = arith.constant 16 : index
        %swap3A_466 = tpu.vector_load %arg9[%swap3A_464, %swap3A_465] {strides = array<i32>} : memref<8x128xi32, #tpu.memory_space<vmem>>, vector<1x16xi32>,
        %swap3A_467 = vector.shape_cast %swap3A_466 : vector<1x16xi32> to vector<16xi32>
        %swap3A_468 = vector.shape_cast %add3A_462 : vector<16xi32> to vector<1x16xi32>
        tpu.vector_store %arg9[%swap3A_464, %swap3A_465], %swap3A_468 {strides = array<i32>} : memref<8x128xi32, #tpu.memory_space<vmem>>, vector<1x16xi32>,
        %get3A_469 = arith.constant 4 : i32
        %get3A_470 = arith.index_cast %get3A_469 : i32 to index
        %get3A_471 = arith.constant 32 : index
        %get3A_472 = tpu.vector_load %arg9[%get3A_470, %get3A_471] {strides = array<i32>} : memref<8x128xi32, #tpu.memory_space<vmem>>, vector<1x16xi32>,
        %get3A_473 = vector.shape_cast %get3A_472 : vector<1x16xi32> to vector<16xi32>
        %add3A_474 = vector.broadcast %mul3A_11 : i32 to vector<16xi32>
        %add3A_475 = arith.addi %get3A_473, %add3A_474 : vector<16xi32>
        %swap3A_476 = arith.constant 4 : i32
        %swap3A_477 = arith.index_cast %swap3A_476 : i32 to index
        %swap3A_478 = arith.constant 32 : index
        %swap3A_479 = tpu.vector_load %arg9[%swap3A_477, %swap3A_478] {strides = array<i32>} : memref<8x128xi32, #tpu.memory_space<vmem>>, vector<1x16xi32>,
        %swap3A_480 = vector.shape_cast %swap3A_479 : vector<1x16xi32> to vector<16xi32>
        %swap3A_481 = vector.shape_cast %add3A_475 : vector<16xi32> to vector<1x16xi32>
        tpu.vector_store %arg9[%swap3A_477, %swap3A_478], %swap3A_481 {strides = array<i32>} : memref<8x128xi32, #tpu.memory_space<vmem>>, vector<1x16xi32>,
        %get3A_482 = arith.constant 4 : i32
        %get3A_483 = arith.index_cast %get3A_482 : i32 to index
        %get3A_484 = arith.constant 48 : index
        %get3A_485 = tpu.vector_load %arg9[%get3A_483, %get3A_484] {strides = array<i32>} : memref<8x128xi32, #tpu.memory_space<vmem>>, vector<1x16xi32>,
        %get3A_486 = vector.shape_cast %get3A_485 : vector<1x16xi32> to vector<16xi32>
        %add3A_487 = vector.broadcast %mul3A_11 : i32 to vector<16xi32>
        %add3A_488 = arith.addi %get3A_486, %add3A_487 : vector<16xi32>
        %swap3A_489 = arith.constant 4 : i32
        %swap3A_490 = arith.index_cast %swap3A_489 : i32 to index
        %swap3A_491 = arith.constant 48 : index
        %swap3A_492 = tpu.vector_load %arg9[%swap3A_490, %swap3A_491] {strides = array<i32>} : memref<8x128xi32, #tpu.memory_space<vmem>>, vector<1x16xi32>,
        %swap3A_493 = vector.shape_cast %swap3A_492 : vector<1x16xi32> to vector<16xi32>
        %swap3A_494 = vector.shape_cast %add3A_488 : vector<16xi32> to vector<1x16xi32>
        tpu.vector_store %arg9[%swap3A_490, %swap3A_491], %swap3A_494 {strides = array<i32>} : memref<8x128xi32, #tpu.memory_space<vmem>>, vector<1x16xi32>,
        %get3A_495 = arith.constant 4 : i32
        %get3A_496 = arith.index_cast %get3A_495 : i32 to index
        %get3A_497 = arith.constant 64 : index
        %get3A_498 = tpu.vector_load %arg9[%get3A_496, %get3A_497] {strides = array<i32>} : memref<8x128xi32, #tpu.memory_space<vmem>>, vector<1x16xi32>,
        %get3A_499 = vector.shape_cast %get3A_498 : vector<1x16xi32> to vector<16xi32>
        %add3A_500 = vector.broadcast %mul3A_11 : i32 to vector<16xi32>
        %add3A_501 = arith.addi %get3A_499, %add3A_500 : vector<16xi32>
        %swap3A_502 = arith.constant 4 : i32
        %swap3A_503 = arith.index_cast %swap3A_502 : i32 to index
        %swap3A_504 = arith.constant 64 : index
        %swap3A_505 = tpu.vector_load %arg9[%swap3A_503, %swap3A_504] {strides = array<i32>} : memref<8x128xi32, #tpu.memory_space<vmem>>, vector<1x16xi32>,
        %swap3A_506 = vector.shape_cast %swap3A_505 : vector<1x16xi32> to vector<16xi32>
        %swap3A_507 = vector.shape_cast %add3A_501 : vector<16xi32> to vector<1x16xi32>
        tpu.vector_store %arg9[%swap3A_503, %swap3A_504], %swap3A_507 {strides = array<i32>} : memref<8x128xi32, #tpu.memory_space<vmem>>, vector<1x16xi32>,
        %get3A_508 = arith.constant 4 : i32
        %get3A_509 = arith.index_cast %get3A_508 : i32 to index
        %get3A_510 = arith.constant 80 : index
        %get3A_511 = tpu.vector_load %arg9[%get3A_509, %get3A_510] {strides = array<i32>} : memref<8x128xi32, #tpu.memory_space<vmem>>, vector<1x16xi32>,
        %get3A_512 = vector.shape_cast %get3A_511 : vector<1x16xi32> to vector<16xi32>
        %add3A_513 = vector.broadcast %mul3A_11 : i32 to vector<16xi32>
        %add3A_514 = arith.addi %get3A_512, %add3A_513 : vector<16xi32>
        %swap3A_515 = arith.constant 4 : i32
        %swap3A_516 = arith.index_cast %swap3A_515 : i32 to index
        %swap3A_517 = arith.constant 80 : index
        %swap3A_518 = tpu.vector_load %arg9[%swap3A_516, %swap3A_517] {strides = array<i32>} : memref<8x128xi32, #tpu.memory_space<vmem>>, vector<1x16xi32>,
        %swap3A_519 = vector.shape_cast %swap3A_518 : vector<1x16xi32> to vector<16xi32>
        %swap3A_520 = vector.shape_cast %add3A_514 : vector<16xi32> to vector<1x16xi32>
        tpu.vector_store %arg9[%swap3A_516, %swap3A_517], %swap3A_520 {strides = array<i32>} : memref<8x128xi32, #tpu.memory_space<vmem>>, vector<1x16xi32>,
        %get3A_521 = arith.constant 4 : i32
        %get3A_522 = arith.index_cast %get3A_521 : i32 to index
        %get3A_523 = arith.constant 96 : index
        %get3A_524 = tpu.vector_load %arg9[%get3A_522, %get3A_523] {strides = array<i32>} : memref<8x128xi32, #tpu.memory_space<vmem>>, vector<1x16xi32>,
        %get3A_525 = vector.shape_cast %get3A_524 : vector<1x16xi32> to vector<16xi32>
        %add3A_526 = vector.broadcast %mul3A_11 : i32 to vector<16xi32>
        %add3A_527 = arith.addi %get3A_525, %add3A_526 : vector<16xi32>
        %swap3A_528 = arith.constant 4 : i32
        %swap3A_529 = arith.index_cast %swap3A_528 : i32 to index
        %swap3A_530 = arith.constant 96 : index
        %swap3A_531 = tpu.vector_load %arg9[%swap3A_529, %swap3A_530] {strides = array<i32>} : memref<8x128xi32, #tpu.memory_space<vmem>>, vector<1x16xi32>,
        %swap3A_532 = vector.shape_cast %swap3A_531 : vector<1x16xi32> to vector<16xi32>
        %swap3A_533 = vector.shape_cast %add3A_527 : vector<16xi32> to vector<1x16xi32>
        tpu.vector_store %arg9[%swap3A_529, %swap3A_530], %swap3A_533 {strides = array<i32>} : memref<8x128xi32, #tpu.memory_space<vmem>>, vector<1x16xi32>,
        %get3A_534 = arith.constant 4 : i32
        %get3A_535 = arith.index_cast %get3A_534 : i32 to index
        %get3A_536 = arith.constant 112 : index
        %get3A_537 = tpu.vector_load %arg9[%get3A_535, %get3A_536] {strides = array<i32>} : memref<8x128xi32, #tpu.memory_space<vmem>>, vector<1x16xi32>,
        %get3A_538 = vector.shape_cast %get3A_537 : vector<1x16xi32> to vector<16xi32>
        %add3A_539 = vector.broadcast %mul3A_11 : i32 to vector<16xi32>
        %add3A_540 = arith.addi %get3A_538, %add3A_539 : vector<16xi32>
        %swap3A_541 = arith.constant 4 : i32
        %swap3A_542 = arith.index_cast %swap3A_541 : i32 to index
        %swap3A_543 = arith.constant 112 : index
        %swap3A_544 = tpu.vector_load %arg9[%swap3A_542, %swap3A_543] {strides = array<i32>} : memref<8x128xi32, #tpu.memory_space<vmem>>, vector<1x16xi32>,
        %swap3A_545 = vector.shape_cast %swap3A_544 : vector<1x16xi32> to vector<16xi32>
        %swap3A_546 = vector.shape_cast %add3A_540 : vector<16xi32> to vector<1x16xi32>
        tpu.vector_store %arg9[%swap3A_542, %swap3A_543], %swap3A_546 {strides = array<i32>} : memref<8x128xi32, #tpu.memory_space<vmem>>, vector<1x16xi32>,
        %get3A_547 = arith.constant 5 : i32
        %get3A_548 = arith.index_cast %get3A_547 : i32 to index
        %get3A_549 = arith.constant 0 : index
        %get3A_550 = tpu.vector_load %arg9[%get3A_548, %get3A_549] {strides = array<i32>} : memref<8x128xi32, #tpu.memory_space<vmem>>, vector<1x16xi32>,
        %get3A_551 = vector.shape_cast %get3A_550 : vector<1x16xi32> to vector<16xi32>
        %add3A_552 = vector.broadcast %mul3A_11 : i32 to vector<16xi32>
        %add3A_553 = arith.addi %get3A_551, %add3A_552 : vector<16xi32>
        %swap3A_554 = arith.constant 5 : i32
        %swap3A_555 = arith.index_cast %swap3A_554 : i32 to index
        %swap3A_556 = arith.constant 0 : index
        %swap3A_557 = tpu.vector_load %arg9[%swap3A_555, %swap3A_556] {strides = array<i32>} : memref<8x128xi32, #tpu.memory_space<vmem>>, vector<1x16xi32>,
        %swap3A_558 = vector.shape_cast %swap3A_557 : vector<1x16xi32> to vector<16xi32>
        %swap3A_559 = vector.shape_cast %add3A_553 : vector<16xi32> to vector<1x16xi32>
        tpu.vector_store %arg9[%swap3A_555, %swap3A_556], %swap3A_559 {strides = array<i32>} : memref<8x128xi32, #tpu.memory_space<vmem>>, vector<1x16xi32>,
        %get3A_560 = arith.constant 5 : i32
        %get3A_561 = arith.index_cast %get3A_560 : i32 to index
        %get3A_562 = arith.constant 16 : index
        %get3A_563 = tpu.vector_load %arg9[%get3A_561, %get3A_562] {strides = array<i32>} : memref<8x128xi32, #tpu.memory_space<vmem>>, vector<1x16xi32>,
        %get3A_564 = vector.shape_cast %get3A_563 : vector<1x16xi32> to vector<16xi32>
        %add3A_565 = vector.broadcast %mul3A_11 : i32 to vector<16xi32>
        %add3A_566 = arith.addi %get3A_564, %add3A_565 : vector<16xi32>
        %swap3A_567 = arith.constant 5 : i32
        %swap3A_568 = arith.index_cast %swap3A_567 : i32 to index
        %swap3A_569 = arith.constant 16 : index
        %swap3A_570 = tpu.vector_load %arg9[%swap3A_568, %swap3A_569] {strides = array<i32>} : memref<8x128xi32, #tpu.memory_space<vmem>>, vector<1x16xi32>,
        %swap3A_571 = vector.shape_cast %swap3A_570 : vector<1x16xi32> to vector<16xi32>
        %swap3A_572 = vector.shape_cast %add3A_566 : vector<16xi32> to vector<1x16xi32>
        tpu.vector_store %arg9[%swap3A_568, %swap3A_569], %swap3A_572 {strides = array<i32>} : memref<8x128xi32, #tpu.memory_space<vmem>>, vector<1x16xi32>,
        %get3A_573 = arith.constant 5 : i32
        %get3A_574 = arith.index_cast %get3A_573 : i32 to index
        %get3A_575 = arith.constant 32 : index
        %get3A_576 = tpu.vector_load %arg9[%get3A_574, %get3A_575] {strides = array<i32>} : memref<8x128xi32, #tpu.memory_space<vmem>>, vector<1x16xi32>,
        %get3A_577 = vector.shape_cast %get3A_576 : vector<1x16xi32> to vector<16xi32>
        %add3A_578 = vector.broadcast %mul3A_11 : i32 to vector<16xi32>
        %add3A_579 = arith.addi %get3A_577, %add3A_578 : vector<16xi32>
        %swap3A_580 = arith.constant 5 : i32
        %swap3A_581 = arith.index_cast %swap3A_580 : i32 to index
        %swap3A_582 = arith.constant 32 : index
        %swap3A_583 = tpu.vector_load %arg9[%swap3A_581, %swap3A_582] {strides = array<i32>} : memref<8x128xi32, #tpu.memory_space<vmem>>, vector<1x16xi32>,
        %swap3A_584 = vector.shape_cast %swap3A_583 : vector<1x16xi32> to vector<16xi32>
        %swap3A_585 = vector.shape_cast %add3A_579 : vector<16xi32> to vector<1x16xi32>
        tpu.vector_store %arg9[%swap3A_581, %swap3A_582], %swap3A_585 {strides = array<i32>} : memref<8x128xi32, #tpu.memory_space<vmem>>, vector<1x16xi32>,
        %get3A_586 = arith.constant 5 : i32
        %get3A_587 = arith.index_cast %get3A_586 : i32 to index
        %get3A_588 = arith.constant 48 : index
        %get3A_589 = tpu.vector_load %arg9[%get3A_587, %get3A_588] {strides = array<i32>} : memref<8x128xi32, #tpu.memory_space<vmem>>, vector<1x16xi32>,
        %get3A_590 = vector.shape_cast %get3A_589 : vector<1x16xi32> to vector<16xi32>
        %add3A_591 = vector.broadcast %mul3A_11 : i32 to vector<16xi32>
        %add3A_592 = arith.addi %get3A_590, %add3A_591 : vector<16xi32>
        %swap3A_593 = arith.constant 5 : i32
        %swap3A_594 = arith.index_cast %swap3A_593 : i32 to index
        %swap3A_595 = arith.constant 48 : index
        %swap3A_596 = tpu.vector_load %arg9[%swap3A_594, %swap3A_595] {strides = array<i32>} : memref<8x128xi32, #tpu.memory_space<vmem>>, vector<1x16xi32>,
        %swap3A_597 = vector.shape_cast %swap3A_596 : vector<1x16xi32> to vector<16xi32>
        %swap3A_598 = vector.shape_cast %add3A_592 : vector<16xi32> to vector<1x16xi32>
        tpu.vector_store %arg9[%swap3A_594, %swap3A_595], %swap3A_598 {strides = array<i32>} : memref<8x128xi32, #tpu.memory_space<vmem>>, vector<1x16xi32>,
        %get3A_599 = arith.constant 5 : i32
        %get3A_600 = arith.index_cast %get3A_599 : i32 to index
        %get3A_601 = arith.constant 64 : index
        %get3A_602 = tpu.vector_load %arg9[%get3A_600, %get3A_601] {strides = array<i32>} : memref<8x128xi32, #tpu.memory_space<vmem>>, vector<1x16xi32>,
        %get3A_603 = vector.shape_cast %get3A_602 : vector<1x16xi32> to vector<16xi32>
        %add3A_604 = vector.broadcast %mul3A_11 : i32 to vector<16xi32>
        %add3A_605 = arith.addi %get3A_603, %add3A_604 : vector<16xi32>
        %swap3A_606 = arith.constant 5 : i32
        %swap3A_607 = arith.index_cast %swap3A_606 : i32 to index
        %swap3A_608 = arith.constant 64 : index
        %swap3A_609 = tpu.vector_load %arg9[%swap3A_607, %swap3A_608] {strides = array<i32>} : memref<8x128xi32, #tpu.memory_space<vmem>>, vector<1x16xi32>,
        %swap3A_610 = vector.shape_cast %swap3A_609 : vector<1x16xi32> to vector<16xi32>
        %swap3A_611 = vector.shape_cast %add3A_605 : vector<16xi32> to vector<1x16xi32>
        tpu.vector_store %arg9[%swap3A_607, %swap3A_608], %swap3A_611 {strides = array<i32>} : memref<8x128xi32, #tpu.memory_space<vmem>>, vector<1x16xi32>,
        %get3A_612 = arith.constant 5 : i32
        %get3A_613 = arith.index_cast %get3A_612 : i32 to index
        %get3A_614 = arith.constant 80 : index
        %get3A_615 = tpu.vector_load %arg9[%get3A_613, %get3A_614] {strides = array<i32>} : memref<8x128xi32, #tpu.memory_space<vmem>>, vector<1x16xi32>,
        %get3A_616 = vector.shape_cast %get3A_615 : vector<1x16xi32> to vector<16xi32>
        %add3A_617 = vector.broadcast %mul3A_11 : i32 to vector<16xi32>
        %add3A_618 = arith.addi %get3A_616, %add3A_617 : vector<16xi32>
        %swap3A_619 = arith.constant 5 : i32
        %swap3A_620 = arith.index_cast %swap3A_619 : i32 to index
        %swap3A_621 = arith.constant 80 : index
        %swap3A_622 = tpu.vector_load %arg9[%swap3A_620, %swap3A_621] {strides = array<i32>} : memref<8x128xi32, #tpu.memory_space<vmem>>, vector<1x16xi32>,
        %swap3A_623 = vector.shape_cast %swap3A_622 : vector<1x16xi32> to vector<16xi32>
        %swap3A_624 = vector.shape_cast %add3A_618 : vector<16xi32> to vector<1x16xi32>
        tpu.vector_store %arg9[%swap3A_620, %swap3A_621], %swap3A_624 {strides = array<i32>} : memref<8x128xi32, #tpu.memory_space<vmem>>, vector<1x16xi32>,
        %get3A_625 = arith.constant 5 : i32
        %get3A_626 = arith.index_cast %get3A_625 : i32 to index
        %get3A_627 = arith.constant 96 : index
        %get3A_628 = tpu.vector_load %arg9[%get3A_626, %get3A_627] {strides = array<i32>} : memref<8x128xi32, #tpu.memory_space<vmem>>, vector<1x16xi32>,
        %get3A_629 = vector.shape_cast %get3A_628 : vector<1x16xi32> to vector<16xi32>
        %add3A_630 = vector.broadcast %mul3A_11 : i32 to vector<16xi32>
        %add3A_631 = arith.addi %get3A_629, %add3A_630 : vector<16xi32>
        %swap3A_632 = arith.constant 5 : i32
        %swap3A_633 = arith.index_cast %swap3A_632 : i32 to index
        %swap3A_634 = arith.constant 96 : index
        %swap3A_635 = tpu.vector_load %arg9[%swap3A_633, %swap3A_634] {strides = array<i32>} : memref<8x128xi32, #tpu.memory_space<vmem>>, vector<1x16xi32>,
        %swap3A_636 = vector.shape_cast %swap3A_635 : vector<1x16xi32> to vector<16xi32>
        %swap3A_637 = vector.shape_cast %add3A_631 : vector<16xi32> to vector<1x16xi32>
        tpu.vector_store %arg9[%swap3A_633, %swap3A_634], %swap3A_637 {strides = array<i32>} : memref<8x128xi32, #tpu.memory_space<vmem>>, vector<1x16xi32>,
        %get3A_638 = arith.constant 5 : i32
        %get3A_639 = arith.index_cast %get3A_638 : i32 to index
        %get3A_640 = arith.constant 112 : index
        %get3A_641 = tpu.vector_load %arg9[%get3A_639, %get3A_640] {strides = array<i32>} : memref<8x128xi32, #tpu.memory_space<vmem>>, vector<1x16xi32>,
        %get3A_642 = vector.shape_cast %get3A_641 : vector<1x16xi32> to vector<16xi32>
        %add3A_643 = vector.broadcast %mul3A_11 : i32 to vector<16xi32>
        %add3A_644 = arith.addi %get3A_642, %add3A_643 : vector<16xi32>
        %swap3A_645 = arith.constant 5 : i32
        %swap3A_646 = arith.index_cast %swap3A_645 : i32 to index
        %swap3A_647 = arith.constant 112 : index
        %swap3A_648 = tpu.vector_load %arg9[%swap3A_646, %swap3A_647] {strides = array<i32>} : memref<8x128xi32, #tpu.memory_space<vmem>>, vector<1x16xi32>,
        %swap3A_649 = vector.shape_cast %swap3A_648 : vector<1x16xi32> to vector<16xi32>
        %swap3A_650 = vector.shape_cast %add3A_644 : vector<16xi32> to vector<1x16xi32>
        tpu.vector_store %arg9[%swap3A_646, %swap3A_647], %swap3A_650 {strides = array<i32>} : memref<8x128xi32, #tpu.memory_space<vmem>>, vector<1x16xi32>,
        %get3A_651 = arith.constant 6 : i32
        %get3A_652 = arith.index_cast %get3A_651 : i32 to index
        %get3A_653 = arith.constant 0 : index
        %get3A_654 = tpu.vector_load %arg9[%get3A_652, %get3A_653] {strides = array<i32>} : memref<8x128xi32, #tpu.memory_space<vmem>>, vector<1x16xi32>,
        %get3A_655 = vector.shape_cast %get3A_654 : vector<1x16xi32> to vector<16xi32>
        %add3A_656 = vector.broadcast %mul3A_11 : i32 to vector<16xi32>
        %add3A_657 = arith.addi %get3A_655, %add3A_656 : vector<16xi32>
        %swap3A_658 = arith.constant 6 : i32
        %swap3A_659 = arith.index_cast %swap3A_658 : i32 to index
        %swap3A_660 = arith.constant 0 : index
        %swap3A_661 = tpu.vector_load %arg9[%swap3A_659, %swap3A_660] {strides = array<i32>} : memref<8x128xi32, #tpu.memory_space<vmem>>, vector<1x16xi32>,
        %swap3A_662 = vector.shape_cast %swap3A_661 : vector<1x16xi32> to vector<16xi32>
        %swap3A_663 = vector.shape_cast %add3A_657 : vector<16xi32> to vector<1x16xi32>
        tpu.vector_store %arg9[%swap3A_659, %swap3A_660], %swap3A_663 {strides = array<i32>} : memref<8x128xi32, #tpu.memory_space<vmem>>, vector<1x16xi32>,
        %get3A_664 = arith.constant 6 : i32
        %get3A_665 = arith.index_cast %get3A_664 : i32 to index
        %get3A_666 = arith.constant 16 : index
        %get3A_667 = tpu.vector_load %arg9[%get3A_665, %get3A_666] {strides = array<i32>} : memref<8x128xi32, #tpu.memory_space<vmem>>, vector<1x16xi32>,
        %get3A_668 = vector.shape_cast %get3A_667 : vector<1x16xi32> to vector<16xi32>
        %add3A_669 = vector.broadcast %mul3A_11 : i32 to vector<16xi32>
        %add3A_670 = arith.addi %get3A_668, %add3A_669 : vector<16xi32>
        %swap3A_671 = arith.constant 6 : i32
        %swap3A_672 = arith.index_cast %swap3A_671 : i32 to index
        %swap3A_673 = arith.constant 16 : index
        %swap3A_674 = tpu.vector_load %arg9[%swap3A_672, %swap3A_673] {strides = array<i32>} : memref<8x128xi32, #tpu.memory_space<vmem>>, vector<1x16xi32>,
        %swap3A_675 = vector.shape_cast %swap3A_674 : vector<1x16xi32> to vector<16xi32>
        %swap3A_676 = vector.shape_cast %add3A_670 : vector<16xi32> to vector<1x16xi32>
        tpu.vector_store %arg9[%swap3A_672, %swap3A_673], %swap3A_676 {strides = array<i32>} : memref<8x128xi32, #tpu.memory_space<vmem>>, vector<1x16xi32>,
        %get3A_677 = arith.constant 6 : i32
        %get3A_678 = arith.index_cast %get3A_677 : i32 to index
        %get3A_679 = arith.constant 32 : index
        %get3A_680 = tpu.vector_load %arg9[%get3A_678, %get3A_679] {strides = array<i32>} : memref<8x128xi32, #tpu.memory_space<vmem>>, vector<1x16xi32>,
        %get3A_681 = vector.shape_cast %get3A_680 : vector<1x16xi32> to vector<16xi32>
        %add3A_682 = vector.broadcast %mul3A_11 : i32 to vector<16xi32>
        %add3A_683 = arith.addi %get3A_681, %add3A_682 : vector<16xi32>
        %swap3A_684 = arith.constant 6 : i32
        %swap3A_685 = arith.index_cast %swap3A_684 : i32 to index
        %swap3A_686 = arith.constant 32 : index
        %swap3A_687 = tpu.vector_load %arg9[%swap3A_685, %swap3A_686] {strides = array<i32>} : memref<8x128xi32, #tpu.memory_space<vmem>>, vector<1x16xi32>,
        %swap3A_688 = vector.shape_cast %swap3A_687 : vector<1x16xi32> to vector<16xi32>
        %swap3A_689 = vector.shape_cast %add3A_683 : vector<16xi32> to vector<1x16xi32>
        tpu.vector_store %arg9[%swap3A_685, %swap3A_686], %swap3A_689 {strides = array<i32>} : memref<8x128xi32, #tpu.memory_space<vmem>>, vector<1x16xi32>,
        %get3A_690 = arith.constant 6 : i32
        %get3A_691 = arith.index_cast %get3A_690 : i32 to index
        %get3A_692 = arith.constant 48 : index
        %get3A_693 = tpu.vector_load %arg9[%get3A_691, %get3A_692] {strides = array<i32>} : memref<8x128xi32, #tpu.memory_space<vmem>>, vector<1x16xi32>,
        %get3A_694 = vector.shape_cast %get3A_693 : vector<1x16xi32> to vector<16xi32>
        %add3A_695 = vector.broadcast %mul3A_11 : i32 to vector<16xi32>
        %add3A_696 = arith.addi %get3A_694, %add3A_695 : vector<16xi32>
        %swap3A_697 = arith.constant 6 : i32
        %swap3A_698 = arith.index_cast %swap3A_697 : i32 to index
        %swap3A_699 = arith.constant 48 : index
        %swap3A_700 = tpu.vector_load %arg9[%swap3A_698, %swap3A_699] {strides = array<i32>} : memref<8x128xi32, #tpu.memory_space<vmem>>, vector<1x16xi32>,
        %swap3A_701 = vector.shape_cast %swap3A_700 : vector<1x16xi32> to vector<16xi32>
        %swap3A_702 = vector.shape_cast %add3A_696 : vector<16xi32> to vector<1x16xi32>
        tpu.vector_store %arg9[%swap3A_698, %swap3A_699], %swap3A_702 {strides = array<i32>} : memref<8x128xi32, #tpu.memory_space<vmem>>, vector<1x16xi32>,
        %get3A_703 = arith.constant 6 : i32
        %get3A_704 = arith.index_cast %get3A_703 : i32 to index
        %get3A_705 = arith.constant 64 : index
        %get3A_706 = tpu.vector_load %arg9[%get3A_704, %get3A_705] {strides = array<i32>} : memref<8x128xi32, #tpu.memory_space<vmem>>, vector<1x16xi32>,
        %get3A_707 = vector.shape_cast %get3A_706 : vector<1x16xi32> to vector<16xi32>
        %add3A_708 = vector.broadcast %mul3A_11 : i32 to vector<16xi32>
        %add3A_709 = arith.addi %get3A_707, %add3A_708 : vector<16xi32>
        %swap3A_710 = arith.constant 6 : i32
        %swap3A_711 = arith.index_cast %swap3A_710 : i32 to index
        %swap3A_712 = arith.constant 64 : index
        %swap3A_713 = tpu.vector_load %arg9[%swap3A_711, %swap3A_712] {strides = array<i32>} : memref<8x128xi32, #tpu.memory_space<vmem>>, vector<1x16xi32>,
        %swap3A_714 = vector.shape_cast %swap3A_713 : vector<1x16xi32> to vector<16xi32>
        %swap3A_715 = vector.shape_cast %add3A_709 : vector<16xi32> to vector<1x16xi32>
        tpu.vector_store %arg9[%swap3A_711, %swap3A_712], %swap3A_715 {strides = array<i32>} : memref<8x128xi32, #tpu.memory_space<vmem>>, vector<1x16xi32>,
        %get3A_716 = arith.constant 6 : i32
        %get3A_717 = arith.index_cast %get3A_716 : i32 to index
        %get3A_718 = arith.constant 80 : index
        %get3A_719 = tpu.vector_load %arg9[%get3A_717, %get3A_718] {strides = array<i32>} : memref<8x128xi32, #tpu.memory_space<vmem>>, vector<1x16xi32>,
        %get3A_720 = vector.shape_cast %get3A_719 : vector<1x16xi32> to vector<16xi32>
        %add3A_721 = vector.broadcast %mul3A_11 : i32 to vector<16xi32>
        %add3A_722 = arith.addi %get3A_720, %add3A_721 : vector<16xi32>
        %swap3A_723 = arith.constant 6 : i32
        %swap3A_724 = arith.index_cast %swap3A_723 : i32 to index
        %swap3A_725 = arith.constant 80 : index
        %swap3A_726 = tpu.vector_load %arg9[%swap3A_724, %swap3A_725] {strides = array<i32>} : memref<8x128xi32, #tpu.memory_space<vmem>>, vector<1x16xi32>,
        %swap3A_727 = vector.shape_cast %swap3A_726 : vector<1x16xi32> to vector<16xi32>
        %swap3A_728 = vector.shape_cast %add3A_722 : vector<16xi32> to vector<1x16xi32>
        tpu.vector_store %arg9[%swap3A_724, %swap3A_725], %swap3A_728 {strides = array<i32>} : memref<8x128xi32, #tpu.memory_space<vmem>>, vector<1x16xi32>,
        %get3A_729 = arith.constant 6 : i32
        %get3A_730 = arith.index_cast %get3A_729 : i32 to index
        %get3A_731 = arith.constant 96 : index
        %get3A_732 = tpu.vector_load %arg9[%get3A_730, %get3A_731] {strides = array<i32>} : memref<8x128xi32, #tpu.memory_space<vmem>>, vector<1x16xi32>,
        %get3A_733 = vector.shape_cast %get3A_732 : vector<1x16xi32> to vector<16xi32>
        %add3A_734 = vector.broadcast %mul3A_11 : i32 to vector<16xi32>
        %add3A_735 = arith.addi %get3A_733, %add3A_734 : vector<16xi32>
        %swap3A_736 = arith.constant 6 : i32
        %swap3A_737 = arith.index_cast %swap3A_736 : i32 to index
        %swap3A_738 = arith.constant 96 : index
        %swap3A_739 = tpu.vector_load %arg9[%swap3A_737, %swap3A_738] {strides = array<i32>} : memref<8x128xi32, #tpu.memory_space<vmem>>, vector<1x16xi32>,
        %swap3A_740 = vector.shape_cast %swap3A_739 : vector<1x16xi32> to vector<16xi32>
        %swap3A_741 = vector.shape_cast %add3A_735 : vector<16xi32> to vector<1x16xi32>
        tpu.vector_store %arg9[%swap3A_737, %swap3A_738], %swap3A_741 {strides = array<i32>} : memref<8x128xi32, #tpu.memory_space<vmem>>, vector<1x16xi32>,
        %get3A_742 = arith.constant 6 : i32
        %get3A_743 = arith.index_cast %get3A_742 : i32 to index
        %get3A_744 = arith.constant 112 : index
        %get3A_745 = tpu.vector_load %arg9[%get3A_743, %get3A_744] {strides = array<i32>} : memref<8x128xi32, #tpu.memory_space<vmem>>, vector<1x16xi32>,
        %get3A_746 = vector.shape_cast %get3A_745 : vector<1x16xi32> to vector<16xi32>
        %add3A_747 = vector.broadcast %mul3A_11 : i32 to vector<16xi32>
        %add3A_748 = arith.addi %get3A_746, %add3A_747 : vector<16xi32>
        %swap3A_749 = arith.constant 6 : i32
        %swap3A_750 = arith.index_cast %swap3A_749 : i32 to index
        %swap3A_751 = arith.constant 112 : index
        %swap3A_752 = tpu.vector_load %arg9[%swap3A_750, %swap3A_751] {strides = array<i32>} : memref<8x128xi32, #tpu.memory_space<vmem>>, vector<1x16xi32>,
        %swap3A_753 = vector.shape_cast %swap3A_752 : vector<1x16xi32> to vector<16xi32>
        %swap3A_754 = vector.shape_cast %add3A_748 : vector<16xi32> to vector<1x16xi32>
        tpu.vector_store %arg9[%swap3A_750, %swap3A_751], %swap3A_754 {strides = array<i32>} : memref<8x128xi32, #tpu.memory_space<vmem>>, vector<1x16xi32>,
        %get3A_755 = arith.constant 7 : i32
        %get3A_756 = arith.index_cast %get3A_755 : i32 to index
        %get3A_757 = arith.constant 0 : index
        %get3A_758 = tpu.vector_load %arg9[%get3A_756, %get3A_757] {strides = array<i32>} : memref<8x128xi32, #tpu.memory_space<vmem>>, vector<1x16xi32>,
        %get3A_759 = vector.shape_cast %get3A_758 : vector<1x16xi32> to vector<16xi32>
        %add3A_760 = vector.broadcast %mul3A_11 : i32 to vector<16xi32>
        %add3A_761 = arith.addi %get3A_759, %add3A_760 : vector<16xi32>
        %swap3A_762 = arith.constant 7 : i32
        %swap3A_763 = arith.index_cast %swap3A_762 : i32 to index
        %swap3A_764 = arith.constant 0 : index
        %swap3A_765 = tpu.vector_load %arg9[%swap3A_763, %swap3A_764] {strides = array<i32>} : memref<8x128xi32, #tpu.memory_space<vmem>>, vector<1x16xi32>,
        %swap3A_766 = vector.shape_cast %swap3A_765 : vector<1x16xi32> to vector<16xi32>
        %swap3A_767 = vector.shape_cast %add3A_761 : vector<16xi32> to vector<1x16xi32>
        tpu.vector_store %arg9[%swap3A_763, %swap3A_764], %swap3A_767 {strides = array<i32>} : memref<8x128xi32, #tpu.memory_space<vmem>>, vector<1x16xi32>,
        %get3A_768 = arith.constant 7 : i32
        %get3A_769 = arith.index_cast %get3A_768 : i32 to index
        %get3A_770 = arith.constant 16 : index
        %get3A_771 = tpu.vector_load %arg9[%get3A_769, %get3A_770] {strides = array<i32>} : memref<8x128xi32, #tpu.memory_space<vmem>>, vector<1x16xi32>,
        %get3A_772 = vector.shape_cast %get3A_771 : vector<1x16xi32> to vector<16xi32>
        %add3A_773 = vector.broadcast %mul3A_11 : i32 to vector<16xi32>
        %add3A_774 = arith.addi %get3A_772, %add3A_773 : vector<16xi32>
        %swap3A_775 = arith.constant 7 : i32
        %swap3A_776 = arith.index_cast %swap3A_775 : i32 to index
        %swap3A_777 = arith.constant 16 : index
        %swap3A_778 = tpu.vector_load %arg9[%swap3A_776, %swap3A_777] {strides = array<i32>} : memref<8x128xi32, #tpu.memory_space<vmem>>, vector<1x16xi32>,
        %swap3A_779 = vector.shape_cast %swap3A_778 : vector<1x16xi32> to vector<16xi32>
        %swap3A_780 = vector.shape_cast %add3A_774 : vector<16xi32> to vector<1x16xi32>
        tpu.vector_store %arg9[%swap3A_776, %swap3A_777], %swap3A_780 {strides = array<i32>} : memref<8x128xi32, #tpu.memory_space<vmem>>, vector<1x16xi32>,
        %get3A_781 = arith.constant 7 : i32
        %get3A_782 = arith.index_cast %get3A_781 : i32 to index
        %get3A_783 = arith.constant 32 : index
        %get3A_784 = tpu.vector_load %arg9[%get3A_782, %get3A_783] {strides = array<i32>} : memref<8x128xi32, #tpu.memory_space<vmem>>, vector<1x16xi32>,
        %get3A_785 = vector.shape_cast %get3A_784 : vector<1x16xi32> to vector<16xi32>
        %add3A_786 = vector.broadcast %mul3A_11 : i32 to vector<16xi32>
        %add3A_787 = arith.addi %get3A_785, %add3A_786 : vector<16xi32>
        %swap3A_788 = arith.constant 7 : i32
        %swap3A_789 = arith.index_cast %swap3A_788 : i32 to index
        %swap3A_790 = arith.constant 32 : index
        %swap3A_791 = tpu.vector_load %arg9[%swap3A_789, %swap3A_790] {strides = array<i32>} : memref<8x128xi32, #tpu.memory_space<vmem>>, vector<1x16xi32>,
        %swap3A_792 = vector.shape_cast %swap3A_791 : vector<1x16xi32> to vector<16xi32>
        %swap3A_793 = vector.shape_cast %add3A_787 : vector<16xi32> to vector<1x16xi32>
        tpu.vector_store %arg9[%swap3A_789, %swap3A_790], %swap3A_793 {strides = array<i32>} : memref<8x128xi32, #tpu.memory_space<vmem>>, vector<1x16xi32>,
        %get3A_794 = arith.constant 7 : i32
        %get3A_795 = arith.index_cast %get3A_794 : i32 to index
        %get3A_796 = arith.constant 48 : index
        %get3A_797 = tpu.vector_load %arg9[%get3A_795, %get3A_796] {strides = array<i32>} : memref<8x128xi32, #tpu.memory_space<vmem>>, vector<1x16xi32>,
        %get3A_798 = vector.shape_cast %get3A_797 : vector<1x16xi32> to vector<16xi32>
        %add3A_799 = vector.broadcast %mul3A_11 : i32 to vector<16xi32>
        %add3A_800 = arith.addi %get3A_798, %add3A_799 : vector<16xi32>
        %swap3A_801 = arith.constant 7 : i32
        %swap3A_802 = arith.index_cast %swap3A_801 : i32 to index
        %swap3A_803 = arith.constant 48 : index
        %swap3A_804 = tpu.vector_load %arg9[%swap3A_802, %swap3A_803] {strides = array<i32>} : memref<8x128xi32, #tpu.memory_space<vmem>>, vector<1x16xi32>,
        %swap3A_805 = vector.shape_cast %swap3A_804 : vector<1x16xi32> to vector<16xi32>
        %swap3A_806 = vector.shape_cast %add3A_800 : vector<16xi32> to vector<1x16xi32>
        tpu.vector_store %arg9[%swap3A_802, %swap3A_803], %swap3A_806 {strides = array<i32>} : memref<8x128xi32, #tpu.memory_space<vmem>>, vector<1x16xi32>,
        %get3A_807 = arith.constant 7 : i32
        %get3A_808 = arith.index_cast %get3A_807 : i32 to index
        %get3A_809 = arith.constant 64 : index
        %get3A_810 = tpu.vector_load %arg9[%get3A_808, %get3A_809] {strides = array<i32>} : memref<8x128xi32, #tpu.memory_space<vmem>>, vector<1x16xi32>,
        %get3A_811 = vector.shape_cast %get3A_810 : vector<1x16xi32> to vector<16xi32>
        %add3A_812 = vector.broadcast %mul3A_11 : i32 to vector<16xi32>
        %add3A_813 = arith.addi %get3A_811, %add3A_812 : vector<16xi32>
        %swap3A_814 = arith.constant 7 : i32
        %swap3A_815 = arith.index_cast %swap3A_814 : i32 to index
        %swap3A_816 = arith.constant 64 : index
        %swap3A_817 = tpu.vector_load %arg9[%swap3A_815, %swap3A_816] {strides = array<i32>} : memref<8x128xi32, #tpu.memory_space<vmem>>, vector<1x16xi32>,
        %swap3A_818 = vector.shape_cast %swap3A_817 : vector<1x16xi32> to vector<16xi32>
        %swap3A_819 = vector.shape_cast %add3A_813 : vector<16xi32> to vector<1x16xi32>
        tpu.vector_store %arg9[%swap3A_815, %swap3A_816], %swap3A_819 {strides = array<i32>} : memref<8x128xi32, #tpu.memory_space<vmem>>, vector<1x16xi32>,
        %get3A_820 = arith.constant 7 : i32
        %get3A_821 = arith.index_cast %get3A_820 : i32 to index
        %get3A_822 = arith.constant 80 : index
        %get3A_823 = tpu.vector_load %arg9[%get3A_821, %get3A_822] {strides = array<i32>} : memref<8x128xi32, #tpu.memory_space<vmem>>, vector<1x16xi32>,
        %get3A_824 = vector.shape_cast %get3A_823 : vector<1x16xi32> to vector<16xi32>
        %add3A_825 = vector.broadcast %mul3A_11 : i32 to vector<16xi32>
        %add3A_826 = arith.addi %get3A_824, %add3A_825 : vector<16xi32>
        %swap3A_827 = arith.constant 7 : i32
        %swap3A_828 = arith.index_cast %swap3A_827 : i32 to index
        %swap3A_829 = arith.constant 80 : index
        %swap3A_830 = tpu.vector_load %arg9[%swap3A_828, %swap3A_829] {strides = array<i32>} : memref<8x128xi32, #tpu.memory_space<vmem>>, vector<1x16xi32>,
        %swap3A_831 = vector.shape_cast %swap3A_830 : vector<1x16xi32> to vector<16xi32>
        %swap3A_832 = vector.shape_cast %add3A_826 : vector<16xi32> to vector<1x16xi32>
        tpu.vector_store %arg9[%swap3A_828, %swap3A_829], %swap3A_832 {strides = array<i32>} : memref<8x128xi32, #tpu.memory_space<vmem>>, vector<1x16xi32>,
        %get3A_833 = arith.constant 7 : i32
        %get3A_834 = arith.index_cast %get3A_833 : i32 to index
        %get3A_835 = arith.constant 96 : index
        %get3A_836 = tpu.vector_load %arg9[%get3A_834, %get3A_835] {strides = array<i32>} : memref<8x128xi32, #tpu.memory_space<vmem>>, vector<1x16xi32>,
        %get3A_837 = vector.shape_cast %get3A_836 : vector<1x16xi32> to vector<16xi32>
        %add3A_838 = vector.broadcast %mul3A_11 : i32 to vector<16xi32>
        %add3A_839 = arith.addi %get3A_837, %add3A_838 : vector<16xi32>
        %swap3A_840 = arith.constant 7 : i32
        %swap3A_841 = arith.index_cast %swap3A_840 : i32 to index
        %swap3A_842 = arith.constant 96 : index
        %swap3A_843 = tpu.vector_load %arg9[%swap3A_841, %swap3A_842] {strides = array<i32>} : memref<8x128xi32, #tpu.memory_space<vmem>>, vector<1x16xi32>,
        %swap3A_844 = vector.shape_cast %swap3A_843 : vector<1x16xi32> to vector<16xi32>
        %swap3A_845 = vector.shape_cast %add3A_839 : vector<16xi32> to vector<1x16xi32>
        tpu.vector_store %arg9[%swap3A_841, %swap3A_842], %swap3A_845 {strides = array<i32>} : memref<8x128xi32, #tpu.memory_space<vmem>>, vector<1x16xi32>,
        %get3A_846 = arith.constant 7 : i32
        %get3A_847 = arith.index_cast %get3A_846 : i32 to index
        %get3A_848 = arith.constant 112 : index
        %get3A_849 = tpu.vector_load %arg9[%get3A_847, %get3A_848] {strides = array<i32>} : memref<8x128xi32, #tpu.memory_space<vmem>>, vector<1x16xi32>,
        %get3A_850 = vector.shape_cast %get3A_849 : vector<1x16xi32> to vector<16xi32>
        %add3A_851 = vector.broadcast %mul3A_11 : i32 to vector<16xi32>
        %add3A_852 = arith.addi %get3A_850, %add3A_851 : vector<16xi32>
        %swap3A_853 = arith.constant 7 : i32
        %swap3A_854 = arith.index_cast %swap3A_853 : i32 to index
        %swap3A_855 = arith.constant 112 : index
        %swap3A_856 = tpu.vector_load %arg9[%swap3A_854, %swap3A_855] {strides = array<i32>} : memref<8x128xi32, #tpu.memory_space<vmem>>, vector<1x16xi32>,
        %swap3A_857 = vector.shape_cast %swap3A_856 : vector<1x16xi32> to vector<16xi32>
        %swap3A_858 = vector.shape_cast %add3A_852 : vector<16xi32> to vector<1x16xi32>
        tpu.vector_store %arg9[%swap3A_854, %swap3A_855], %swap3A_858 {strides = array<i32>} : memref<8x128xi32, #tpu.memory_space<vmem>>, vector<1x16xi32>,
        %mul3A_859 = arith.constant 8 : i32
        %mul3A_860 = arith.muli %scan3A_21, %mul3A_859 : i32
        %add3A_861 = arith.constant 0 : i32
        %add3A_862 = arith.addi %mul3A_860, %add3A_861 : i32
        %lt3A_863 = arith.constant 80 : i32
        %lt3A_864 = arith.cmpi slt, %add3A_862, %lt3A_863 : i32
        %add3A_865 = arith.constant 0 : i32
        %add3A_866 = arith.addi %add3A_24, %add3A_865 : i32
        %lt3A_867 = arith.constant 1250 : i32
        %lt3A_868 = arith.cmpi slt, %add3A_866, %lt3A_867 : i32
        %and3A = arith.andi %lt3A_864, %lt3A_868 : i1
        %convert_element_type3A_869 = arith.extui %and3A : i1 to i32
        %cond3A_870 = arith.constant 0 : i32
        %cond3A_871 = arith.cmpi ne, %convert_element_type3A_869, %cond3A_870 : i32
        scf.if %cond3A_871 {
          %dma_start3A = arith.constant 0 : i32
          %dma_start3A_1082 = arith.constant 0 : i32
          %dma_start3A_1083 = tpu.memref_slice %arg9[%dma_start3A, %dma_start3A_1082] : memref<8x128xi32, #tpu.memory_space<vmem>> -> memref<1x128xi32, #tpu.memory_space<vmem>>
          %dma_start3A_1084 = tpu.memref_squeeze %dma_start3A_1083 : memref<1x128xi32, #tpu.memory_space<vmem>> -> memref<128xi32, #tpu.memory_space<vmem>>
          %dma_start3A_1085 = arith.constant 0 : i32
          %dma_start3A_1086 = arith.constant 0 : i32
          %dma_start3A_1087 = tpu.memref_slice %arg2[%dma_start3A_1085, %dma_start3A_1086] : memref<20480x128xf32, #tpu.memory_space<hbm>> -> memref<20480x128xf32, #tpu.memory_space<hbm>>
          tpu.enqueue_indirect_dma source(%dma_start3A_1087 : memref<20480x128xf32, #tpu.memory_space<hbm>>) target(%arg7 : memref<128x128xf32, #tpu.memory_space<vmem>>) offsets(%dma_start3A_1084 : memref<128xi32, #tpu.memory_space<vmem>>) semaphore(%arg11 : memref<!tpu.dma_semaphore, #tpu.memory_space<semaphore_mem>>)
        } else {
        }
        %mul3A_872 = arith.constant 8 : i32
        %mul3A_873 = arith.muli %scan3A_21, %mul3A_872 : i32
        %add3A_874 = arith.constant 1 : i32
        %add3A_875 = arith.addi %mul3A_873, %add3A_874 : i32
        %lt3A_876 = arith.constant 80 : i32
        %lt3A_877 = arith.cmpi slt, %add3A_875, %lt3A_876 : i32
        %add3A_878 = arith.constant 1 : i32
        %add3A_879 = arith.addi %add3A_24, %add3A_878 : i32
        %lt3A_880 = arith.constant 1250 : i32
        %lt3A_881 = arith.cmpi slt, %add3A_879, %lt3A_880 : i32
        %and3A_882 = arith.andi %lt3A_877, %lt3A_881 : i1
        %convert_element_type3A_883 = arith.extui %and3A_882 : i1 to i32
        %cond3A_884 = arith.constant 0 : i32
        %cond3A_885 = arith.cmpi ne, %convert_element_type3A_883, %cond3A_884 : i32
        scf.if %cond3A_885 {
          %dma_start3A = arith.constant 1 : i32
          %dma_start3A_1082 = arith.constant 0 : i32
          %dma_start3A_1083 = tpu.memref_slice %arg9[%dma_start3A, %dma_start3A_1082] : memref<8x128xi32, #tpu.memory_space<vmem>> -> memref<1x128xi32, #tpu.memory_space<vmem>>
          %dma_start3A_1084 = tpu.memref_squeeze %dma_start3A_1083 : memref<1x128xi32, #tpu.memory_space<vmem>> -> memref<128xi32, #tpu.memory_space<vmem>>
          %dma_start3A_1085 = arith.constant 0 : i32
          %dma_start3A_1086 = arith.constant 0 : i32
          %dma_start3A_1087 = tpu.memref_slice %arg2[%dma_start3A_1085, %dma_start3A_1086] : memref<20480x128xf32, #tpu.memory_space<hbm>> -> memref<20480x128xf32, #tpu.memory_space<hbm>>
          tpu.enqueue_indirect_dma source(%dma_start3A_1087 : memref<20480x128xf32, #tpu.memory_space<hbm>>) target(%arg8 : memref<128x128xf32, #tpu.memory_space<vmem>>) offsets(%dma_start3A_1084 : memref<128xi32, #tpu.memory_space<vmem>>) semaphore(%arg12 : memref<!tpu.dma_semaphore, #tpu.memory_space<semaphore_mem>>)
        } else {
        }
        %mul3A_886 = arith.constant 8 : i32
        %mul3A_887 = arith.muli %scan3A_21, %mul3A_886 : i32
        %add3A_888 = arith.constant 0 : i32
        %add3A_889 = arith.addi %mul3A_887, %add3A_888 : i32
        %lt3A_890 = arith.constant 80 : i32
        %lt3A_891 = arith.cmpi slt, %add3A_889, %lt3A_890 : i32
        %add3A_892 = arith.constant 0 : i32
        %add3A_893 = arith.addi %add3A_24, %add3A_892 : i32
        %lt3A_894 = arith.constant 1250 : i32
        %lt3A_895 = arith.cmpi slt, %add3A_893, %lt3A_894 : i32
        %and3A_896 = arith.andi %lt3A_891, %lt3A_895 : i1
        %convert_element_type3A_897 = arith.extui %and3A_896 : i1 to i32
        %cond3A_898 = arith.constant 0 : i32
        %cond3A_899 = arith.cmpi ne, %convert_element_type3A_897, %cond3A_898 : i32
        scf.if %cond3A_899 {
          %dma_wait3A = arith.constant 0 : i32
          %dma_wait3A_1082 = arith.constant 0 : i32
          %dma_wait3A_1083 = tpu.memref_slice %arg9[%dma_wait3A, %dma_wait3A_1082] : memref<8x128xi32, #tpu.memory_space<vmem>> -> memref<1x128xi32, #tpu.memory_space<vmem>>
          %dma_wait3A_1084 = tpu.memref_squeeze %dma_wait3A_1083 : memref<1x128xi32, #tpu.memory_space<vmem>> -> memref<128xi32, #tpu.memory_space<vmem>>
          %dma_wait3A_1085 = arith.constant 0 : i32
          %dma_wait3A_1086 = arith.constant 0 : i32
          %dma_wait3A_1087 = tpu.memref_slice %arg2[%dma_wait3A_1085, %dma_wait3A_1086] : memref<20480x128xf32, #tpu.memory_space<hbm>> -> memref<20480x128xf32, #tpu.memory_space<hbm>>
          tpu.wait_indirect_dma semaphore(%arg11 : memref<!tpu.dma_semaphore, #tpu.memory_space<semaphore_mem>>) src(%dma_wait3A_1087 : memref<20480x128xf32, #tpu.memory_space<hbm>>) dst(%arg7 : memref<128x128xf32, #tpu.memory_space<vmem>>)
          %run_scoped3A = arith.constant 0 : i32
          "tpu.region"() ({
            %run_scoped3A_1088 = tpu.sem_alloc : memref<!tpu.dma_semaphore, #tpu.memory_space<semaphore_mem>>
            %dma_start3A = arith.constant 0 : i32
            %dma_start3A_1089 = tpu.memref_slice %arg10[%run_scoped3A, %dma_start3A] : memref<8x128xi32, #tpu.memory_space<vmem>> -> memref<1x128xi32, #tpu.memory_space<vmem>>
            %dma_start3A_1090 = tpu.memref_squeeze %dma_start3A_1089 : memref<1x128xi32, #tpu.memory_space<vmem>> -> memref<128xi32, #tpu.memory_space<vmem>>
            %dma_start3A_1091 = arith.constant 0 : i32
            %dma_start3A_1092 = arith.constant 0 : i32
            %dma_start3A_1093 = tpu.memref_slice %arg6[%dma_start3A_1091, %dma_start3A_1092] : memref<10240x128xf32, #tpu.memory_space<vmem_shared>> -> memref<10240x128xf32, #tpu.memory_space<vmem_shared>>
            tpu.enqueue_indirect_dma source(%arg7 : memref<128x128xf32, #tpu.memory_space<vmem>>) target(%dma_start3A_1093 : memref<10240x128xf32, #tpu.memory_space<vmem_shared>>) offsets(%dma_start3A_1090 : memref<128xi32, #tpu.memory_space<vmem>>) semaphore(%run_scoped3A_1088 : memref<!tpu.dma_semaphore, #tpu.memory_space<semaphore_mem>>) {add = true}
            %dma_wait3A_1094 = arith.constant 0 : i32
            %dma_wait3A_1095 = tpu.memref_slice %arg10[%run_scoped3A, %dma_wait3A_1094] : memref<8x128xi32, #tpu.memory_space<vmem>> -> memref<1x128xi32, #tpu.memory_space<vmem>>
            %dma_wait3A_1096 = tpu.memref_squeeze %dma_wait3A_1095 : memref<1x128xi32, #tpu.memory_space<vmem>> -> memref<128xi32, #tpu.memory_space<vmem>>
            %dma_wait3A_1097 = arith.constant 0 : i32
            %dma_wait3A_1098 = arith.constant 0 : i32
            %dma_wait3A_1099 = tpu.memref_slice %arg6[%dma_wait3A_1097, %dma_wait3A_1098] : memref<10240x128xf32, #tpu.memory_space<vmem_shared>> -> memref<10240x128xf32, #tpu.memory_space<vmem_shared>>
            tpu.wait_indirect_dma semaphore(%run_scoped3A_1088 : memref<!tpu.dma_semaphore, #tpu.memory_space<semaphore_mem>>) src(%arg7 : memref<128x128xf32, #tpu.memory_space<vmem>>) dst(%dma_wait3A_1099 : memref<10240x128xf32, #tpu.memory_space<vmem_shared>>)
            tpu.yield
          }) : () -> ()
        } else {
        }
        %mul3A_900 = arith.constant 8 : i32
        %mul3A_901 = arith.muli %scan3A_21, %mul3A_900 : i32
        %add3A_902 = arith.constant 2 : i32
        %add3A_903 = arith.addi %mul3A_901, %add3A_902 : i32
        %lt3A_904 = arith.constant 80 : i32
        %lt3A_905 = arith.cmpi slt, %add3A_903, %lt3A_904 : i32
        %add3A_906 = arith.constant 2 : i32
        %add3A_907 = arith.addi %add3A_24, %add3A_906 : i32
        %lt3A_908 = arith.constant 1250 : i32
        %lt3A_909 = arith.cmpi slt, %add3A_907, %lt3A_908 : i32
        %and3A_910 = arith.andi %lt3A_905, %lt3A_909 : i1
        %convert_element_type3A_911 = arith.extui %and3A_910 : i1 to i32
        %cond3A_912 = arith.constant 0 : i32
        %cond3A_913 = arith.cmpi ne, %convert_element_type3A_911, %cond3A_912 : i32
        scf.if %cond3A_913 {
          %dma_start3A = arith.constant 2 : i32
          %dma_start3A_1082 = arith.constant 0 : i32
          %dma_start3A_1083 = tpu.memref_slice %arg9[%dma_start3A, %dma_start3A_1082] : memref<8x128xi32, #tpu.memory_space<vmem>> -> memref<1x128xi32, #tpu.memory_space<vmem>>
          %dma_start3A_1084 = tpu.memref_squeeze %dma_start3A_1083 : memref<1x128xi32, #tpu.memory_space<vmem>> -> memref<128xi32, #tpu.memory_space<vmem>>
          %dma_start3A_1085 = arith.constant 0 : i32
          %dma_start3A_1086 = arith.constant 0 : i32
          %dma_start3A_1087 = tpu.memref_slice %arg2[%dma_start3A_1085, %dma_start3A_1086] : memref<20480x128xf32, #tpu.memory_space<hbm>> -> memref<20480x128xf32, #tpu.memory_space<hbm>>
          tpu.enqueue_indirect_dma source(%dma_start3A_1087 : memref<20480x128xf32, #tpu.memory_space<hbm>>) target(%arg7 : memref<128x128xf32, #tpu.memory_space<vmem>>) offsets(%dma_start3A_1084 : memref<128xi32, #tpu.memory_space<vmem>>) semaphore(%arg11 : memref<!tpu.dma_semaphore, #tpu.memory_space<semaphore_mem>>)
        } else {
        }
        %mul3A_914 = arith.constant 8 : i32
        %mul3A_915 = arith.muli %scan3A_21, %mul3A_914 : i32
        %add3A_916 = arith.constant 1 : i32
        %add3A_917 = arith.addi %mul3A_915, %add3A_916 : i32
        %lt3A_918 = arith.constant 80 : i32
        %lt3A_919 = arith.cmpi slt, %add3A_917, %lt3A_918 : i32
        %add3A_920 = arith.constant 1 : i32
        %add3A_921 = arith.addi %add3A_24, %add3A_920 : i32
        %lt3A_922 = arith.constant 1250 : i32
        %lt3A_923 = arith.cmpi slt, %add3A_921, %lt3A_922 : i32
        %and3A_924 = arith.andi %lt3A_919, %lt3A_923 : i1
        %convert_element_type3A_925 = arith.extui %and3A_924 : i1 to i32
        %cond3A_926 = arith.constant 0 : i32
        %cond3A_927 = arith.cmpi ne, %convert_element_type3A_925, %cond3A_926 : i32
        scf.if %cond3A_927 {
          %dma_wait3A = arith.constant 1 : i32
          %dma_wait3A_1082 = arith.constant 0 : i32
          %dma_wait3A_1083 = tpu.memref_slice %arg9[%dma_wait3A, %dma_wait3A_1082] : memref<8x128xi32, #tpu.memory_space<vmem>> -> memref<1x128xi32, #tpu.memory_space<vmem>>
          %dma_wait3A_1084 = tpu.memref_squeeze %dma_wait3A_1083 : memref<1x128xi32, #tpu.memory_space<vmem>> -> memref<128xi32, #tpu.memory_space<vmem>>
          %dma_wait3A_1085 = arith.constant 0 : i32
          %dma_wait3A_1086 = arith.constant 0 : i32
          %dma_wait3A_1087 = tpu.memref_slice %arg2[%dma_wait3A_1085, %dma_wait3A_1086] : memref<20480x128xf32, #tpu.memory_space<hbm>> -> memref<20480x128xf32, #tpu.memory_space<hbm>>
          tpu.wait_indirect_dma semaphore(%arg12 : memref<!tpu.dma_semaphore, #tpu.memory_space<semaphore_mem>>) src(%dma_wait3A_1087 : memref<20480x128xf32, #tpu.memory_space<hbm>>) dst(%arg8 : memref<128x128xf32, #tpu.memory_space<vmem>>)
          %run_scoped3A = arith.constant 1 : i32
          "tpu.region"() ({
            %run_scoped3A_1088 = tpu.sem_alloc : memref<!tpu.dma_semaphore, #tpu.memory_space<semaphore_mem>>
            %dma_start3A = arith.constant 0 : i32
            %dma_start3A_1089 = tpu.memref_slice %arg10[%run_scoped3A, %dma_start3A] : memref<8x128xi32, #tpu.memory_space<vmem>> -> memref<1x128xi32, #tpu.memory_space<vmem>>
            %dma_start3A_1090 = tpu.memref_squeeze %dma_start3A_1089 : memref<1x128xi32, #tpu.memory_space<vmem>> -> memref<128xi32, #tpu.memory_space<vmem>>
            %dma_start3A_1091 = arith.constant 0 : i32
            %dma_start3A_1092 = arith.constant 0 : i32
            %dma_start3A_1093 = tpu.memref_slice %arg6[%dma_start3A_1091, %dma_start3A_1092] : memref<10240x128xf32, #tpu.memory_space<vmem_shared>> -> memref<10240x128xf32, #tpu.memory_space<vmem_shared>>
            tpu.enqueue_indirect_dma source(%arg8 : memref<128x128xf32, #tpu.memory_space<vmem>>) target(%dma_start3A_1093 : memref<10240x128xf32, #tpu.memory_space<vmem_shared>>) offsets(%dma_start3A_1090 : memref<128xi32, #tpu.memory_space<vmem>>) semaphore(%run_scoped3A_1088 : memref<!tpu.dma_semaphore, #tpu.memory_space<semaphore_mem>>) {add = true}
            %dma_wait3A_1094 = arith.constant 0 : i32
            %dma_wait3A_1095 = tpu.memref_slice %arg10[%run_scoped3A, %dma_wait3A_1094] : memref<8x128xi32, #tpu.memory_space<vmem>> -> memref<1x128xi32, #tpu.memory_space<vmem>>
            %dma_wait3A_1096 = tpu.memref_squeeze %dma_wait3A_1095 : memref<1x128xi32, #tpu.memory_space<vmem>> -> memref<128xi32, #tpu.memory_space<vmem>>
            %dma_wait3A_1097 = arith.constant 0 : i32
            %dma_wait3A_1098 = arith.constant 0 : i32
            %dma_wait3A_1099 = tpu.memref_slice %arg6[%dma_wait3A_1097, %dma_wait3A_1098] : memref<10240x128xf32, #tpu.memory_space<vmem_shared>> -> memref<10240x128xf32, #tpu.memory_space<vmem_shared>>
            tpu.wait_indirect_dma semaphore(%run_scoped3A_1088 : memref<!tpu.dma_semaphore, #tpu.memory_space<semaphore_mem>>) src(%arg8 : memref<128x128xf32, #tpu.memory_space<vmem>>) dst(%dma_wait3A_1099 : memref<10240x128xf32, #tpu.memory_space<vmem_shared>>)
            tpu.yield
          }) : () -> ()
        } else {
        }
        %mul3A_928 = arith.constant 8 : i32
        %mul3A_929 = arith.muli %scan3A_21, %mul3A_928 : i32
        %add3A_930 = arith.constant 3 : i32
        %add3A_931 = arith.addi %mul3A_929, %add3A_930 : i32
        %lt3A_932 = arith.constant 80 : i32
        %lt3A_933 = arith.cmpi slt, %add3A_931, %lt3A_932 : i32
        %add3A_934 = arith.constant 3 : i32
        %add3A_935 = arith.addi %add3A_24, %add3A_934 : i32
        %lt3A_936 = arith.constant 1250 : i32
        %lt3A_937 = arith.cmpi slt, %add3A_935, %lt3A_936 : i32
        %and3A_938 = arith.andi %lt3A_933, %lt3A_937 : i1
        %convert_element_type3A_939 = arith.extui %and3A_938 : i1 to i32
        %cond3A_940 = arith.constant 0 : i32
        %cond3A_941 = arith.cmpi ne, %convert_element_type3A_939, %cond3A_940 : i32
        scf.if %cond3A_941 {
          %dma_start3A = arith.constant 3 : i32
          %dma_start3A_1082 = arith.constant 0 : i32
          %dma_start3A_1083 = tpu.memref_slice %arg9[%dma_start3A, %dma_start3A_1082] : memref<8x128xi32, #tpu.memory_space<vmem>> -> memref<1x128xi32, #tpu.memory_space<vmem>>
          %dma_start3A_1084 = tpu.memref_squeeze %dma_start3A_1083 : memref<1x128xi32, #tpu.memory_space<vmem>> -> memref<128xi32, #tpu.memory_space<vmem>>
          %dma_start3A_1085 = arith.constant 0 : i32
          %dma_start3A_1086 = arith.constant 0 : i32
          %dma_start3A_1087 = tpu.memref_slice %arg2[%dma_start3A_1085, %dma_start3A_1086] : memref<20480x128xf32, #tpu.memory_space<hbm>> -> memref<20480x128xf32, #tpu.memory_space<hbm>>
          tpu.enqueue_indirect_dma source(%dma_start3A_1087 : memref<20480x128xf32, #tpu.memory_space<hbm>>) target(%arg8 : memref<128x128xf32, #tpu.memory_space<vmem>>) offsets(%dma_start3A_1084 : memref<128xi32, #tpu.memory_space<vmem>>) semaphore(%arg12 : memref<!tpu.dma_semaphore, #tpu.memory_space<semaphore_mem>>)
        } else {
        }
        %mul3A_942 = arith.constant 8 : i32
        %mul3A_943 = arith.muli %scan3A_21, %mul3A_942 : i32
        %add3A_944 = arith.constant 2 : i32
        %add3A_945 = arith.addi %mul3A_943, %add3A_944 : i32
        %lt3A_946 = arith.constant 80 : i32
        %lt3A_947 = arith.cmpi slt, %add3A_945, %lt3A_946 : i32
        %add3A_948 = arith.constant 2 : i32
        %add3A_949 = arith.addi %add3A_24, %add3A_948 : i32
        %lt3A_950 = arith.constant 1250 : i32
        %lt3A_951 = arith.cmpi slt, %add3A_949, %lt3A_950 : i32
        %and3A_952 = arith.andi %lt3A_947, %lt3A_951 : i1
        %convert_element_type3A_953 = arith.extui %and3A_952 : i1 to i32
        %cond3A_954 = arith.constant 0 : i32
        %cond3A_955 = arith.cmpi ne, %convert_element_type3A_953, %cond3A_954 : i32
        scf.if %cond3A_955 {
          %dma_wait3A = arith.constant 2 : i32
          %dma_wait3A_1082 = arith.constant 0 : i32
          %dma_wait3A_1083 = tpu.memref_slice %arg9[%dma_wait3A, %dma_wait3A_1082] : memref<8x128xi32, #tpu.memory_space<vmem>> -> memref<1x128xi32, #tpu.memory_space<vmem>>
          %dma_wait3A_1084 = tpu.memref_squeeze %dma_wait3A_1083 : memref<1x128xi32, #tpu.memory_space<vmem>> -> memref<128xi32, #tpu.memory_space<vmem>>
          %dma_wait3A_1085 = arith.constant 0 : i32
          %dma_wait3A_1086 = arith.constant 0 : i32
          %dma_wait3A_1087 = tpu.memref_slice %arg2[%dma_wait3A_1085, %dma_wait3A_1086] : memref<20480x128xf32, #tpu.memory_space<hbm>> -> memref<20480x128xf32, #tpu.memory_space<hbm>>
          tpu.wait_indirect_dma semaphore(%arg11 : memref<!tpu.dma_semaphore, #tpu.memory_space<semaphore_mem>>) src(%dma_wait3A_1087 : memref<20480x128xf32, #tpu.memory_space<hbm>>) dst(%arg7 : memref<128x128xf32, #tpu.memory_space<vmem>>)
          %run_scoped3A = arith.constant 2 : i32
          "tpu.region"() ({
            %run_scoped3A_1088 = tpu.sem_alloc : memref<!tpu.dma_semaphore, #tpu.memory_space<semaphore_mem>>
            %dma_start3A = arith.constant 0 : i32
            %dma_start3A_1089 = tpu.memref_slice %arg10[%run_scoped3A, %dma_start3A] : memref<8x128xi32, #tpu.memory_space<vmem>> -> memref<1x128xi32, #tpu.memory_space<vmem>>
            %dma_start3A_1090 = tpu.memref_squeeze %dma_start3A_1089 : memref<1x128xi32, #tpu.memory_space<vmem>> -> memref<128xi32, #tpu.memory_space<vmem>>
            %dma_start3A_1091 = arith.constant 0 : i32
            %dma_start3A_1092 = arith.constant 0 : i32
            %dma_start3A_1093 = tpu.memref_slice %arg6[%dma_start3A_1091, %dma_start3A_1092] : memref<10240x128xf32, #tpu.memory_space<vmem_shared>> -> memref<10240x128xf32, #tpu.memory_space<vmem_shared>>
            tpu.enqueue_indirect_dma source(%arg7 : memref<128x128xf32, #tpu.memory_space<vmem>>) target(%dma_start3A_1093 : memref<10240x128xf32, #tpu.memory_space<vmem_shared>>) offsets(%dma_start3A_1090 : memref<128xi32, #tpu.memory_space<vmem>>) semaphore(%run_scoped3A_1088 : memref<!tpu.dma_semaphore, #tpu.memory_space<semaphore_mem>>) {add = true}
            %dma_wait3A_1094 = arith.constant 0 : i32
            %dma_wait3A_1095 = tpu.memref_slice %arg10[%run_scoped3A, %dma_wait3A_1094] : memref<8x128xi32, #tpu.memory_space<vmem>> -> memref<1x128xi32, #tpu.memory_space<vmem>>
            %dma_wait3A_1096 = tpu.memref_squeeze %dma_wait3A_1095 : memref<1x128xi32, #tpu.memory_space<vmem>> -> memref<128xi32, #tpu.memory_space<vmem>>
            %dma_wait3A_1097 = arith.constant 0 : i32
            %dma_wait3A_1098 = arith.constant 0 : i32
            %dma_wait3A_1099 = tpu.memref_slice %arg6[%dma_wait3A_1097, %dma_wait3A_1098] : memref<10240x128xf32, #tpu.memory_space<vmem_shared>> -> memref<10240x128xf32, #tpu.memory_space<vmem_shared>>
            tpu.wait_indirect_dma semaphore(%run_scoped3A_1088 : memref<!tpu.dma_semaphore, #tpu.memory_space<semaphore_mem>>) src(%arg7 : memref<128x128xf32, #tpu.memory_space<vmem>>) dst(%dma_wait3A_1099 : memref<10240x128xf32, #tpu.memory_space<vmem_shared>>)
            tpu.yield
          }) : () -> ()
        } else {
        }
        %mul3A_956 = arith.constant 8 : i32
        %mul3A_957 = arith.muli %scan3A_21, %mul3A_956 : i32
        %add3A_958 = arith.constant 4 : i32
        %add3A_959 = arith.addi %mul3A_957, %add3A_958 : i32
        %lt3A_960 = arith.constant 80 : i32
        %lt3A_961 = arith.cmpi slt, %add3A_959, %lt3A_960 : i32
        %add3A_962 = arith.constant 4 : i32
        %add3A_963 = arith.addi %add3A_24, %add3A_962 : i32
        %lt3A_964 = arith.constant 1250 : i32
        %lt3A_965 = arith.cmpi slt, %add3A_963, %lt3A_964 : i32
        %and3A_966 = arith.andi %lt3A_961, %lt3A_965 : i1
        %convert_element_type3A_967 = arith.extui %and3A_966 : i1 to i32
        %cond3A_968 = arith.constant 0 : i32
        %cond3A_969 = arith.cmpi ne, %convert_element_type3A_967, %cond3A_968 : i32
        scf.if %cond3A_969 {
          %dma_start3A = arith.constant 4 : i32
          %dma_start3A_1082 = arith.constant 0 : i32
          %dma_start3A_1083 = tpu.memref_slice %arg9[%dma_start3A, %dma_start3A_1082] : memref<8x128xi32, #tpu.memory_space<vmem>> -> memref<1x128xi32, #tpu.memory_space<vmem>>
          %dma_start3A_1084 = tpu.memref_squeeze %dma_start3A_1083 : memref<1x128xi32, #tpu.memory_space<vmem>> -> memref<128xi32, #tpu.memory_space<vmem>>
          %dma_start3A_1085 = arith.constant 0 : i32
          %dma_start3A_1086 = arith.constant 0 : i32
          %dma_start3A_1087 = tpu.memref_slice %arg2[%dma_start3A_1085, %dma_start3A_1086] : memref<20480x128xf32, #tpu.memory_space<hbm>> -> memref<20480x128xf32, #tpu.memory_space<hbm>>
          tpu.enqueue_indirect_dma source(%dma_start3A_1087 : memref<20480x128xf32, #tpu.memory_space<hbm>>) target(%arg7 : memref<128x128xf32, #tpu.memory_space<vmem>>) offsets(%dma_start3A_1084 : memref<128xi32, #tpu.memory_space<vmem>>) semaphore(%arg11 : memref<!tpu.dma_semaphore, #tpu.memory_space<semaphore_mem>>)
        } else {
        }
        %mul3A_970 = arith.constant 8 : i32
        %mul3A_971 = arith.muli %scan3A_21, %mul3A_970 : i32
        %add3A_972 = arith.constant 3 : i32
        %add3A_973 = arith.addi %mul3A_971, %add3A_972 : i32
        %lt3A_974 = arith.constant 80 : i32
        %lt3A_975 = arith.cmpi slt, %add3A_973, %lt3A_974 : i32
        %add3A_976 = arith.constant 3 : i32
        %add3A_977 = arith.addi %add3A_24, %add3A_976 : i32
        %lt3A_978 = arith.constant 1250 : i32
        %lt3A_979 = arith.cmpi slt, %add3A_977, %lt3A_978 : i32
        %and3A_980 = arith.andi %lt3A_975, %lt3A_979 : i1
        %convert_element_type3A_981 = arith.extui %and3A_980 : i1 to i32
        %cond3A_982 = arith.constant 0 : i32
        %cond3A_983 = arith.cmpi ne, %convert_element_type3A_981, %cond3A_982 : i32
        scf.if %cond3A_983 {
          %dma_wait3A = arith.constant 3 : i32
          %dma_wait3A_1082 = arith.constant 0 : i32
          %dma_wait3A_1083 = tpu.memref_slice %arg9[%dma_wait3A, %dma_wait3A_1082] : memref<8x128xi32, #tpu.memory_space<vmem>> -> memref<1x128xi32, #tpu.memory_space<vmem>>
          %dma_wait3A_1084 = tpu.memref_squeeze %dma_wait3A_1083 : memref<1x128xi32, #tpu.memory_space<vmem>> -> memref<128xi32, #tpu.memory_space<vmem>>
          %dma_wait3A_1085 = arith.constant 0 : i32
          %dma_wait3A_1086 = arith.constant 0 : i32
          %dma_wait3A_1087 = tpu.memref_slice %arg2[%dma_wait3A_1085, %dma_wait3A_1086] : memref<20480x128xf32, #tpu.memory_space<hbm>> -> memref<20480x128xf32, #tpu.memory_space<hbm>>
          tpu.wait_indirect_dma semaphore(%arg12 : memref<!tpu.dma_semaphore, #tpu.memory_space<semaphore_mem>>) src(%dma_wait3A_1087 : memref<20480x128xf32, #tpu.memory_space<hbm>>) dst(%arg8 : memref<128x128xf32, #tpu.memory_space<vmem>>)
          %run_scoped3A = arith.constant 3 : i32
          "tpu.region"() ({
            %run_scoped3A_1088 = tpu.sem_alloc : memref<!tpu.dma_semaphore, #tpu.memory_space<semaphore_mem>>
            %dma_start3A = arith.constant 0 : i32
            %dma_start3A_1089 = tpu.memref_slice %arg10[%run_scoped3A, %dma_start3A] : memref<8x128xi32, #tpu.memory_space<vmem>> -> memref<1x128xi32, #tpu.memory_space<vmem>>
            %dma_start3A_1090 = tpu.memref_squeeze %dma_start3A_1089 : memref<1x128xi32, #tpu.memory_space<vmem>> -> memref<128xi32, #tpu.memory_space<vmem>>
            %dma_start3A_1091 = arith.constant 0 : i32
            %dma_start3A_1092 = arith.constant 0 : i32
            %dma_start3A_1093 = tpu.memref_slice %arg6[%dma_start3A_1091, %dma_start3A_1092] : memref<10240x128xf32, #tpu.memory_space<vmem_shared>> -> memref<10240x128xf32, #tpu.memory_space<vmem_shared>>
            tpu.enqueue_indirect_dma source(%arg8 : memref<128x128xf32, #tpu.memory_space<vmem>>) target(%dma_start3A_1093 : memref<10240x128xf32, #tpu.memory_space<vmem_shared>>) offsets(%dma_start3A_1090 : memref<128xi32, #tpu.memory_space<vmem>>) semaphore(%run_scoped3A_1088 : memref<!tpu.dma_semaphore, #tpu.memory_space<semaphore_mem>>) {add = true}
            %dma_wait3A_1094 = arith.constant 0 : i32
            %dma_wait3A_1095 = tpu.memref_slice %arg10[%run_scoped3A, %dma_wait3A_1094] : memref<8x128xi32, #tpu.memory_space<vmem>> -> memref<1x128xi32, #tpu.memory_space<vmem>>
            %dma_wait3A_1096 = tpu.memref_squeeze %dma_wait3A_1095 : memref<1x128xi32, #tpu.memory_space<vmem>> -> memref<128xi32, #tpu.memory_space<vmem>>
            %dma_wait3A_1097 = arith.constant 0 : i32
            %dma_wait3A_1098 = arith.constant 0 : i32
            %dma_wait3A_1099 = tpu.memref_slice %arg6[%dma_wait3A_1097, %dma_wait3A_1098] : memref<10240x128xf32, #tpu.memory_space<vmem_shared>> -> memref<10240x128xf32, #tpu.memory_space<vmem_shared>>
            tpu.wait_indirect_dma semaphore(%run_scoped3A_1088 : memref<!tpu.dma_semaphore, #tpu.memory_space<semaphore_mem>>) src(%arg8 : memref<128x128xf32, #tpu.memory_space<vmem>>) dst(%dma_wait3A_1099 : memref<10240x128xf32, #tpu.memory_space<vmem_shared>>)
            tpu.yield
          }) : () -> ()
        } else {
        }
        %mul3A_984 = arith.constant 8 : i32
        %mul3A_985 = arith.muli %scan3A_21, %mul3A_984 : i32
        %add3A_986 = arith.constant 5 : i32
        %add3A_987 = arith.addi %mul3A_985, %add3A_986 : i32
        %lt3A_988 = arith.constant 80 : i32
        %lt3A_989 = arith.cmpi slt, %add3A_987, %lt3A_988 : i32
        %add3A_990 = arith.constant 5 : i32
        %add3A_991 = arith.addi %add3A_24, %add3A_990 : i32
        %lt3A_992 = arith.constant 1250 : i32
        %lt3A_993 = arith.cmpi slt, %add3A_991, %lt3A_992 : i32
        %and3A_994 = arith.andi %lt3A_989, %lt3A_993 : i1
        %convert_element_type3A_995 = arith.extui %and3A_994 : i1 to i32
        %cond3A_996 = arith.constant 0 : i32
        %cond3A_997 = arith.cmpi ne, %convert_element_type3A_995, %cond3A_996 : i32
        scf.if %cond3A_997 {
          %dma_start3A = arith.constant 5 : i32
          %dma_start3A_1082 = arith.constant 0 : i32
          %dma_start3A_1083 = tpu.memref_slice %arg9[%dma_start3A, %dma_start3A_1082] : memref<8x128xi32, #tpu.memory_space<vmem>> -> memref<1x128xi32, #tpu.memory_space<vmem>>
          %dma_start3A_1084 = tpu.memref_squeeze %dma_start3A_1083 : memref<1x128xi32, #tpu.memory_space<vmem>> -> memref<128xi32, #tpu.memory_space<vmem>>
          %dma_start3A_1085 = arith.constant 0 : i32
          %dma_start3A_1086 = arith.constant 0 : i32
          %dma_start3A_1087 = tpu.memref_slice %arg2[%dma_start3A_1085, %dma_start3A_1086] : memref<20480x128xf32, #tpu.memory_space<hbm>> -> memref<20480x128xf32, #tpu.memory_space<hbm>>
          tpu.enqueue_indirect_dma source(%dma_start3A_1087 : memref<20480x128xf32, #tpu.memory_space<hbm>>) target(%arg8 : memref<128x128xf32, #tpu.memory_space<vmem>>) offsets(%dma_start3A_1084 : memref<128xi32, #tpu.memory_space<vmem>>) semaphore(%arg12 : memref<!tpu.dma_semaphore, #tpu.memory_space<semaphore_mem>>)
        } else {
        }
        %mul3A_998 = arith.constant 8 : i32
        %mul3A_999 = arith.muli %scan3A_21, %mul3A_998 : i32
        %add3A_1000 = arith.constant 4 : i32
        %add3A_1001 = arith.addi %mul3A_999, %add3A_1000 : i32
        %lt3A_1002 = arith.constant 80 : i32
        %lt3A_1003 = arith.cmpi slt, %add3A_1001, %lt3A_1002 : i32
        %add3A_1004 = arith.constant 4 : i32
        %add3A_1005 = arith.addi %add3A_24, %add3A_1004 : i32
        %lt3A_1006 = arith.constant 1250 : i32
        %lt3A_1007 = arith.cmpi slt, %add3A_1005, %lt3A_1006 : i32
        %and3A_1008 = arith.andi %lt3A_1003, %lt3A_1007 : i1
        %convert_element_type3A_1009 = arith.extui %and3A_1008 : i1 to i32
        %cond3A_1010 = arith.constant 0 : i32
        %cond3A_1011 = arith.cmpi ne, %convert_element_type3A_1009, %cond3A_1010 : i32
        scf.if %cond3A_1011 {
          %dma_wait3A = arith.constant 4 : i32
          %dma_wait3A_1082 = arith.constant 0 : i32
          %dma_wait3A_1083 = tpu.memref_slice %arg9[%dma_wait3A, %dma_wait3A_1082] : memref<8x128xi32, #tpu.memory_space<vmem>> -> memref<1x128xi32, #tpu.memory_space<vmem>>
          %dma_wait3A_1084 = tpu.memref_squeeze %dma_wait3A_1083 : memref<1x128xi32, #tpu.memory_space<vmem>> -> memref<128xi32, #tpu.memory_space<vmem>>
          %dma_wait3A_1085 = arith.constant 0 : i32
          %dma_wait3A_1086 = arith.constant 0 : i32
          %dma_wait3A_1087 = tpu.memref_slice %arg2[%dma_wait3A_1085, %dma_wait3A_1086] : memref<20480x128xf32, #tpu.memory_space<hbm>> -> memref<20480x128xf32, #tpu.memory_space<hbm>>
          tpu.wait_indirect_dma semaphore(%arg11 : memref<!tpu.dma_semaphore, #tpu.memory_space<semaphore_mem>>) src(%dma_wait3A_1087 : memref<20480x128xf32, #tpu.memory_space<hbm>>) dst(%arg7 : memref<128x128xf32, #tpu.memory_space<vmem>>)
          %run_scoped3A = arith.constant 4 : i32
          "tpu.region"() ({
            %run_scoped3A_1088 = tpu.sem_alloc : memref<!tpu.dma_semaphore, #tpu.memory_space<semaphore_mem>>
            %dma_start3A = arith.constant 0 : i32
            %dma_start3A_1089 = tpu.memref_slice %arg10[%run_scoped3A, %dma_start3A] : memref<8x128xi32, #tpu.memory_space<vmem>> -> memref<1x128xi32, #tpu.memory_space<vmem>>
            %dma_start3A_1090 = tpu.memref_squeeze %dma_start3A_1089 : memref<1x128xi32, #tpu.memory_space<vmem>> -> memref<128xi32, #tpu.memory_space<vmem>>
            %dma_start3A_1091 = arith.constant 0 : i32
            %dma_start3A_1092 = arith.constant 0 : i32
            %dma_start3A_1093 = tpu.memref_slice %arg6[%dma_start3A_1091, %dma_start3A_1092] : memref<10240x128xf32, #tpu.memory_space<vmem_shared>> -> memref<10240x128xf32, #tpu.memory_space<vmem_shared>>
            tpu.enqueue_indirect_dma source(%arg7 : memref<128x128xf32, #tpu.memory_space<vmem>>) target(%dma_start3A_1093 : memref<10240x128xf32, #tpu.memory_space<vmem_shared>>) offsets(%dma_start3A_1090 : memref<128xi32, #tpu.memory_space<vmem>>) semaphore(%run_scoped3A_1088 : memref<!tpu.dma_semaphore, #tpu.memory_space<semaphore_mem>>) {add = true}
            %dma_wait3A_1094 = arith.constant 0 : i32
            %dma_wait3A_1095 = tpu.memref_slice %arg10[%run_scoped3A, %dma_wait3A_1094] : memref<8x128xi32, #tpu.memory_space<vmem>> -> memref<1x128xi32, #tpu.memory_space<vmem>>
            %dma_wait3A_1096 = tpu.memref_squeeze %dma_wait3A_1095 : memref<1x128xi32, #tpu.memory_space<vmem>> -> memref<128xi32, #tpu.memory_space<vmem>>
            %dma_wait3A_1097 = arith.constant 0 : i32
            %dma_wait3A_1098 = arith.constant 0 : i32
            %dma_wait3A_1099 = tpu.memref_slice %arg6[%dma_wait3A_1097, %dma_wait3A_1098] : memref<10240x128xf32, #tpu.memory_space<vmem_shared>> -> memref<10240x128xf32, #tpu.memory_space<vmem_shared>>
            tpu.wait_indirect_dma semaphore(%run_scoped3A_1088 : memref<!tpu.dma_semaphore, #tpu.memory_space<semaphore_mem>>) src(%arg7 : memref<128x128xf32, #tpu.memory_space<vmem>>) dst(%dma_wait3A_1099 : memref<10240x128xf32, #tpu.memory_space<vmem_shared>>)
            tpu.yield
          }) : () -> ()
        } else {
        }
        %mul3A_1012 = arith.constant 8 : i32
        %mul3A_1013 = arith.muli %scan3A_21, %mul3A_1012 : i32
        %add3A_1014 = arith.constant 6 : i32
        %add3A_1015 = arith.addi %mul3A_1013, %add3A_1014 : i32
        %lt3A_1016 = arith.constant 80 : i32
        %lt3A_1017 = arith.cmpi slt, %add3A_1015, %lt3A_1016 : i32
        %add3A_1018 = arith.constant 6 : i32
        %add3A_1019 = arith.addi %add3A_24, %add3A_1018 : i32
        %lt3A_1020 = arith.constant 1250 : i32
        %lt3A_1021 = arith.cmpi slt, %add3A_1019, %lt3A_1020 : i32
        %and3A_1022 = arith.andi %lt3A_1017, %lt3A_1021 : i1
        %convert_element_type3A_1023 = arith.extui %and3A_1022 : i1 to i32
        %cond3A_1024 = arith.constant 0 : i32
        %cond3A_1025 = arith.cmpi ne, %convert_element_type3A_1023, %cond3A_1024 : i32
        scf.if %cond3A_1025 {
          %dma_start3A = arith.constant 6 : i32
          %dma_start3A_1082 = arith.constant 0 : i32
          %dma_start3A_1083 = tpu.memref_slice %arg9[%dma_start3A, %dma_start3A_1082] : memref<8x128xi32, #tpu.memory_space<vmem>> -> memref<1x128xi32, #tpu.memory_space<vmem>>
          %dma_start3A_1084 = tpu.memref_squeeze %dma_start3A_1083 : memref<1x128xi32, #tpu.memory_space<vmem>> -> memref<128xi32, #tpu.memory_space<vmem>>
          %dma_start3A_1085 = arith.constant 0 : i32
          %dma_start3A_1086 = arith.constant 0 : i32
          %dma_start3A_1087 = tpu.memref_slice %arg2[%dma_start3A_1085, %dma_start3A_1086] : memref<20480x128xf32, #tpu.memory_space<hbm>> -> memref<20480x128xf32, #tpu.memory_space<hbm>>
          tpu.enqueue_indirect_dma source(%dma_start3A_1087 : memref<20480x128xf32, #tpu.memory_space<hbm>>) target(%arg7 : memref<128x128xf32, #tpu.memory_space<vmem>>) offsets(%dma_start3A_1084 : memref<128xi32, #tpu.memory_space<vmem>>) semaphore(%arg11 : memref<!tpu.dma_semaphore, #tpu.memory_space<semaphore_mem>>)
        } else {
        }
        %mul3A_1026 = arith.constant 8 : i32
        %mul3A_1027 = arith.muli %scan3A_21, %mul3A_1026 : i32
        %add3A_1028 = arith.constant 5 : i32
        %add3A_1029 = arith.addi %mul3A_1027, %add3A_1028 : i32
        %lt3A_1030 = arith.constant 80 : i32
        %lt3A_1031 = arith.cmpi slt, %add3A_1029, %lt3A_1030 : i32
        %add3A_1032 = arith.constant 5 : i32
        %add3A_1033 = arith.addi %add3A_24, %add3A_1032 : i32
        %lt3A_1034 = arith.constant 1250 : i32
        %lt3A_1035 = arith.cmpi slt, %add3A_1033, %lt3A_1034 : i32
        %and3A_1036 = arith.andi %lt3A_1031, %lt3A_1035 : i1
        %convert_element_type3A_1037 = arith.extui %and3A_1036 : i1 to i32
        %cond3A_1038 = arith.constant 0 : i32
        %cond3A_1039 = arith.cmpi ne, %convert_element_type3A_1037, %cond3A_1038 : i32
        scf.if %cond3A_1039 {
          %dma_wait3A = arith.constant 5 : i32
          %dma_wait3A_1082 = arith.constant 0 : i32
          %dma_wait3A_1083 = tpu.memref_slice %arg9[%dma_wait3A, %dma_wait3A_1082] : memref<8x128xi32, #tpu.memory_space<vmem>> -> memref<1x128xi32, #tpu.memory_space<vmem>>
          %dma_wait3A_1084 = tpu.memref_squeeze %dma_wait3A_1083 : memref<1x128xi32, #tpu.memory_space<vmem>> -> memref<128xi32, #tpu.memory_space<vmem>>
          %dma_wait3A_1085 = arith.constant 0 : i32
          %dma_wait3A_1086 = arith.constant 0 : i32
          %dma_wait3A_1087 = tpu.memref_slice %arg2[%dma_wait3A_1085, %dma_wait3A_1086] : memref<20480x128xf32, #tpu.memory_space<hbm>> -> memref<20480x128xf32, #tpu.memory_space<hbm>>
          tpu.wait_indirect_dma semaphore(%arg12 : memref<!tpu.dma_semaphore, #tpu.memory_space<semaphore_mem>>) src(%dma_wait3A_1087 : memref<20480x128xf32, #tpu.memory_space<hbm>>) dst(%arg8 : memref<128x128xf32, #tpu.memory_space<vmem>>)
          %run_scoped3A = arith.constant 5 : i32
          "tpu.region"() ({
            %run_scoped3A_1088 = tpu.sem_alloc : memref<!tpu.dma_semaphore, #tpu.memory_space<semaphore_mem>>
            %dma_start3A = arith.constant 0 : i32
            %dma_start3A_1089 = tpu.memref_slice %arg10[%run_scoped3A, %dma_start3A] : memref<8x128xi32, #tpu.memory_space<vmem>> -> memref<1x128xi32, #tpu.memory_space<vmem>>
            %dma_start3A_1090 = tpu.memref_squeeze %dma_start3A_1089 : memref<1x128xi32, #tpu.memory_space<vmem>> -> memref<128xi32, #tpu.memory_space<vmem>>
            %dma_start3A_1091 = arith.constant 0 : i32
            %dma_start3A_1092 = arith.constant 0 : i32
            %dma_start3A_1093 = tpu.memref_slice %arg6[%dma_start3A_1091, %dma_start3A_1092] : memref<10240x128xf32, #tpu.memory_space<vmem_shared>> -> memref<10240x128xf32, #tpu.memory_space<vmem_shared>>
            tpu.enqueue_indirect_dma source(%arg8 : memref<128x128xf32, #tpu.memory_space<vmem>>) target(%dma_start3A_1093 : memref<10240x128xf32, #tpu.memory_space<vmem_shared>>) offsets(%dma_start3A_1090 : memref<128xi32, #tpu.memory_space<vmem>>) semaphore(%run_scoped3A_1088 : memref<!tpu.dma_semaphore, #tpu.memory_space<semaphore_mem>>) {add = true}
            %dma_wait3A_1094 = arith.constant 0 : i32
            %dma_wait3A_1095 = tpu.memref_slice %arg10[%run_scoped3A, %dma_wait3A_1094] : memref<8x128xi32, #tpu.memory_space<vmem>> -> memref<1x128xi32, #tpu.memory_space<vmem>>
            %dma_wait3A_1096 = tpu.memref_squeeze %dma_wait3A_1095 : memref<1x128xi32, #tpu.memory_space<vmem>> -> memref<128xi32, #tpu.memory_space<vmem>>
            %dma_wait3A_1097 = arith.constant 0 : i32
            %dma_wait3A_1098 = arith.constant 0 : i32
            %dma_wait3A_1099 = tpu.memref_slice %arg6[%dma_wait3A_1097, %dma_wait3A_1098] : memref<10240x128xf32, #tpu.memory_space<vmem_shared>> -> memref<10240x128xf32, #tpu.memory_space<vmem_shared>>
            tpu.wait_indirect_dma semaphore(%run_scoped3A_1088 : memref<!tpu.dma_semaphore, #tpu.memory_space<semaphore_mem>>) src(%arg8 : memref<128x128xf32, #tpu.memory_space<vmem>>) dst(%dma_wait3A_1099 : memref<10240x128xf32, #tpu.memory_space<vmem_shared>>)
            tpu.yield
          }) : () -> ()
        } else {
        }
        %mul3A_1040 = arith.constant 8 : i32
        %mul3A_1041 = arith.muli %scan3A_21, %mul3A_1040 : i32
        %add3A_1042 = arith.constant 7 : i32
        %add3A_1043 = arith.addi %mul3A_1041, %add3A_1042 : i32
        %lt3A_1044 = arith.constant 80 : i32
        %lt3A_1045 = arith.cmpi slt, %add3A_1043, %lt3A_1044 : i32
        %add3A_1046 = arith.constant 7 : i32
        %add3A_1047 = arith.addi %add3A_24, %add3A_1046 : i32
        %lt3A_1048 = arith.constant 1250 : i32
        %lt3A_1049 = arith.cmpi slt, %add3A_1047, %lt3A_1048 : i32
        %and3A_1050 = arith.andi %lt3A_1045, %lt3A_1049 : i1
        %convert_element_type3A_1051 = arith.extui %and3A_1050 : i1 to i32
        %cond3A_1052 = arith.constant 0 : i32
        %cond3A_1053 = arith.cmpi ne, %convert_element_type3A_1051, %cond3A_1052 : i32
        scf.if %cond3A_1053 {
          %dma_start3A = arith.constant 7 : i32
          %dma_start3A_1082 = arith.constant 0 : i32
          %dma_start3A_1083 = tpu.memref_slice %arg9[%dma_start3A, %dma_start3A_1082] : memref<8x128xi32, #tpu.memory_space<vmem>> -> memref<1x128xi32, #tpu.memory_space<vmem>>
          %dma_start3A_1084 = tpu.memref_squeeze %dma_start3A_1083 : memref<1x128xi32, #tpu.memory_space<vmem>> -> memref<128xi32, #tpu.memory_space<vmem>>
          %dma_start3A_1085 = arith.constant 0 : i32
          %dma_start3A_1086 = arith.constant 0 : i32
          %dma_start3A_1087 = tpu.memref_slice %arg2[%dma_start3A_1085, %dma_start3A_1086] : memref<20480x128xf32, #tpu.memory_space<hbm>> -> memref<20480x128xf32, #tpu.memory_space<hbm>>
          tpu.enqueue_indirect_dma source(%dma_start3A_1087 : memref<20480x128xf32, #tpu.memory_space<hbm>>) target(%arg8 : memref<128x128xf32, #tpu.memory_space<vmem>>) offsets(%dma_start3A_1084 : memref<128xi32, #tpu.memory_space<vmem>>) semaphore(%arg12 : memref<!tpu.dma_semaphore, #tpu.memory_space<semaphore_mem>>)
        } else {
        }
        %mul3A_1054 = arith.constant 8 : i32
        %mul3A_1055 = arith.muli %scan3A_21, %mul3A_1054 : i32
        %add3A_1056 = arith.constant 6 : i32
        %add3A_1057 = arith.addi %mul3A_1055, %add3A_1056 : i32
        %lt3A_1058 = arith.constant 80 : i32
        %lt3A_1059 = arith.cmpi slt, %add3A_1057, %lt3A_1058 : i32
        %add3A_1060 = arith.constant 6 : i32
        %add3A_1061 = arith.addi %add3A_24, %add3A_1060 : i32
        %lt3A_1062 = arith.constant 1250 : i32
        %lt3A_1063 = arith.cmpi slt, %add3A_1061, %lt3A_1062 : i32
        %and3A_1064 = arith.andi %lt3A_1059, %lt3A_1063 : i1
        %convert_element_type3A_1065 = arith.extui %and3A_1064 : i1 to i32
        %cond3A_1066 = arith.constant 0 : i32
        %cond3A_1067 = arith.cmpi ne, %convert_element_type3A_1065, %cond3A_1066 : i32
        scf.if %cond3A_1067 {
          %dma_wait3A = arith.constant 6 : i32
          %dma_wait3A_1082 = arith.constant 0 : i32
          %dma_wait3A_1083 = tpu.memref_slice %arg9[%dma_wait3A, %dma_wait3A_1082] : memref<8x128xi32, #tpu.memory_space<vmem>> -> memref<1x128xi32, #tpu.memory_space<vmem>>
          %dma_wait3A_1084 = tpu.memref_squeeze %dma_wait3A_1083 : memref<1x128xi32, #tpu.memory_space<vmem>> -> memref<128xi32, #tpu.memory_space<vmem>>
          %dma_wait3A_1085 = arith.constant 0 : i32
          %dma_wait3A_1086 = arith.constant 0 : i32
          %dma_wait3A_1087 = tpu.memref_slice %arg2[%dma_wait3A_1085, %dma_wait3A_1086] : memref<20480x128xf32, #tpu.memory_space<hbm>> -> memref<20480x128xf32, #tpu.memory_space<hbm>>
          tpu.wait_indirect_dma semaphore(%arg11 : memref<!tpu.dma_semaphore, #tpu.memory_space<semaphore_mem>>) src(%dma_wait3A_1087 : memref<20480x128xf32, #tpu.memory_space<hbm>>) dst(%arg7 : memref<128x128xf32, #tpu.memory_space<vmem>>)
          %run_scoped3A = arith.constant 6 : i32
          "tpu.region"() ({
            %run_scoped3A_1088 = tpu.sem_alloc : memref<!tpu.dma_semaphore, #tpu.memory_space<semaphore_mem>>
            %dma_start3A = arith.constant 0 : i32
            %dma_start3A_1089 = tpu.memref_slice %arg10[%run_scoped3A, %dma_start3A] : memref<8x128xi32, #tpu.memory_space<vmem>> -> memref<1x128xi32, #tpu.memory_space<vmem>>
            %dma_start3A_1090 = tpu.memref_squeeze %dma_start3A_1089 : memref<1x128xi32, #tpu.memory_space<vmem>> -> memref<128xi32, #tpu.memory_space<vmem>>
            %dma_start3A_1091 = arith.constant 0 : i32
            %dma_start3A_1092 = arith.constant 0 : i32
            %dma_start3A_1093 = tpu.memref_slice %arg6[%dma_start3A_1091, %dma_start3A_1092] : memref<10240x128xf32, #tpu.memory_space<vmem_shared>> -> memref<10240x128xf32, #tpu.memory_space<vmem_shared>>
            tpu.enqueue_indirect_dma source(%arg7 : memref<128x128xf32, #tpu.memory_space<vmem>>) target(%dma_start3A_1093 : memref<10240x128xf32, #tpu.memory_space<vmem_shared>>) offsets(%dma_start3A_1090 : memref<128xi32, #tpu.memory_space<vmem>>) semaphore(%run_scoped3A_1088 : memref<!tpu.dma_semaphore, #tpu.memory_space<semaphore_mem>>) {add = true}
            %dma_wait3A_1094 = arith.constant 0 : i32
            %dma_wait3A_1095 = tpu.memref_slice %arg10[%run_scoped3A, %dma_wait3A_1094] : memref<8x128xi32, #tpu.memory_space<vmem>> -> memref<1x128xi32, #tpu.memory_space<vmem>>
            %dma_wait3A_1096 = tpu.memref_squeeze %dma_wait3A_1095 : memref<1x128xi32, #tpu.memory_space<vmem>> -> memref<128xi32, #tpu.memory_space<vmem>>
            %dma_wait3A_1097 = arith.constant 0 : i32
            %dma_wait3A_1098 = arith.constant 0 : i32
            %dma_wait3A_1099 = tpu.memref_slice %arg6[%dma_wait3A_1097, %dma_wait3A_1098] : memref<10240x128xf32, #tpu.memory_space<vmem_shared>> -> memref<10240x128xf32, #tpu.memory_space<vmem_shared>>
            tpu.wait_indirect_dma semaphore(%run_scoped3A_1088 : memref<!tpu.dma_semaphore, #tpu.memory_space<semaphore_mem>>) src(%arg7 : memref<128x128xf32, #tpu.memory_space<vmem>>) dst(%dma_wait3A_1099 : memref<10240x128xf32, #tpu.memory_space<vmem_shared>>)
            tpu.yield
          }) : () -> ()
        } else {
        }
        %mul3A_1068 = arith.constant 8 : i32
        %mul3A_1069 = arith.muli %scan3A_21, %mul3A_1068 : i32
        %add3A_1070 = arith.constant 7 : i32
        %add3A_1071 = arith.addi %mul3A_1069, %add3A_1070 : i32
        %lt3A_1072 = arith.constant 80 : i32
        %lt3A_1073 = arith.cmpi slt, %add3A_1071, %lt3A_1072 : i32
        %add3A_1074 = arith.constant 7 : i32
        %add3A_1075 = arith.addi %add3A_24, %add3A_1074 : i32
        %lt3A_1076 = arith.constant 1250 : i32
        %lt3A_1077 = arith.cmpi slt, %add3A_1075, %lt3A_1076 : i32
        %and3A_1078 = arith.andi %lt3A_1073, %lt3A_1077 : i1
        %convert_element_type3A_1079 = arith.extui %and3A_1078 : i1 to i32
        %cond3A_1080 = arith.constant 0 : i32
        %cond3A_1081 = arith.cmpi ne, %convert_element_type3A_1079, %cond3A_1080 : i32
        scf.if %cond3A_1081 {
          %dma_wait3A = arith.constant 7 : i32
          %dma_wait3A_1082 = arith.constant 0 : i32
          %dma_wait3A_1083 = tpu.memref_slice %arg9[%dma_wait3A, %dma_wait3A_1082] : memref<8x128xi32, #tpu.memory_space<vmem>> -> memref<1x128xi32, #tpu.memory_space<vmem>>
          %dma_wait3A_1084 = tpu.memref_squeeze %dma_wait3A_1083 : memref<1x128xi32, #tpu.memory_space<vmem>> -> memref<128xi32, #tpu.memory_space<vmem>>
          %dma_wait3A_1085 = arith.constant 0 : i32
          %dma_wait3A_1086 = arith.constant 0 : i32
          %dma_wait3A_1087 = tpu.memref_slice %arg2[%dma_wait3A_1085, %dma_wait3A_1086] : memref<20480x128xf32, #tpu.memory_space<hbm>> -> memref<20480x128xf32, #tpu.memory_space<hbm>>
          tpu.wait_indirect_dma semaphore(%arg12 : memref<!tpu.dma_semaphore, #tpu.memory_space<semaphore_mem>>) src(%dma_wait3A_1087 : memref<20480x128xf32, #tpu.memory_space<hbm>>) dst(%arg8 : memref<128x128xf32, #tpu.memory_space<vmem>>)
          %run_scoped3A = arith.constant 7 : i32
          "tpu.region"() ({
            %run_scoped3A_1088 = tpu.sem_alloc : memref<!tpu.dma_semaphore, #tpu.memory_space<semaphore_mem>>
            %dma_start3A = arith.constant 0 : i32
            %dma_start3A_1089 = tpu.memref_slice %arg10[%run_scoped3A, %dma_start3A] : memref<8x128xi32, #tpu.memory_space<vmem>> -> memref<1x128xi32, #tpu.memory_space<vmem>>
            %dma_start3A_1090 = tpu.memref_squeeze %dma_start3A_1089 : memref<1x128xi32, #tpu.memory_space<vmem>> -> memref<128xi32, #tpu.memory_space<vmem>>
            %dma_start3A_1091 = arith.constant 0 : i32
            %dma_start3A_1092 = arith.constant 0 : i32
            %dma_start3A_1093 = tpu.memref_slice %arg6[%dma_start3A_1091, %dma_start3A_1092] : memref<10240x128xf32, #tpu.memory_space<vmem_shared>> -> memref<10240x128xf32, #tpu.memory_space<vmem_shared>>
            tpu.enqueue_indirect_dma source(%arg8 : memref<128x128xf32, #tpu.memory_space<vmem>>) target(%dma_start3A_1093 : memref<10240x128xf32, #tpu.memory_space<vmem_shared>>) offsets(%dma_start3A_1090 : memref<128xi32, #tpu.memory_space<vmem>>) semaphore(%run_scoped3A_1088 : memref<!tpu.dma_semaphore, #tpu.memory_space<semaphore_mem>>) {add = true}
            %dma_wait3A_1094 = arith.constant 0 : i32
            %dma_wait3A_1095 = tpu.memref_slice %arg10[%run_scoped3A, %dma_wait3A_1094] : memref<8x128xi32, #tpu.memory_space<vmem>> -> memref<1x128xi32, #tpu.memory_space<vmem>>
            %dma_wait3A_1096 = tpu.memref_squeeze %dma_wait3A_1095 : memref<1x128xi32, #tpu.memory_space<vmem>> -> memref<128xi32, #tpu.memory_space<vmem>>
            %dma_wait3A_1097 = arith.constant 0 : i32
            %dma_wait3A_1098 = arith.constant 0 : i32
            %dma_wait3A_1099 = tpu.memref_slice %arg6[%dma_wait3A_1097, %dma_wait3A_1098] : memref<10240x128xf32, #tpu.memory_space<vmem_shared>> -> memref<10240x128xf32, #tpu.memory_space<vmem_shared>>
            tpu.wait_indirect_dma semaphore(%run_scoped3A_1088 : memref<!tpu.dma_semaphore, #tpu.memory_space<semaphore_mem>>) src(%arg8 : memref<128x128xf32, #tpu.memory_space<vmem>>) dst(%dma_wait3A_1099 : memref<10240x128xf32, #tpu.memory_space<vmem_shared>>)
            tpu.yield
          }) : () -> ()
        } else {
        }
      } else {
      }
    }
    %scan3A_18 = arith.constant 10 : i32
    %barrier3A_19 = arith.constant 0 : index
    tpu.barrier barrier_id(%barrier3A_19)
    %add3A_20 = arith.addi %mul3A_11, %mul3A_0 : i32
    "tpu.region"() ({
      %run_scoped3A = tpu.sem_alloc : memref<!tpu.dma_semaphore, #tpu.memory_space<semaphore_mem>>
      %dma_start3A = arith.constant 0 : i32
      %dma_start3A_21 = tpu.memref_slice %arg5[%add3A_20, %dma_start3A] : memref<20480x128xf32, #tpu.memory_space<hbm>> -> memref<640x128xf32, #tpu.memory_space<hbm>>
      %dma_start3A_22 = arith.constant 0 : i32
      %dma_start3A_23 = tpu.memref_slice %arg6[%mul3A_0, %dma_start3A_22] : memref<10240x128xf32, #tpu.memory_space<vmem_shared>> -> memref<640x128xf32, #tpu.memory_space<vmem_shared>>
      tpu.enqueue_dma source(%dma_start3A_23 : memref<640x128xf32, #tpu.memory_space<vmem_shared>>) target(%dma_start3A_21 : memref<640x128xf32, #tpu.memory_space<hbm>>) target_semaphore(%run_scoped3A : memref<!tpu.dma_semaphore, #tpu.memory_space<semaphore_mem>>)
      %dma_wait3A = arith.constant 0 : i32
      %dma_wait3A_24 = tpu.memref_slice %arg5[%add3A_20, %dma_wait3A] : memref<20480x128xf32, #tpu.memory_space<hbm>> -> memref<640x128xf32, #tpu.memory_space<hbm>>
      %dma_wait3A_25 = arith.constant 0 : i32
      %dma_wait3A_26 = tpu.memref_slice %arg6[%mul3A_0, %dma_wait3A_25] : memref<10240x128xf32, #tpu.memory_space<vmem_shared>> -> memref<640x128xf32, #tpu.memory_space<vmem_shared>>
      tpu.wait_dma2 semaphore(%run_scoped3A : memref<!tpu.dma_semaphore, #tpu.memory_space<semaphore_mem>>) src(%dma_wait3A_26 : memref<640x128xf32, #tpu.memory_space<vmem_shared>>) dst(%dma_wait3A_24 : memref<640x128xf32, #tpu.memory_space<hbm>>)
      tpu.yield
    }) : () -> ()
    return
  }
}

module attributes {stable_mosaic.version = 14 : i64} {
  func.func @_tc1_body(%arg0: i32, %arg1: i32, %arg2: memref<1024x128xf32, #tpu.memory_space<vmem>>, %arg3: memref<1x128x128xf32, #tpu.memory_space<vmem>>, %arg4: memref<1x1024x16xf32, #tpu.memory_space<vmem>>, %arg5: memref<1x1024x128xf32, #tpu.memory_space<vmem>>) attributes {dimension_semantics = [#tpu.dimension_semantics<arbitrary>, #tpu.dimension_semantics<arbitrary>], iteration_bounds = array<i64: 2, 10>, scalar_prefetch = 0 : i64, scratch_operands = 0 : i64, tpu.core_type = #tpu.core_type<tc>, window_params = [{transform_indices = @transform_0, window_bounds = array<i64: 1024, 128>}, {transform_indices = @transform_1, window_bounds = array<i64: 1, 128, 128>}, {transform_indices = @transform_2, window_bounds = array<i64: 1, 1024, 16>}, {transform_indices = @transform_3, window_bounds = array<i64: 1, 1024, 128>}]} {
    %get3A = arith.constant 0 : index
    %get3A_0 = arith.constant 0 : index
    %get3A_1 = vector.load %arg2[%get3A, %get3A_0] : memref<1024x128xf32, #tpu.memory_space<vmem>>, vector<1024x128xf32>
    %get3A_2 = arith.constant 0 : index
    %get3A_3 = arith.constant 0 : index
    %get3A_4 = arith.constant 0 : index
    %get3A_5 = vector.load %arg3[%get3A_2, %get3A_3, %get3A_4] : memref<1x128x128xf32, #tpu.memory_space<vmem>>, vector<1x128x128xf32>
    %get3A_6 = vector.shape_cast %get3A_5 : vector<1x128x128xf32> to vector<128x128xf32>
    %dot_general3A = arith.constant dense<0.000000e+00> : vector<1024x128xf32>
    %dot_general3A_7 = tpu.matmul %get3A_1, %get3A_6, %dot_general3A {dimension_numbers = #tpu.dot_dimension_numbers<[1], [0], [0], [1], [0, 0, 1, 1], [], []>, transpose_lhs_hint = false} : vector<1024x128xf32>, vector<128x128xf32>, vector<1024x128xf32> -> vector<1024x128xf32>
    %get3A_8 = arith.constant 0 : index
    %get3A_9 = arith.constant 0 : index
    %get3A_10 = arith.constant 0 : index
    %get3A_11 = vector.load %arg4[%get3A_8, %get3A_9, %get3A_10] : memref<1x1024x16xf32, #tpu.memory_space<vmem>>, vector<1x1024x16xf32>
    %get3A_12 = vector.shape_cast %get3A_11 : vector<1x1024x16xf32> to vector<1024x16xf32>
    %slice3A = vector.extract_strided_slice %get3A_12 {offsets = [0, 0], sizes = [1024, 1], strides = [1, 1]} : vector<1024x16xf32> to vector<1024x1xf32>
    %max3A = arith.constant 1.000000e+00 : f32
    %max3A_13 = vector.broadcast %max3A : f32 to vector<1024x1xf32>
    %max3A_14 = arith.maximumf %slice3A, %max3A_13 : vector<1024x1xf32>
    %rsqrt3A = math.rsqrt %max3A_14 : vector<1024x1xf32>
    %mul3A = vector.broadcast %rsqrt3A : vector<1024x1xf32> to vector<1024x128xf32>
    %mul3A_15 = arith.mulf %dot_general3A_7, %mul3A : vector<1024x128xf32>
    %swap3A = arith.constant 0 : index
    %swap3A_16 = arith.constant 0 : index
    %swap3A_17 = arith.constant 0 : index
    %swap3A_18 = vector.load %arg5[%swap3A, %swap3A_16, %swap3A_17] : memref<1x1024x128xf32, #tpu.memory_space<vmem>>, vector<1x1024x128xf32>
    %swap3A_19 = vector.shape_cast %swap3A_18 : vector<1x1024x128xf32> to vector<1024x128xf32>
    %swap3A_20 = vector.shape_cast %mul3A_15 : vector<1024x128xf32> to vector<1x1024x128xf32>
    tpu.vector_store %arg5[%swap3A, %swap3A_16, %swap3A_17], %swap3A_20 {strides = array<i32>} : memref<1x1024x128xf32, #tpu.memory_space<vmem>>, vector<1x1024x128xf32>,
    return
  }
  func.func @transform_0(%arg0: i32, %arg1: i32) -> (i32, i32) {
    %c0_i32 = arith.constant 0 : i32
    %c0_i32_0 = arith.constant 0 : i32
    return %arg1, %c0_i32 : i32, i32
  }
  func.func @transform_1(%arg0: i32, %arg1: i32) -> (i32, i32, i32) {
    %c0_i32 = arith.constant 0 : i32
    %c0_i32_0 = arith.constant 0 : i32
    %c0_i32_1 = arith.constant 0 : i32
    return %arg0, %c0_i32, %c0_i32_0 : i32, i32, i32
  }
  func.func @transform_2(%arg0: i32, %arg1: i32) -> (i32, i32, i32) {
    %mul3A = arith.constant 2 : i32
    %mul3A_0 = arith.muli %mul3A, %arg0 : i32
    %c0_i32 = arith.constant 0 : i32
    %c0_i32_1 = arith.constant 0 : i32
    return %mul3A_0, %arg1, %c0_i32 : i32, i32, i32
  }
  func.func @transform_3(%arg0: i32, %arg1: i32) -> (i32, i32, i32) {
    %c0_i32 = arith.constant 0 : i32
    %c0_i32_0 = arith.constant 0 : i32
    return %arg0, %arg1, %c0_i32 : i32, i32, i32
  }
}

module attributes {stable_mosaic.version = 14 : i64} {
  func.func @_tc2_body(%arg0: i32, %arg1: i32, %arg2: memref<1x1024x128xf32, #tpu.memory_space<vmem>>, %arg3: memref<1x1024x128xf32, #tpu.memory_space<vmem>>, %arg4: memref<1x1024x16xf32, #tpu.memory_space<vmem>>, %arg5: memref<1x1024x16xf32, #tpu.memory_space<vmem>>, %arg6: memref<2x1x128xf32, #tpu.memory_space<vmem>>, %arg7: memref<1x128x64xf32, #tpu.memory_space<vmem>>, %arg8: memref<1x1024x16xf32, #tpu.memory_space<vmem>>, %arg9: memref<1x1024x64xf32, #tpu.memory_space<vmem>>) attributes {dimension_semantics = [#tpu.dimension_semantics<arbitrary>, #tpu.dimension_semantics<arbitrary>], iteration_bounds = array<i64: 2, 10>, scalar_prefetch = 0 : i64, scratch_operands = 0 : i64, tpu.core_type = #tpu.core_type<tc>, window_params = [{transform_indices = @transform_0, window_bounds = array<i64: 1, 1024, 128>}, {transform_indices = @transform_1, window_bounds = array<i64: 1, 1024, 128>}, {transform_indices = @transform_2, window_bounds = array<i64: 1, 1024, 16>}, {transform_indices = @transform_3, window_bounds = array<i64: 1, 1024, 16>}, {pipeline_mode = #tpu.pipeline_mode<synchronous>, transform_indices = @transform_4, window_bounds = array<i64: 2, 1, 128>}, {transform_indices = @transform_5, window_bounds = array<i64: 1, 128, 64>}, {transform_indices = @transform_6, window_bounds = array<i64: 1, 1024, 16>}, {transform_indices = @transform_7, window_bounds = array<i64: 1, 1024, 64>}]} {
    %get3A = arith.constant 0 : index
    %get3A_0 = arith.constant 0 : index
    %get3A_1 = arith.constant 0 : index
    %get3A_2 = vector.load %arg2[%get3A, %get3A_0, %get3A_1] : memref<1x1024x128xf32, #tpu.memory_space<vmem>>, vector<1x1024x128xf32>
    %get3A_3 = vector.shape_cast %get3A_2 : vector<1x1024x128xf32> to vector<1024x128xf32>
    %get3A_4 = arith.constant 0 : index
    %get3A_5 = arith.constant 0 : index
    %get3A_6 = arith.constant 0 : index
    %get3A_7 = vector.load %arg4[%get3A_4, %get3A_5, %get3A_6] : memref<1x1024x16xf32, #tpu.memory_space<vmem>>, vector<1x1024x16xf32>
    %get3A_8 = vector.shape_cast %get3A_7 : vector<1x1024x16xf32> to vector<1024x16xf32>
    %slice3A = vector.extract_strided_slice %get3A_8 {offsets = [0, 0], sizes = [1024, 1], strides = [1, 1]} : vector<1024x16xf32> to vector<1024x1xf32>
    %max3A = arith.constant 1.000000e+00 : f32
    %max3A_9 = vector.broadcast %max3A : f32 to vector<1024x1xf32>
    %max3A_10 = arith.maximumf %slice3A, %max3A_9 : vector<1024x1xf32>
    %rsqrt3A = math.rsqrt %max3A_10 : vector<1024x1xf32>
    %mul3A = vector.broadcast %rsqrt3A : vector<1024x1xf32> to vector<1024x128xf32>
    %mul3A_11 = arith.mulf %get3A_3, %mul3A : vector<1024x128xf32>
    %get3A_12 = arith.constant 0 : index
    %get3A_13 = arith.constant 0 : index
    %get3A_14 = arith.constant 0 : index
    %get3A_15 = vector.load %arg3[%get3A_12, %get3A_13, %get3A_14] : memref<1x1024x128xf32, #tpu.memory_space<vmem>>, vector<1x1024x128xf32>
    %get3A_16 = vector.shape_cast %get3A_15 : vector<1x1024x128xf32> to vector<1024x128xf32>
    %get3A_17 = arith.constant 0 : index
    %get3A_18 = arith.constant 0 : index
    %get3A_19 = arith.constant 0 : index
    %get3A_20 = vector.load %arg5[%get3A_17, %get3A_18, %get3A_19] : memref<1x1024x16xf32, #tpu.memory_space<vmem>>, vector<1x1024x16xf32>
    %get3A_21 = vector.shape_cast %get3A_20 : vector<1x1024x16xf32> to vector<1024x16xf32>
    %slice3A_22 = vector.extract_strided_slice %get3A_21 {offsets = [0, 0], sizes = [1024, 1], strides = [1, 1]} : vector<1024x16xf32> to vector<1024x1xf32>
    %max3A_23 = arith.constant 1.000000e+00 : f32
    %max3A_24 = vector.broadcast %max3A_23 : f32 to vector<1024x1xf32>
    %max3A_25 = arith.maximumf %slice3A_22, %max3A_24 : vector<1024x1xf32>
    %rsqrt3A_26 = math.rsqrt %max3A_25 : vector<1024x1xf32>
    %mul3A_27 = vector.broadcast %rsqrt3A_26 : vector<1024x1xf32> to vector<1024x128xf32>
    %mul3A_28 = arith.mulf %get3A_16, %mul3A_27 : vector<1024x128xf32>
    %add3A = arith.addf %mul3A_11, %mul3A_28 : vector<1024x128xf32>
    %get3A_29 = arith.constant 0 : index
    %get3A_30 = arith.constant 0 : index
    %get3A_31 = arith.constant 0 : index
    %get3A_32 = vector.load %arg6[%get3A_29, %get3A_30, %get3A_31] : memref<2x1x128xf32, #tpu.memory_space<vmem>>, vector<1x1x128xf32>
    %get3A_33 = vector.shape_cast %get3A_32 : vector<1x1x128xf32> to vector<1x128xf32>
    %add3A_34 = vector.broadcast %get3A_33 : vector<1x128xf32> to vector<1024x128xf32>
    %add3A_35 = arith.addf %add3A, %add3A_34 : vector<1024x128xf32>
    %get3A_36 = arith.constant 1 : index
    %get3A_37 = arith.constant 0 : index
    %get3A_38 = arith.constant 0 : index
    %get3A_39 = vector.load %arg6[%get3A_36, %get3A_37, %get3A_38] : memref<2x1x128xf32, #tpu.memory_space<vmem>>, vector<1x1x128xf32>
    %get3A_40 = vector.shape_cast %get3A_39 : vector<1x1x128xf32> to vector<1x128xf32>
    %add3A_41 = vector.broadcast %get3A_40 : vector<1x128xf32> to vector<1024x128xf32>
    %add3A_42 = arith.addf %add3A_35, %add3A_41 : vector<1024x128xf32>
    %mul3A_43 = arith.constant 5.000000e-01 : f32
    %mul3A_44 = vector.broadcast %mul3A_43 : f32 to vector<1024x128xf32>
    %mul3A_45 = arith.mulf %mul3A_44, %add3A_42 : vector<1024x128xf32>
    %max3A_46 = arith.constant 0.000000e+00 : f32
    %max3A_47 = vector.broadcast %max3A_46 : f32 to vector<1024x128xf32>
    %max3A_48 = arith.maximumf %mul3A_45, %max3A_47 : vector<1024x128xf32>
    %get3A_49 = arith.constant 0 : index
    %get3A_50 = arith.constant 0 : index
    %get3A_51 = arith.constant 0 : index
    %get3A_52 = vector.load %arg7[%get3A_49, %get3A_50, %get3A_51] : memref<1x128x64xf32, #tpu.memory_space<vmem>>, vector<1x128x64xf32>
    %get3A_53 = vector.shape_cast %get3A_52 : vector<1x128x64xf32> to vector<128x64xf32>
    %dot_general3A = arith.constant dense<0.000000e+00> : vector<1024x64xf32>
    %dot_general3A_54 = tpu.matmul %max3A_48, %get3A_53, %dot_general3A {dimension_numbers = #tpu.dot_dimension_numbers<[1], [0], [0], [1], [0, 0, 1, 1], [], []>, transpose_lhs_hint = false} : vector<1024x128xf32>, vector<128x64xf32>, vector<1024x64xf32> -> vector<1024x64xf32>
    %get3A_55 = arith.constant 0 : index
    %get3A_56 = arith.constant 0 : index
    %get3A_57 = arith.constant 0 : index
    %get3A_58 = vector.load %arg8[%get3A_55, %get3A_56, %get3A_57] : memref<1x1024x16xf32, #tpu.memory_space<vmem>>, vector<1x1024x16xf32>
    %get3A_59 = vector.shape_cast %get3A_58 : vector<1x1024x16xf32> to vector<1024x16xf32>
    %slice3A_60 = vector.extract_strided_slice %get3A_59 {offsets = [0, 0], sizes = [1024, 1], strides = [1, 1]} : vector<1024x16xf32> to vector<1024x1xf32>
    %max3A_61 = arith.constant 1.000000e+00 : f32
    %max3A_62 = vector.broadcast %max3A_61 : f32 to vector<1024x1xf32>
    %max3A_63 = arith.maximumf %slice3A_60, %max3A_62 : vector<1024x1xf32>
    %rsqrt3A_64 = math.rsqrt %max3A_63 : vector<1024x1xf32>
    %mul3A_65 = vector.broadcast %rsqrt3A_64 : vector<1024x1xf32> to vector<1024x64xf32>
    %mul3A_66 = arith.mulf %dot_general3A_54, %mul3A_65 : vector<1024x64xf32>
    %swap3A = arith.constant 0 : index
    %swap3A_67 = arith.constant 0 : index
    %swap3A_68 = arith.constant 0 : index
    %swap3A_69 = vector.load %arg9[%swap3A, %swap3A_67, %swap3A_68] : memref<1x1024x64xf32, #tpu.memory_space<vmem>>, vector<1x1024x64xf32>
    %swap3A_70 = vector.shape_cast %swap3A_69 : vector<1x1024x64xf32> to vector<1024x64xf32>
    %swap3A_71 = vector.shape_cast %mul3A_66 : vector<1024x64xf32> to vector<1x1024x64xf32>
    tpu.vector_store %arg9[%swap3A, %swap3A_67, %swap3A_68], %swap3A_71 {strides = array<i32>} : memref<1x1024x64xf32, #tpu.memory_space<vmem>>, vector<1x1024x64xf32>,
    return
  }
  func.func @transform_0(%arg0: i32, %arg1: i32) -> (i32, i32, i32) {
    %c0_i32 = arith.constant 0 : i32
    %c0_i32_0 = arith.constant 0 : i32
    %c0_i32_1 = arith.constant 0 : i32
    return %c0_i32, %arg1, %c0_i32_0 : i32, i32, i32
  }
  func.func @transform_1(%arg0: i32, %arg1: i32) -> (i32, i32, i32) {
    %c1_i32 = arith.constant 1 : i32
    %c0_i32 = arith.constant 0 : i32
    %c0_i32_0 = arith.constant 0 : i32
    return %c1_i32, %arg1, %c0_i32 : i32, i32, i32
  }
  func.func @transform_2(%arg0: i32, %arg1: i32) -> (i32, i32, i32) {
    %c1_i32 = arith.constant 1 : i32
    %c0_i32 = arith.constant 0 : i32
    %c0_i32_0 = arith.constant 0 : i32
    return %c1_i32, %arg1, %c0_i32 : i32, i32, i32
  }
  func.func @transform_3(%arg0: i32, %arg1: i32) -> (i32, i32, i32) {
    %c3_i32 = arith.constant 3 : i32
    %c0_i32 = arith.constant 0 : i32
    %c0_i32_0 = arith.constant 0 : i32
    return %c3_i32, %arg1, %c0_i32 : i32, i32, i32
  }
  func.func @transform_4(%arg0: i32, %arg1: i32) -> (i32, i32, i32) {
    %c0_i32 = arith.constant 0 : i32
    %c0_i32_0 = arith.constant 0 : i32
    %c0_i32_1 = arith.constant 0 : i32
    %c0_i32_2 = arith.constant 0 : i32
    return %c0_i32, %c0_i32_0, %c0_i32_1 : i32, i32, i32
  }
  func.func @transform_5(%arg0: i32, %arg1: i32) -> (i32, i32, i32) {
    %c0_i32 = arith.constant 0 : i32
    %c0_i32_0 = arith.constant 0 : i32
    %c0_i32_1 = arith.constant 0 : i32
    return %arg0, %c0_i32, %c0_i32_0 : i32, i32, i32
  }
  func.func @transform_6(%arg0: i32, %arg1: i32) -> (i32, i32, i32) {
    %mul3A = arith.constant 2 : i32
    %mul3A_0 = arith.muli %mul3A, %arg0 : i32
    %c0_i32 = arith.constant 0 : i32
    %c0_i32_1 = arith.constant 0 : i32
    return %mul3A_0, %arg1, %c0_i32 : i32, i32, i32
  }
  func.func @transform_7(%arg0: i32, %arg1: i32) -> (i32, i32, i32) {
    %c0_i32 = arith.constant 0 : i32
    %c0_i32_0 = arith.constant 0 : i32
    return %arg0, %arg1, %c0_i32 : i32, i32, i32
  }
}

module attributes {stable_mosaic.version = 14 : i64} {
  func.func @_tc3_body(%arg0: i32, %arg1: memref<1x1024x64xf32, #tpu.memory_space<vmem>>, %arg2: memref<1x1024x64xf32, #tpu.memory_space<vmem>>, %arg3: memref<1x1024x16xf32, #tpu.memory_space<vmem>>, %arg4: memref<1x1024x16xf32, #tpu.memory_space<vmem>>, %arg5: memref<2x1x64xf32, #tpu.memory_space<vmem>>, %arg6: memref<64x256xf32, #tpu.memory_space<vmem>>, %arg7: memref<1x256xf32, #tpu.memory_space<vmem>>, %arg8: memref<1024x64xf32, #tpu.memory_space<vmem>>) attributes {dimension_semantics = [#tpu.dimension_semantics<arbitrary>], iteration_bounds = array<i64: 10>, scalar_prefetch = 0 : i64, scratch_operands = 0 : i64, tpu.core_type = #tpu.core_type<tc>, window_params = [{transform_indices = @transform_0, window_bounds = array<i64: 1, 1024, 64>}, {transform_indices = @transform_1, window_bounds = array<i64: 1, 1024, 64>}, {transform_indices = @transform_2, window_bounds = array<i64: 1, 1024, 16>}, {transform_indices = @transform_3, window_bounds = array<i64: 1, 1024, 16>}, {pipeline_mode = #tpu.pipeline_mode<synchronous>, transform_indices = @transform_4, window_bounds = array<i64: 2, 1, 64>}, {pipeline_mode = #tpu.pipeline_mode<synchronous>, transform_indices = @transform_5, window_bounds = array<i64: 64, 256>}, {pipeline_mode = #tpu.pipeline_mode<synchronous>, transform_indices = @transform_6, window_bounds = array<i64: 1, 256>}, {transform_indices = @transform_7, window_bounds = array<i64: 1024, 64>}]} {
    %get3A = arith.constant 0 : index
    %get3A_0 = arith.constant 0 : index
    %get3A_1 = arith.constant 0 : index
    %get3A_2 = vector.load %arg1[%get3A, %get3A_0, %get3A_1] : memref<1x1024x64xf32, #tpu.memory_space<vmem>>, vector<1x1024x64xf32>
    %get3A_3 = vector.shape_cast %get3A_2 : vector<1x1024x64xf32> to vector<1024x64xf32>
    %get3A_4 = arith.constant 0 : index
    %get3A_5 = arith.constant 0 : index
    %get3A_6 = arith.constant 0 : index
    %get3A_7 = vector.load %arg3[%get3A_4, %get3A_5, %get3A_6] : memref<1x1024x16xf32, #tpu.memory_space<vmem>>, vector<1x1024x16xf32>
    %get3A_8 = vector.shape_cast %get3A_7 : vector<1x1024x16xf32> to vector<1024x16xf32>
    %slice3A = vector.extract_strided_slice %get3A_8 {offsets = [0, 0], sizes = [1024, 1], strides = [1, 1]} : vector<1024x16xf32> to vector<1024x1xf32>
    %max3A = arith.constant 1.000000e+00 : f32
    %max3A_9 = vector.broadcast %max3A : f32 to vector<1024x1xf32>
    %max3A_10 = arith.maximumf %slice3A, %max3A_9 : vector<1024x1xf32>
    %rsqrt3A = math.rsqrt %max3A_10 : vector<1024x1xf32>
    %mul3A = vector.broadcast %rsqrt3A : vector<1024x1xf32> to vector<1024x64xf32>
    %mul3A_11 = arith.mulf %get3A_3, %mul3A : vector<1024x64xf32>
    %get3A_12 = arith.constant 0 : index
    %get3A_13 = arith.constant 0 : index
    %get3A_14 = arith.constant 0 : index
    %get3A_15 = vector.load %arg2[%get3A_12, %get3A_13, %get3A_14] : memref<1x1024x64xf32, #tpu.memory_space<vmem>>, vector<1x1024x64xf32>
    %get3A_16 = vector.shape_cast %get3A_15 : vector<1x1024x64xf32> to vector<1024x64xf32>
    %get3A_17 = arith.constant 0 : index
    %get3A_18 = arith.constant 0 : index
    %get3A_19 = arith.constant 0 : index
    %get3A_20 = vector.load %arg4[%get3A_17, %get3A_18, %get3A_19] : memref<1x1024x16xf32, #tpu.memory_space<vmem>>, vector<1x1024x16xf32>
    %get3A_21 = vector.shape_cast %get3A_20 : vector<1x1024x16xf32> to vector<1024x16xf32>
    %slice3A_22 = vector.extract_strided_slice %get3A_21 {offsets = [0, 0], sizes = [1024, 1], strides = [1, 1]} : vector<1024x16xf32> to vector<1024x1xf32>
    %max3A_23 = arith.constant 1.000000e+00 : f32
    %max3A_24 = vector.broadcast %max3A_23 : f32 to vector<1024x1xf32>
    %max3A_25 = arith.maximumf %slice3A_22, %max3A_24 : vector<1024x1xf32>
    %rsqrt3A_26 = math.rsqrt %max3A_25 : vector<1024x1xf32>
    %mul3A_27 = vector.broadcast %rsqrt3A_26 : vector<1024x1xf32> to vector<1024x64xf32>
    %mul3A_28 = arith.mulf %get3A_16, %mul3A_27 : vector<1024x64xf32>
    %add3A = arith.addf %mul3A_11, %mul3A_28 : vector<1024x64xf32>
    %get3A_29 = arith.constant 0 : index
    %get3A_30 = arith.constant 0 : index
    %get3A_31 = arith.constant 0 : index
    %get3A_32 = vector.load %arg5[%get3A_29, %get3A_30, %get3A_31] : memref<2x1x64xf32, #tpu.memory_space<vmem>>, vector<1x1x64xf32>
    %get3A_33 = vector.shape_cast %get3A_32 : vector<1x1x64xf32> to vector<1x64xf32>
    %add3A_34 = vector.broadcast %get3A_33 : vector<1x64xf32> to vector<1024x64xf32>
    %add3A_35 = arith.addf %add3A, %add3A_34 : vector<1024x64xf32>
    %get3A_36 = arith.constant 1 : index
    %get3A_37 = arith.constant 0 : index
    %get3A_38 = arith.constant 0 : index
    %get3A_39 = vector.load %arg5[%get3A_36, %get3A_37, %get3A_38] : memref<2x1x64xf32, #tpu.memory_space<vmem>>, vector<1x1x64xf32>
    %get3A_40 = vector.shape_cast %get3A_39 : vector<1x1x64xf32> to vector<1x64xf32>
    %add3A_41 = vector.broadcast %get3A_40 : vector<1x64xf32> to vector<1024x64xf32>
    %add3A_42 = arith.addf %add3A_35, %add3A_41 : vector<1024x64xf32>
    %mul3A_43 = arith.constant 5.000000e-01 : f32
    %mul3A_44 = vector.broadcast %mul3A_43 : f32 to vector<1024x64xf32>
    %mul3A_45 = arith.mulf %mul3A_44, %add3A_42 : vector<1024x64xf32>
    %get3A_46 = arith.constant 0 : index
    %get3A_47 = arith.constant 0 : index
    %get3A_48 = vector.load %arg6[%get3A_46, %get3A_47] : memref<64x256xf32, #tpu.memory_space<vmem>>, vector<64x256xf32>
    %dot_general3A = arith.constant dense<0.000000e+00> : vector<1024x256xf32>
    %dot_general3A_49 = tpu.matmul %mul3A_45, %get3A_48, %dot_general3A {dimension_numbers = #tpu.dot_dimension_numbers<[1], [0], [0], [1], [0, 0, 1, 1], [], []>, transpose_lhs_hint = false} : vector<1024x64xf32>, vector<64x256xf32>, vector<1024x256xf32> -> vector<1024x256xf32>
    %get3A_50 = arith.constant 0 : index
    %get3A_51 = arith.constant 0 : index
    %get3A_52 = vector.load %arg7[%get3A_50, %get3A_51] : memref<1x256xf32, #tpu.memory_space<vmem>>, vector<1x256xf32>
    %add3A_53 = vector.broadcast %get3A_52 : vector<1x256xf32> to vector<1024x256xf32>
    %add3A_54 = arith.addf %dot_general3A_49, %add3A_53 : vector<1024x256xf32>
    %slice3A_55 = vector.extract_strided_slice %add3A_54 {offsets = [0, 96], sizes = [1024, 32], strides = [1, 1]} : vector<1024x256xf32> to vector<1024x32xf32>
    %logistic3A = arith.negf %slice3A_55 : vector<1024x32xf32>
    %logistic3A_56 = math.exp %logistic3A : vector<1024x32xf32>
    %logistic3A_57 = arith.constant 1.000000e+00 : f32
    %logistic3A_58 = vector.broadcast %logistic3A_57 : f32 to vector<1024x32xf32>
    %logistic3A_59 = arith.addf %logistic3A_58, %logistic3A_56 : vector<1024x32xf32>
    %logistic3A_60 = arith.divf %logistic3A_58, %logistic3A_59 : vector<1024x32xf32>
    %slice3A_61 = vector.extract_strided_slice %add3A_54 {offsets = [0, 0], sizes = [1024, 32], strides = [1, 1]} : vector<1024x256xf32> to vector<1024x32xf32>
    %logistic3A_62 = arith.negf %slice3A_61 : vector<1024x32xf32>
    %logistic3A_63 = math.exp %logistic3A_62 : vector<1024x32xf32>
    %logistic3A_64 = arith.constant 1.000000e+00 : f32
    %logistic3A_65 = vector.broadcast %logistic3A_64 : f32 to vector<1024x32xf32>
    %logistic3A_66 = arith.addf %logistic3A_65, %logistic3A_63 : vector<1024x32xf32>
    %logistic3A_67 = arith.divf %logistic3A_65, %logistic3A_66 : vector<1024x32xf32>
    %slice3A_68 = vector.extract_strided_slice %add3A_54 {offsets = [0, 64], sizes = [1024, 32], strides = [1, 1]} : vector<1024x256xf32> to vector<1024x32xf32>
    %tanh3A = math.tanh %slice3A_68 : vector<1024x32xf32>
    %mul3A_69 = arith.mulf %logistic3A_67, %tanh3A : vector<1024x32xf32>
    %tanh3A_70 = math.tanh %mul3A_69 : vector<1024x32xf32>
    %mul3A_71 = arith.mulf %logistic3A_60, %tanh3A_70 : vector<1024x32xf32>
    %slice3A_72 = vector.extract_strided_slice %add3A_54 {offsets = [0, 224], sizes = [1024, 32], strides = [1, 1]} : vector<1024x256xf32> to vector<1024x32xf32>
    %logistic3A_73 = arith.negf %slice3A_72 : vector<1024x32xf32>
    %logistic3A_74 = math.exp %logistic3A_73 : vector<1024x32xf32>
    %logistic3A_75 = arith.constant 1.000000e+00 : f32
    %logistic3A_76 = vector.broadcast %logistic3A_75 : f32 to vector<1024x32xf32>
    %logistic3A_77 = arith.addf %logistic3A_76, %logistic3A_74 : vector<1024x32xf32>
    %logistic3A_78 = arith.divf %logistic3A_76, %logistic3A_77 : vector<1024x32xf32>
    %slice3A_79 = vector.extract_strided_slice %add3A_54 {offsets = [0, 128], sizes = [1024, 32], strides = [1, 1]} : vector<1024x256xf32> to vector<1024x32xf32>
    %logistic3A_80 = arith.negf %slice3A_79 : vector<1024x32xf32>
    %logistic3A_81 = math.exp %logistic3A_80 : vector<1024x32xf32>
    %logistic3A_82 = arith.constant 1.000000e+00 : f32
    %logistic3A_83 = vector.broadcast %logistic3A_82 : f32 to vector<1024x32xf32>
    %logistic3A_84 = arith.addf %logistic3A_83, %logistic3A_81 : vector<1024x32xf32>
    %logistic3A_85 = arith.divf %logistic3A_83, %logistic3A_84 : vector<1024x32xf32>
    %slice3A_86 = vector.extract_strided_slice %add3A_54 {offsets = [0, 192], sizes = [1024, 32], strides = [1, 1]} : vector<1024x256xf32> to vector<1024x32xf32>
    %tanh3A_87 = math.tanh %slice3A_86 : vector<1024x32xf32>
    %mul3A_88 = arith.mulf %logistic3A_85, %tanh3A_87 : vector<1024x32xf32>
    %tanh3A_89 = math.tanh %mul3A_88 : vector<1024x32xf32>
    %mul3A_90 = arith.mulf %logistic3A_78, %tanh3A_89 : vector<1024x32xf32>
    %concatenate3A = tpu.concatenate %mul3A_71, %mul3A_90 in 1 : vector<1024x32xf32>, vector<1024x32xf32> -> vector<1024x64xf32>
    %swap3A = arith.constant 0 : index
    %swap3A_91 = arith.constant 0 : index
    %swap3A_92 = vector.load %arg8[%swap3A, %swap3A_91] : memref<1024x64xf32, #tpu.memory_space<vmem>>, vector<1024x64xf32>
    tpu.vector_store %arg8[%swap3A, %swap3A_91], %concatenate3A {strides = array<i32>} : memref<1024x64xf32, #tpu.memory_space<vmem>>, vector<1024x64xf32>,
    return
  }
  func.func @transform_0(%arg0: i32) -> (i32, i32, i32) {
    %c0_i32 = arith.constant 0 : i32
    %c0_i32_0 = arith.constant 0 : i32
    %c0_i32_1 = arith.constant 0 : i32
    return %c0_i32, %arg0, %c0_i32_0 : i32, i32, i32
  }
  func.func @transform_1(%arg0: i32) -> (i32, i32, i32) {
    %c1_i32 = arith.constant 1 : i32
    %c0_i32 = arith.constant 0 : i32
    %c0_i32_0 = arith.constant 0 : i32
    return %c1_i32, %arg0, %c0_i32 : i32, i32, i32
  }
  func.func @transform_2(%arg0: i32) -> (i32, i32, i32) {
    %c1_i32 = arith.constant 1 : i32
    %c0_i32 = arith.constant 0 : i32
    %c0_i32_0 = arith.constant 0 : i32
    return %c1_i32, %arg0, %c0_i32 : i32, i32, i32
  }
  func.func @transform_3(%arg0: i32) -> (i32, i32, i32) {
    %c3_i32 = arith.constant 3 : i32
    %c0_i32 = arith.constant 0 : i32
    %c0_i32_0 = arith.constant 0 : i32
    return %c3_i32, %arg0, %c0_i32 : i32, i32, i32
  }
  func.func @transform_4(%arg0: i32) -> (i32, i32, i32) {
    %c0_i32 = arith.constant 0 : i32
    %c0_i32_0 = arith.constant 0 : i32
    %c0_i32_1 = arith.constant 0 : i32
    %c0_i32_2 = arith.constant 0 : i32
    return %c0_i32, %c0_i32_0, %c0_i32_1 : i32, i32, i32
  }
  func.func @transform_5(%arg0: i32) -> (i32, i32) {
    %c0_i32 = arith.constant 0 : i32
    %c0_i32_0 = arith.constant 0 : i32
    %c0_i32_1 = arith.constant 0 : i32
    return %c0_i32, %c0_i32_0 : i32, i32
  }
  func.func @transform_6(%arg0: i32) -> (i32, i32) {
    %c0_i32 = arith.constant 0 : i32
    %c0_i32_0 = arith.constant 0 : i32
    %c0_i32_1 = arith.constant 0 : i32
    return %c0_i32, %c0_i32_0 : i32, i32
  }
  func.func @transform_7(%arg0: i32) -> (i32, i32) {
    %c0_i32 = arith.constant 0 : i32
    %c0_i32_0 = arith.constant 0 : i32
    return %arg0, %c0_i32 : i32, i32
  }
}

</mosaic_0001>

<sc_bundles>
// kernel: kernel.11.cloned.1.call-start
scs
__scs_entry_jumppad:
0x0: {  	(pc) =	sbr.rel $0x88, $3  }
0x1: {  	(tag) =	ssettag $0x0;
	lr =	simm.s32 $0x1  }
0x2: {  	[smem:$0x3F90] =	sst lr;
	_ =	strace $0xD0000000  }
0x3: {  	_ = 	snop  }
0x4: {  	_ = 	snop  }
0x5: {  	_ = 	snop  }
0x6: {  	_ = 	snop  }
0x7: {  	_ = 	snop  }
__scs_overlays_trampoline_lowered:
0x8: {  	[smem:$0x3F9F] =	sst s0  }
0x9: {  	[smem:$0x3FA0] =	sst s1  }
0xa: {  	[smem:$0x3FA1] =	sst s2  }
0xb: {  	[smem:$0x3FA2] =	sst s3  }
0xc: {  	[smem:$0x3FA3] =	sst s4  }
0xd: {  	[smem:$0x3FA4] =	sst s5  }
0xe: {  	[smem:$0x3FA5] =	sst s6  }
0xf: {  	[smem:$0x3FA6] =	sst s7  }
0x10: {  	[smem:$0x3FA7] =	sst s8  }
0x11: {  	[smem:$0x3FA8] =	sst s9;
	s0 =	simm.s32 @!p0 $0x0  }
0x12: {  	s1 =	sld [smem:$0x3F8E];
	s0 =	simm.s32 @p0 $0x1  }
0x13: {  	[smem:$0x3FA9] =	sst s0;
	s0 =	simm.s32 @!p1 $0x0  }
0x14: {  	s2 =	sld [smem:$0x3F8D];
	s0 =	simm.s32 @p1 $0x1  }
0x15: {  	[smem:$0x3FAA] =	sst s0;
	s0 =	simm.s32 @!p2 $0x0  }
0x16: {  	s3 =	sld [smem:$0x3FDB];
	s0 =	simm.s32 @p2 $0x1  }
0x17: {  	s4 =	simm.s32 $0x1BF5;
	[smem:$0x3FAC] =	sst s0  }
0x18: {  	s0 =	sld [smem:$0x3F8F];
	_ =	swait.ge [sflag:s4], $0x0  }
0x19: {  	s7 =	sld [smem:$0x3F90]  }
0x1a: {  	s8 =	sadd.s32 $0xFFFFE003, lr  }
0x1b: {  	s9 =	sadd.s32 $0xFFFFFEF7, lr;
	s5 =	simm.s32 $0xFFFFFFFF;
	p2 =	slt.u32 s8, $0xFFFFF086  }
0x1c: {  	p1 =	slt.u32 s9, $0xF7A;
	s5 =	simm.s32 @!p2 $0x0  }
0x1d: {  	s5 =	simm.s32 @p1 $0x1;
	p0 =	seq.s32 s7, s2  }
0x1e: {  	s7 =	smul.u32 @!p0 $0xF7A, s2;
	p2 =	seq.s32 @!p0 s5, $0x0  }
0x1f: {  	s9 =	smul.u32 $0xF7A, s1;
	s8 =	simm.s32 @!p0 $0x1BF5;
	p2 =	por !p2, p0  }
0x20: {  	[sflag:s8] =	ssyncset.s32 @!p0 $0xFFFFF086;
	s6 =	sadd.s32 @!p0 s3, s7;
	s7 =	simm.s32 @!p0 $0x108  }
0x21: {  	s3 =	sadd.s32 s3, s9;
	s6 =	sadd.s32 @!p0 $0x88, s6;
	s7 =	simm.s32 @p2 $0x1082  }
0x22: {  	[simem:s7], [sflag:s8] =	dma.local @!p0 [hbm:s6], $0xF7A  }
0x23: {  	s9 =	sor.u32 $0xD0000000, s2;
	s6 =	simm.s32 $0x108;
	_ =	swait.ge @!p0 [sflag:s8], $0x0  }
0x24: {  	s3 =	sadd.s32 $0x88, s3;
	s6 =	simm.s32 @!p1 $0x1082;
	[sflag:s4] =	ssyncset.s32 $0xFFFFF086  }
0x25: {  	[simem:s6], [sflag:s4] =	dma.local [hbm:s3], $0xF7A  }
0x26: {  	[smem:$0x3F90] =	sst s1;
	(tag) =	ssettag s2;
	_ =	strace s9  }
0x27: {  	s1 =	sld [smem:$0x3FA0]  }
0x28: {  	s2 =	sld [smem:$0x3FA1]  }
0x29: {  	s4 =	sld [smem:$0x3FA3]  }
0x2a: {  	p0 =	seq.s32 s5, $0x0;
	s5 =	sld [smem:$0x3FA4]  }
0x2b: {  	s6 =	sld [smem:$0x3FA5]  }
0x2c: {  	s7 =	sld [smem:$0x3FA6]  }
0x2d: {  	s3 =	simm.s32 $0x108;
	s8 =	sld [smem:$0x3FA7]  }
0x2e: {  	s3 =	simm.s32 @!p0 $0x1082;
	s9 =	sld [smem:$0x3FA8]  }
0x2f: {  	lr =	sadd.s32 s0, s3;
	s0 =	sld [smem:$0x3F9F]  }
0x30: {  	s3 =	sld [smem:$0x3FA2]  }
0x31: {  	[smem:$0x3FAB] =	sst s10  }
0x32: {  	s10 =	sld [smem:$0x3FA9];
	_ =	sdelay $0x3  }
0x33: {  	p0 =	seq.s32 s10, $0x1;
	s10 =	sld [smem:$0x3FAB];
	_ =	sdelay $0x3  }
0x34: {  	[smem:$0x3FAB] =	sst s10  }
0x35: {  	s10 =	sld [smem:$0x3FAA];
	_ =	sdelay $0x3  }
0x36: {  	p1 =	seq.s32 s10, $0x1;
	s10 =	sld [smem:$0x3FAB];
	_ =	sdelay $0x3  }
0x37: {  	[smem:$0x3FAB] =	sst s10  }
0x38: {  	s10 =	sld [smem:$0x3FAC]  }
0x39: {  	_ = 	snop;
	(pc) =	sbr.ind lr, $3  }
0x3a: {  	_ = 	snop  }
0x3b: {  	_ = 	snop  }
0x3c: {  	p2 =	seq.s32 s10, $0x1;
	s10 =	sld [smem:$0x3FAB]  }
0x3d: {  	_ =	shalt  }
0x3e: {  	_ =	shalt  }
0x3f: {  	_ =	shalt  }
0x40: {  	_ =	shalt  }
0x41: {  	_ =	shalt  }
0x42: {  	_ =	shalt  }
0x43: {  	_ =	shalt  }
0x44: {  	_ =	shalt  }
0x45: {  	_ =	shalt  }
0x46: {  	_ =	shalt  }
0x47: {  	_ =	shalt  }
0x48: {  	_ =	shalt  }
0x49: {  	_ =	shalt  }
0x4a: {  	_ =	shalt  }
0x4b: {  	_ =	shalt  }
0x4c: {  	_ =	shalt  }
0x4d: {  	_ =	shalt  }
0x4e: {  	_ =	shalt  }
0x4f: {  	_ =	shalt  }
0x50: {  	_ =	shalt  }
0x51: {  	_ =	shalt  }
0x52: {  	_ =	shalt  }
0x53: {  	_ =	shalt  }
0x54: {  	_ =	shalt  }
0x55: {  	_ =	shalt  }
0x56: {  	_ =	shalt  }
0x57: {  	_ =	shalt  }
0x58: {  	_ =	shalt  }
0x59: {  	_ =	shalt  }
0x5a: {  	_ =	shalt  }
0x5b: {  	_ =	shalt  }
0x5c: {  	_ =	shalt  }
0x5d: {  	_ =	shalt  }
0x5e: {  	_ =	shalt  }
0x5f: {  	_ =	shalt  }
0x60: {  	_ =	shalt  }
0x61: {  	_ =	shalt  }
0x62: {  	_ =	shalt  }
0x63: {  	_ =	shalt  }
0x64: {  	_ =	shalt  }
0x65: {  	_ =	shalt  }
0x66: {  	_ =	shalt  }
0x67: {  	_ =	shalt  }
0x68: {  	_ =	shalt  }
0x69: {  	_ =	shalt  }
0x6a: {  	_ =	shalt  }
0x6b: {  	_ =	shalt  }
0x6c: {  	_ =	shalt  }
0x6d: {  	_ =	shalt  }
0x6e: {  	_ =	shalt  }
0x6f: {  	_ =	shalt  }
0x70: {  	_ =	shalt  }
0x71: {  	_ =	shalt  }
0x72: {  	_ =	shalt  }
0x73: {  	_ =	shalt  }
0x74: {  	_ =	shalt  }
0x75: {  	_ =	shalt  }
0x76: {  	_ =	shalt  }
0x77: {  	_ =	shalt  }
0x78: {  	_ =	shalt  }
0x79: {  	_ =	shalt  }
0x7a: {  	_ =	shalt  }
0x7b: {  	_ =	shalt  }
0x7c: {  	_ =	shalt  }
0x7d: {  	_ =	shalt  }
0x7e: {  	_ =	shalt  }
0x7f: {  	_ =	shalt  }
0x80: {  	_ =	shalt  }
0x81: {  	_ =	shalt  }
0x82: {  	_ =	shalt  }
0x83: {  	_ =	shalt  }
0x84: {  	_ =	shalt  }
0x85: {  	_ =	shalt  }
0x86: {  	_ =	shalt  }
0x87: {  	_ =	shalt  }
.Lfunc_end0:
.L_simem_size_0:
called_computation.1_lowered:
.L_overlay_start_0:
0x88: {  	s2 =	sld [smem:$0x3FD9]  }
0x89: {  	s3 =	sld [smem:$0x3FFE];
	_ =	sdelay $0x1  }
0x8a: {  	s1 =	srdreg.scid  }
0x8b: {  	s0 =	sand.u32 $0x1, s1  }
0x8c: {  	s17 =	sshll.u32 s0, $0xA;
	s2 =	sadd.s32 s3, s2  }
0x8d: {  	s2 =	sadd.s32 s2, s17  }
0x8e: {  	[smem:$0x3FB7] =	sst s2  }
0x8f: {  	_ = 	snop  }
0x90: {  	s2 =	sld [smem:$0x3FD0];
	(tm) =	ssettm $0x1  }
0x91: {  	s18 =	sld [smem:$0x3FFB];
	_ =	sdelay $0x3  }
0x92: {  	_ =	strace s18  }
0x93: {  	s3 =	sld [smem:$0x3FFC];
	_ =	sdelay $0x3  }
0x94: {  	_ =	strace s3  }
0x95: {  	s3 =	sld [smem:$0x3FFD];
	_ =	sdelay $0x3  }
0x96: {  	_ =	strace s3  }
0x97: {  	_ =	strace $0x8FFFFFFF  }
0x98: {  	s19 =	sld [smem:$0x3FDB];
	_ =	sdelay $0x1  }
0x99: {  	s4 =	simm.s32 $_scs_section_size  }
0x9a: {  	s5 =	simm.s32 $_size__tile_overlayer_lowered;
	s6 =	simm.s32 $_tile_overlayer_lowered  }
0x9b: {  	s22 =	simm.s32 $0x1BFF;
	s21 =	sshll.u32 s6, $0x1;
	s3 =	sadd.s32 s4, s19  }
0x9c: {  	s7 =	simm.s32 $0x0;
	s20 =	sshll.u32 s5, $0x1;
	s5 =	sadd.s32 s21, s3  }
0x9d: {  	[timem:s7], [sflag:s22] =	dma.local [hbm:s5], s20  }
0x9e: {  	_ =	swait.ge [sflag:s22], s20  }
0x9f: {  	s4 =	ssub.s32 $0x0, s20;
	[sflag:s22] =	ssyncset.done $0x0  }
0xa0: {  	[sflag:s22] =	ssyncadd.s32 s4;
	_ =	sdelay $0x1  }
0xa1: {  	s23 =	simm.s32 $0x1B8B  }
0xa2: {  	_ =	swait.ge [sflag:s23], $0x1  }
0xa3: {  	[sflag:s23] =	ssyncset.done $0x0  }
0xa4: {  	s25 =	simm.s32 $0x1B8E;
	s24 =	sld [smem:$0x3FFE];
	[sflag:s23] =	ssyncadd.s32 $0xFFFFFFFF  }
0xa5: {  	s26 =	simm.s32 $execute0_lowered;
	[smem:$0x3FD2] =	sst s25  }
0xa6: {  	s5 =	sshll.u32 s26, $0x1;
	_ =	strace $0x80000049;
	[dreg:$0x1] =	wrdreg $0xFFFFFFFF  }
0xa7: {  	s28 =	simm.s32 $_size_execute0_lowered;
	s3 =	sadd.s32 s3, s5;
	[dreg:$0x0] =	wrdreg $0x0  }
0xa8: {  	s5 =	sshll.u32 s28, $0x1;
	[dreg:$0x2] =	wrdreg s3  }
0xa9: {  	[dreg:$0x3] =	wrdreg s5  }
0xaa: {  	[dreg:$0x4] =	wrdreg $0xC0  }
0xab: {  	_ =	task [dreg:s7], $0x5FFFF  }
0xac: {  	[dreg:$0x1] =	wrdreg $0xFFFFFFFF  }
0xad: {  	[dreg:$0x0] =	wrdreg $0x60  }
0xae: {  	[dreg:$0x2] =	wrdreg s24  }
0xaf: {  	[dreg:$0x3] =	wrdreg s2  }
0xb0: {  	[dreg:$0x4] =	wrdreg $0x0  }
0xb1: {  	[dreg:$0x5] =	wrdreg $0x9  }
0xb2: {  	_ =	task.clear_ibuf [dreg:s7], $0x6FFFF;
	_ =	strace $0x90000049  }
0xb3: {  	s29 =	simm.s32 $0x9;
	_ =	strace $0x8000004B  }
0xb4: {  	_ =	swait.ge [sflag:s29], $0x1  }
0xb5: {  	[sflag:s29] =	ssyncadd.s32 $0xFFFFFFFF  }
0xb6: {  	_ =	strace $0x9000004B  }
0xb7: {  	_ =	sfence  }
0xb8: {  	s30 =	sld [smem:$0x0];
	_ =	sdelay $0x2  }
0xb9: {  	s31 =	sshll.u32 s1, $0xD;
	s1 =	sshrl.u32 s1, $0x2  }
0xba: {  	s3 =	sand.u32 $0x4000, s31;
	s1 =	sadd.s32 s1, s30  }
0xbb: {  	s0 =	sor.u32 s3, s0;
	s1 =	sshll.u32 s1, $0x11  }
0xbc: {  	s0 =	sor.u32 s1, s0  }
0xbd: {  	s0 =	sadd.s32 $0x8F2B, s0  }
0xbe: {  	[sflag:s0] =	ssyncadd.remote.s32 $0x1  }
0xbf: {  	_ =	sfence.sel $0xFFFF  }
0xc0: {  	[dreg:$0x0] =	wrdreg $0xFFFFFFFF;
	(pc) =	sbr.abs _section_cstart, $3  }
0xc1: {  	[dreg:$0x1] =	wrdreg $0xFFFFFFFF  }
0xc2: {  	_ =	task.clear_ibuf [dreg:s7], $0x2FFFF;
	_ =	strace $0x9FFFFFFF  }
0xc3: {  	(tm) =	ssettm $0x7FFFFFFF  }
tec
execute0_lowered:
.L_overlay_start_1:
0x0: {  	(tag) =	ssettag $0x1  }
0x1: {  	s0 =	rddreg [dreg:$0x0]  }
0x2: {  	s1 =	rddreg [dreg:$0x1]  }
0x3: {  	s2 =	rddreg [dreg:$0x2]  }
0x4: {  	s12 =	stileid.u32;
	s4 =	srdreg.scid  }
0x5: {  	s3 =	simm.s32 $0x0;
	s13 =	simm.s32 $0x1C000;
	s14 =	simm.s32 $0x4  }
0x6: {  	s15 =	simm.s32 $0x1C400;
	s16 =	simm.s32 $0x80;
	s17 =	simm.s32 $0x14000  }
0x7: {  	s18 =	simm.s32 $0x1C080;
	s19 =	simm.s32 $0x18000;
	s20 =	simm.s32 $0x1  }
0x8: {  	s21 =	simm.s32 $0x2;
	s22 =	simm.s32 $0x1C480;
	s6 =	smul.u32 $0x280, s12  }
0x9: {  	s28 =	simm.s32 $0x1C280;
	s29 =	simm.s32 $0x1C600;
	s7 =	smul.u32 $0x2800, s12  }
0xa: {  	s31 =	simm.s32 $0x1C680;
	s5 =	sand.u32 $0x1, s4;
	s9 =	smul.u32 $0x50000, s12  }
0xb: {  	[smem:$0x7FF] =	sst s3;
	s4 =	sadd.s32 $0xBB800, s0;
	s11 =	smul.u32 $0x500, s12  }
0xc: {  	s25 =	sshll.u32 s12, $0x6;
	s8 =	smul.u32 $0x2800, s5;
	_ =	strace $0x8000004A  }
0xd: {  	s10 =	ssub.s32 $0x2, s5;
	s5 =	smul.u32 $0x9D00, s5;
	s7 =	sadd.s32 s7, s0  }
0xe: {  	s23 =	sshrl.u32 s10, $0x1;
	s9 =	sshrl.u32 s9, $0x2;
	s6 =	sadd.s32 s6, s8  }
0xf: {  	s10 =	ssub.s32 s10, s23;
	s9 =	sadd.s32 s9, s2;
	s24 =	sadd.s32 $0x10B800, s7  }
0x10: {  	s7 =	smul.u32 $0x50, s12;
	s1 =	sadd.s32 s5, s1;
	s12 =	simm.s32 $0x3  }
0x11: {  	s23 =	simm.s32 $0x1C180;
	v0 =	vmov s8;
	s8 =	simm.s32 $0x0;
	s6 =	sshll.u32 s6, $0x4  }
.Ltmp0:
0x12: {  	[dreg:$0x4] =	wrdreg s24;
	s26 =	smax.u32 s10, $0x1;
	(pc) =	sbr.rel .LBB2_1-.Ltmp0, $4  }
0x13: {  	s30 =	sadd.s32 s11, s1;
	s11 =	sshrl.u32 s9, $0x3;
	s24 =	simm.s32 $0x1C500  }
0x14: {  	s0 =	sadd.s32 s6, s0;
	s6 =	sor.u32 $0x1C03, s25;
	[dreg:$0x6] =	wrdreg s26  }
0x15: {  	[dreg:$0x7] =	wrdreg s30;
	s25 =	simm.s32 $0x1C200;
	s0 =	sadd.s32 $0x133800, s0  }
0x16: {  	s26 =	simm.s32 $0x1C580;
	s5 =	smov.u32 s6;
	[dreg:$0x5] =	wrdreg s0  }
.LBB2_21:
0x17: {  	[bflag:$0x0] =	sbarrier.arrive $0xFFFF  }
0x18: {  	s0 =	rddreg [dreg:$0x5]  }
0x19: {  	[hbm:s0], [sflag:s1] =	dma.local [spmem:s11], $0x2800  }
0x1a: {  	_ =	swait.ge [sflag:s12], $0x2800  }
0x1b: {  	s8 =	sadd.s32 $0x1, s8;
	s30 =	rddreg [dreg:$0x6]  }
0x1c: {  	p0 =	sne.s32 s8, s30  }
.Ltmp1:
0x1d: {  	_ = 	snop;
	(pc) =	sbr.rel @!p0 .LBB2_22-.Ltmp1, $3  }
0x1e: {  	_ =	sdelay $0x1  }
0x1f: {  	[sflag:s12] =	ssyncset.done $0x0  }
0x20: {  	s5 =	smov.u32 s1;
	[sflag:s12] =	ssyncadd.s32 $0xFFFFD800  }
.LBB2_1:
0x21: {  	s0 =	rddreg [dreg:$0x4]  }
0x22: {  	[spmem:s11], [sflag:s5] =	dma.local [hbm:s0], $0x2800  }
.Ltmp2:
0x23: {  	_ =	swait.ge [sflag:s12], $0x2800;
	(pc) =	sbr.rel .LBB2_2-.Ltmp2, $4  }
0x24: {  	[sflag:s12] =	ssyncset.done $0x0  }
0x25: {  	[sflag:s12] =	ssyncadd.s32 $0xFFFFD800  }
0x26: {  	[bflag:$0x0] =	sbarrier.arrive $0xFFFF  }
0x27: {  	s1 =	smov.u32 s5;
	s9 =	simm.s32 $0x0;
	s10 =	rddreg [dreg:$0x7]  }
.LBB2_16:
0x28: {  	s0 =	simm.s32 $0x1C380  }
0x29: {  	[tilespmem:s19], [sflag:$0x2] =	stream.indirect.gather [hbm4b:s4+s16], $0x80, s0, s16, $0xb8;
	[tilespmem:$0x1C800] =	vst v63  }
0x2a: {  	_ =	swait.ge [sflag:s20], $0x4000  }
0x2b: {  	[sflag:s20] =	ssyncset.done $0x0  }
0x2c: {  	s6 =	simm.s32 $0x1C700;
	[sflag:s20] =	ssyncadd.s32 $0xFFFFC000  }
0x2d: {  	[spmem:s2] =	stream.indirect.scatter.add.f32 [tilespmem:s17], [sflag:$0x4], $0x80, s6, s16, $0xb8;
	[tilespmem:$0x1C800] =	vst v63  }
0x2e: {  	_ =	swait.ge [sflag:s14], $0x4000  }
0x2f: {  	[sflag:s14] =	ssyncset.done $0x0  }
0x30: {  	[sflag:s14] =	ssyncadd.s32 $0xFFFFC000  }
0x31: {  	_ =	swait.ge [sflag:s21], $0x4000  }
0x32: {  	[sflag:s21] =	ssyncset.done $0x0  }
0x33: {  	s30 =	simm.s32 $0x1C780;
	s0 =	simm.s32 $0x3;
	[sflag:s21] =	ssyncadd.s32 $0xFFFFC000  }
0x34: {  	[spmem:s2] =	stream.indirect.scatter.add.f32 [tilespmem:s19], [sflag:$0x3], $0x80, s30, s16, $0xb8;
	[tilespmem:$0x1C800] =	vst v63  }
.LBB2_19:
0x35: {  	_ =	swait.ge [sflag:s0], $0x4000  }
0x36: {  	[sflag:s0] =	ssyncset.done $0x0  }
0x37: {  	[sflag:s0] =	ssyncadd.s32 $0xFFFFC000  }
.LBB2_20:
0x38: {  	s9 =	sadd.s32 $0x8, s9  }
0x39: {  	p0 =	sne.s32 s9, $0x50  }
.Ltmp3:
0x3a: {  	_ = 	snop;
	(pc) =	sbr.rel @!p0 .LBB2_21-.Ltmp3, $2  }
0x3b: {  	_ =	sdelay $0x2  }
0x3c: {  	s10 =	sadd.s32 $0x80, s10  }
.LBB2_2:
0x3d: {  	s0 =	sadd.s32 s9, s7  }
0x3e: {  	p0 =	sgt.u32 s0, $0x4E1  }
.Ltmp4:
0x3f: {  	_ = 	snop;
	(pc) =	sbr.rel @p0 .LBB2_20-.Ltmp4, $1  }
0x40: {  	_ =	sdelay $0x3  }
0x41: {  	[tilespmem:s13], [sflag:$0x4] =	stream.linear.gather [hbm4b:s10+s3], $0x400, $0x38;
	[tilespmem:$0x1C800] =	vst v63  }
0x42: {  	_ =	swait.ge [sflag:s14], $0x400  }
0x43: {  	[sflag:s14] =	ssyncset.done $0x0  }
0x44: {  	s5 =	sadd.s32 $0x4E80, s10;
	[sflag:s14] =	ssyncadd.s32 $0xFFFFFC00  }
0x45: {  	[tilespmem:s15], [sflag:$0x4] =	stream.linear.gather [hbm4b:s5+s3], $0x400, $0x38;
	[tilespmem:$0x1C800] =	vst v63  }
0x46: {  	_ =	swait.ge [sflag:s14], $0x400  }
0x47: {  	[sflag:s14] =	ssyncset.done $0x0  }
0x48: {  	[sflag:s14] =	ssyncadd.s32 $0xFFFFFC00  }
0x49: {  	v1 =	vld [tilespmem:$0x1C000]  }
0x4a: {  	v2 =	vld [tilespmem:$0x1C010]  }
0x4b: {  	v3 =	vld [tilespmem:$0x1C020]  }
0x4c: {  	v4 =	vld [tilespmem:$0x1C030]  }
0x4d: {  	v5 =	vld [tilespmem:$0x1C040]  }
0x4e: {  	v6 =	vld [tilespmem:$0x1C050];
	v1 =	vadd.s32 v0, v1  }
0x4f: {  	[tilespmem:$0x1C000] =	vst v1;
	v1 =	vadd.s32 v0, v2;
	v2 =	vld [tilespmem:$0x1C060]  }
0x50: {  	[tilespmem:$0x1C010] =	vst v1;
	v1 =	vadd.s32 v0, v3;
	v3 =	vld [tilespmem:$0x1C070]  }
0x51: {  	v30 =	vld [tilespmem:$0x1C080];
	[tilespmem:$0x1C020] =	vst v1;
	v1 =	vadd.s32 v0, v4  }
0x52: {  	v31 =	vld [tilespmem:$0x1C090];
	[tilespmem:$0x1C030] =	vst v1;
	v1 =	vadd.s32 v0, v5  }
0x53: {  	v32 =	vld [tilespmem:$0x1C0A0];
	[tilespmem:$0x1C040] =	vst v1;
	v1 =	vadd.s32 v0, v6  }
0x54: {  	[tilespmem:$0x1C050] =	vst v1;
	v1 =	vadd.s32 v0, v2;
	v2 =	vld [tilespmem:$0x1C0B0]  }
0x55: {  	[tilespmem:$0x1C060] =	vst v1;
	v1 =	vadd.s32 v0, v3;
	v3 =	vld [tilespmem:$0x1C0C0]  }
0x56: {  	v33 =	vld [tilespmem:$0x1C0D0];
	[tilespmem:$0x1C070] =	vst v1;
	v1 =	vadd.s32 v0, v30  }
0x57: {  	v34 =	vld [tilespmem:$0x1C0E0];
	[tilespmem:$0x1C080] =	vst v1;
	v1 =	vadd.s32 v0, v31  }
0x58: {  	v35 =	vld [tilespmem:$0x1C0F0];
	[tilespmem:$0x1C090] =	vst v1;
	v1 =	vadd.s32 v0, v32  }
0x59: {  	[tilespmem:$0x1C0A0] =	vst v1;
	v1 =	vadd.s32 v0, v2;
	v2 =	vld [tilespmem:$0x1C100]  }
0x5a: {  	[tilespmem:$0x1C0B0] =	vst v1;
	v1 =	vadd.s32 v0, v3;
	v3 =	vld [tilespmem:$0x1C110]  }
0x5b: {  	v36 =	vld [tilespmem:$0x1C120];
	[tilespmem:$0x1C0C0] =	vst v1;
	v1 =	vadd.s32 v0, v33  }
0x5c: {  	v37 =	vld [tilespmem:$0x1C130];
	[tilespmem:$0x1C0D0] =	vst v1;
	v1 =	vadd.s32 v0, v34  }
0x5d: {  	v38 =	vld [tilespmem:$0x1C140];
	[tilespmem:$0x1C0E0] =	vst v1;
	v1 =	vadd.s32 v0, v35  }
0x5e: {  	[tilespmem:$0x1C0F0] =	vst v1;
	v1 =	vadd.s32 v0, v2;
	v2 =	vld [tilespmem:$0x1C150]  }
0x5f: {  	[tilespmem:$0x1C100] =	vst v1;
	v1 =	vadd.s32 v0, v3;
	v3 =	vld [tilespmem:$0x1C160]  }
0x60: {  	v39 =	vld [tilespmem:$0x1C170];
	[tilespmem:$0x1C110] =	vst v1;
	v1 =	vadd.s32 v0, v36  }
0x61: {  	v40 =	vld [tilespmem:$0x1C180];
	[tilespmem:$0x1C120] =	vst v1;
	v1 =	vadd.s32 v0, v37  }
0x62: {  	v41 =	vld [tilespmem:$0x1C190];
	[tilespmem:$0x1C130] =	vst v1;
	v1 =	vadd.s32 v0, v38  }
0x63: {  	[tilespmem:$0x1C140] =	vst v1;
	v1 =	vadd.s32 v0, v2;
	v2 =	vld [tilespmem:$0x1C1A0]  }
0x64: {  	[tilespmem:$0x1C150] =	vst v1;
	v1 =	vadd.s32 v0, v3;
	v3 =	vld [tilespmem:$0x1C1B0]  }
0x65: {  	v42 =	vld [tilespmem:$0x1C1C0];
	[tilespmem:$0x1C160] =	vst v1;
	v1 =	vadd.s32 v0, v39  }
0x66: {  	v43 =	vld [tilespmem:$0x1C1D0];
	[tilespmem:$0x1C170] =	vst v1;
	v1 =	vadd.s32 v0, v40  }
0x67: {  	v44 =	vld [tilespmem:$0x1C1E0];
	[tilespmem:$0x1C180] =	vst v1;
	v1 =	vadd.s32 v0, v41  }
0x68: {  	[tilespmem:$0x1C190] =	vst v1;
	v1 =	vadd.s32 v0, v2;
	v2 =	vld [tilespmem:$0x1C1F0]  }
0x69: {  	[tilespmem:$0x1C1A0] =	vst v1;
	v1 =	vadd.s32 v0, v3;
	v3 =	vld [tilespmem:$0x1C200]  }
0x6a: {  	v45 =	vld [tilespmem:$0x1C210];
	[tilespmem:$0x1C1B0] =	vst v1;
	v1 =	vadd.s32 v0, v42  }
0x6b: {  	v46 =	vld [tilespmem:$0x1C220];
	[tilespmem:$0x1C1C0] =	vst v1;
	v1 =	vadd.s32 v0, v43  }
0x6c: {  	v47 =	vld [tilespmem:$0x1C230];
	[tilespmem:$0x1C1D0] =	vst v1;
	v1 =	vadd.s32 v0, v44  }
0x6d: {  	[tilespmem:$0x1C1E0] =	vst v1;
	v1 =	vadd.s32 v0, v2;
	v2 =	vld [tilespmem:$0x1C240]  }
0x6e: {  	[tilespmem:$0x1C1F0] =	vst v1;
	v1 =	vadd.s32 v0, v3;
	v3 =	vld [tilespmem:$0x1C250]  }
0x6f: {  	v48 =	vld [tilespmem:$0x1C260];
	[tilespmem:$0x1C200] =	vst v1;
	v1 =	vadd.s32 v0, v45  }
0x70: {  	v49 =	vld [tilespmem:$0x1C270];
	[tilespmem:$0x1C210] =	vst v1;
	v1 =	vadd.s32 v0, v46  }
0x71: {  	v50 =	vld [tilespmem:$0x1C280];
	[tilespmem:$0x1C220] =	vst v1;
	v1 =	vadd.s32 v0, v47  }
0x72: {  	[tilespmem:$0x1C230] =	vst v1;
	v1 =	vadd.s32 v0, v2;
	v2 =	vld [tilespmem:$0x1C290]  }
0x73: {  	[tilespmem:$0x1C240] =	vst v1;
	v1 =	vadd.s32 v0, v3;
	v3 =	vld [tilespmem:$0x1C2A0]  }
0x74: {  	v51 =	vld [tilespmem:$0x1C2B0];
	[tilespmem:$0x1C250] =	vst v1;
	v1 =	vadd.s32 v0, v48  }
0x75: {  	v52 =	vld [tilespmem:$0x1C2C0];
	[tilespmem:$0x1C260] =	vst v1;
	v1 =	vadd.s32 v0, v49  }
0x76: {  	v53 =	vld [tilespmem:$0x1C2D0];
	[tilespmem:$0x1C270] =	vst v1;
	v1 =	vadd.s32 v0, v50  }
0x77: {  	[tilespmem:$0x1C280] =	vst v1;
	v1 =	vadd.s32 v0, v2;
	v2 =	vld [tilespmem:$0x1C2E0]  }
0x78: {  	[tilespmem:$0x1C290] =	vst v1;
	v1 =	vadd.s32 v0, v3;
	v3 =	vld [tilespmem:$0x1C2F0]  }
0x79: {  	v54 =	vld [tilespmem:$0x1C300];
	[tilespmem:$0x1C2A0] =	vst v1;
	v1 =	vadd.s32 v0, v51  }
0x7a: {  	v55 =	vld [tilespmem:$0x1C310];
	[tilespmem:$0x1C2B0] =	vst v1;
	v1 =	vadd.s32 v0, v52  }
0x7b: {  	v56 =	vld [tilespmem:$0x1C320];
	[tilespmem:$0x1C2C0] =	vst v1;
	v1 =	vadd.s32 v0, v53  }
0x7c: {  	[tilespmem:$0x1C2D0] =	vst v1;
	v1 =	vadd.s32 v0, v2;
	v2 =	vld [tilespmem:$0x1C330]  }
0x7d: {  	[tilespmem:$0x1C2E0] =	vst v1;
	v1 =	vadd.s32 v0, v3;
	v3 =	vld [tilespmem:$0x1C340]  }
0x7e: {  	v57 =	vld [tilespmem:$0x1C350];
	[tilespmem:$0x1C2F0] =	vst v1;
	v1 =	vadd.s32 v0, v54  }
0x7f: {  	v58 =	vld [tilespmem:$0x1C360];
	[tilespmem:$0x1C300] =	vst v1;
	v1 =	vadd.s32 v0, v55  }
0x80: {  	v59 =	vld [tilespmem:$0x1C370];
	[tilespmem:$0x1C310] =	vst v1;
	v1 =	vadd.s32 v0, v56  }
0x81: {  	[tilespmem:$0x1C320] =	vst v1;
	v1 =	vadd.s32 v0, v2;
	v2 =	vld [tilespmem:$0x1C380]  }
0x82: {  	[tilespmem:$0x1C330] =	vst v1;
	v1 =	vadd.s32 v0, v3;
	v3 =	vld [tilespmem:$0x1C390]  }
0x83: {  	v60 =	vld [tilespmem:$0x1C3A0];
	[tilespmem:$0x1C340] =	vst v1;
	v1 =	vadd.s32 v0, v57  }
0x84: {  	v61 =	vld [tilespmem:$0x1C3B0];
	[tilespmem:$0x1C350] =	vst v1;
	v1 =	vadd.s32 v0, v58  }
0x85: {  	v62 =	vld [tilespmem:$0x1C3C0];
	[tilespmem:$0x1C360] =	vst v1;
	v1 =	vadd.s32 v0, v59  }
0x86: {  	[tilespmem:$0x1C370] =	vst v1;
	v1 =	vadd.s32 v0, v2;
	v2 =	vld [tilespmem:$0x1C3D0]  }
0x87: {  	[tilespmem:$0x1C380] =	vst v1;
	v1 =	vadd.s32 v0, v3;
	v3 =	vld [tilespmem:$0x1C3E0]  }
0x88: {  	v63 =	vld [tilespmem:$0x1C3F0];
	[tilespmem:$0x1C390] =	vst v1;
	v1 =	vadd.s32 v0, v60  }
0x89: {  	[tilespmem:$0x1C3A0] =	vst v1;
	v1 =	vadd.s32 v0, v61  }
0x8a: {  	[tilespmem:$0x1C3B0] =	vst v1;
	v1 =	vadd.s32 v0, v62  }
0x8b: {  	[tilespmem:$0x1C3C0] =	vst v1;
	v1 =	vadd.s32 v0, v2  }
0x8c: {  	[tilespmem:$0x1C3D0] =	vst v1;
	v1 =	vadd.s32 v0, v3  }
0x8d: {  	[tilespmem:$0x1C3E0] =	vst v1;
	v1 =	vadd.s32 v0, v63  }
0x8e: {  	[tilespmem:$0x1C3F0] =	vst v1  }
0x8f: {  	[tilespmem:s17], [sflag:$0x1] =	stream.indirect.gather [hbm4b:s4+s16], $0x80, s13, s16, $0xb8;
	[tilespmem:$0x1C800] =	vst v63  }
0x90: {  	_ = 	snop  }
0x91: {  	[tilespmem:s19], [sflag:$0x2] =	stream.indirect.gather [hbm4b:s4+s16], $0x80, s18, s16, $0xb8;
	[tilespmem:$0x1C800] =	vst v63  }
0x92: {  	_ =	swait.ge [sflag:s20], $0x4000  }
0x93: {  	[sflag:s20] =	ssyncset.done $0x0  }
0x94: {  	[sflag:s20] =	ssyncadd.s32 $0xFFFFC000  }
0x95: {  	[spmem:s2] =	stream.indirect.scatter.add.f32 [tilespmem:s17], [sflag:$0x4], $0x80, s15, s16, $0xb8;
	[tilespmem:$0x1C800] =	vst v63  }
0x96: {  	p1 =	sgt.u32 s0, $0x4DF;
	_ =	swait.ge [sflag:s14], $0x4000  }
0x97: {  	s30 =	simm.s32 @!p1 $0x1C100;
	[sflag:s14] =	ssyncset.done $0x0  }
0x98: {  	s6 =	simm.s32 @!p1 $0x14000;
	s5 =	simm.s32 @!p1 $0x80;
	[sflag:s14] =	ssyncadd.s32 $0xFFFFC000  }
0x99: {  	[tilespmem:s6], [sflag:$0x1] =	stream.indirect.gather @!p1 [hbm4b:s4+s5], $0x80, s30, s5, $0xb8;
	[tilespmem:$0x1C800] =	vst v63  }
0x9a: {  	_ =	swait.ge [sflag:s21], $0x4000  }
0x9b: {  	p0 =	sgt.u32 s0, $0x4DE;
	[sflag:s21] =	ssyncset.done $0x0  }
.Ltmp5:
0x9c: {  	[sflag:s21] =	ssyncadd.s32 $0xFFFFC000;
	(pc) =	sbr.rel @p0 .LBB2_5-.Ltmp5, $4  }
0x9d: {  	[spmem:s2] =	stream.indirect.scatter.add.f32 [tilespmem:s19], [sflag:$0x4], $0x80, s22, s16, $0xb8;
	[tilespmem:$0x1C800] =	vst v63  }
0x9e: {  	_ =	swait.ge [sflag:s14], $0x4000  }
0x9f: {  	[sflag:s14] =	ssyncset.done $0x0  }
0xa0: {  	[sflag:s14] =	ssyncadd.s32 $0xFFFFC000  }
.Ltmp6:
0xa1: {  	(pc) =	sbr.rel .LBB2_6-.Ltmp6, $2  }
0xa2: {  	_ =	sdelay $0x2  }
0xa3: {  	[tilespmem:s19], [sflag:$0x2] =	stream.indirect.gather [hbm4b:s4+s16], $0x80, s23, s16, $0xb8;
	[tilespmem:$0x1C800] =	vst v63  }
.LBB2_5:
.Ltmp7:
0xa4: {  	(pc) =	sbr.rel @p1 .LBB2_20-.Ltmp7, $1  }
0xa5: {  	_ =	sdelay $0x3  }
.LBB2_6:
0xa6: {  	_ =	swait.ge [sflag:s20], $0x4000  }
0xa7: {  	p1 =	sgt.u32 s0, $0x4DD;
	[sflag:s20] =	ssyncset.done $0x0  }
.Ltmp8:
0xa8: {  	[sflag:s20] =	ssyncadd.s32 $0xFFFFC000;
	(pc) =	sbr.rel @p1 .LBB2_8-.Ltmp8, $4  }
0xa9: {  	[spmem:s2] =	stream.indirect.scatter.add.f32 [tilespmem:s17], [sflag:$0x4], $0x80, s24, s16, $0xb8;
	[tilespmem:$0x1C800] =	vst v63  }
0xaa: {  	_ =	swait.ge [sflag:s14], $0x4000  }
0xab: {  	[sflag:s14] =	ssyncset.done $0x0  }
0xac: {  	[sflag:s14] =	ssyncadd.s32 $0xFFFFC000  }
.Ltmp9:
0xad: {  	(pc) =	sbr.rel .LBB2_9-.Ltmp9, $2  }
0xae: {  	_ =	sdelay $0x2  }
0xaf: {  	[tilespmem:s17], [sflag:$0x1] =	stream.indirect.gather [hbm4b:s4+s16], $0x80, s25, s16, $0xb8;
	[tilespmem:$0x1C800] =	vst v63  }
.LBB2_8:
.Ltmp10:
0xb0: {  	(pc) =	sbr.rel @p0 .LBB2_20-.Ltmp10, $1  }
0xb1: {  	_ =	sdelay $0x3  }
.LBB2_9:
0xb2: {  	_ =	swait.ge [sflag:s21], $0x4000  }
0xb3: {  	p0 =	sgt.u32 s0, $0x4DC;
	[sflag:s21] =	ssyncset.done $0x0  }
.Ltmp11:
0xb4: {  	[sflag:s21] =	ssyncadd.s32 $0xFFFFC000;
	(pc) =	sbr.rel @p0 .LBB2_11-.Ltmp11, $4  }
0xb5: {  	[spmem:s2] =	stream.indirect.scatter.add.f32 [tilespmem:s19], [sflag:$0x4], $0x80, s26, s16, $0xb8;
	[tilespmem:$0x1C800] =	vst v63  }
0xb6: {  	_ =	swait.ge [sflag:s14], $0x4000  }
0xb7: {  	[sflag:s14] =	ssyncset.done $0x0  }
0xb8: {  	[sflag:s14] =	ssyncadd.s32 $0xFFFFC000  }
.Ltmp12:
0xb9: {  	(pc) =	sbr.rel .LBB2_12-.Ltmp12, $2  }
0xba: {  	_ =	sdelay $0x2  }
0xbb: {  	[tilespmem:s19], [sflag:$0x2] =	stream.indirect.gather [hbm4b:s4+s16], $0x80, s28, s16, $0xb8;
	[tilespmem:$0x1C800] =	vst v63  }
.LBB2_11:
.Ltmp13:
0xbc: {  	(pc) =	sbr.rel @p1 .LBB2_20-.Ltmp13, $1  }
0xbd: {  	_ =	sdelay $0x3  }
.LBB2_12:
0xbe: {  	_ =	swait.ge [sflag:s20], $0x4000  }
0xbf: {  	p1 =	sgt.u32 s0, $0x4DB;
	[sflag:s20] =	ssyncset.done $0x0  }
.Ltmp14:
0xc0: {  	[sflag:s20] =	ssyncadd.s32 $0xFFFFC000;
	(pc) =	sbr.rel @p1 .LBB2_14-.Ltmp14, $4  }
0xc1: {  	[spmem:s2] =	stream.indirect.scatter.add.f32 [tilespmem:s17], [sflag:$0x4], $0x80, s29, s16, $0xb8;
	[tilespmem:$0x1C800] =	vst v63  }
0xc2: {  	_ =	swait.ge [sflag:s14], $0x4000  }
0xc3: {  	[sflag:s14] =	ssyncset.done $0x0  }
0xc4: {  	[sflag:s14] =	ssyncadd.s32 $0xFFFFC000  }
.Ltmp15:
0xc5: {  	(pc) =	sbr.rel .LBB2_15-.Ltmp15, $3  }
0xc6: {  	_ =	sdelay $0x1  }
0xc7: {  	s5 =	simm.s32 $0x1C300  }
0xc8: {  	[tilespmem:s17], [sflag:$0x1] =	stream.indirect.gather [hbm4b:s4+s16], $0x80, s5, s16, $0xb8;
	[tilespmem:$0x1C800] =	vst v63  }
.LBB2_14:
.Ltmp16:
0xc9: {  	(pc) =	sbr.rel @p0 .LBB2_20-.Ltmp16, $1  }
0xca: {  	_ =	sdelay $0x3  }
.LBB2_15:
0xcb: {  	_ =	swait.ge [sflag:s21], $0x4000  }
0xcc: {  	p0 =	sgt.u32 s0, $0x4DA;
	[sflag:s21] =	ssyncset.done $0x0  }
.Ltmp17:
0xcd: {  	[sflag:s21] =	ssyncadd.s32 $0xFFFFC000;
	(pc) =	sbr.rel @!p0 .LBB2_16-.Ltmp17, $4  }
0xce: {  	[spmem:s2] =	stream.indirect.scatter.add.f32 [tilespmem:s19], [sflag:$0x4], $0x80, s31, s16, $0xb8;
	[tilespmem:$0x1C800] =	vst v63  }
0xcf: {  	_ =	swait.ge [sflag:s14], $0x4000  }
0xd0: {  	[sflag:s14] =	ssyncset.done $0x0  }
0xd1: {  	[sflag:s14] =	ssyncadd.s32 $0xFFFFC000  }
.Ltmp18:
0xd2: {  	(pc) =	sbr.rel @p1 .LBB2_20-.Ltmp18, $1  }
0xd3: {  	_ =	sdelay $0x3  }
.Ltmp19:
0xd4: {  	_ =	swait.ge [sflag:s20], $0x4000;
	(pc) =	sbr.rel .LBB2_19-.Ltmp19, $4  }
0xd5: {  	[sflag:s20] =	ssyncset.done $0x0  }
0xd6: {  	s0 =	simm.s32 $0x1C700;
	[sflag:s20] =	ssyncadd.s32 $0xFFFFC000  }
0xd7: {  	[spmem:s2] =	stream.indirect.scatter.add.f32 [tilespmem:s17], [sflag:$0x4], $0x80, s0, s16, $0xb8;
	[tilespmem:$0x1C800] =	vst v63  }
0xd8: {  	s0 =	simm.s32 $0x4  }
.LBB2_22:
0xd9: {  	_ =	sfence.sel $0x180000  }
0xda: {  	[bflag:$0x0] =	sbarrier.arrive $0xFFFF  }
0xdb: {  	_ =	strace $0x9000004A  }
0xdc: {  	s0 =	stileid.u32;
	[bflag:$0x2] =	sbarrier.arrive $0xFFFF  }
0xdd: {  	p0 =	sne.s32 s0, $0x0;
	s0 =	rddreg [dreg:$0x3]  }
0xde: {  	s0 =	sadd.s32 @!p0 $0x100000, s0  }
0xdf: {  	[sflag:s0] =	ssyncadd.tile.s32 @!p0 $0x1;
	_ =	shalt  }
.Lfunc_end2:
_tile_overlayer_lowered:
.L_overlay_start_2:
0xe0: {  	(tag) =	ssettag $0x2  }
0xe1: {  	s0 =	rddreg [dreg:$0x0];
	s2 =	stileid.u32  }
0xe2: {  	s1 =	rddreg [dreg:$0x1];
	p0 =	sne.s32 s2, $0x0  }
0xe3: {  	s3 =	rddreg [dreg:$0x2];
	[bflag:$0x3] =	sbarrier.arrive $0xFFFF;
	s2 =	simm.s32 @!p0 $0x1C03  }
0xe4: {  	[timem:s3], [sflag:s2] =	dma.local @!p0 [hbm:s0], s1  }
0xe5: {  	s0 =	simm.s32 @!p0 $0x3  }
0xe6: {  	_ =	swait.ge @!p0 [sflag:s0], s1  }
0xe7: {  	s1 =	ssub.s32 @!p0 $0x0, s1;
	[sflag:s0] =	ssyncset.done @!p0 $0x0  }
0xe8: {  	[sflag:s0] =	ssyncadd.s32 @!p0 s1  }
0xe9: {  	[bflag:$0x3] =	sbarrier.arrive $0xFFFF  }
0xea: {  	_ =	shalt  }

// kernel: kernel.14.cloned.1.call-start
scs
__scs_entry_jumppad:
0x0: {  	(pc) =	sbr.rel $0x88, $3  }
0x1: {  	(tag) =	ssettag $0x0;
	lr =	simm.s32 $0x1  }
0x2: {  	[smem:$0x3F90] =	sst lr;
	_ =	strace $0xD0000000  }
0x3: {  	_ = 	snop  }
0x4: {  	_ = 	snop  }
0x5: {  	_ = 	snop  }
0x6: {  	_ = 	snop  }
0x7: {  	_ = 	snop  }
__scs_overlays_trampoline_lowered:
0x8: {  	[smem:$0x3F9F] =	sst s0  }
0x9: {  	[smem:$0x3FA0] =	sst s1  }
0xa: {  	[smem:$0x3FA1] =	sst s2  }
0xb: {  	[smem:$0x3FA2] =	sst s3  }
0xc: {  	[smem:$0x3FA3] =	sst s4  }
0xd: {  	[smem:$0x3FA4] =	sst s5  }
0xe: {  	[smem:$0x3FA5] =	sst s6  }
0xf: {  	[smem:$0x3FA6] =	sst s7  }
0x10: {  	[smem:$0x3FA7] =	sst s8  }
0x11: {  	[smem:$0x3FA8] =	sst s9;
	s0 =	simm.s32 @!p0 $0x0  }
0x12: {  	s1 =	sld [smem:$0x3F8E];
	s0 =	simm.s32 @p0 $0x1  }
0x13: {  	[smem:$0x3FA9] =	sst s0;
	s0 =	simm.s32 @!p1 $0x0  }
0x14: {  	s2 =	sld [smem:$0x3F8D];
	s0 =	simm.s32 @p1 $0x1  }
0x15: {  	[smem:$0x3FAA] =	sst s0;
	s0 =	simm.s32 @!p2 $0x0  }
0x16: {  	s3 =	sld [smem:$0x3FDB];
	s0 =	simm.s32 @p2 $0x1  }
0x17: {  	s4 =	simm.s32 $0x1BF5;
	[smem:$0x3FAC] =	sst s0  }
0x18: {  	s0 =	sld [smem:$0x3F8F];
	_ =	swait.ge [sflag:s4], $0x0  }
0x19: {  	s7 =	sld [smem:$0x3F90]  }
0x1a: {  	s8 =	sadd.s32 $0xFFFFE003, lr  }
0x1b: {  	s9 =	sadd.s32 $0xFFFFFEF7, lr;
	s5 =	simm.s32 $0xFFFFFFFF;
	p2 =	slt.u32 s8, $0xFFFFF086  }
0x1c: {  	p1 =	slt.u32 s9, $0xF7A;
	s5 =	simm.s32 @!p2 $0x0  }
0x1d: {  	s5 =	simm.s32 @p1 $0x1;
	p0 =	seq.s32 s7, s2  }
0x1e: {  	s7 =	smul.u32 @!p0 $0xF7A, s2;
	p2 =	seq.s32 @!p0 s5, $0x0  }
0x1f: {  	s9 =	smul.u32 $0xF7A, s1;
	s8 =	simm.s32 @!p0 $0x1BF5;
	p2 =	por !p2, p0  }
0x20: {  	[sflag:s8] =	ssyncset.s32 @!p0 $0xFFFFF086;
	s6 =	sadd.s32 @!p0 s3, s7;
	s7 =	simm.s32 @!p0 $0x108  }
0x21: {  	s3 =	sadd.s32 s3, s9;
	s6 =	sadd.s32 @!p0 $0x88, s6;
	s7 =	simm.s32 @p2 $0x1082  }
0x22: {  	[simem:s7], [sflag:s8] =	dma.local @!p0 [hbm:s6], $0xF7A  }
0x23: {  	s9 =	sor.u32 $0xD0000000, s2;
	s6 =	simm.s32 $0x108;
	_ =	swait.ge @!p0 [sflag:s8], $0x0  }
0x24: {  	s3 =	sadd.s32 $0x88, s3;
	s6 =	simm.s32 @!p1 $0x1082;
	[sflag:s4] =	ssyncset.s32 $0xFFFFF086  }
0x25: {  	[simem:s6], [sflag:s4] =	dma.local [hbm:s3], $0xF7A  }
0x26: {  	[smem:$0x3F90] =	sst s1;
	(tag) =	ssettag s2;
	_ =	strace s9  }
0x27: {  	s1 =	sld [smem:$0x3FA0]  }
0x28: {  	s2 =	sld [smem:$0x3FA1]  }
0x29: {  	s4 =	sld [smem:$0x3FA3]  }
0x2a: {  	p0 =	seq.s32 s5, $0x0;
	s5 =	sld [smem:$0x3FA4]  }
0x2b: {  	s6 =	sld [smem:$0x3FA5]  }
0x2c: {  	s7 =	sld [smem:$0x3FA6]  }
0x2d: {  	s3 =	simm.s32 $0x108;
	s8 =	sld [smem:$0x3FA7]  }
0x2e: {  	s3 =	simm.s32 @!p0 $0x1082;
	s9 =	sld [smem:$0x3FA8]  }
0x2f: {  	lr =	sadd.s32 s0, s3;
	s0 =	sld [smem:$0x3F9F]  }
0x30: {  	s3 =	sld [smem:$0x3FA2]  }
0x31: {  	[smem:$0x3FAB] =	sst s10  }
0x32: {  	s10 =	sld [smem:$0x3FA9];
	_ =	sdelay $0x3  }
0x33: {  	p0 =	seq.s32 s10, $0x1;
	s10 =	sld [smem:$0x3FAB];
	_ =	sdelay $0x3  }
0x34: {  	[smem:$0x3FAB] =	sst s10  }
0x35: {  	s10 =	sld [smem:$0x3FAA];
	_ =	sdelay $0x3  }
0x36: {  	p1 =	seq.s32 s10, $0x1;
	s10 =	sld [smem:$0x3FAB];
	_ =	sdelay $0x3  }
0x37: {  	[smem:$0x3FAB] =	sst s10  }
0x38: {  	s10 =	sld [smem:$0x3FAC]  }
0x39: {  	_ = 	snop;
	(pc) =	sbr.ind lr, $3  }
0x3a: {  	_ = 	snop  }
0x3b: {  	_ = 	snop  }
0x3c: {  	p2 =	seq.s32 s10, $0x1;
	s10 =	sld [smem:$0x3FAB]  }
0x3d: {  	_ =	shalt  }
0x3e: {  	_ =	shalt  }
0x3f: {  	_ =	shalt  }
0x40: {  	_ =	shalt  }
0x41: {  	_ =	shalt  }
0x42: {  	_ =	shalt  }
0x43: {  	_ =	shalt  }
0x44: {  	_ =	shalt  }
0x45: {  	_ =	shalt  }
0x46: {  	_ =	shalt  }
0x47: {  	_ =	shalt  }
0x48: {  	_ =	shalt  }
0x49: {  	_ =	shalt  }
0x4a: {  	_ =	shalt  }
0x4b: {  	_ =	shalt  }
0x4c: {  	_ =	shalt  }
0x4d: {  	_ =	shalt  }
0x4e: {  	_ =	shalt  }
0x4f: {  	_ =	shalt  }
0x50: {  	_ =	shalt  }
0x51: {  	_ =	shalt  }
0x52: {  	_ =	shalt  }
0x53: {  	_ =	shalt  }
0x54: {  	_ =	shalt  }
0x55: {  	_ =	shalt  }
0x56: {  	_ =	shalt  }
0x57: {  	_ =	shalt  }
0x58: {  	_ =	shalt  }
0x59: {  	_ =	shalt  }
0x5a: {  	_ =	shalt  }
0x5b: {  	_ =	shalt  }
0x5c: {  	_ =	shalt  }
0x5d: {  	_ =	shalt  }
0x5e: {  	_ =	shalt  }
0x5f: {  	_ =	shalt  }
0x60: {  	_ =	shalt  }
0x61: {  	_ =	shalt  }
0x62: {  	_ =	shalt  }
0x63: {  	_ =	shalt  }
0x64: {  	_ =	shalt  }
0x65: {  	_ =	shalt  }
0x66: {  	_ =	shalt  }
0x67: {  	_ =	shalt  }
0x68: {  	_ =	shalt  }
0x69: {  	_ =	shalt  }
0x6a: {  	_ =	shalt  }
0x6b: {  	_ =	shalt  }
0x6c: {  	_ =	shalt  }
0x6d: {  	_ =	shalt  }
0x6e: {  	_ =	shalt  }
0x6f: {  	_ =	shalt  }
0x70: {  	_ =	shalt  }
0x71: {  	_ =	shalt  }
0x72: {  	_ =	shalt  }
0x73: {  	_ =	shalt  }
0x74: {  	_ =	shalt  }
0x75: {  	_ =	shalt  }
0x76: {  	_ =	shalt  }
0x77: {  	_ =	shalt  }
0x78: {  	_ =	shalt  }
0x79: {  	_ =	shalt  }
0x7a: {  	_ =	shalt  }
0x7b: {  	_ =	shalt  }
0x7c: {  	_ =	shalt  }
0x7d: {  	_ =	shalt  }
0x7e: {  	_ =	shalt  }
0x7f: {  	_ =	shalt  }
0x80: {  	_ =	shalt  }
0x81: {  	_ =	shalt  }
0x82: {  	_ =	shalt  }
0x83: {  	_ =	shalt  }
0x84: {  	_ =	shalt  }
0x85: {  	_ =	shalt  }
0x86: {  	_ =	shalt  }
0x87: {  	_ =	shalt  }
.Lfunc_end0:
.L_simem_size_0:
called_computation.2_lowered:
.L_overlay_start_0:
0x88: {  	s2 =	sld [smem:$0x3FD9]  }
0x89: {  	s3 =	sld [smem:$0x3FFE];
	_ =	sdelay $0x1  }
0x8a: {  	s1 =	srdreg.scid  }
0x8b: {  	s0 =	sand.u32 $0x1, s1  }
0x8c: {  	s17 =	sshll.u32 s0, $0xA;
	s2 =	sadd.s32 s3, s2  }
0x8d: {  	s2 =	sadd.s32 s2, s17  }
0x8e: {  	[smem:$0x3FB7] =	sst s2  }
0x8f: {  	_ = 	snop  }
0x90: {  	s2 =	sld [smem:$0x3FD0];
	(tm) =	ssettm $0x1  }
0x91: {  	s18 =	sld [smem:$0x3FFB];
	_ =	sdelay $0x3  }
0x92: {  	_ =	strace s18  }
0x93: {  	s3 =	sld [smem:$0x3FFC];
	_ =	sdelay $0x3  }
0x94: {  	_ =	strace s3  }
0x95: {  	s3 =	sld [smem:$0x3FFD];
	_ =	sdelay $0x3  }
0x96: {  	_ =	strace s3  }
0x97: {  	_ =	strace $0x8FFFFFFF  }
0x98: {  	s19 =	sld [smem:$0x3FDB];
	_ =	sdelay $0x1  }
0x99: {  	s4 =	simm.s32 $_scs_section_size  }
0x9a: {  	s5 =	simm.s32 $_size__tile_overlayer_lowered;
	s6 =	simm.s32 $_tile_overlayer_lowered  }
0x9b: {  	s22 =	simm.s32 $0x1BFF;
	s21 =	sshll.u32 s6, $0x1;
	s3 =	sadd.s32 s4, s19  }
0x9c: {  	s7 =	simm.s32 $0x0;
	s20 =	sshll.u32 s5, $0x1;
	s5 =	sadd.s32 s21, s3  }
0x9d: {  	[timem:s7], [sflag:s22] =	dma.local [hbm:s5], s20  }
0x9e: {  	_ =	swait.ge [sflag:s22], s20  }
0x9f: {  	s4 =	ssub.s32 $0x0, s20;
	[sflag:s22] =	ssyncset.done $0x0  }
0xa0: {  	[sflag:s22] =	ssyncadd.s32 s4;
	_ =	sdelay $0x1  }
0xa1: {  	s23 =	simm.s32 $0x1B8B  }
0xa2: {  	_ =	swait.ge [sflag:s23], $0x1  }
0xa3: {  	[sflag:s23] =	ssyncset.done $0x0  }
0xa4: {  	s25 =	simm.s32 $0x1B8E;
	s24 =	sld [smem:$0x3FFE];
	[sflag:s23] =	ssyncadd.s32 $0xFFFFFFFF  }
0xa5: {  	s26 =	simm.s32 $execute0_lowered;
	[smem:$0x3FD2] =	sst s25  }
0xa6: {  	s5 =	sshll.u32 s26, $0x1;
	_ =	strace $0x8000004C;
	[dreg:$0x1] =	wrdreg $0xFFFFFFFF  }
0xa7: {  	s28 =	simm.s32 $_size_execute0_lowered;
	s3 =	sadd.s32 s3, s5;
	[dreg:$0x0] =	wrdreg $0x0  }
0xa8: {  	s5 =	sshll.u32 s28, $0x1;
	[dreg:$0x2] =	wrdreg s3  }
0xa9: {  	[dreg:$0x3] =	wrdreg s5  }
0xaa: {  	[dreg:$0x4] =	wrdreg $0xC0  }
0xab: {  	_ =	task [dreg:s7], $0x5FFFF  }
0xac: {  	[dreg:$0x1] =	wrdreg $0xFFFFFFFF  }
0xad: {  	[dreg:$0x0] =	wrdreg $0x60  }
0xae: {  	[dreg:$0x2] =	wrdreg s24  }
0xaf: {  	[dreg:$0x3] =	wrdreg s2  }
0xb0: {  	[dreg:$0x4] =	wrdreg $0x0  }
0xb1: {  	[dreg:$0x5] =	wrdreg $0x9  }
0xb2: {  	_ =	task.clear_ibuf [dreg:s7], $0x6FFFF;
	_ =	strace $0x9000004C  }
0xb3: {  	s29 =	simm.s32 $0x9;
	_ =	strace $0x8000004E  }
0xb4: {  	_ =	swait.ge [sflag:s29], $0x1  }
0xb5: {  	[sflag:s29] =	ssyncadd.s32 $0xFFFFFFFF  }
0xb6: {  	_ =	strace $0x9000004E  }
0xb7: {  	_ =	sfence  }
0xb8: {  	s30 =	sld [smem:$0x0];
	_ =	sdelay $0x2  }
0xb9: {  	s31 =	sshll.u32 s1, $0xD;
	s1 =	sshrl.u32 s1, $0x2  }
0xba: {  	s3 =	sand.u32 $0x4000, s31;
	s1 =	sadd.s32 s1, s30  }
0xbb: {  	s0 =	sor.u32 s3, s0;
	s1 =	sshll.u32 s1, $0x11  }
0xbc: {  	s0 =	sor.u32 s1, s0  }
0xbd: {  	s0 =	sadd.s32 $0x8F2B, s0  }
0xbe: {  	[sflag:s0] =	ssyncadd.remote.s32 $0x1  }
0xbf: {  	_ =	sfence.sel $0xFFFF  }
0xc0: {  	[dreg:$0x0] =	wrdreg $0xFFFFFFFF;
	(pc) =	sbr.abs _section_cstart, $3  }
0xc1: {  	[dreg:$0x1] =	wrdreg $0xFFFFFFFF  }
0xc2: {  	_ =	task.clear_ibuf [dreg:s7], $0x2FFFF;
	_ =	strace $0x9FFFFFFF  }
0xc3: {  	(tm) =	ssettm $0x7FFFFFFF  }
tec
execute0_lowered:
.L_overlay_start_1:
0x0: {  	(tag) =	ssettag $0x1  }
0x1: {  	s0 =	rddreg [dreg:$0x0]  }
0x2: {  	s1 =	rddreg [dreg:$0x1]  }
0x3: {  	s2 =	rddreg [dreg:$0x2];
	s12 =	stileid.u32  }
0x4: {  	s4 =	srdreg.scid;
	s3 =	simm.s32 $0x0;
	s13 =	simm.s32 $0x12000  }
0x5: {  	s14 =	simm.s32 $0x12400;
	s15 =	simm.s32 $0x80;
	s16 =	simm.s32 $0xA000  }
0x6: {  	s17 =	simm.s32 $0x12080;
	s18 =	simm.s32 $0xC000;
	s19 =	simm.s32 $0x1  }
0x7: {  	s20 =	simm.s32 $0x2;
	s21 =	simm.s32 $0x12480;
	s22 =	simm.s32 $0x5  }
0x8: {  	s28 =	simm.s32 $0x6;
	s30 =	simm.s32 $0x4;
	s6 =	smul.u32 $0xA000, s12  }
0x9: {  	s31 =	simm.s32 $0x12580;
	s7 =	sand.u32 $0x1, s4;
	s5 =	smul.u32 $0x280, s12  }
0xa: {  	[smem:$0x7FF] =	sst s3;
	s4 =	sadd.s32 $0xBB800, s0;
	s25 =	smul.u32 $0x500, s12  }
0xb: {  	s24 =	sshll.u32 s12, $0x6;
	s10 =	smul.u32 $0x2800, s7;
	_ =	strace $0x8000004D  }
0xc: {  	s9 =	ssub.s32 $0x2, s7;
	s7 =	smul.u32 $0x9D00, s7;
	s23 =	sor.u32 $0x1C09, s24  }
0xd: {  	s24 =	simm.s32 $0x3;
	s8 =	sshrl.u32 s6, $0x3;
	s11 =	sshrl.u32 s9, $0x1  }
0xe: {  	s6 =	sadd.s32 s6, s2;
	[dreg:$0x5] =	wrdreg s23;
	s5 =	sadd.s32 s5, s10  }
0xf: {  	s8 =	sadd.s32 s8, s0;
	s9 =	ssub.s32 s9, s11;
	s29 =	sadd.s32 s7, s1  }
0x10: {  	s7 =	sshrl.u32 s6, $0x3;
	s1 =	simm.s32 $0x7;
	s11 =	simm.s32 $0x0  }
0x11: {  	s5 =	sshll.u32 s5, $0x3;
	s8 =	sadd.s32 $0x2600, s8;
	s26 =	smax.u32 s9, $0x1  }
.Ltmp0:
0x12: {  	s9 =	simm.s32 $0x8;
	[dreg:$0x9] =	wrdreg s7;
	(pc) =	sbr.rel .LBB2_1-.Ltmp0, $4  }
0x13: {  	s0 =	sadd.s32 s5, s0;
	s5 =	smul.u32 $0x50, s12;
	[dreg:$0x4] =	wrdreg s8  }
0x14: {  	[dreg:$0x7] =	wrdreg s26;
	s12 =	simm.s32 $0x9;
	s0 =	sadd.s32 $0xE3800, s0  }
0x15: {  	s26 =	simm.s32 $0xE000;
	[dreg:$0x6] =	wrdreg s0;
	s0 =	sadd.s32 s25, s29  }
0x16: {  	v0 =	vmov s10;
	s25 =	simm.s32 $0x12500;
	[dreg:$0x8] =	wrdreg s0;
	s0 =	simm.s32 $0x10000  }
.LBB2_27:
0x17: {  	[bflag:$0x0] =	sbarrier.arrive $0xFFFF  }
0x18: {  	s23 =	rddreg [dreg:$0x5]  }
0x19: {  	s6 =	rddreg [dreg:$0x6]  }
0x1a: {  	s7 =	rddreg [dreg:$0x9]  }
0x1b: {  	[hbm:s6], [sflag:s23] =	dma.local [spmem:s7], $0x1400  }
0x1c: {  	_ =	swait.ge [sflag:s12], $0x1400  }
0x1d: {  	s11 =	sadd.s32 $0x1, s11;
	s29 =	rddreg [dreg:$0x7]  }
0x1e: {  	p0 =	sne.s32 s11, s29  }
.Ltmp1:
0x1f: {  	_ = 	snop;
	(pc) =	sbr.rel @!p0 .LBB2_28-.Ltmp1, $3  }
0x20: {  	_ =	sdelay $0x1  }
0x21: {  	[sflag:s12] =	ssyncset.done $0x0  }
0x22: {  	[sflag:s12] =	ssyncadd.s32 $0xFFFFEC00  }
.LBB2_1:
0x23: {  	s6 =	rddreg [dreg:$0x4]  }
0x24: {  	[spmem:s7], [sflag:s23] =	dma.local [hbm:s6], $0x1400  }
.Ltmp2:
0x25: {  	_ =	swait.ge [sflag:s12], $0x1400;
	(pc) =	sbr.rel .LBB2_2-.Ltmp2, $4  }
0x26: {  	[sflag:s12] =	ssyncset.done $0x0  }
0x27: {  	[sflag:s12] =	ssyncadd.s32 $0xFFFFEC00  }
0x28: {  	[bflag:$0x0] =	sbarrier.arrive $0xFFFF  }
0x29: {  	s6 =	simm.s32 $0x0;
	s10 =	rddreg [dreg:$0x8]  }
.LBB2_23:
0x2a: {  	_ =	swait.ge [sflag:s24], $0x2000  }
0x2b: {  	[sflag:s24] =	ssyncset.done $0x0  }
0x2c: {  	s7 =	simm.s32 $0x12700;
	[sflag:s24] =	ssyncadd.s32 $0xFFFFE000  }
0x2d: {  	[spmem:s2] =	stream.indirect.scatter.add.f32 [tilespmem:s26], [sflag:$0x7], $0x40, s7, s15, $0xb8;
	[tilespmem:$0x12800] =	vst v63  }
0x2e: {  	s7 =	simm.s32 @!p0 $0x4  }
0x2f: {  	_ =	swait.ge @!p0 [sflag:s7], $0x2000  }
0x30: {  	s8 =	simm.s32 @!p0 $0x12780;
	[sflag:s7] =	ssyncset.done @!p0 $0x0  }
0x31: {  	s23 =	simm.s32 @!p0 $0x10000;
	[sflag:s7] =	ssyncadd.s32 @!p0 $0xFFFFE000;
	s7 =	simm.s32 @!p0 $0x80  }
0x32: {  	[spmem:s2] =	stream.indirect.scatter.add.f32 @!p0 [tilespmem:s23], [sflag:$0x8], $0x40, s8, s7, $0xb8;
	[tilespmem:$0x12800] =	vst v63  }
0x33: {  	s8 =	simm.s32 @!p0 $0x5  }
0x34: {  	_ =	swait.ge @!p0 [sflag:s8], $0x2000  }
0x35: {  	s7 =	simm.s32 @!p0 $0x6;
	[sflag:s8] =	ssyncset.done @!p0 $0x0  }
0x36: {  	s7 =	simm.s32 @p0 $0x5;
	[sflag:s8] =	ssyncadd.s32 @!p0 $0xFFFFE000  }
0x37: {  	_ =	swait.ge [sflag:s7], $0x2000  }
0x38: {  	s29 =	simm.s32 @!p0 $0x7;
	s23 =	simm.s32 @!p0 $0x8;
	[sflag:s7] =	ssyncset.done $0x0  }
0x39: {  	s29 =	simm.s32 @p0 $0x6;
	s23 =	simm.s32 @p0 $0x7;
	[sflag:s7] =	ssyncadd.s32 $0xFFFFE000  }
.LBB2_24:
0x3a: {  	_ =	swait.ge [sflag:s29], $0x2000  }
0x3b: {  	[sflag:s29] =	ssyncset.done $0x0  }
0x3c: {  	[sflag:s29] =	ssyncadd.s32 $0xFFFFE000  }
.LBB2_25:
0x3d: {  	_ =	swait.ge [sflag:s23], $0x2000  }
0x3e: {  	[sflag:s23] =	ssyncset.done $0x0  }
0x3f: {  	[sflag:s23] =	ssyncadd.s32 $0xFFFFE000  }
.LBB2_26:
0x40: {  	s6 =	sadd.s32 $0x8, s6  }
0x41: {  	p0 =	sne.s32 s6, $0x50  }
.Ltmp3:
0x42: {  	_ = 	snop;
	(pc) =	sbr.rel @!p0 .LBB2_27-.Ltmp3, $2  }
0x43: {  	_ =	sdelay $0x2  }
0x44: {  	s10 =	sadd.s32 $0x80, s10  }
.LBB2_2:
0x45: {  	s23 =	sadd.s32 s6, s5  }
0x46: {  	p0 =	sgt.u32 s23, $0x4E1  }
.Ltmp4:
0x47: {  	_ = 	snop;
	(pc) =	sbr.rel @p0 .LBB2_26-.Ltmp4, $1  }
0x48: {  	_ =	sdelay $0x3  }
0x49: {  	[tilespmem:s13], [sflag:$0x9] =	stream.linear.gather [hbm4b:s10+s3], $0x400, $0x38;
	[tilespmem:$0x12800] =	vst v63  }
0x4a: {  	_ =	swait.ge [sflag:s12], $0x400  }
0x4b: {  	[sflag:s12] =	ssyncset.done $0x0  }
0x4c: {  	s7 =	sadd.s32 $0x4E80, s10;
	[sflag:s12] =	ssyncadd.s32 $0xFFFFFC00  }
0x4d: {  	[tilespmem:s14], [sflag:$0x9] =	stream.linear.gather [hbm4b:s7+s3], $0x400, $0x38;
	[tilespmem:$0x12800] =	vst v63  }
0x4e: {  	_ =	swait.ge [sflag:s12], $0x400  }
0x4f: {  	[sflag:s12] =	ssyncset.done $0x0  }
0x50: {  	[sflag:s12] =	ssyncadd.s32 $0xFFFFFC00  }
0x51: {  	v1 =	vld [tilespmem:$0x12000]  }
0x52: {  	v2 =	vld [tilespmem:$0x12010]  }
0x53: {  	v3 =	vld [tilespmem:$0x12020]  }
0x54: {  	v4 =	vld [tilespmem:$0x12030]  }
0x55: {  	v5 =	vld [tilespmem:$0x12040]  }
0x56: {  	v6 =	vld [tilespmem:$0x12050];
	v1 =	vadd.s32 v0, v1  }
0x57: {  	[tilespmem:$0x12000] =	vst v1;
	v1 =	vadd.s32 v0, v2;
	v2 =	vld [tilespmem:$0x12060]  }
0x58: {  	[tilespmem:$0x12010] =	vst v1;
	v1 =	vadd.s32 v0, v3;
	v3 =	vld [tilespmem:$0x12070]  }
0x59: {  	v30 =	vld [tilespmem:$0x12080];
	[tilespmem:$0x12020] =	vst v1;
	v1 =	vadd.s32 v0, v4  }
0x5a: {  	v31 =	vld [tilespmem:$0x12090];
	[tilespmem:$0x12030] =	vst v1;
	v1 =	vadd.s32 v0, v5  }
0x5b: {  	v32 =	vld [tilespmem:$0x120A0];
	[tilespmem:$0x12040] =	vst v1;
	v1 =	vadd.s32 v0, v6  }
0x5c: {  	[tilespmem:$0x12050] =	vst v1;
	v1 =	vadd.s32 v0, v2;
	v2 =	vld [tilespmem:$0x120B0]  }
0x5d: {  	[tilespmem:$0x12060] =	vst v1;
	v1 =	vadd.s32 v0, v3;
	v3 =	vld [tilespmem:$0x120C0]  }
0x5e: {  	v33 =	vld [tilespmem:$0x120D0];
	[tilespmem:$0x12070] =	vst v1;
	v1 =	vadd.s32 v0, v30  }
0x5f: {  	v34 =	vld [tilespmem:$0x120E0];
	[tilespmem:$0x12080] =	vst v1;
	v1 =	vadd.s32 v0, v31  }
0x60: {  	v35 =	vld [tilespmem:$0x120F0];
	[tilespmem:$0x12090] =	vst v1;
	v1 =	vadd.s32 v0, v32  }
0x61: {  	[tilespmem:$0x120A0] =	vst v1;
	v1 =	vadd.s32 v0, v2;
	v2 =	vld [tilespmem:$0x12100]  }
0x62: {  	[tilespmem:$0x120B0] =	vst v1;
	v1 =	vadd.s32 v0, v3;
	v3 =	vld [tilespmem:$0x12110]  }
0x63: {  	v36 =	vld [tilespmem:$0x12120];
	[tilespmem:$0x120C0] =	vst v1;
	v1 =	vadd.s32 v0, v33  }
0x64: {  	v37 =	vld [tilespmem:$0x12130];
	[tilespmem:$0x120D0] =	vst v1;
	v1 =	vadd.s32 v0, v34  }
0x65: {  	v38 =	vld [tilespmem:$0x12140];
	[tilespmem:$0x120E0] =	vst v1;
	v1 =	vadd.s32 v0, v35  }
0x66: {  	[tilespmem:$0x120F0] =	vst v1;
	v1 =	vadd.s32 v0, v2;
	v2 =	vld [tilespmem:$0x12150]  }
0x67: {  	[tilespmem:$0x12100] =	vst v1;
	v1 =	vadd.s32 v0, v3;
	v3 =	vld [tilespmem:$0x12160]  }
0x68: {  	v39 =	vld [tilespmem:$0x12170];
	[tilespmem:$0x12110] =	vst v1;
	v1 =	vadd.s32 v0, v36  }
0x69: {  	v40 =	vld [tilespmem:$0x12180];
	[tilespmem:$0x12120] =	vst v1;
	v1 =	vadd.s32 v0, v37  }
0x6a: {  	v41 =	vld [tilespmem:$0x12190];
	[tilespmem:$0x12130] =	vst v1;
	v1 =	vadd.s32 v0, v38  }
0x6b: {  	[tilespmem:$0x12140] =	vst v1;
	v1 =	vadd.s32 v0, v2;
	v2 =	vld [tilespmem:$0x121A0]  }
0x6c: {  	[tilespmem:$0x12150] =	vst v1;
	v1 =	vadd.s32 v0, v3;
	v3 =	vld [tilespmem:$0x121B0]  }
0x6d: {  	v42 =	vld [tilespmem:$0x121C0];
	[tilespmem:$0x12160] =	vst v1;
	v1 =	vadd.s32 v0, v39  }
0x6e: {  	v43 =	vld [tilespmem:$0x121D0];
	[tilespmem:$0x12170] =	vst v1;
	v1 =	vadd.s32 v0, v40  }
0x6f: {  	v44 =	vld [tilespmem:$0x121E0];
	[tilespmem:$0x12180] =	vst v1;
	v1 =	vadd.s32 v0, v41  }
0x70: {  	[tilespmem:$0x12190] =	vst v1;
	v1 =	vadd.s32 v0, v2;
	v2 =	vld [tilespmem:$0x121F0]  }
0x71: {  	[tilespmem:$0x121A0] =	vst v1;
	v1 =	vadd.s32 v0, v3;
	v3 =	vld [tilespmem:$0x12200]  }
0x72: {  	v45 =	vld [tilespmem:$0x12210];
	[tilespmem:$0x121B0] =	vst v1;
	v1 =	vadd.s32 v0, v42  }
0x73: {  	v46 =	vld [tilespmem:$0x12220];
	[tilespmem:$0x121C0] =	vst v1;
	v1 =	vadd.s32 v0, v43  }
0x74: {  	v47 =	vld [tilespmem:$0x12230];
	[tilespmem:$0x121D0] =	vst v1;
	v1 =	vadd.s32 v0, v44  }
0x75: {  	[tilespmem:$0x121E0] =	vst v1;
	v1 =	vadd.s32 v0, v2;
	v2 =	vld [tilespmem:$0x12240]  }
0x76: {  	[tilespmem:$0x121F0] =	vst v1;
	v1 =	vadd.s32 v0, v3;
	v3 =	vld [tilespmem:$0x12250]  }
0x77: {  	v48 =	vld [tilespmem:$0x12260];
	[tilespmem:$0x12200] =	vst v1;
	v1 =	vadd.s32 v0, v45  }
0x78: {  	v49 =	vld [tilespmem:$0x12270];
	[tilespmem:$0x12210] =	vst v1;
	v1 =	vadd.s32 v0, v46  }
0x79: {  	v50 =	vld [tilespmem:$0x12280];
	[tilespmem:$0x12220] =	vst v1;
	v1 =	vadd.s32 v0, v47  }
0x7a: {  	[tilespmem:$0x12230] =	vst v1;
	v1 =	vadd.s32 v0, v2;
	v2 =	vld [tilespmem:$0x12290]  }
0x7b: {  	[tilespmem:$0x12240] =	vst v1;
	v1 =	vadd.s32 v0, v3;
	v3 =	vld [tilespmem:$0x122A0]  }
0x7c: {  	v51 =	vld [tilespmem:$0x122B0];
	[tilespmem:$0x12250] =	vst v1;
	v1 =	vadd.s32 v0, v48  }
0x7d: {  	v52 =	vld [tilespmem:$0x122C0];
	[tilespmem:$0x12260] =	vst v1;
	v1 =	vadd.s32 v0, v49  }
0x7e: {  	v53 =	vld [tilespmem:$0x122D0];
	[tilespmem:$0x12270] =	vst v1;
	v1 =	vadd.s32 v0, v50  }
0x7f: {  	[tilespmem:$0x12280] =	vst v1;
	v1 =	vadd.s32 v0, v2;
	v2 =	vld [tilespmem:$0x122E0]  }
0x80: {  	[tilespmem:$0x12290] =	vst v1;
	v1 =	vadd.s32 v0, v3;
	v3 =	vld [tilespmem:$0x122F0]  }
0x81: {  	v54 =	vld [tilespmem:$0x12300];
	[tilespmem:$0x122A0] =	vst v1;
	v1 =	vadd.s32 v0, v51  }
0x82: {  	v55 =	vld [tilespmem:$0x12310];
	[tilespmem:$0x122B0] =	vst v1;
	v1 =	vadd.s32 v0, v52  }
0x83: {  	v56 =	vld [tilespmem:$0x12320];
	[tilespmem:$0x122C0] =	vst v1;
	v1 =	vadd.s32 v0, v53  }
0x84: {  	[tilespmem:$0x122D0] =	vst v1;
	v1 =	vadd.s32 v0, v2;
	v2 =	vld [tilespmem:$0x12330]  }
0x85: {  	[tilespmem:$0x122E0] =	vst v1;
	v1 =	vadd.s32 v0, v3;
	v3 =	vld [tilespmem:$0x12340]  }
0x86: {  	v57 =	vld [tilespmem:$0x12350];
	[tilespmem:$0x122F0] =	vst v1;
	v1 =	vadd.s32 v0, v54  }
0x87: {  	v58 =	vld [tilespmem:$0x12360];
	[tilespmem:$0x12300] =	vst v1;
	v1 =	vadd.s32 v0, v55  }
0x88: {  	v59 =	vld [tilespmem:$0x12370];
	[tilespmem:$0x12310] =	vst v1;
	v1 =	vadd.s32 v0, v56  }
0x89: {  	[tilespmem:$0x12320] =	vst v1;
	v1 =	vadd.s32 v0, v2;
	v2 =	vld [tilespmem:$0x12380]  }
0x8a: {  	[tilespmem:$0x12330] =	vst v1;
	v1 =	vadd.s32 v0, v3;
	v3 =	vld [tilespmem:$0x12390]  }
0x8b: {  	v60 =	vld [tilespmem:$0x123A0];
	[tilespmem:$0x12340] =	vst v1;
	v1 =	vadd.s32 v0, v57  }
0x8c: {  	v61 =	vld [tilespmem:$0x123B0];
	[tilespmem:$0x12350] =	vst v1;
	v1 =	vadd.s32 v0, v58  }
0x8d: {  	v62 =	vld [tilespmem:$0x123C0];
	[tilespmem:$0x12360] =	vst v1;
	v1 =	vadd.s32 v0, v59  }
0x8e: {  	[tilespmem:$0x12370] =	vst v1;
	v1 =	vadd.s32 v0, v2;
	v2 =	vld [tilespmem:$0x123D0]  }
0x8f: {  	[tilespmem:$0x12380] =	vst v1;
	v1 =	vadd.s32 v0, v3;
	v3 =	vld [tilespmem:$0x123E0]  }
0x90: {  	v63 =	vld [tilespmem:$0x123F0];
	[tilespmem:$0x12390] =	vst v1;
	v1 =	vadd.s32 v0, v60  }
0x91: {  	[tilespmem:$0x123A0] =	vst v1;
	v1 =	vadd.s32 v0, v61  }
0x92: {  	[tilespmem:$0x123B0] =	vst v1;
	v1 =	vadd.s32 v0, v62  }
0x93: {  	[tilespmem:$0x123C0] =	vst v1;
	v1 =	vadd.s32 v0, v2  }
0x94: {  	[tilespmem:$0x123D0] =	vst v1;
	v1 =	vadd.s32 v0, v3  }
0x95: {  	[tilespmem:$0x123E0] =	vst v1;
	v1 =	vadd.s32 v0, v63  }
0x96: {  	[tilespmem:$0x123F0] =	vst v1  }
0x97: {  	[tilespmem:s16], [sflag:$0x1] =	stream.indirect.gather [hbm4b:s4+s15], $0x40, s13, s15, $0xb8;
	[tilespmem:$0x12800] =	vst v63  }
0x98: {  	p2 =	sgt.u32 s23, $0x4DF  }
0x99: {  	[tilespmem:s18], [sflag:$0x2] =	stream.indirect.gather [hbm4b:s4+s15], $0x40, s17, s15, $0xb8;
	[tilespmem:$0x12800] =	vst v63  }
0x9a: {  	s29 =	simm.s32 @!p2 $0x12100;
	s8 =	simm.s32 @!p2 $0xE000;
	s7 =	simm.s32 @!p2 $0x80  }
0x9b: {  	[tilespmem:s8], [sflag:$0x3] =	stream.indirect.gather @!p2 [hbm4b:s4+s7], $0x40, s29, s7, $0xb8;
	[tilespmem:$0x12800] =	vst v63  }
0x9c: {  	_ =	swait.ge [sflag:s19], $0x2000  }
0x9d: {  	[sflag:s19] =	ssyncset.done $0x0  }
0x9e: {  	p0 =	sgt.u32 s23, $0x4DE;
	[sflag:s19] =	ssyncadd.s32 $0xFFFFE000  }
0x9f: {  	[spmem:s2] =	stream.indirect.scatter.add.f32 [tilespmem:s16], [sflag:$0x5], $0x40, s14, s15, $0xb8;
	[tilespmem:$0x12800] =	vst v63  }
0xa0: {  	s7 =	simm.s32 @!p0 $0x80;
	s8 =	simm.s32 @!p0 $0x12180;
	s29 =	simm.s32 @!p0 $0x10000  }
0xa1: {  	[tilespmem:s29], [sflag:$0x4] =	stream.indirect.gather @!p0 [hbm4b:s4+s7], $0x40, s8, s7, $0xb8;
	[tilespmem:$0x12800] =	vst v63  }
0xa2: {  	_ =	swait.ge [sflag:s20], $0x2000  }
0xa3: {  	p3 =	sgt.u32 s23, $0x4DD;
	[sflag:s20] =	ssyncset.done $0x0  }
.Ltmp5:
0xa4: {  	[sflag:s20] =	ssyncadd.s32 $0xFFFFE000;
	(pc) =	sbr.rel @p3 .LBB2_5-.Ltmp5, $4  }
0xa5: {  	[spmem:s2] =	stream.indirect.scatter.add.f32 [tilespmem:s18], [sflag:$0x6], $0x40, s21, s15, $0xb8;
	[tilespmem:$0x12800] =	vst v63  }
0xa6: {  	_ =	swait.ge [sflag:s22], $0x2000  }
0xa7: {  	[sflag:s22] =	ssyncset.done $0x0  }
0xa8: {  	[sflag:s22] =	ssyncadd.s32 $0xFFFFE000  }
.Ltmp6:
0xa9: {  	(pc) =	sbr.rel .LBB2_6-.Ltmp6, $3  }
0xaa: {  	_ =	sdelay $0x1  }
0xab: {  	s7 =	simm.s32 $0x12200  }
0xac: {  	[tilespmem:s16], [sflag:$0x1] =	stream.indirect.gather [hbm4b:s4+s15], $0x40, s7, s15, $0xb8;
	[tilespmem:$0x12800] =	vst v63  }
.LBB2_5:
.Ltmp7:
0xad: {  	(pc) =	sbr.rel @p2 .LBB2_7-.Ltmp7, $1  }
0xae: {  	_ =	sdelay $0x3  }
.LBB2_6:
0xaf: {  	_ =	swait.ge [sflag:s24], $0x2000  }
0xb0: {  	[sflag:s24] =	ssyncset.done $0x0  }
0xb1: {  	[sflag:s24] =	ssyncadd.s32 $0xFFFFE000  }
0xb2: {  	[spmem:s2] =	stream.indirect.scatter.add.f32 [tilespmem:s26], [sflag:$0x7], $0x40, s25, s15, $0xb8;
	[tilespmem:$0x12800] =	vst v63  }
.LBB2_7:
0xb3: {  	p1 =	sgt.u32 s23, $0x4DC  }
.Ltmp8:
0xb4: {  	_ = 	snop;
	(pc) =	sbr.rel @p1 .LBB2_9-.Ltmp8, $4  }
0xb5: {  	_ = 	snop  }
0xb6: {  	_ =	swait.ge [sflag:s28], $0x2000  }
0xb7: {  	[sflag:s28] =	ssyncset.done $0x0  }
0xb8: {  	[sflag:s28] =	ssyncadd.s32 $0xFFFFE000  }
.Ltmp9:
0xb9: {  	(pc) =	sbr.rel .LBB2_10-.Ltmp9, $3  }
0xba: {  	_ =	sdelay $0x1  }
0xbb: {  	s7 =	simm.s32 $0x12280  }
0xbc: {  	[tilespmem:s18], [sflag:$0x2] =	stream.indirect.gather [hbm4b:s4+s15], $0x40, s7, s15, $0xb8;
	[tilespmem:$0x12800] =	vst v63  }
.LBB2_9:
.Ltmp10:
0xbd: {  	(pc) =	sbr.rel @p0 .LBB2_11-.Ltmp10, $1  }
0xbe: {  	_ =	sdelay $0x3  }
.LBB2_10:
0xbf: {  	_ =	swait.ge [sflag:s30], $0x2000  }
0xc0: {  	[sflag:s30] =	ssyncset.done $0x0  }
0xc1: {  	[sflag:s30] =	ssyncadd.s32 $0xFFFFE000  }
0xc2: {  	[spmem:s2] =	stream.indirect.scatter.add.f32 [tilespmem:s0], [sflag:$0x8], $0x40, s31, s15, $0xb8;
	[tilespmem:$0x12800] =	vst v63  }
.LBB2_12:
0xc3: {  	p2 =	sgt.u32 s23, $0x4DB  }
.Ltmp11:
0xc4: {  	_ = 	snop;
	(pc) =	sbr.rel @p2 .LBB2_14-.Ltmp11, $4  }
0xc5: {  	_ = 	snop  }
0xc6: {  	_ =	swait.ge [sflag:s1], $0x2000  }
0xc7: {  	[sflag:s1] =	ssyncset.done $0x0  }
0xc8: {  	[sflag:s1] =	ssyncadd.s32 $0xFFFFE000  }
.Ltmp12:
0xc9: {  	(pc) =	sbr.rel .LBB2_15-.Ltmp12, $3  }
0xca: {  	_ =	sdelay $0x1  }
0xcb: {  	s7 =	simm.s32 $0x12300  }
0xcc: {  	[tilespmem:s26], [sflag:$0x3] =	stream.indirect.gather [hbm4b:s4+s15], $0x40, s7, s15, $0xb8;
	[tilespmem:$0x12800] =	vst v63  }
.LBB2_14:
.Ltmp13:
0xcd: {  	(pc) =	sbr.rel @p3 .LBB2_16-.Ltmp13, $1  }
0xce: {  	_ =	sdelay $0x3  }
.LBB2_15:
0xcf: {  	_ =	swait.ge [sflag:s19], $0x2000  }
0xd0: {  	[sflag:s19] =	ssyncset.done $0x0  }
0xd1: {  	s7 =	simm.s32 $0x12600;
	[sflag:s19] =	ssyncadd.s32 $0xFFFFE000  }
0xd2: {  	[spmem:s2] =	stream.indirect.scatter.add.f32 [tilespmem:s16], [sflag:$0x5], $0x40, s7, s15, $0xb8;
	[tilespmem:$0x12800] =	vst v63  }
.LBB2_17:
0xd3: {  	p0 =	sgt.u32 s23, $0x4DA  }
.Ltmp14:
0xd4: {  	_ = 	snop;
	(pc) =	sbr.rel @p0 .LBB2_19-.Ltmp14, $4  }
0xd5: {  	_ = 	snop  }
0xd6: {  	_ =	swait.ge [sflag:s9], $0x2000  }
0xd7: {  	[sflag:s9] =	ssyncset.done $0x0  }
0xd8: {  	[sflag:s9] =	ssyncadd.s32 $0xFFFFE000  }
.Ltmp15:
0xd9: {  	(pc) =	sbr.rel .LBB2_20-.Ltmp15, $3  }
0xda: {  	_ =	sdelay $0x1  }
0xdb: {  	s7 =	simm.s32 $0x12380  }
0xdc: {  	[tilespmem:s0], [sflag:$0x4] =	stream.indirect.gather [hbm4b:s4+s15], $0x40, s7, s15, $0xb8;
	[tilespmem:$0x12800] =	vst v63  }
.LBB2_19:
.Ltmp16:
0xdd: {  	(pc) =	sbr.rel @p1 .LBB2_22-.Ltmp16, $1  }
0xde: {  	_ =	sdelay $0x3  }
.LBB2_20:
.Ltmp17:
0xdf: {  	(pc) =	sbr.rel @!p2 .LBB2_23-.Ltmp17, $4  }
0xe0: {  	_ =	swait.ge [sflag:s20], $0x2000  }
0xe1: {  	[sflag:s20] =	ssyncset.done $0x0  }
0xe2: {  	s7 =	simm.s32 $0x12680;
	[sflag:s20] =	ssyncadd.s32 $0xFFFFE000  }
0xe3: {  	[spmem:s2] =	stream.indirect.scatter.add.f32 [tilespmem:s18], [sflag:$0x6], $0x40, s7, s15, $0xb8;
	[tilespmem:$0x12800] =	vst v63  }
.Ltmp18:
0xe4: {  	(pc) =	sbr.rel .LBB2_24-.Ltmp18, $2  }
0xe5: {  	_ =	sdelay $0x2  }
0xe6: {  	s23 =	simm.s32 $0x6;
	s29 =	simm.s32 $0x5  }
.LBB2_11:
.Ltmp19:
0xe7: {  	(pc) =	sbr.rel @p2 .LBB2_26-.Ltmp19, $4  }
.Ltmp20:
0xe8: {  	(pc) =	sbr.rel @!p2 .LBB2_12-.Ltmp20, $4  }
0xe9: {  	_ = 	snop  }
0xea: {  	_ = 	snop  }
0xeb: {  	_ = 	snop  }
0xec: {  	_ = 	snop  }
.LBB2_16:
.Ltmp21:
0xed: {  	(pc) =	sbr.rel @p0 .LBB2_26-.Ltmp21, $4  }
.Ltmp22:
0xee: {  	(pc) =	sbr.rel @!p0 .LBB2_17-.Ltmp22, $4  }
0xef: {  	_ = 	snop  }
0xf0: {  	_ = 	snop  }
0xf1: {  	_ = 	snop  }
0xf2: {  	_ = 	snop  }
.LBB2_22:
0xf3: {  	p0 =	slt.u32 s23, $0x4DE  }
.Ltmp23:
0xf4: {  	_ = 	snop;
	(pc) =	sbr.rel @p0 .LBB2_25-.Ltmp23, $4  }
.Ltmp24:
0xf5: {  	_ = 	snop;
	(pc) =	sbr.rel @!p0 .LBB2_26-.Ltmp24, $4  }
0xf6: {  	_ = 	snop  }
0xf7: {  	_ = 	snop  }
0xf8: {  	s23 =	simm.s32 $0x5  }
0xf9: {  	_ = 	snop  }
.LBB2_28:
0xfa: {  	_ =	sfence.sel $0x180000  }
0xfb: {  	[bflag:$0x0] =	sbarrier.arrive $0xFFFF  }
0xfc: {  	_ =	strace $0x9000004D  }
0xfd: {  	s0 =	stileid.u32;
	[bflag:$0x2] =	sbarrier.arrive $0xFFFF  }
0xfe: {  	p0 =	sne.s32 s0, $0x0;
	s0 =	rddreg [dreg:$0x3]  }
0xff: {  	s0 =	sadd.s32 @!p0 $0x100000, s0  }
0x100: {  	[sflag:s0] =	ssyncadd.tile.s32 @!p0 $0x1;
	_ =	shalt  }
.Lfunc_end2:
_tile_overlayer_lowered:
.L_overlay_start_2:
0x101: {  	(tag) =	ssettag $0x2  }
0x102: {  	s0 =	rddreg [dreg:$0x0];
	s2 =	stileid.u32  }
0x103: {  	s1 =	rddreg [dreg:$0x1];
	p0 =	sne.s32 s2, $0x0  }
0x104: {  	s3 =	rddreg [dreg:$0x2];
	[bflag:$0x3] =	sbarrier.arrive $0xFFFF;
	s2 =	simm.s32 @!p0 $0x1C09  }
0x105: {  	[timem:s3], [sflag:s2] =	dma.local @!p0 [hbm:s0], s1  }
0x106: {  	s0 =	simm.s32 @!p0 $0x9  }
0x107: {  	_ =	swait.ge @!p0 [sflag:s0], s1  }
0x108: {  	s1 =	ssub.s32 @!p0 $0x0, s1;
	[sflag:s0] =	ssyncset.done @!p0 $0x0  }
0x109: {  	[sflag:s0] =	ssyncadd.s32 @!p0 s1  }
0x10a: {  	[bflag:$0x3] =	sbarrier.arrive $0xFFFF  }
0x10b: {  	_ =	shalt  }

// kernel: kernel.8.cloned.1.call-start
scs
__scs_entry_jumppad:
0x0: {  	(pc) =	sbr.rel $0x88, $3  }
0x1: {  	(tag) =	ssettag $0x0;
	lr =	simm.s32 $0x1  }
0x2: {  	[smem:$0x3F90] =	sst lr;
	_ =	strace $0xD0000000  }
0x3: {  	_ = 	snop  }
0x4: {  	_ = 	snop  }
0x5: {  	_ = 	snop  }
0x6: {  	_ = 	snop  }
0x7: {  	_ = 	snop  }
__scs_overlays_trampoline_lowered:
0x8: {  	[smem:$0x3F9F] =	sst s0  }
0x9: {  	[smem:$0x3FA0] =	sst s1  }
0xa: {  	[smem:$0x3FA1] =	sst s2  }
0xb: {  	[smem:$0x3FA2] =	sst s3  }
0xc: {  	[smem:$0x3FA3] =	sst s4  }
0xd: {  	[smem:$0x3FA4] =	sst s5  }
0xe: {  	[smem:$0x3FA5] =	sst s6  }
0xf: {  	[smem:$0x3FA6] =	sst s7  }
0x10: {  	[smem:$0x3FA7] =	sst s8  }
0x11: {  	[smem:$0x3FA8] =	sst s9;
	s0 =	simm.s32 @!p0 $0x0  }
0x12: {  	s1 =	sld [smem:$0x3F8E];
	s0 =	simm.s32 @p0 $0x1  }
0x13: {  	[smem:$0x3FA9] =	sst s0;
	s0 =	simm.s32 @!p1 $0x0  }
0x14: {  	s2 =	sld [smem:$0x3F8D];
	s0 =	simm.s32 @p1 $0x1  }
0x15: {  	[smem:$0x3FAA] =	sst s0;
	s0 =	simm.s32 @!p2 $0x0  }
0x16: {  	s3 =	sld [smem:$0x3FDB];
	s0 =	simm.s32 @p2 $0x1  }
0x17: {  	s4 =	simm.s32 $0x1BF5;
	[smem:$0x3FAC] =	sst s0  }
0x18: {  	s0 =	sld [smem:$0x3F8F];
	_ =	swait.ge [sflag:s4], $0x0  }
0x19: {  	s7 =	sld [smem:$0x3F90]  }
0x1a: {  	s8 =	sadd.s32 $0xFFFFE003, lr  }
0x1b: {  	s9 =	sadd.s32 $0xFFFFFEF7, lr;
	s5 =	simm.s32 $0xFFFFFFFF;
	p2 =	slt.u32 s8, $0xFFFFF086  }
0x1c: {  	p1 =	slt.u32 s9, $0xF7A;
	s5 =	simm.s32 @!p2 $0x0  }
0x1d: {  	s5 =	simm.s32 @p1 $0x1;
	p0 =	seq.s32 s7, s2  }
0x1e: {  	s7 =	smul.u32 @!p0 $0xF7A, s2;
	p2 =	seq.s32 @!p0 s5, $0x0  }
0x1f: {  	s9 =	smul.u32 $0xF7A, s1;
	s8 =	simm.s32 @!p0 $0x1BF5;
	p2 =	por !p2, p0  }
0x20: {  	[sflag:s8] =	ssyncset.s32 @!p0 $0xFFFFF086;
	s6 =	sadd.s32 @!p0 s3, s7;
	s7 =	simm.s32 @!p0 $0x108  }
0x21: {  	s3 =	sadd.s32 s3, s9;
	s6 =	sadd.s32 @!p0 $0x88, s6;
	s7 =	simm.s32 @p2 $0x1082  }
0x22: {  	[simem:s7], [sflag:s8] =	dma.local @!p0 [hbm:s6], $0xF7A  }
0x23: {  	s9 =	sor.u32 $0xD0000000, s2;
	s6 =	simm.s32 $0x108;
	_ =	swait.ge @!p0 [sflag:s8], $0x0  }
0x24: {  	s3 =	sadd.s32 $0x88, s3;
	s6 =	simm.s32 @!p1 $0x1082;
	[sflag:s4] =	ssyncset.s32 $0xFFFFF086  }
0x25: {  	[simem:s6], [sflag:s4] =	dma.local [hbm:s3], $0xF7A  }
0x26: {  	[smem:$0x3F90] =	sst s1;
	(tag) =	ssettag s2;
	_ =	strace s9  }
0x27: {  	s1 =	sld [smem:$0x3FA0]  }
0x28: {  	s2 =	sld [smem:$0x3FA1]  }
0x29: {  	s4 =	sld [smem:$0x3FA3]  }
0x2a: {  	p0 =	seq.s32 s5, $0x0;
	s5 =	sld [smem:$0x3FA4]  }
0x2b: {  	s6 =	sld [smem:$0x3FA5]  }
0x2c: {  	s7 =	sld [smem:$0x3FA6]  }
0x2d: {  	s3 =	simm.s32 $0x108;
	s8 =	sld [smem:$0x3FA7]  }
0x2e: {  	s3 =	simm.s32 @!p0 $0x1082;
	s9 =	sld [smem:$0x3FA8]  }
0x2f: {  	lr =	sadd.s32 s0, s3;
	s0 =	sld [smem:$0x3F9F]  }
0x30: {  	s3 =	sld [smem:$0x3FA2]  }
0x31: {  	[smem:$0x3FAB] =	sst s10  }
0x32: {  	s10 =	sld [smem:$0x3FA9];
	_ =	sdelay $0x3  }
0x33: {  	p0 =	seq.s32 s10, $0x1;
	s10 =	sld [smem:$0x3FAB];
	_ =	sdelay $0x3  }
0x34: {  	[smem:$0x3FAB] =	sst s10  }
0x35: {  	s10 =	sld [smem:$0x3FAA];
	_ =	sdelay $0x3  }
0x36: {  	p1 =	seq.s32 s10, $0x1;
	s10 =	sld [smem:$0x3FAB];
	_ =	sdelay $0x3  }
0x37: {  	[smem:$0x3FAB] =	sst s10  }
0x38: {  	s10 =	sld [smem:$0x3FAC]  }
0x39: {  	_ = 	snop;
	(pc) =	sbr.ind lr, $3  }
0x3a: {  	_ = 	snop  }
0x3b: {  	_ = 	snop  }
0x3c: {  	p2 =	seq.s32 s10, $0x1;
	s10 =	sld [smem:$0x3FAB]  }
0x3d: {  	_ =	shalt  }
0x3e: {  	_ =	shalt  }
0x3f: {  	_ =	shalt  }
0x40: {  	_ =	shalt  }
0x41: {  	_ =	shalt  }
0x42: {  	_ =	shalt  }
0x43: {  	_ =	shalt  }
0x44: {  	_ =	shalt  }
0x45: {  	_ =	shalt  }
0x46: {  	_ =	shalt  }
0x47: {  	_ =	shalt  }
0x48: {  	_ =	shalt  }
0x49: {  	_ =	shalt  }
0x4a: {  	_ =	shalt  }
0x4b: {  	_ =	shalt  }
0x4c: {  	_ =	shalt  }
0x4d: {  	_ =	shalt  }
0x4e: {  	_ =	shalt  }
0x4f: {  	_ =	shalt  }
0x50: {  	_ =	shalt  }
0x51: {  	_ =	shalt  }
0x52: {  	_ =	shalt  }
0x53: {  	_ =	shalt  }
0x54: {  	_ =	shalt  }
0x55: {  	_ =	shalt  }
0x56: {  	_ =	shalt  }
0x57: {  	_ =	shalt  }
0x58: {  	_ =	shalt  }
0x59: {  	_ =	shalt  }
0x5a: {  	_ =	shalt  }
0x5b: {  	_ =	shalt  }
0x5c: {  	_ =	shalt  }
0x5d: {  	_ =	shalt  }
0x5e: {  	_ =	shalt  }
0x5f: {  	_ =	shalt  }
0x60: {  	_ =	shalt  }
0x61: {  	_ =	shalt  }
0x62: {  	_ =	shalt  }
0x63: {  	_ =	shalt  }
0x64: {  	_ =	shalt  }
0x65: {  	_ =	shalt  }
0x66: {  	_ =	shalt  }
0x67: {  	_ =	shalt  }
0x68: {  	_ =	shalt  }
0x69: {  	_ =	shalt  }
0x6a: {  	_ =	shalt  }
0x6b: {  	_ =	shalt  }
0x6c: {  	_ =	shalt  }
0x6d: {  	_ =	shalt  }
0x6e: {  	_ =	shalt  }
0x6f: {  	_ =	shalt  }
0x70: {  	_ =	shalt  }
0x71: {  	_ =	shalt  }
0x72: {  	_ =	shalt  }
0x73: {  	_ =	shalt  }
0x74: {  	_ =	shalt  }
0x75: {  	_ =	shalt  }
0x76: {  	_ =	shalt  }
0x77: {  	_ =	shalt  }
0x78: {  	_ =	shalt  }
0x79: {  	_ =	shalt  }
0x7a: {  	_ =	shalt  }
0x7b: {  	_ =	shalt  }
0x7c: {  	_ =	shalt  }
0x7d: {  	_ =	shalt  }
0x7e: {  	_ =	shalt  }
0x7f: {  	_ =	shalt  }
0x80: {  	_ =	shalt  }
0x81: {  	_ =	shalt  }
0x82: {  	_ =	shalt  }
0x83: {  	_ =	shalt  }
0x84: {  	_ =	shalt  }
0x85: {  	_ =	shalt  }
0x86: {  	_ =	shalt  }
0x87: {  	_ =	shalt  }
.Lfunc_end0:
.L_simem_size_0:
called_computation_lowered:
.L_overlay_start_0:
0x88: {  	s2 =	sld [smem:$0x3FD9]  }
0x89: {  	s3 =	sld [smem:$0x3FFE];
	_ =	sdelay $0x1  }
0x8a: {  	s1 =	srdreg.scid  }
0x8b: {  	s0 =	sand.u32 $0x1, s1  }
0x8c: {  	s17 =	sshll.u32 s0, $0xA;
	s2 =	sadd.s32 s3, s2  }
0x8d: {  	s2 =	sadd.s32 s2, s17  }
0x8e: {  	[smem:$0x3FB7] =	sst s2  }
0x8f: {  	_ = 	snop  }
0x90: {  	s2 =	sld [smem:$0x3FD0];
	(tm) =	ssettm $0x1  }
0x91: {  	s18 =	sld [smem:$0x3FFB];
	_ =	sdelay $0x3  }
0x92: {  	_ =	strace s18  }
0x93: {  	s3 =	sld [smem:$0x3FFC];
	_ =	sdelay $0x3  }
0x94: {  	_ =	strace s3  }
0x95: {  	s3 =	sld [smem:$0x3FFD];
	_ =	sdelay $0x3  }
0x96: {  	_ =	strace s3  }
0x97: {  	_ =	strace $0x8FFFFFFF  }
0x98: {  	s19 =	sld [smem:$0x3FDB];
	_ =	sdelay $0x1  }
0x99: {  	s4 =	simm.s32 $_scs_section_size  }
0x9a: {  	s5 =	simm.s32 $_size__tile_overlayer_lowered;
	s6 =	simm.s32 $_tile_overlayer_lowered  }
0x9b: {  	s22 =	simm.s32 $0x1BFF;
	s21 =	sshll.u32 s6, $0x1;
	s3 =	sadd.s32 s4, s19  }
0x9c: {  	s7 =	simm.s32 $0x0;
	s20 =	sshll.u32 s5, $0x1;
	s5 =	sadd.s32 s21, s3  }
0x9d: {  	[timem:s7], [sflag:s22] =	dma.local [hbm:s5], s20  }
0x9e: {  	_ =	swait.ge [sflag:s22], s20  }
0x9f: {  	s4 =	ssub.s32 $0x0, s20;
	[sflag:s22] =	ssyncset.done $0x0  }
0xa0: {  	[sflag:s22] =	ssyncadd.s32 s4;
	_ =	sdelay $0x1  }
0xa1: {  	s23 =	simm.s32 $0x1B8B  }
0xa2: {  	_ =	swait.ge [sflag:s23], $0x1  }
0xa3: {  	[sflag:s23] =	ssyncset.done $0x0  }
0xa4: {  	s25 =	simm.s32 $0x1B8E;
	s24 =	sld [smem:$0x3FFE];
	[sflag:s23] =	ssyncadd.s32 $0xFFFFFFFF  }
0xa5: {  	s26 =	simm.s32 $execute0_lowered;
	[smem:$0x3FD2] =	sst s25  }
0xa6: {  	s5 =	sshll.u32 s26, $0x1;
	_ =	strace $0x80000046;
	[dreg:$0x1] =	wrdreg $0xFFFFFFFF  }
0xa7: {  	s28 =	simm.s32 $_size_execute0_lowered;
	s3 =	sadd.s32 s3, s5;
	[dreg:$0x0] =	wrdreg $0x0  }
0xa8: {  	s5 =	sshll.u32 s28, $0x1;
	[dreg:$0x2] =	wrdreg s3  }
0xa9: {  	[dreg:$0x3] =	wrdreg s5  }
0xaa: {  	[dreg:$0x4] =	wrdreg $0xC0  }
0xab: {  	_ =	task [dreg:s7], $0x5FFFF  }
0xac: {  	[dreg:$0x1] =	wrdreg $0xFFFFFFFF  }
0xad: {  	[dreg:$0x0] =	wrdreg $0x60  }
0xae: {  	[dreg:$0x2] =	wrdreg s2  }
0xaf: {  	[dreg:$0x3] =	wrdreg s24  }
0xb0: {  	[dreg:$0x4] =	wrdreg $0x0  }
0xb1: {  	[dreg:$0x5] =	wrdreg $0x28000  }
0xb2: {  	[dreg:$0x6] =	wrdreg $0x9  }
0xb3: {  	_ =	task.clear_ibuf [dreg:s7], $0x7FFFF;
	_ =	strace $0x90000046  }
0xb4: {  	s29 =	simm.s32 $0x9;
	_ =	strace $0x80000048  }
0xb5: {  	_ =	swait.ge [sflag:s29], $0x1  }
0xb6: {  	[sflag:s29] =	ssyncadd.s32 $0xFFFFFFFF  }
0xb7: {  	_ =	strace $0x90000048  }
0xb8: {  	_ =	sfence  }
0xb9: {  	s30 =	sld [smem:$0x0];
	_ =	sdelay $0x2  }
0xba: {  	s31 =	sshll.u32 s1, $0xD;
	s1 =	sshrl.u32 s1, $0x2  }
0xbb: {  	s3 =	sand.u32 $0x4000, s31;
	s1 =	sadd.s32 s1, s30  }
0xbc: {  	s0 =	sor.u32 s3, s0;
	s1 =	sshll.u32 s1, $0x11  }
0xbd: {  	s0 =	sor.u32 s1, s0  }
0xbe: {  	s0 =	sadd.s32 $0x8F2B, s0  }
0xbf: {  	[sflag:s0] =	ssyncadd.remote.s32 $0x1  }
0xc0: {  	_ =	sfence.sel $0xFFFF  }
0xc1: {  	[dreg:$0x0] =	wrdreg $0xFFFFFFFF;
	(pc) =	sbr.abs _section_cstart, $3  }
0xc2: {  	[dreg:$0x1] =	wrdreg $0xFFFFFFFF  }
0xc3: {  	_ =	task.clear_ibuf [dreg:s7], $0x2FFFF;
	_ =	strace $0x9FFFFFFF  }
0xc4: {  	(tm) =	ssettm $0x7FFFFFFF  }
0xc5: {  	_ =	shalt  }
tec
execute0_lowered:
.L_overlay_start_1:
0x0: {  	(tag) =	ssettag $0x1  }
0x1: {  	s11 =	rddreg [dreg:$0x0]  }
0x2: {  	s6 =	rddreg [dreg:$0x1]  }
0x3: {  	s1 =	rddreg [dreg:$0x2]  }
0x4: {  	s3 =	rddreg [dreg:$0x3]  }
0x5: {  	s0 =	rddreg [dreg:$0x4];
	s4 =	simm.s32 $0x0;
	s2 =	stileid.u32  }
0x6: {  	s5 =	srdreg.scid;
	s20 =	simm.s32 $0x80;
	s9 =	smul.u32 $0x2800, s2  }
0x7: {  	s21 =	simm.s32 $0x5880;
	s22 =	simm.s32 $0x5C80;
	s13 =	smul.u32 $0x280, s2  }
0x8: {  	[smem:$0x7FF] =	sst s4;
	s10 =	sand.u32 $0x1, s5;
	s28 =	smul.u32 $0x500, s2  }
0x9: {  	s5 =	sadd.s32 $0x7600, s6;
	s14 =	sadd.s32 $0x7800, s6;
	s23 =	smul.u32 $0x5000, s10  }
0xa: {  	s18 =	sshll.u32 s2, $0x6;
	_ =	strace $0x80000047;
	s16 =	smul.u32 $0x9D0, s10  }
0xb: {  	s8 =	ssub.s32 $0x2, s10;
	s17 =	sshllo.u32 s10, $0x1;
	s25 =	smul.u32 $0x9D00, s10  }
0xc: {  	s7 =	sshrl.u32 s9, $0x3;
	s12 =	sshrl.u32 s8, $0x1;
	s15 =	sadd.s32 s9, s1  }
0xd: {  	s17 =	smul.u32 $0x2800, s17;
	s24 =	sadd.s32 s9, s3;
	s7 =	sadd.s32 s7, s6  }
0xe: {  	s12 =	ssub.s32 s8, s12;
	s8 =	sadd.s32 s13, s23;
	s30 =	sadd.s32 s25, s11  }
0xf: {  	s23 =	simm.s32 $0x1;
	s25 =	simm.s32 $0x0;
	s6 =	sadd.s32 $0x2600, s7  }
0x10: {  	s7 =	smul.u32 $0x50, s2;
	s19 =	sshll.u32 s8, $0x1;
	s8 =	sor.u32 $0x1C03, s18  }
0x11: {  	s13 =	sadd.s32 s13, s17;
	s17 =	simm.s32 $0x5000;
	s18 =	simm.s32 $0x5800  }
.Ltmp0:
0x12: {  	s9 =	sadd.s32 s14, s19;
	s13 =	sshll.u32 s13, $0x1;
	(pc) =	sbr.rel .LBB2_1-.Ltmp0, $4  }
0x13: {  	s19 =	simm.s32 $0x5C00;
	s26 =	sadd.s32 s7, s16;
	s10 =	sadd.s32 s14, s13  }
0x14: {  	s14 =	sshrl.u32 s15, $0x3;
	s15 =	simm.s32 $0x3;
	s29 =	sshll.u32 s26, $0x4  }
0x15: {  	s16 =	sshrl.u32 s24, $0x3;
	s24 =	simm.s32 $0x2;
	s31 =	sadd.s32 s11, s29  }
0x16: {  	s11 =	smax.u32 s12, $0x1;
	s12 =	sadd.s32 s28, s30;
	s13 =	sadd.s32 $0x4E80, s31  }
.LBB2_5:
0x17: {  	[bflag:$0x0] =	sbarrier.arrive $0xFFFF  }
0x18: {  	[hbm:s9], [sflag:s8] =	dma.local [spmem:s14], $0x500  }
0x19: {  	s25 =	sadd.s32 $0x1, s25;
	_ =	swait.ge [sflag:s15], $0x500  }
0x1a: {  	p0 =	sne.s32 s25, s11;
	[sflag:s15] =	ssyncset.done $0x0  }
.Ltmp1:
0x1b: {  	[sflag:s15] =	ssyncadd.s32 $0xFFFFFB00;
	(pc) =	sbr.rel @!p0 .LBB2_6-.Ltmp1, $4  }
0x1c: {  	[hbm:s10], [sflag:s8] =	dma.local [spmem:s16], $0x500  }
0x1d: {  	_ =	swait.ge [sflag:s15], $0x500  }
0x1e: {  	[sflag:s15] =	ssyncset.done $0x0  }
0x1f: {  	[sflag:s15] =	ssyncadd.s32 $0xFFFFFB00  }
.LBB2_1:
0x20: {  	[spmem:s14], [sflag:s8] =	dma.local [hbm:s6], $0x500  }
0x21: {  	_ =	swait.ge [sflag:s15], $0x500  }
0x22: {  	[sflag:s15] =	ssyncset.done $0x0  }
0x23: {  	[sflag:s15] =	ssyncadd.s32 $0xFFFFFB00  }
0x24: {  	[spmem:s16], [sflag:s8] =	dma.local [hbm:s6], $0x500  }
0x25: {  	_ =	swait.ge [sflag:s15], $0x500  }
0x26: {  	[sflag:s15] =	ssyncset.done $0x0  }
0x27: {  	[sflag:s15] =	ssyncadd.s32 $0xFFFFFB00  }
0x28: {  	[tilespmem:s17], [sflag:$0x3] =	stream.linear.gather [hbm4b:s5+s4], $0x800, $0x38;
	[tilespmem:$0x6000] =	vst v63  }
.Ltmp2:
0x29: {  	_ =	swait.ge [sflag:s15], $0x800;
	(pc) =	sbr.rel .LBB2_2-.Ltmp2, $4  }
0x2a: {  	[sflag:s15] =	ssyncset.done $0x0  }
0x2b: {  	[sflag:s15] =	ssyncadd.s32 $0xFFFFF800  }
0x2c: {  	[bflag:$0x0] =	sbarrier.arrive $0xFFFF  }
0x2d: {  	s26 =	smov.u32 s7;
	s28 =	simm.s32 $0x0  }
.LBB2_4:
0x2e: {  	s28 =	sadd.s32 $0x80, s28  }
0x2f: {  	p0 =	sne.s32 s28, $0x500  }
.Ltmp3:
0x30: {  	_ = 	snop;
	(pc) =	sbr.rel @!p0 .LBB2_5-.Ltmp3, $2  }
0x31: {  	_ =	sdelay $0x2  }
0x32: {  	s26 =	sadd.s32 $0x8, s26  }
.LBB2_2:
0x33: {  	p0 =	sgt.u32 s26, $0x4E1  }
.Ltmp4:
0x34: {  	_ = 	snop;
	(pc) =	sbr.rel @p0 .LBB2_4-.Ltmp4, $1  }
0x35: {  	_ =	sdelay $0x3  }
0x36: {  	s29 =	sadd.s32 s28, s12  }
0x37: {  	[tilespmem:s18], [sflag:$0x3] =	stream.linear.gather [hbm4b:s29+s4], $0x400, $0x38;
	[tilespmem:$0x6000] =	vst v63  }
0x38: {  	_ =	swait.ge [sflag:s15], $0x400  }
0x39: {  	[sflag:s15] =	ssyncset.done $0x0  }
0x3a: {  	s31 =	sadd.s32 s28, s13;
	[sflag:s15] =	ssyncadd.s32 $0xFFFFFC00  }
0x3b: {  	[tilespmem:s19], [sflag:$0x3] =	stream.linear.gather [hbm4b:s31+s4], $0x400, $0x38;
	[tilespmem:$0x6000] =	vst v63  }
0x3c: {  	_ =	swait.ge [sflag:s15], $0x400  }
0x3d: {  	[sflag:s15] =	ssyncset.done $0x0  }
0x3e: {  	[sflag:s15] =	ssyncadd.s32 $0xFFFFFC00  }
0x3f: {  	[spmem:s1] =	stream.indirect.scatter.add.f32 [tilespmem:s17], [sflag:$0x1], $0x10, s18, s20, $0xb8;
	[tilespmem:$0x6000] =	vst v63  }
0x40: {  	_ = 	snop  }
0x41: {  	[spmem:s3] =	stream.indirect.scatter.add.f32 [tilespmem:s17], [sflag:$0x2], $0x10, s19, s20, $0xb8;
	[tilespmem:$0x6000] =	vst v63  }
0x42: {  	_ = 	snop  }
0x43: {  	[spmem:s1] =	stream.indirect.scatter.add.f32 [tilespmem:s17], [sflag:$0x1], $0x10, s21, s20, $0xb8;
	[tilespmem:$0x6000] =	vst v63  }
0x44: {  	p0 =	sgt.u32 s26, $0x4DF  }
0x45: {  	[spmem:s3] =	stream.indirect.scatter.add.f32 [tilespmem:s17], [sflag:$0x2], $0x10, s22, s20, $0xb8;
	[tilespmem:$0x6000] =	vst v63  }
0x46: {  	s29 =	simm.s32 @!p0 $0x80;
	s30 =	simm.s32 @!p0 $0x5900;
	s31 =	simm.s32 @!p0 $0x5000  }
0x47: {  	[spmem:s1] =	stream.indirect.scatter.add.f32 @!p0 [tilespmem:s31], [sflag:$0x1], $0x10, s30, s29, $0xb8;
	[tilespmem:$0x6000] =	vst v63  }
0x48: {  	s30 =	simm.s32 @!p0 $0x5D00  }
0x49: {  	[spmem:s3] =	stream.indirect.scatter.add.f32 @!p0 [tilespmem:s31], [sflag:$0x2], $0x10, s30, s29, $0xb8;
	[tilespmem:$0x6000] =	vst v63  }
0x4a: {  	p2 =	sgt.u32 @!p0 s26, $0x4DD;
	s30 =	simm.s32 @!p0 $0x5980  }
0x4b: {  	[spmem:s1] =	stream.indirect.scatter.add.f32 @!p0 [tilespmem:s31], [sflag:$0x1], $0x10, s30, s29, $0xb8;
	[tilespmem:$0x6000] =	vst v63  }
0x4c: {  	p3 =	por p2, p0;
	s30 =	simm.s32 @!p0 $0x5D80  }
0x4d: {  	[spmem:s3] =	stream.indirect.scatter.add.f32 @!p0 [tilespmem:s31], [sflag:$0x2], $0x10, s30, s29, $0xb8;
	[tilespmem:$0x6000] =	vst v63  }
0x4e: {  	s29 =	simm.s32 @!p3 $0x80;
	s30 =	simm.s32 @!p3 $0x5A00;
	s31 =	simm.s32 @!p3 $0x5000  }
0x4f: {  	[spmem:s1] =	stream.indirect.scatter.add.f32 @!p3 [tilespmem:s31], [sflag:$0x1], $0x10, s30, s29, $0xb8;
	[tilespmem:$0x6000] =	vst v63  }
0x50: {  	p6 =	sgt.u32 @!p3 s26, $0x4DB;
	s30 =	simm.s32 @!p3 $0x5E00  }
0x51: {  	[spmem:s3] =	stream.indirect.scatter.add.f32 @!p3 [tilespmem:s31], [sflag:$0x2], $0x10, s30, s29, $0xb8;
	[tilespmem:$0x6000] =	vst v63  }
0x52: {  	p4 =	por @!p0 p6, p2;
	s30 =	simm.s32 @!p3 $0x5A80  }
0x53: {  	[spmem:s1] =	stream.indirect.scatter.add.f32 @!p3 [tilespmem:s31], [sflag:$0x1], $0x10, s30, s29, $0xb8;
	[tilespmem:$0x6000] =	vst v63  }
0x54: {  	p4 =	por p4, p0;
	s30 =	simm.s32 @!p3 $0x5E80  }
0x55: {  	[spmem:s3] =	stream.indirect.scatter.add.f32 @!p3 [tilespmem:s31], [sflag:$0x2], $0x10, s30, s29, $0xb8;
	[tilespmem:$0x6000] =	vst v63  }
0x56: {  	s29 =	simm.s32 @!p4 $0x80;
	s30 =	simm.s32 @!p4 $0x5B00;
	s31 =	simm.s32 @!p4 $0x5000  }
0x57: {  	[spmem:s1] =	stream.indirect.scatter.add.f32 @!p4 [tilespmem:s31], [sflag:$0x1], $0x10, s30, s29, $0xb8;
	[tilespmem:$0x6000] =	vst v63  }
0x58: {  	s30 =	simm.s32 @!p4 $0x5F00  }
0x59: {  	[spmem:s3] =	stream.indirect.scatter.add.f32 @!p4 [tilespmem:s31], [sflag:$0x2], $0x10, s30, s29, $0xb8;
	[tilespmem:$0x6000] =	vst v63  }
0x5a: {  	s30 =	simm.s32 @!p4 $0x5B80  }
0x5b: {  	[spmem:s1] =	stream.indirect.scatter.add.f32 @!p4 [tilespmem:s31], [sflag:$0x1], $0x10, s30, s29, $0xb8;
	[tilespmem:$0x6000] =	vst v63  }
0x5c: {  	s30 =	simm.s32 @!p4 $0x5F80  }
0x5d: {  	[spmem:s3] =	stream.indirect.scatter.add.f32 @!p4 [tilespmem:s31], [sflag:$0x2], $0x10, s30, s29, $0xb8;
	[tilespmem:$0x6000] =	vst v63  }
0x5e: {  	_ =	swait.ge [sflag:s23], $0x800  }
0x5f: {  	[sflag:s23] =	ssyncset.done $0x0  }
0x60: {  	[sflag:s23] =	ssyncadd.s32 $0xFFFFF800  }
0x61: {  	_ =	swait.ge [sflag:s24], $0x800  }
0x62: {  	[sflag:s24] =	ssyncset.done $0x0  }
0x63: {  	[sflag:s24] =	ssyncadd.s32 $0xFFFFF800  }
0x64: {  	_ =	swait.ge [sflag:s23], $0x800  }
0x65: {  	[sflag:s23] =	ssyncset.done $0x0  }
0x66: {  	[sflag:s23] =	ssyncadd.s32 $0xFFFFF800  }
0x67: {  	_ =	swait.ge [sflag:s24], $0x800  }
0x68: {  	[sflag:s24] =	ssyncset.done $0x0  }
0x69: {  	s29 =	simm.s32 @!p0 $0x1;
	[sflag:s24] =	ssyncadd.s32 $0xFFFFF800  }
0x6a: {  	_ =	swait.ge @!p0 [sflag:s29], $0x800  }
0x6b: {  	[sflag:s29] =	ssyncset.done @!p0 $0x0  }
0x6c: {  	s30 =	simm.s32 @!p0 $0x2;
	[sflag:s29] =	ssyncadd.s32 @!p0 $0xFFFFF800  }
0x6d: {  	_ =	swait.ge @!p0 [sflag:s30], $0x800  }
0x6e: {  	[sflag:s30] =	ssyncset.done @!p0 $0x0  }
0x6f: {  	p1 =	por @!p3 $0x1, $0x1;
	[sflag:s30] =	ssyncadd.s32 @!p0 $0xFFFFF800  }
0x70: {  	p6 =	por @!p0 !p6, p2;
	p5 =	por @!p4 $0x1, $0x1;
	_ =	swait.ge @!p0 [sflag:s29], $0x800  }
0x71: {  	p4 =	por !p6, p0;
	p6 =	por !p2, p0;
	[sflag:s29] =	ssyncset.done @!p0 $0x0  }
0x72: {  	p2 =	por @!p0 $0x0, $0x0;
	p1 =	por @!p4 p5, p5;
	[sflag:s29] =	ssyncadd.s32 @!p0 $0xFFFFF800  }
0x73: {  	p1 =	por @!p6 p2, p2;
	p2 =	por $0x0, $0x0;
	_ =	swait.ge @!p0 [sflag:s30], $0x800  }
0x74: {  	p2 =	por @!p0 p1, p1;
	[sflag:s30] =	ssyncset.done @!p0 $0x0  }
0x75: {  	s29 =	simm.s32 @p2 $0x1;
	[sflag:s30] =	ssyncadd.s32 @!p0 $0xFFFFF800  }
0x76: {  	_ =	swait.ge @p2 [sflag:s29], $0x800  }
0x77: {  	[sflag:s29] =	ssyncset.done @p2 $0x0  }
0x78: {  	s30 =	simm.s32 @p2 $0x2;
	[sflag:s29] =	ssyncadd.s32 @p2 $0xFFFFF800  }
0x79: {  	_ =	swait.ge @p2 [sflag:s30], $0x800  }
0x7a: {  	[sflag:s30] =	ssyncset.done @p2 $0x0  }
0x7b: {  	[sflag:s30] =	ssyncadd.s32 @p2 $0xFFFFF800  }
0x7c: {  	_ =	swait.ge @p2 [sflag:s29], $0x800  }
0x7d: {  	p3 =	por @!p3 $0x0, $0x0;
	[sflag:s29] =	ssyncset.done @p2 $0x0  }
0x7e: {  	p3 =	por @!p4 p5, p5;
	p1 =	por @!p0 $0x0, $0x0;
	[sflag:s29] =	ssyncadd.s32 @p2 $0xFFFFF800  }
0x7f: {  	p3 =	por @!p6 p1, p1;
	p1 =	por $0x0, $0x0;
	_ =	swait.ge @p2 [sflag:s30], $0x800  }
0x80: {  	p1 =	por @!p0 p3, p3;
	[sflag:s30] =	ssyncset.done @p2 $0x0  }
0x81: {  	s29 =	simm.s32 @p1 $0x1;
	[sflag:s30] =	ssyncadd.s32 @p2 $0xFFFFF800  }
0x82: {  	_ =	swait.ge @p1 [sflag:s29], $0x800  }
0x83: {  	[sflag:s29] =	ssyncset.done @p1 $0x0  }
0x84: {  	s30 =	simm.s32 @p1 $0x2;
	[sflag:s29] =	ssyncadd.s32 @p1 $0xFFFFF800  }
0x85: {  	_ =	swait.ge @p1 [sflag:s30], $0x800  }
0x86: {  	[sflag:s30] =	ssyncset.done @p1 $0x0  }
0x87: {  	[sflag:s30] =	ssyncadd.s32 @p1 $0xFFFFF800  }
0x88: {  	_ =	swait.ge @p1 [sflag:s29], $0x800  }
.Ltmp5:
0x89: {  	[sflag:s29] =	ssyncset.done @p1 $0x0;
	(pc) =	sbr.rel .LBB2_4-.Ltmp5, $4  }
0x8a: {  	[sflag:s29] =	ssyncadd.s32 @p1 $0xFFFFF800  }
0x8b: {  	_ =	swait.ge @p1 [sflag:s30], $0x800  }
0x8c: {  	[sflag:s30] =	ssyncset.done @p1 $0x0  }
0x8d: {  	[sflag:s30] =	ssyncadd.s32 @p1 $0xFFFFF800  }
.LBB2_6:
0x8e: {  	_ =	sfence.sel $0x180000  }
0x8f: {  	[bflag:$0x0] =	sbarrier.arrive $0xFFFF  }
0x90: {  	p0 =	sne.s32 s2, $0x0;
	_ =	strace $0x90000047  }
0x91: {  	s0 =	sadd.s32 @!p0 $0x100000, s0;
	[bflag:$0x2] =	sbarrier.arrive $0xFFFF  }
0x92: {  	[sflag:s0] =	ssyncadd.tile.s32 @!p0 $0x1;
	_ =	shalt  }
.Lfunc_end2:
_tile_overlayer_lowered:
.L_overlay_start_2:
0x93: {  	(tag) =	ssettag $0x2  }
0x94: {  	s0 =	rddreg [dreg:$0x0];
	s2 =	stileid.u32  }
0x95: {  	s1 =	rddreg [dreg:$0x1];
	p0 =	sne.s32 s2, $0x0  }
0x96: {  	s3 =	rddreg [dreg:$0x2];
	[bflag:$0x3] =	sbarrier.arrive $0xFFFF;
	s2 =	simm.s32 @!p0 $0x1C03  }
0x97: {  	[timem:s3], [sflag:s2] =	dma.local @!p0 [hbm:s0], s1  }
0x98: {  	s0 =	simm.s32 @!p0 $0x3  }
0x99: {  	_ =	swait.ge @!p0 [sflag:s0], s1  }
0x9a: {  	s1 =	ssub.s32 @!p0 $0x0, s1;
	[sflag:s0] =	ssyncset.done @!p0 $0x0  }
0x9b: {  	[sflag:s0] =	ssyncadd.s32 @!p0 s1  }
0x9c: {  	[bflag:$0x3] =	sbarrier.arrive $0xFFFF  }
0x9d: {  	_ =	shalt  }

</sc_bundles>
